<compile_context>
chip_gen: v7x
topology: tpu7x:2x2x1
jax: 0.10.2.dev20260603
libtpu: 0.0.44.dev20260713+nightly
codegen_flags: <defaults>
</compile_context>

<pallas_src>
import functools

import jax
import jax.numpy as jnp
from jax import lax
from jax.experimental import pallas as pl
from jax.experimental.pallas import tpu as pltpu
from jax.experimental.pallas import tpu_sc as plsc

N_NODES = 10000
D = 128
N_EDGES = 320000

NC = 2
NS = 16
NW = NC * NS
CHUNK = 64
EDGES_PAD = 327680
CHUNKS_PER_W = EDGES_PAD // (NW * CHUNK)
NBUF = 4
TOTAL_CHUNKS = EDGES_PAD // CHUNK
CPW0 = 256
CPW1 = 64
C0_TOTAL = NS * CPW0
ACC_ROWS = 10112
ACC_CHUNKS = ACC_ROWS // CHUNK
G = 32
NGROUPS = CHUNKS_PER_W // G


@functools.cache
def _mesh():
    return plsc.VectorSubcoreMesh(core_axis_name="c", subcore_axis_name="s")


def _zero_acc(s, zacc_hbm, rows_v, acc_sp, nk):
    pltpu.sync_copy(zacc_hbm.at[pl.ds(0, CHUNK)], rows_v)

    def zbody(k, carry):
        r0 = (s + k * NS) * CHUNK
        pltpu.sync_copy(rows_v, acc_sp.at[pl.ds(r0, CHUNK)])
        return carry

    lax.fori_loop(0, nk, zbody, 0)


def _flush_acc(c, s, acc_sp, rows_v, outp, nk):

    def fbody(k, carry):
        r0 = (s + k * NS) * CHUNK
        pltpu.sync_copy(acc_sp.at[pl.ds(r0, CHUNK)], rows_v)
        pltpu.sync_copy(rows_v, outp.at[c, pl.ds(r0, CHUNK)])
        return carry

    lax.fori_loop(0, nk, fbody, 0)


def _sc_edge_phase(y, src, dst):
    zacc = jnp.zeros((ACC_ROWS, D), jnp.float32)

    @functools.partial(
        pl.kernel, mesh=_mesh(),
        out_type=jax.ShapeDtypeStruct((NC, ACC_ROWS, D), jnp.float32),
        scratch_types=[
            pltpu.VMEM((G, CHUNK), jnp.int32),
            pltpu.VMEM((G, CHUNK), jnp.int32),
            pltpu.VMEM((NBUF, CHUNK, D), jnp.float32),
            pltpu.VMEM_SHARED((ACC_ROWS, D), jnp.float32),
        ] + [pltpu.SemaphoreType.DMA] * NBUF)
    def body(y_hbm, src_hbm, dst_hbm, zacc_hbm, outp, src_g, dst_g,
             ring, acc_sp, *sems):
        c = lax.axis_index("c")
        s = lax.axis_index("s")
        nk = (ACC_CHUNKS - 1 - s) // NS + 1
        base = jnp.where(c == 0, s * CPW0, C0_TOTAL + s * CPW1)
        ngroups = jnp.where(c == 0, CPW0 // G, CPW1 // G)

        _zero_acc(s, zacc_hbm, ring.at[0], acc_sp, nk)
        plsc.subcore_barrier()

        def gstart(jj, b):
            pltpu.async_copy(y_hbm.at[src_g.at[jj]], ring.at[b], sems[b])

        def gwait(b):
            pltpu.make_async_copy(y_hbm.at[pl.ds(0, CHUNK)], ring.at[b],
                                  sems[b]).wait()

        def group(g, carry):
            pltpu.sync_copy(src_hbm.at[pl.ds(base + g * G, G)], src_g)
            pltpu.sync_copy(dst_hbm.at[pl.ds(base + g * G, G)], dst_g)
            for b in range(NBUF):
                gstart(b, b)

            def ringstep(m, c2):
                for b in range(NBUF):
                    j = m * NBUF + b
                    gwait(b)
                    pltpu.sync_copy(ring.at[b], acc_sp.at[dst_g.at[j]],
                                    add=True)

                    @pl.when(j + NBUF < G)
                    def _():
                        gstart(j + NBUF, b)
                return c2

            lax.fori_loop(0, G // NBUF, ringstep, 0)
            return carry

        lax.fori_loop(0, ngroups, group, 0)
        plsc.subcore_barrier()
        _flush_acc(c, s, acc_sp, ring.at[0], outp, nk)

    return body(y, src, dst, zacc)


def _sc_count_phase(dst):
    zacc = jnp.zeros((ACC_ROWS, D), jnp.float32)
    ones = jnp.ones((CHUNK, D), jnp.float32)

    @functools.partial(
        pl.kernel, mesh=_mesh(),
        out_type=jax.ShapeDtypeStruct((NC, ACC_ROWS, D), jnp.float32),
        scratch_types=[
            pltpu.VMEM((G, CHUNK), jnp.int32),
            pltpu.VMEM((CHUNK, D), jnp.float32),
            pltpu.VMEM((CHUNK, D), jnp.float32),
            pltpu.VMEM_SHARED((ACC_ROWS, D), jnp.float32),
            pltpu.SemaphoreType.DMA,
        ])
    def body(dst_hbm, zacc_hbm, ones_hbm, outp, dst_g, ones_v, rows_v,
             acc_sp, sem):
        c = lax.axis_index("c")
        s = lax.axis_index("s")
        wid = c * NS + s
        nk = (ACC_CHUNKS - 1 - s) // NS + 1

        _zero_acc(s, zacc_hbm, rows_v, acc_sp, nk)
        pltpu.sync_copy(ones_hbm, ones_v)
        plsc.subcore_barrier()

        def group(g, carry):
            pltpu.sync_copy(
                dst_hbm.at[pl.ds(wid * CHUNKS_PER_W + g * G, G)], dst_g)

            def fire(j, c2):
                pltpu.async_copy(ones_v, acc_sp.at[dst_g.at[j]], sem,
                                 add=True)
                return c2

            lax.fori_loop(0, G, fire, 0)

            def drain(j, c2):
                pltpu.make_async_copy(zacc_hbm.at[pl.ds(0, CHUNK)], rows_v,
                                      sem).wait()
                return c2

            lax.fori_loop(0, G, drain, 0)
            return carry

        lax.fori_loop(0, NGROUPS, group, 0)
        plsc.subcore_barrier()
        _flush_acc(c, s, acc_sp, rows_v, outp, nk)

    return body(dst, zacc, ones)


BR = 1000
GRID = N_NODES // BR


def _mm2_body(x_ref, wl_ref, wr_ref, y_ref, z_ref):
    xb = x_ref[...]
    y_ref[...] = jnp.dot(xb, wl_ref[...], preferred_element_type=jnp.float32)
    z_ref[...] = jnp.dot(xb, wr_ref[...], preferred_element_type=jnp.float32)


def _tc_mm2(x, wl, wr):
    wspec = pl.BlockSpec((D, D), lambda i: (0, 0))
    return pl.pallas_call(
        _mm2_body,
        grid=(GRID,),
        in_specs=[pl.BlockSpec((BR, D), lambda i: (i, 0)), wspec, wspec],
        out_specs=[pl.BlockSpec((BR, D), lambda i: (i, 0))] * 2,
        out_shape=[jax.ShapeDtypeStruct((N_NODES, D), jnp.float32)] * 2,
    )(x, wl, wr)


def _combine(p_ref, c_ref, z_ref, b_ref):
    agg = p_ref[0] + p_ref[1]
    cnt = c_ref[0, :, :1] + c_ref[1, :, :1]
    inv = 1.0 / jnp.maximum(cnt, 1.0)
    t = agg * inv + z_ref[...] + b_ref[...]
    n = jnp.sqrt(jnp.sum(t * t, axis=-1, keepdims=True))
    return t / jnp.maximum(n, 1e-12)


def _mid_body(p_ref, c_ref, z_ref, b_ref, wl2_ref, wr2_ref, y2_ref, z2_ref):
    h = jnp.maximum(_combine(p_ref, c_ref, z_ref, b_ref), 0.0)
    y2_ref[...] = jnp.dot(h, wl2_ref[...], preferred_element_type=jnp.float32)
    z2_ref[...] = jnp.dot(h, wr2_ref[...], preferred_element_type=jnp.float32)


def _tc_mid(p, cp, z1, b1, wl2, wr2):
    wspec = pl.BlockSpec((D, D), lambda i: (0, 0))
    return pl.pallas_call(
        _mid_body,
        grid=(GRID,),
        in_specs=[
            pl.BlockSpec((NC, BR, D), lambda i: (0, i, 0)),
            pl.BlockSpec((NC, BR, D), lambda i: (0, i, 0)),
            pl.BlockSpec((BR, D), lambda i: (i, 0)),
            pl.BlockSpec((1, D), lambda i: (0, 0)),
            wspec, wspec,
        ],
        out_specs=[pl.BlockSpec((BR, D), lambda i: (i, 0))] * 2,
        out_shape=[jax.ShapeDtypeStruct((N_NODES, D), jnp.float32)] * 2,
    )(p, cp, z1, b1, wl2, wr2)


def _final_body(p_ref, c_ref, z_ref, b_ref, o_ref):
    o_ref[...] = _combine(p_ref, c_ref, z_ref, b_ref)


def _tc_final(q, cp, z2, b2):
    return pl.pallas_call(
        _final_body,
        grid=(GRID,),
        in_specs=[
            pl.BlockSpec((NC, BR, D), lambda i: (0, i, 0)),
            pl.BlockSpec((NC, BR, D), lambda i: (0, i, 0)),
            pl.BlockSpec((BR, D), lambda i: (i, 0)),
            pl.BlockSpec((1, D), lambda i: (0, 0)),
        ],
        out_specs=pl.BlockSpec((BR, D), lambda i: (i, 0)),
        out_shape=jax.ShapeDtypeStruct((N_NODES, D), jnp.float32),
    )(q, cp, z2, b2)


def kernel(x, edge_index, W_l1, b_l1, W_r1, W_l2, b_l2, W_r2):
    e = edge_index.astype(jnp.int32)
    pad = EDGES_PAD - N_EDGES
    src = jnp.concatenate([e[0], jnp.zeros((pad,), jnp.int32)])
    dst = jnp.concatenate([e[1], jnp.full((pad,), N_NODES, jnp.int32)])
    src = src.reshape(TOTAL_CHUNKS, CHUNK)
    dst = dst.reshape(TOTAL_CHUNKS, CHUNK)

    cp = _sc_count_phase(dst)
    y1, z1 = _tc_mm2(x, W_l1, W_r1)
    p1 = _sc_edge_phase(y1, src, dst)
    y2, z2 = _tc_mid(p1, cp, z1, b_l1.reshape(1, D), W_l2, W_r2)
    q = _sc_edge_phase(y2, src, dst)
    return _tc_final(q, cp, z2, b_l2.reshape(1, D))

# --- scband reference (transcript-rebuilt; emitter-appended) ---
"""Pipeline reference for scband-sage-encoder-20100446946058 (READ-ONLY COPY).

The authoritative reference and input builder live on the scoring server;
editing this copy changes nothing except your own understanding.
"""

import jax, jax.numpy as jnp
import numpy as np

N_NODES = 10000
D_FEAT = 128
HIDDEN = 128
N_EDGES = 320000


def setup_inputs(seed: int = 0) -> dict:
    key = jax.random.key(seed)
    ks = jax.random.split(key, 8)
    x = jax.random.normal(ks[0], (N_NODES, D_FEAT), dtype=jnp.float32)
    edge_index = jax.random.randint(ks[1], (2, N_EDGES), 0, N_NODES, dtype=jnp.int64)
    s = 1.0 / np.sqrt(D_FEAT)
    W_l1 = jax.random.uniform(ks[2], (D_FEAT, HIDDEN), dtype=jnp.float32, minval=-s, maxval=s)
    b_l1 = jnp.zeros((HIDDEN,), dtype=jnp.float32)
    W_r1 = jax.random.uniform(ks[3], (D_FEAT, HIDDEN), dtype=jnp.float32, minval=-s, maxval=s)
    s2 = 1.0 / np.sqrt(HIDDEN)
    W_l2 = jax.random.uniform(ks[4], (HIDDEN, HIDDEN), dtype=jnp.float32, minval=-s2, maxval=s2)
    b_l2 = jnp.zeros((HIDDEN,), dtype=jnp.float32)
    W_r2 = jax.random.uniform(ks[5], (HIDDEN, HIDDEN), dtype=jnp.float32, minval=-s2, maxval=s2)
    return {"x": x, "edge_index": edge_index, "W_l1": W_l1, "b_l1": b_l1, "W_r1": W_r1,
            "W_l2": W_l2, "b_l2": b_l2, "W_r2": W_r2}


def _sage_conv(x, edge_index, W_l, b_l, W_r, num_nodes):
    # PyG SAGEConv with mean aggregation + L2 normalize
    src = edge_index[0]
    dst = edge_index[1]
    msg = jnp.take(x, src, axis=0)                                  # gather x_j
    agg = jax.ops.segment_sum(msg, dst, num_segments=num_nodes)     # scatter-add
    cnt = jax.ops.segment_sum(jnp.ones((edge_index.shape[1],), dtype=x.dtype),
                              dst, num_segments=num_nodes)
    agg = agg / jnp.maximum(cnt, 1.0)[:, None]                      # mean aggregation
    out = agg @ W_l + b_l + x @ W_r                                 # lin_l(agg) + lin_r(x)
    norm = jnp.sqrt(jnp.sum(out * out, axis=-1, keepdims=True))
    out = out / jnp.maximum(norm, 1e-12)                            # F.normalize(p=2)
    return out


def reference(x, edge_index, W_l1, b_l1, W_r1, W_l2, b_l2, W_r2):
    n = x.shape[0]
    h = _sage_conv(x, edge_index, W_l1, b_l1, W_r1, n)
    h = jax.nn.relu(h)
    # dropout is identity in eval mode
    h = _sage_conv(h, edge_index, W_l2, b_l2, W_r2, n)
    return h

if __name__ == "__main__":
    import jax
    _d = setup_inputs()
    print(jax.jit(kernel)(*tuple(_d.values())))

</pallas_src>

<mosaic_0001>
#map = affine_map<(d0, d1) -> (0, 0)>
#map1 = affine_map<(d0, d1) -> (0, 0, 0)>
module attributes {stable_mosaic.version = 14 : i64} {
  func.func @body(%arg0: i32, %arg1: i32, %arg2: memref<5120x64xi32, #tpu.memory_space<hbm>>, %arg3: memref<10112x128xf32, #tpu.memory_space<hbm>>, %arg4: memref<64x128xf32, #tpu.memory_space<hbm>>, %arg5: memref<2x10112x128xf32, #tpu.memory_space<hbm>>, %arg6: memref<32x64xi32, #tpu.memory_space<vmem>>, %arg7: memref<64x128xf32, #tpu.memory_space<vmem>>, %arg8: memref<64x128xf32, #tpu.memory_space<vmem>>, %arg9: memref<10112x128xf32, #tpu.memory_space<vmem_shared>>, %arg10: memref<!tpu.dma_semaphore, #tpu.memory_space<semaphore_mem>>) attributes {dimension_semantics = [#tpu.dimension_semantics<core_parallel>, #tpu.dimension_semantics<subcore_parallel>], iteration_bounds = array<i64: 2, 16>, scalar_prefetch = 0 : i64, scratch_operands = 5 : i64, tpu.core_type = #tpu.core_type<sc_vector_subcore>, window_params = [{transform_indices = #map}, {transform_indices = #map}, {transform_indices = #map}, {transform_indices = #map1}]} {
    %mul3A = arith.constant 16 : i32
    %mul3A_0 = arith.muli %arg0, %mul3A : i32
    %add3A = arith.addi %mul3A_0, %arg1 : i32
    %sub3A = arith.constant 157 : i32
    %sub3A_1 = arith.subi %sub3A, %arg1 : i32
    %jit3A = arith.constant 16 : i32
    %div3A = arith.divsi %sub3A_1, %jit3A : i32
    %sign3A = arith.constant 0 : i32
    %sign3A_2 = arith.cmpi sgt, %sub3A_1, %sign3A : i32
    %sign3A_3 = arith.extui %sign3A_2 : i1 to i32
    %sign3A_4 = arith.constant 0 : i32
    %sign3A_5 = arith.cmpi slt, %sub3A_1, %sign3A_4 : i32
    %sign3A_6 = arith.extui %sign3A_5 : i1 to i32
    %sign3A_7 = arith.subi %sign3A_3, %sign3A_6 : i32
    %sign3A_8 = arith.constant 0 : i32
    %sign3A_9 = arith.cmpi sgt, %jit3A, %sign3A_8 : i32
    %sign3A_10 = arith.extui %sign3A_9 : i1 to i32
    %sign3A_11 = arith.constant 0 : i32
    %sign3A_12 = arith.cmpi slt, %jit3A, %sign3A_11 : i32
    %sign3A_13 = arith.extui %sign3A_12 : i1 to i32
    %sign3A_14 = arith.subi %sign3A_10, %sign3A_13 : i32
    %ne3A = arith.cmpi ne, %sign3A_7, %sign3A_14 : i32
    %rem3A = arith.remsi %sub3A_1, %jit3A : i32
    %ne3A_15 = arith.constant 0 : i32
    %ne3A_16 = arith.cmpi ne, %rem3A, %ne3A_15 : i32
    %and3A = arith.andi %ne3A, %ne3A_16 : i1
    %sub3A_17 = arith.constant 1 : i32
    %sub3A_18 = arith.subi %div3A, %sub3A_17 : i32
    %select_n3A = arith.select %and3A, %sub3A_18, %div3A : i32
    %add3A_19 = arith.constant 1 : i32
    %add3A_20 = arith.addi %select_n3A, %add3A_19 : i32
    "tpu.region"() ({
      %run_scoped3A = tpu.sem_alloc : memref<!tpu.dma_semaphore, #tpu.memory_space<semaphore_mem>>
      %dma_start3A = arith.constant 0 : i32
      %dma_start3A_46 = arith.constant 0 : i32
      %dma_start3A_47 = tpu.memref_slice %arg3[%dma_start3A, %dma_start3A_46] : memref<10112x128xf32, #tpu.memory_space<hbm>> -> memref<64x128xf32, #tpu.memory_space<hbm>>
      %dma_start3A_48 = arith.constant 0 : i32
      %dma_start3A_49 = arith.constant 0 : i32
      %dma_start3A_50 = tpu.memref_slice %arg3[%dma_start3A_48, %dma_start3A_49] : memref<10112x128xf32, #tpu.memory_space<hbm>> -> memref<64x128xf32, #tpu.memory_space<hbm>>
      tpu.enqueue_dma source(%dma_start3A_50 : memref<64x128xf32, #tpu.memory_space<hbm>>) target(%arg8 : memref<64x128xf32, #tpu.memory_space<vmem>>) target_semaphore(%run_scoped3A : memref<!tpu.dma_semaphore, #tpu.memory_space<semaphore_mem>>)
      %dma_wait3A = arith.constant 0 : i32
      %dma_wait3A_51 = arith.constant 0 : i32
      %dma_wait3A_52 = tpu.memref_slice %arg3[%dma_wait3A, %dma_wait3A_51] : memref<10112x128xf32, #tpu.memory_space<hbm>> -> memref<64x128xf32, #tpu.memory_space<hbm>>
      %dma_wait3A_53 = arith.constant 0 : i32
      %dma_wait3A_54 = arith.constant 0 : i32
      %dma_wait3A_55 = tpu.memref_slice %arg3[%dma_wait3A_53, %dma_wait3A_54] : memref<10112x128xf32, #tpu.memory_space<hbm>> -> memref<64x128xf32, #tpu.memory_space<hbm>>
      tpu.wait_dma2 semaphore(%run_scoped3A : memref<!tpu.dma_semaphore, #tpu.memory_space<semaphore_mem>>) src(%dma_wait3A_55 : memref<64x128xf32, #tpu.memory_space<hbm>>) dst(%arg8 : memref<64x128xf32, #tpu.memory_space<vmem>>)
      tpu.yield
    }) : () -> ()
    %while3A = arith.constant 0 : i32
    %while3A_21 = arith.constant 0 : i32
    %while3A_22 = arith.subi %add3A_20, %while3A_21 : i32
    %while3A_23 = arith.addi %while3A_21, %while3A_22 : i32
    %while3A_24 = arith.constant 1 : i32
    %while3A_25 = arith.divsi %while3A_22, %while3A_24 : i32
    %while3A_26 = arith.muli %while3A_25, %while3A_24 : i32
    %while3A_27 = arith.addi %while3A_21, %while3A_26 : i32
    %while3A_28 = arith.constant 1 : i32
    scf.for %while3A_46 = %while3A_21 to %while3A_27 step %while3A_28  : i32 {
      %mul3A_47 = arith.constant 16 : i32
      %mul3A_48 = arith.muli %while3A_46, %mul3A_47 : i32
      %add3A_49 = arith.addi %arg1, %mul3A_48 : i32
      %mul3A_50 = arith.constant 64 : i32
      %mul3A_51 = arith.muli %add3A_49, %mul3A_50 : i32
      "tpu.region"() ({
        %run_scoped3A = tpu.sem_alloc : memref<!tpu.dma_semaphore, #tpu.memory_space<semaphore_mem>>
        %dma_start3A = arith.constant 0 : i32
        %dma_start3A_52 = tpu.memref_slice %arg9[%mul3A_51, %dma_start3A] : memref<10112x128xf32, #tpu.memory_space<vmem_shared>> -> memref<64x128xf32, #tpu.memory_space<vmem_shared>>
        %dma_start3A_53 = arith.constant 0 : i32
        %dma_start3A_54 = tpu.memref_slice %arg9[%mul3A_51, %dma_start3A_53] : memref<10112x128xf32, #tpu.memory_space<vmem_shared>> -> memref<64x128xf32, #tpu.memory_space<vmem_shared>>
        tpu.enqueue_dma source(%arg8 : memref<64x128xf32, #tpu.memory_space<vmem>>) target(%dma_start3A_54 : memref<64x128xf32, #tpu.memory_space<vmem_shared>>) target_semaphore(%run_scoped3A : memref<!tpu.dma_semaphore, #tpu.memory_space<semaphore_mem>>)
        %dma_wait3A = arith.constant 0 : i32
        %dma_wait3A_55 = tpu.memref_slice %arg9[%mul3A_51, %dma_wait3A] : memref<10112x128xf32, #tpu.memory_space<vmem_shared>> -> memref<64x128xf32, #tpu.memory_space<vmem_shared>>
        %dma_wait3A_56 = arith.constant 0 : i32
        %dma_wait3A_57 = tpu.memref_slice %arg9[%mul3A_51, %dma_wait3A_56] : memref<10112x128xf32, #tpu.memory_space<vmem_shared>> -> memref<64x128xf32, #tpu.memory_space<vmem_shared>>
        tpu.wait_dma2 semaphore(%run_scoped3A : memref<!tpu.dma_semaphore, #tpu.memory_space<semaphore_mem>>) src(%arg8 : memref<64x128xf32, #tpu.memory_space<vmem>>) dst(%dma_wait3A_57 : memref<64x128xf32, #tpu.memory_space<vmem_shared>>)
        tpu.yield
      }) : () -> ()
    }
    %while3A_29 = arith.constant 1 : i32
    scf.for %while3A_46 = %while3A_27 to %while3A_23 step %while3A_29  : i32 {
      %mul3A_47 = arith.constant 16 : i32
      %mul3A_48 = arith.muli %while3A_46, %mul3A_47 : i32
      %add3A_49 = arith.addi %arg1, %mul3A_48 : i32
      %mul3A_50 = arith.constant 64 : i32
      %mul3A_51 = arith.muli %add3A_49, %mul3A_50 : i32
      "tpu.region"() ({
        %run_scoped3A = tpu.sem_alloc : memref<!tpu.dma_semaphore, #tpu.memory_space<semaphore_mem>>
        %dma_start3A = arith.constant 0 : i32
        %dma_start3A_52 = tpu.memref_slice %arg9[%mul3A_51, %dma_start3A] : memref<10112x128xf32, #tpu.memory_space<vmem_shared>> -> memref<64x128xf32, #tpu.memory_space<vmem_shared>>
        %dma_start3A_53 = arith.constant 0 : i32
        %dma_start3A_54 = tpu.memref_slice %arg9[%mul3A_51, %dma_start3A_53] : memref<10112x128xf32, #tpu.memory_space<vmem_shared>> -> memref<64x128xf32, #tpu.memory_space<vmem_shared>>
        tpu.enqueue_dma source(%arg8 : memref<64x128xf32, #tpu.memory_space<vmem>>) target(%dma_start3A_54 : memref<64x128xf32, #tpu.memory_space<vmem_shared>>) target_semaphore(%run_scoped3A : memref<!tpu.dma_semaphore, #tpu.memory_space<semaphore_mem>>)
        %dma_wait3A = arith.constant 0 : i32
        %dma_wait3A_55 = tpu.memref_slice %arg9[%mul3A_51, %dma_wait3A] : memref<10112x128xf32, #tpu.memory_space<vmem_shared>> -> memref<64x128xf32, #tpu.memory_space<vmem_shared>>
        %dma_wait3A_56 = arith.constant 0 : i32
        %dma_wait3A_57 = tpu.memref_slice %arg9[%mul3A_51, %dma_wait3A_56] : memref<10112x128xf32, #tpu.memory_space<vmem_shared>> -> memref<64x128xf32, #tpu.memory_space<vmem_shared>>
        tpu.wait_dma2 semaphore(%run_scoped3A : memref<!tpu.dma_semaphore, #tpu.memory_space<semaphore_mem>>) src(%arg8 : memref<64x128xf32, #tpu.memory_space<vmem>>) dst(%dma_wait3A_57 : memref<64x128xf32, #tpu.memory_space<vmem_shared>>)
        tpu.yield
      }) : () -> ()
    }
    "tpu.region"() ({
      %run_scoped3A = tpu.sem_alloc : memref<!tpu.dma_semaphore, #tpu.memory_space<semaphore_mem>>
      tpu.enqueue_dma source(%arg4 : memref<64x128xf32, #tpu.memory_space<hbm>>) target(%arg7 : memref<64x128xf32, #tpu.memory_space<vmem>>) target_semaphore(%run_scoped3A : memref<!tpu.dma_semaphore, #tpu.memory_space<semaphore_mem>>)
      tpu.wait_dma2 semaphore(%run_scoped3A : memref<!tpu.dma_semaphore, #tpu.memory_space<semaphore_mem>>) src(%arg4 : memref<64x128xf32, #tpu.memory_space<hbm>>) dst(%arg7 : memref<64x128xf32, #tpu.memory_space<vmem>>)
      tpu.yield
    }) : () -> ()
    %barrier3A = arith.constant 0 : index
    tpu.barrier barrier_id(%barrier3A)
    %scan3A = arith.constant 0 : i32
    %scan3A_30 = arith.constant 0 : i32
    %scan3A_31 = arith.constant 5 : i32
    %scan3A_32 = arith.addi %scan3A_30, %scan3A_31 : i32
    %scan3A_33 = arith.constant 1 : i32
    scf.for %scan3A_46 = %scan3A_30 to %scan3A_32 step %scan3A_33  : i32 {
      %mul3A_47 = arith.constant 160 : i32
      %mul3A_48 = arith.muli %add3A, %mul3A_47 : i32
      %mul3A_49 = arith.constant 32 : i32
      %mul3A_50 = arith.muli %scan3A_46, %mul3A_49 : i32
      %add3A_51 = arith.addi %mul3A_48, %mul3A_50 : i32
      "tpu.region"() ({
        %run_scoped3A = tpu.sem_alloc : memref<!tpu.dma_semaphore, #tpu.memory_space<semaphore_mem>>
        %dma_start3A = arith.constant 0 : i32
        %dma_start3A_64 = tpu.memref_slice %arg2[%add3A_51, %dma_start3A] : memref<5120x64xi32, #tpu.memory_space<hbm>> -> memref<32x64xi32, #tpu.memory_space<hbm>>
        %dma_start3A_65 = arith.constant 0 : i32
        %dma_start3A_66 = tpu.memref_slice %arg2[%add3A_51, %dma_start3A_65] : memref<5120x64xi32, #tpu.memory_space<hbm>> -> memref<32x64xi32, #tpu.memory_space<hbm>>
        tpu.enqueue_dma source(%dma_start3A_66 : memref<32x64xi32, #tpu.memory_space<hbm>>) target(%arg6 : memref<32x64xi32, #tpu.memory_space<vmem>>) target_semaphore(%run_scoped3A : memref<!tpu.dma_semaphore, #tpu.memory_space<semaphore_mem>>)
        %dma_wait3A = arith.constant 0 : i32
        %dma_wait3A_67 = tpu.memref_slice %arg2[%add3A_51, %dma_wait3A] : memref<5120x64xi32, #tpu.memory_space<hbm>> -> memref<32x64xi32, #tpu.memory_space<hbm>>
        %dma_wait3A_68 = arith.constant 0 : i32
        %dma_wait3A_69 = tpu.memref_slice %arg2[%add3A_51, %dma_wait3A_68] : memref<5120x64xi32, #tpu.memory_space<hbm>> -> memref<32x64xi32, #tpu.memory_space<hbm>>
        tpu.wait_dma2 semaphore(%run_scoped3A : memref<!tpu.dma_semaphore, #tpu.memory_space<semaphore_mem>>) src(%dma_wait3A_69 : memref<32x64xi32, #tpu.memory_space<hbm>>) dst(%arg6 : memref<32x64xi32, #tpu.memory_space<vmem>>)
        tpu.yield
      }) : () -> ()
      %scan3A_52 = arith.constant 0 : i32
      %scan3A_53 = arith.constant 0 : i32
      %scan3A_54 = arith.constant 32 : i32
      %scan3A_55 = arith.addi %scan3A_53, %scan3A_54 : i32
      %scan3A_56 = arith.constant 1 : i32
      scf.for %scan3A_64 = %scan3A_53 to %scan3A_55 step %scan3A_56  : i32 {
        %dma_start3A = arith.constant 0 : i32
        %dma_start3A_65 = tpu.memref_slice %arg6[%scan3A_64, %dma_start3A] : memref<32x64xi32, #tpu.memory_space<vmem>> -> memref<1x64xi32, #tpu.memory_space<vmem>>
        %dma_start3A_66 = tpu.memref_squeeze %dma_start3A_65 : memref<1x64xi32, #tpu.memory_space<vmem>> -> memref<64xi32, #tpu.memory_space<vmem>>
        %dma_start3A_67 = arith.constant 0 : i32
        %dma_start3A_68 = arith.constant 0 : i32
        %dma_start3A_69 = tpu.memref_slice %arg9[%dma_start3A_67, %dma_start3A_68] : memref<10112x128xf32, #tpu.memory_space<vmem_shared>> -> memref<10112x128xf32, #tpu.memory_space<vmem_shared>>
        tpu.enqueue_indirect_dma source(%arg7 : memref<64x128xf32, #tpu.memory_space<vmem>>) target(%dma_start3A_69 : memref<10112x128xf32, #tpu.memory_space<vmem_shared>>) offsets(%dma_start3A_66 : memref<64xi32, #tpu.memory_space<vmem>>) semaphore(%arg10 : memref<!tpu.dma_semaphore, #tpu.memory_space<semaphore_mem>>) {add = true}
      }
      %scan3A_57 = arith.constant 32 : i32
      %scan3A_58 = arith.constant 0 : i32
      %scan3A_59 = arith.constant 0 : i32
      %scan3A_60 = arith.constant 32 : i32
      %scan3A_61 = arith.addi %scan3A_59, %scan3A_60 : i32
      %scan3A_62 = arith.constant 1 : i32
      scf.for %scan3A_64 = %scan3A_59 to %scan3A_61 step %scan3A_62  : i32 {
        %dma_wait3A = arith.constant 0 : i32
        %dma_wait3A_65 = arith.constant 0 : i32
        %dma_wait3A_66 = tpu.memref_slice %arg3[%dma_wait3A, %dma_wait3A_65] : memref<10112x128xf32, #tpu.memory_space<hbm>> -> memref<64x128xf32, #tpu.memory_space<hbm>>
        %dma_wait3A_67 = arith.constant 0 : i32
        %dma_wait3A_68 = arith.constant 0 : i32
        %dma_wait3A_69 = tpu.memref_slice %arg3[%dma_wait3A_67, %dma_wait3A_68] : memref<10112x128xf32, #tpu.memory_space<hbm>> -> memref<64x128xf32, #tpu.memory_space<hbm>>
        tpu.wait_dma2 semaphore(%arg10 : memref<!tpu.dma_semaphore, #tpu.memory_space<semaphore_mem>>) src(%dma_wait3A_69 : memref<64x128xf32, #tpu.memory_space<hbm>>) dst(%arg8 : memref<64x128xf32, #tpu.memory_space<vmem>>)
      }
      %scan3A_63 = arith.constant 32 : i32
    }
    %scan3A_34 = arith.constant 5 : i32
    %barrier3A_35 = arith.constant 0 : index
    tpu.barrier barrier_id(%barrier3A_35)
    %while3A_36 = arith.constant 0 : i32
    %while3A_37 = arith.constant 0 : i32
    %while3A_38 = arith.subi %add3A_20, %while3A_37 : i32
    %while3A_39 = arith.addi %while3A_37, %while3A_38 : i32
    %while3A_40 = arith.constant 1 : i32
    %while3A_41 = arith.divsi %while3A_38, %while3A_40 : i32
    %while3A_42 = arith.muli %while3A_41, %while3A_40 : i32
    %while3A_43 = arith.addi %while3A_37, %while3A_42 : i32
    %while3A_44 = arith.constant 1 : i32
    scf.for %while3A_46 = %while3A_37 to %while3A_43 step %while3A_44  : i32 {
      %mul3A_47 = arith.constant 16 : i32
      %mul3A_48 = arith.muli %while3A_46, %mul3A_47 : i32
      %add3A_49 = arith.addi %arg1, %mul3A_48 : i32
      %mul3A_50 = arith.constant 64 : i32
      %mul3A_51 = arith.muli %add3A_49, %mul3A_50 : i32
      "tpu.region"() ({
        %run_scoped3A = tpu.sem_alloc : memref<!tpu.dma_semaphore, #tpu.memory_space<semaphore_mem>>
        %dma_start3A = arith.constant 0 : i32
        %dma_start3A_52 = tpu.memref_slice %arg9[%mul3A_51, %dma_start3A] : memref<10112x128xf32, #tpu.memory_space<vmem_shared>> -> memref<64x128xf32, #tpu.memory_space<vmem_shared>>
        %dma_start3A_53 = arith.constant 0 : i32
        %dma_start3A_54 = tpu.memref_slice %arg9[%mul3A_51, %dma_start3A_53] : memref<10112x128xf32, #tpu.memory_space<vmem_shared>> -> memref<64x128xf32, #tpu.memory_space<vmem_shared>>
        tpu.enqueue_dma source(%dma_start3A_54 : memref<64x128xf32, #tpu.memory_space<vmem_shared>>) target(%arg8 : memref<64x128xf32, #tpu.memory_space<vmem>>) target_semaphore(%run_scoped3A : memref<!tpu.dma_semaphore, #tpu.memory_space<semaphore_mem>>)
        %dma_wait3A = arith.constant 0 : i32
        %dma_wait3A_55 = tpu.memref_slice %arg9[%mul3A_51, %dma_wait3A] : memref<10112x128xf32, #tpu.memory_space<vmem_shared>> -> memref<64x128xf32, #tpu.memory_space<vmem_shared>>
        %dma_wait3A_56 = arith.constant 0 : i32
        %dma_wait3A_57 = tpu.memref_slice %arg9[%mul3A_51, %dma_wait3A_56] : memref<10112x128xf32, #tpu.memory_space<vmem_shared>> -> memref<64x128xf32, #tpu.memory_space<vmem_shared>>
        tpu.wait_dma2 semaphore(%run_scoped3A : memref<!tpu.dma_semaphore, #tpu.memory_space<semaphore_mem>>) src(%dma_wait3A_57 : memref<64x128xf32, #tpu.memory_space<vmem_shared>>) dst(%arg8 : memref<64x128xf32, #tpu.memory_space<vmem>>)
        tpu.yield
      }) : () -> ()
      "tpu.region"() ({
        %run_scoped3A = tpu.sem_alloc : memref<!tpu.dma_semaphore, #tpu.memory_space<semaphore_mem>>
        %dma_start3A = arith.constant 0 : i32
        %dma_start3A_52 = tpu.memref_slice %arg5[%arg0, %mul3A_51, %dma_start3A] : memref<2x10112x128xf32, #tpu.memory_space<hbm>> -> memref<1x64x128xf32, #tpu.memory_space<hbm>>
        %dma_start3A_53 = tpu.memref_squeeze %dma_start3A_52 : memref<1x64x128xf32, #tpu.memory_space<hbm>> -> memref<64x128xf32, #tpu.memory_space<hbm>>
        %dma_start3A_54 = arith.constant 0 : i32
        %dma_start3A_55 = tpu.memref_slice %arg5[%arg0, %mul3A_51, %dma_start3A_54] : memref<2x10112x128xf32, #tpu.memory_space<hbm>> -> memref<1x64x128xf32, #tpu.memory_space<hbm>>
        %dma_start3A_56 = tpu.memref_squeeze %dma_start3A_55 : memref<1x64x128xf32, #tpu.memory_space<hbm>> -> memref<64x128xf32, #tpu.memory_space<hbm>>
        tpu.enqueue_dma source(%arg8 : memref<64x128xf32, #tpu.memory_space<vmem>>) target(%dma_start3A_56 : memref<64x128xf32, #tpu.memory_space<hbm>>) target_semaphore(%run_scoped3A : memref<!tpu.dma_semaphore, #tpu.memory_space<semaphore_mem>>)
        %dma_wait3A = arith.constant 0 : i32
        %dma_wait3A_57 = tpu.memref_slice %arg5[%arg0, %mul3A_51, %dma_wait3A] : memref<2x10112x128xf32, #tpu.memory_space<hbm>> -> memref<1x64x128xf32, #tpu.memory_space<hbm>>
        %dma_wait3A_58 = tpu.memref_squeeze %dma_wait3A_57 : memref<1x64x128xf32, #tpu.memory_space<hbm>> -> memref<64x128xf32, #tpu.memory_space<hbm>>
        %dma_wait3A_59 = arith.constant 0 : i32
        %dma_wait3A_60 = tpu.memref_slice %arg5[%arg0, %mul3A_51, %dma_wait3A_59] : memref<2x10112x128xf32, #tpu.memory_space<hbm>> -> memref<1x64x128xf32, #tpu.memory_space<hbm>>
        %dma_wait3A_61 = tpu.memref_squeeze %dma_wait3A_60 : memref<1x64x128xf32, #tpu.memory_space<hbm>> -> memref<64x128xf32, #tpu.memory_space<hbm>>
        tpu.wait_dma2 semaphore(%run_scoped3A : memref<!tpu.dma_semaphore, #tpu.memory_space<semaphore_mem>>) src(%arg8 : memref<64x128xf32, #tpu.memory_space<vmem>>) dst(%dma_wait3A_61 : memref<64x128xf32, #tpu.memory_space<hbm>>)
        tpu.yield
      }) : () -> ()
    }
    %while3A_45 = arith.constant 1 : i32
    scf.for %while3A_46 = %while3A_43 to %while3A_39 step %while3A_45  : i32 {
      %mul3A_47 = arith.constant 16 : i32
      %mul3A_48 = arith.muli %while3A_46, %mul3A_47 : i32
      %add3A_49 = arith.addi %arg1, %mul3A_48 : i32
      %mul3A_50 = arith.constant 64 : i32
      %mul3A_51 = arith.muli %add3A_49, %mul3A_50 : i32
      "tpu.region"() ({
        %run_scoped3A = tpu.sem_alloc : memref<!tpu.dma_semaphore, #tpu.memory_space<semaphore_mem>>
        %dma_start3A = arith.constant 0 : i32
        %dma_start3A_52 = tpu.memref_slice %arg9[%mul3A_51, %dma_start3A] : memref<10112x128xf32, #tpu.memory_space<vmem_shared>> -> memref<64x128xf32, #tpu.memory_space<vmem_shared>>
        %dma_start3A_53 = arith.constant 0 : i32
        %dma_start3A_54 = tpu.memref_slice %arg9[%mul3A_51, %dma_start3A_53] : memref<10112x128xf32, #tpu.memory_space<vmem_shared>> -> memref<64x128xf32, #tpu.memory_space<vmem_shared>>
        tpu.enqueue_dma source(%dma_start3A_54 : memref<64x128xf32, #tpu.memory_space<vmem_shared>>) target(%arg8 : memref<64x128xf32, #tpu.memory_space<vmem>>) target_semaphore(%run_scoped3A : memref<!tpu.dma_semaphore, #tpu.memory_space<semaphore_mem>>)
        %dma_wait3A = arith.constant 0 : i32
        %dma_wait3A_55 = tpu.memref_slice %arg9[%mul3A_51, %dma_wait3A] : memref<10112x128xf32, #tpu.memory_space<vmem_shared>> -> memref<64x128xf32, #tpu.memory_space<vmem_shared>>
        %dma_wait3A_56 = arith.constant 0 : i32
        %dma_wait3A_57 = tpu.memref_slice %arg9[%mul3A_51, %dma_wait3A_56] : memref<10112x128xf32, #tpu.memory_space<vmem_shared>> -> memref<64x128xf32, #tpu.memory_space<vmem_shared>>
        tpu.wait_dma2 semaphore(%run_scoped3A : memref<!tpu.dma_semaphore, #tpu.memory_space<semaphore_mem>>) src(%dma_wait3A_57 : memref<64x128xf32, #tpu.memory_space<vmem_shared>>) dst(%arg8 : memref<64x128xf32, #tpu.memory_space<vmem>>)
        tpu.yield
      }) : () -> ()
      "tpu.region"() ({
        %run_scoped3A = tpu.sem_alloc : memref<!tpu.dma_semaphore, #tpu.memory_space<semaphore_mem>>
        %dma_start3A = arith.constant 0 : i32
        %dma_start3A_52 = tpu.memref_slice %arg5[%arg0, %mul3A_51, %dma_start3A] : memref<2x10112x128xf32, #tpu.memory_space<hbm>> -> memref<1x64x128xf32, #tpu.memory_space<hbm>>
        %dma_start3A_53 = tpu.memref_squeeze %dma_start3A_52 : memref<1x64x128xf32, #tpu.memory_space<hbm>> -> memref<64x128xf32, #tpu.memory_space<hbm>>
        %dma_start3A_54 = arith.constant 0 : i32
        %dma_start3A_55 = tpu.memref_slice %arg5[%arg0, %mul3A_51, %dma_start3A_54] : memref<2x10112x128xf32, #tpu.memory_space<hbm>> -> memref<1x64x128xf32, #tpu.memory_space<hbm>>
        %dma_start3A_56 = tpu.memref_squeeze %dma_start3A_55 : memref<1x64x128xf32, #tpu.memory_space<hbm>> -> memref<64x128xf32, #tpu.memory_space<hbm>>
        tpu.enqueue_dma source(%arg8 : memref<64x128xf32, #tpu.memory_space<vmem>>) target(%dma_start3A_56 : memref<64x128xf32, #tpu.memory_space<hbm>>) target_semaphore(%run_scoped3A : memref<!tpu.dma_semaphore, #tpu.memory_space<semaphore_mem>>)
        %dma_wait3A = arith.constant 0 : i32
        %dma_wait3A_57 = tpu.memref_slice %arg5[%arg0, %mul3A_51, %dma_wait3A] : memref<2x10112x128xf32, #tpu.memory_space<hbm>> -> memref<1x64x128xf32, #tpu.memory_space<hbm>>
        %dma_wait3A_58 = tpu.memref_squeeze %dma_wait3A_57 : memref<1x64x128xf32, #tpu.memory_space<hbm>> -> memref<64x128xf32, #tpu.memory_space<hbm>>
        %dma_wait3A_59 = arith.constant 0 : i32
        %dma_wait3A_60 = tpu.memref_slice %arg5[%arg0, %mul3A_51, %dma_wait3A_59] : memref<2x10112x128xf32, #tpu.memory_space<hbm>> -> memref<1x64x128xf32, #tpu.memory_space<hbm>>
        %dma_wait3A_61 = tpu.memref_squeeze %dma_wait3A_60 : memref<1x64x128xf32, #tpu.memory_space<hbm>> -> memref<64x128xf32, #tpu.memory_space<hbm>>
        tpu.wait_dma2 semaphore(%run_scoped3A : memref<!tpu.dma_semaphore, #tpu.memory_space<semaphore_mem>>) src(%arg8 : memref<64x128xf32, #tpu.memory_space<vmem>>) dst(%dma_wait3A_61 : memref<64x128xf32, #tpu.memory_space<hbm>>)
        tpu.yield
      }) : () -> ()
    }
    return
  }
}

#map = affine_map<(d0, d1) -> (0, 0)>
#map1 = affine_map<(d0, d1) -> (0, 0, 0)>
module attributes {stable_mosaic.version = 14 : i64} {
  func.func @body(%arg0: i32, %arg1: i32, %arg2: memref<10000x128xf32, #tpu.memory_space<hbm>>, %arg3: memref<5120x64xi32, #tpu.memory_space<hbm>>, %arg4: memref<5120x64xi32, #tpu.memory_space<hbm>>, %arg5: memref<10112x128xf32, #tpu.memory_space<hbm>>, %arg6: memref<2x10112x128xf32, #tpu.memory_space<hbm>>, %arg7: memref<32x64xi32, #tpu.memory_space<vmem>>, %arg8: memref<32x64xi32, #tpu.memory_space<vmem>>, %arg9: memref<4x64x128xf32, #tpu.memory_space<vmem>>, %arg10: memref<10112x128xf32, #tpu.memory_space<vmem_shared>>, %arg11: memref<!tpu.dma_semaphore, #tpu.memory_space<semaphore_mem>>, %arg12: memref<!tpu.dma_semaphore, #tpu.memory_space<semaphore_mem>>, %arg13: memref<!tpu.dma_semaphore, #tpu.memory_space<semaphore_mem>>, %arg14: memref<!tpu.dma_semaphore, #tpu.memory_space<semaphore_mem>>) attributes {dimension_semantics = [#tpu.dimension_semantics<core_parallel>, #tpu.dimension_semantics<subcore_parallel>], iteration_bounds = array<i64: 2, 16>, scalar_prefetch = 0 : i64, scratch_operands = 8 : i64, tpu.core_type = #tpu.core_type<sc_vector_subcore>, window_params = [{transform_indices = #map}, {transform_indices = #map}, {transform_indices = #map}, {transform_indices = #map}, {transform_indices = #map1}]} {
    %sub3A = arith.constant 157 : i32
    %sub3A_0 = arith.subi %sub3A, %arg1 : i32
    %jit3A = arith.constant 16 : i32
    %div3A = arith.divsi %sub3A_0, %jit3A : i32
    %sign3A = arith.constant 0 : i32
    %sign3A_1 = arith.cmpi sgt, %sub3A_0, %sign3A : i32
    %sign3A_2 = arith.extui %sign3A_1 : i1 to i32
    %sign3A_3 = arith.constant 0 : i32
    %sign3A_4 = arith.cmpi slt, %sub3A_0, %sign3A_3 : i32
    %sign3A_5 = arith.extui %sign3A_4 : i1 to i32
    %sign3A_6 = arith.subi %sign3A_2, %sign3A_5 : i32
    %sign3A_7 = arith.constant 0 : i32
    %sign3A_8 = arith.cmpi sgt, %jit3A, %sign3A_7 : i32
    %sign3A_9 = arith.extui %sign3A_8 : i1 to i32
    %sign3A_10 = arith.constant 0 : i32
    %sign3A_11 = arith.cmpi slt, %jit3A, %sign3A_10 : i32
    %sign3A_12 = arith.extui %sign3A_11 : i1 to i32
    %sign3A_13 = arith.subi %sign3A_9, %sign3A_12 : i32
    %ne3A = arith.cmpi ne, %sign3A_6, %sign3A_13 : i32
    %rem3A = arith.remsi %sub3A_0, %jit3A : i32
    %ne3A_14 = arith.constant 0 : i32
    %ne3A_15 = arith.cmpi ne, %rem3A, %ne3A_14 : i32
    %and3A = arith.andi %ne3A, %ne3A_15 : i1
    %sub3A_16 = arith.constant 1 : i32
    %sub3A_17 = arith.subi %div3A, %sub3A_16 : i32
    %select_n3A = arith.select %and3A, %sub3A_17, %div3A : i32
    %add3A = arith.constant 1 : i32
    %add3A_18 = arith.addi %select_n3A, %add3A : i32
    %eq3A = arith.constant 0 : i32
    %eq3A_19 = arith.cmpi eq, %arg0, %eq3A : i32
    %mul3A = arith.constant 256 : i32
    %mul3A_20 = arith.muli %arg1, %mul3A : i32
    %mul3A_21 = arith.constant 64 : i32
    %mul3A_22 = arith.muli %arg1, %mul3A_21 : i32
    %add3A_23 = arith.constant 4096 : i32
    %add3A_24 = arith.addi %add3A_23, %mul3A_22 : i32
    %select_n3A_25 = arith.select %eq3A_19, %mul3A_20, %add3A_24 : i32
    %eq3A_26 = arith.constant 0 : i32
    %eq3A_27 = arith.cmpi eq, %arg0, %eq3A_26 : i32
    %jit3A_28 = arith.constant 8 : i32
    %jit3A_29 = arith.constant 2 : i32
    %select_n3A_30 = arith.select %eq3A_27, %jit3A_28, %jit3A_29 : i32
    %run_scoped3A = arith.constant 0 : i32
    "tpu.region"() ({
      %run_scoped3A_63 = tpu.sem_alloc : memref<!tpu.dma_semaphore, #tpu.memory_space<semaphore_mem>>
      %dma_start3A = arith.constant 0 : i32
      %dma_start3A_64 = arith.constant 0 : i32
      %dma_start3A_65 = tpu.memref_slice %arg9[%run_scoped3A, %dma_start3A, %dma_start3A_64] : memref<4x64x128xf32, #tpu.memory_space<vmem>> -> memref<1x64x128xf32, #tpu.memory_space<vmem>>
      %dma_start3A_66 = tpu.memref_squeeze %dma_start3A_65 : memref<1x64x128xf32, #tpu.memory_space<vmem>> -> memref<64x128xf32, #tpu.memory_space<vmem>>
      %dma_start3A_67 = arith.constant 0 : i32
      %dma_start3A_68 = arith.constant 0 : i32
      %dma_start3A_69 = tpu.memref_slice %arg5[%dma_start3A_67, %dma_start3A_68] : memref<10112x128xf32, #tpu.memory_space<hbm>> -> memref<64x128xf32, #tpu.memory_space<hbm>>
      %dma_start3A_70 = arith.constant 0 : i32
      %dma_start3A_71 = arith.constant 0 : i32
      %dma_start3A_72 = tpu.memref_slice %arg9[%run_scoped3A, %dma_start3A_70, %dma_start3A_71] : memref<4x64x128xf32, #tpu.memory_space<vmem>> -> memref<1x64x128xf32, #tpu.memory_space<vmem>>
      %dma_start3A_73 = tpu.memref_squeeze %dma_start3A_72 : memref<1x64x128xf32, #tpu.memory_space<vmem>> -> memref<64x128xf32, #tpu.memory_space<vmem>>
      %dma_start3A_74 = arith.constant 0 : i32
      %dma_start3A_75 = arith.constant 0 : i32
      %dma_start3A_76 = tpu.memref_slice %arg5[%dma_start3A_74, %dma_start3A_75] : memref<10112x128xf32, #tpu.memory_space<hbm>> -> memref<64x128xf32, #tpu.memory_space<hbm>>
      tpu.enqueue_dma source(%dma_start3A_76 : memref<64x128xf32, #tpu.memory_space<hbm>>) target(%dma_start3A_73 : memref<64x128xf32, #tpu.memory_space<vmem>>) target_semaphore(%run_scoped3A_63 : memref<!tpu.dma_semaphore, #tpu.memory_space<semaphore_mem>>)
      %dma_wait3A = arith.constant 0 : i32
      %dma_wait3A_77 = arith.constant 0 : i32
      %dma_wait3A_78 = tpu.memref_slice %arg9[%run_scoped3A, %dma_wait3A, %dma_wait3A_77] : memref<4x64x128xf32, #tpu.memory_space<vmem>> -> memref<1x64x128xf32, #tpu.memory_space<vmem>>
      %dma_wait3A_79 = tpu.memref_squeeze %dma_wait3A_78 : memref<1x64x128xf32, #tpu.memory_space<vmem>> -> memref<64x128xf32, #tpu.memory_space<vmem>>
      %dma_wait3A_80 = arith.constant 0 : i32
      %dma_wait3A_81 = arith.constant 0 : i32
      %dma_wait3A_82 = tpu.memref_slice %arg5[%dma_wait3A_80, %dma_wait3A_81] : memref<10112x128xf32, #tpu.memory_space<hbm>> -> memref<64x128xf32, #tpu.memory_space<hbm>>
      %dma_wait3A_83 = arith.constant 0 : i32
      %dma_wait3A_84 = arith.constant 0 : i32
      %dma_wait3A_85 = tpu.memref_slice %arg9[%run_scoped3A, %dma_wait3A_83, %dma_wait3A_84] : memref<4x64x128xf32, #tpu.memory_space<vmem>> -> memref<1x64x128xf32, #tpu.memory_space<vmem>>
      %dma_wait3A_86 = tpu.memref_squeeze %dma_wait3A_85 : memref<1x64x128xf32, #tpu.memory_space<vmem>> -> memref<64x128xf32, #tpu.memory_space<vmem>>
      %dma_wait3A_87 = arith.constant 0 : i32
      %dma_wait3A_88 = arith.constant 0 : i32
      %dma_wait3A_89 = tpu.memref_slice %arg5[%dma_wait3A_87, %dma_wait3A_88] : memref<10112x128xf32, #tpu.memory_space<hbm>> -> memref<64x128xf32, #tpu.memory_space<hbm>>
      tpu.wait_dma2 semaphore(%run_scoped3A_63 : memref<!tpu.dma_semaphore, #tpu.memory_space<semaphore_mem>>) src(%dma_wait3A_89 : memref<64x128xf32, #tpu.memory_space<hbm>>) dst(%dma_wait3A_86 : memref<64x128xf32, #tpu.memory_space<vmem>>)
      tpu.yield
    }) : () -> ()
    %while3A = arith.constant 0 : i32
    %while3A_31 = arith.constant 0 : i32
    %while3A_32 = arith.constant 0 : i32
    %while3A_33 = arith.subi %add3A_18, %while3A_32 : i32
    %while3A_34 = arith.addi %while3A_32, %while3A_33 : i32
    %while3A_35 = arith.constant 1 : i32
    %while3A_36 = arith.divsi %while3A_33, %while3A_35 : i32
    %while3A_37 = arith.muli %while3A_36, %while3A_35 : i32
    %while3A_38 = arith.addi %while3A_32, %while3A_37 : i32
    %while3A_39 = arith.constant 1 : i32
    scf.for %while3A_63 = %while3A_32 to %while3A_38 step %while3A_39  : i32 {
      %mul3A_64 = arith.constant 16 : i32
      %mul3A_65 = arith.muli %while3A_63, %mul3A_64 : i32
      %add3A_66 = arith.addi %arg1, %mul3A_65 : i32
      %mul3A_67 = arith.constant 64 : i32
      %mul3A_68 = arith.muli %add3A_66, %mul3A_67 : i32
      "tpu.region"() ({
        %run_scoped3A_69 = tpu.sem_alloc : memref<!tpu.dma_semaphore, #tpu.memory_space<semaphore_mem>>
        %dma_start3A = arith.constant 0 : i32
        %dma_start3A_70 = arith.constant 0 : i32
        %dma_start3A_71 = tpu.memref_slice %arg9[%while3A_31, %dma_start3A, %dma_start3A_70] : memref<4x64x128xf32, #tpu.memory_space<vmem>> -> memref<1x64x128xf32, #tpu.memory_space<vmem>>
        %dma_start3A_72 = tpu.memref_squeeze %dma_start3A_71 : memref<1x64x128xf32, #tpu.memory_space<vmem>> -> memref<64x128xf32, #tpu.memory_space<vmem>>
        %dma_start3A_73 = arith.constant 0 : i32
        %dma_start3A_74 = tpu.memref_slice %arg10[%mul3A_68, %dma_start3A_73] : memref<10112x128xf32, #tpu.memory_space<vmem_shared>> -> memref<64x128xf32, #tpu.memory_space<vmem_shared>>
        %dma_start3A_75 = arith.constant 0 : i32
        %dma_start3A_76 = tpu.memref_slice %arg10[%mul3A_68, %dma_start3A_75] : memref<10112x128xf32, #tpu.memory_space<vmem_shared>> -> memref<64x128xf32, #tpu.memory_space<vmem_shared>>
        %dma_start3A_77 = arith.constant 0 : i32
        %dma_start3A_78 = arith.constant 0 : i32
        %dma_start3A_79 = tpu.memref_slice %arg9[%while3A_31, %dma_start3A_77, %dma_start3A_78] : memref<4x64x128xf32, #tpu.memory_space<vmem>> -> memref<1x64x128xf32, #tpu.memory_space<vmem>>
        %dma_start3A_80 = tpu.memref_squeeze %dma_start3A_79 : memref<1x64x128xf32, #tpu.memory_space<vmem>> -> memref<64x128xf32, #tpu.memory_space<vmem>>
        tpu.enqueue_dma source(%dma_start3A_80 : memref<64x128xf32, #tpu.memory_space<vmem>>) target(%dma_start3A_76 : memref<64x128xf32, #tpu.memory_space<vmem_shared>>) target_semaphore(%run_scoped3A_69 : memref<!tpu.dma_semaphore, #tpu.memory_space<semaphore_mem>>)
        %dma_wait3A = arith.constant 0 : i32
        %dma_wait3A_81 = arith.constant 0 : i32
        %dma_wait3A_82 = tpu.memref_slice %arg9[%while3A_31, %dma_wait3A, %dma_wait3A_81] : memref<4x64x128xf32, #tpu.memory_space<vmem>> -> memref<1x64x128xf32, #tpu.memory_space<vmem>>
        %dma_wait3A_83 = tpu.memref_squeeze %dma_wait3A_82 : memref<1x64x128xf32, #tpu.memory_space<vmem>> -> memref<64x128xf32, #tpu.memory_space<vmem>>
        %dma_wait3A_84 = arith.constant 0 : i32
        %dma_wait3A_85 = tpu.memref_slice %arg10[%mul3A_68, %dma_wait3A_84] : memref<10112x128xf32, #tpu.memory_space<vmem_shared>> -> memref<64x128xf32, #tpu.memory_space<vmem_shared>>
        %dma_wait3A_86 = arith.constant 0 : i32
        %dma_wait3A_87 = tpu.memref_slice %arg10[%mul3A_68, %dma_wait3A_86] : memref<10112x128xf32, #tpu.memory_space<vmem_shared>> -> memref<64x128xf32, #tpu.memory_space<vmem_shared>>
        %dma_wait3A_88 = arith.constant 0 : i32
        %dma_wait3A_89 = arith.constant 0 : i32
        %dma_wait3A_90 = tpu.memref_slice %arg9[%while3A_31, %dma_wait3A_88, %dma_wait3A_89] : memref<4x64x128xf32, #tpu.memory_space<vmem>> -> memref<1x64x128xf32, #tpu.memory_space<vmem>>
        %dma_wait3A_91 = tpu.memref_squeeze %dma_wait3A_90 : memref<1x64x128xf32, #tpu.memory_space<vmem>> -> memref<64x128xf32, #tpu.memory_space<vmem>>
        tpu.wait_dma2 semaphore(%run_scoped3A_69 : memref<!tpu.dma_semaphore, #tpu.memory_space<semaphore_mem>>) src(%dma_wait3A_91 : memref<64x128xf32, #tpu.memory_space<vmem>>) dst(%dma_wait3A_87 : memref<64x128xf32, #tpu.memory_space<vmem_shared>>)
        tpu.yield
      }) : () -> ()
    }
    %while3A_40 = arith.constant 1 : i32
    scf.for %while3A_63 = %while3A_38 to %while3A_34 step %while3A_40  : i32 {
      %mul3A_64 = arith.constant 16 : i32
      %mul3A_65 = arith.muli %while3A_63, %mul3A_64 : i32
      %add3A_66 = arith.addi %arg1, %mul3A_65 : i32
      %mul3A_67 = arith.constant 64 : i32
      %mul3A_68 = arith.muli %add3A_66, %mul3A_67 : i32
      "tpu.region"() ({
        %run_scoped3A_69 = tpu.sem_alloc : memref<!tpu.dma_semaphore, #tpu.memory_space<semaphore_mem>>
        %dma_start3A = arith.constant 0 : i32
        %dma_start3A_70 = arith.constant 0 : i32
        %dma_start3A_71 = tpu.memref_slice %arg9[%while3A_31, %dma_start3A, %dma_start3A_70] : memref<4x64x128xf32, #tpu.memory_space<vmem>> -> memref<1x64x128xf32, #tpu.memory_space<vmem>>
        %dma_start3A_72 = tpu.memref_squeeze %dma_start3A_71 : memref<1x64x128xf32, #tpu.memory_space<vmem>> -> memref<64x128xf32, #tpu.memory_space<vmem>>
        %dma_start3A_73 = arith.constant 0 : i32
        %dma_start3A_74 = tpu.memref_slice %arg10[%mul3A_68, %dma_start3A_73] : memref<10112x128xf32, #tpu.memory_space<vmem_shared>> -> memref<64x128xf32, #tpu.memory_space<vmem_shared>>
        %dma_start3A_75 = arith.constant 0 : i32
        %dma_start3A_76 = tpu.memref_slice %arg10[%mul3A_68, %dma_start3A_75] : memref<10112x128xf32, #tpu.memory_space<vmem_shared>> -> memref<64x128xf32, #tpu.memory_space<vmem_shared>>
        %dma_start3A_77 = arith.constant 0 : i32
        %dma_start3A_78 = arith.constant 0 : i32
        %dma_start3A_79 = tpu.memref_slice %arg9[%while3A_31, %dma_start3A_77, %dma_start3A_78] : memref<4x64x128xf32, #tpu.memory_space<vmem>> -> memref<1x64x128xf32, #tpu.memory_space<vmem>>
        %dma_start3A_80 = tpu.memref_squeeze %dma_start3A_79 : memref<1x64x128xf32, #tpu.memory_space<vmem>> -> memref<64x128xf32, #tpu.memory_space<vmem>>
        tpu.enqueue_dma source(%dma_start3A_80 : memref<64x128xf32, #tpu.memory_space<vmem>>) target(%dma_start3A_76 : memref<64x128xf32, #tpu.memory_space<vmem_shared>>) target_semaphore(%run_scoped3A_69 : memref<!tpu.dma_semaphore, #tpu.memory_space<semaphore_mem>>)
        %dma_wait3A = arith.constant 0 : i32
        %dma_wait3A_81 = arith.constant 0 : i32
        %dma_wait3A_82 = tpu.memref_slice %arg9[%while3A_31, %dma_wait3A, %dma_wait3A_81] : memref<4x64x128xf32, #tpu.memory_space<vmem>> -> memref<1x64x128xf32, #tpu.memory_space<vmem>>
        %dma_wait3A_83 = tpu.memref_squeeze %dma_wait3A_82 : memref<1x64x128xf32, #tpu.memory_space<vmem>> -> memref<64x128xf32, #tpu.memory_space<vmem>>
        %dma_wait3A_84 = arith.constant 0 : i32
        %dma_wait3A_85 = tpu.memref_slice %arg10[%mul3A_68, %dma_wait3A_84] : memref<10112x128xf32, #tpu.memory_space<vmem_shared>> -> memref<64x128xf32, #tpu.memory_space<vmem_shared>>
        %dma_wait3A_86 = arith.constant 0 : i32
        %dma_wait3A_87 = tpu.memref_slice %arg10[%mul3A_68, %dma_wait3A_86] : memref<10112x128xf32, #tpu.memory_space<vmem_shared>> -> memref<64x128xf32, #tpu.memory_space<vmem_shared>>
        %dma_wait3A_88 = arith.constant 0 : i32
        %dma_wait3A_89 = arith.constant 0 : i32
        %dma_wait3A_90 = tpu.memref_slice %arg9[%while3A_31, %dma_wait3A_88, %dma_wait3A_89] : memref<4x64x128xf32, #tpu.memory_space<vmem>> -> memref<1x64x128xf32, #tpu.memory_space<vmem>>
        %dma_wait3A_91 = tpu.memref_squeeze %dma_wait3A_90 : memref<1x64x128xf32, #tpu.memory_space<vmem>> -> memref<64x128xf32, #tpu.memory_space<vmem>>
        tpu.wait_dma2 semaphore(%run_scoped3A_69 : memref<!tpu.dma_semaphore, #tpu.memory_space<semaphore_mem>>) src(%dma_wait3A_91 : memref<64x128xf32, #tpu.memory_space<vmem>>) dst(%dma_wait3A_87 : memref<64x128xf32, #tpu.memory_space<vmem_shared>>)
        tpu.yield
      }) : () -> ()
    }
    %barrier3A = arith.constant 0 : index
    tpu.barrier barrier_id(%barrier3A)
    %while3A_41 = arith.constant 0 : i32
    %while3A_42 = arith.constant 0 : i32
    %while3A_43 = arith.subi %select_n3A_30, %while3A_42 : i32
    %while3A_44 = arith.addi %while3A_42, %while3A_43 : i32
    %while3A_45 = arith.constant 1 : i32
    %while3A_46 = arith.divsi %while3A_43, %while3A_45 : i32
    %while3A_47 = arith.muli %while3A_46, %while3A_45 : i32
    %while3A_48 = arith.addi %while3A_42, %while3A_47 : i32
    %while3A_49 = arith.constant 1 : i32
    scf.for %while3A_63 = %while3A_42 to %while3A_48 step %while3A_49  : i32 {
      %mul3A_64 = arith.constant 32 : i32
      %mul3A_65 = arith.muli %while3A_63, %mul3A_64 : i32
      %add3A_66 = arith.addi %select_n3A_25, %mul3A_65 : i32
      "tpu.region"() ({
        %run_scoped3A_122 = tpu.sem_alloc : memref<!tpu.dma_semaphore, #tpu.memory_space<semaphore_mem>>
        %dma_start3A_123 = arith.constant 0 : i32
        %dma_start3A_124 = tpu.memref_slice %arg3[%add3A_66, %dma_start3A_123] : memref<5120x64xi32, #tpu.memory_space<hbm>> -> memref<32x64xi32, #tpu.memory_space<hbm>>
        %dma_start3A_125 = arith.constant 0 : i32
        %dma_start3A_126 = tpu.memref_slice %arg3[%add3A_66, %dma_start3A_125] : memref<5120x64xi32, #tpu.memory_space<hbm>> -> memref<32x64xi32, #tpu.memory_space<hbm>>
        tpu.enqueue_dma source(%dma_start3A_126 : memref<32x64xi32, #tpu.memory_space<hbm>>) target(%arg7 : memref<32x64xi32, #tpu.memory_space<vmem>>) target_semaphore(%run_scoped3A_122 : memref<!tpu.dma_semaphore, #tpu.memory_space<semaphore_mem>>)
        %dma_wait3A = arith.constant 0 : i32
        %dma_wait3A_127 = tpu.memref_slice %arg3[%add3A_66, %dma_wait3A] : memref<5120x64xi32, #tpu.memory_space<hbm>> -> memref<32x64xi32, #tpu.memory_space<hbm>>
        %dma_wait3A_128 = arith.constant 0 : i32
        %dma_wait3A_129 = tpu.memref_slice %arg3[%add3A_66, %dma_wait3A_128] : memref<5120x64xi32, #tpu.memory_space<hbm>> -> memref<32x64xi32, #tpu.memory_space<hbm>>
        tpu.wait_dma2 semaphore(%run_scoped3A_122 : memref<!tpu.dma_semaphore, #tpu.memory_space<semaphore_mem>>) src(%dma_wait3A_129 : memref<32x64xi32, #tpu.memory_space<hbm>>) dst(%arg7 : memref<32x64xi32, #tpu.memory_space<vmem>>)
        tpu.yield
      }) : () -> ()
      %mul3A_67 = arith.constant 32 : i32
      %mul3A_68 = arith.muli %while3A_63, %mul3A_67 : i32
      %add3A_69 = arith.addi %select_n3A_25, %mul3A_68 : i32
      "tpu.region"() ({
        %run_scoped3A_122 = tpu.sem_alloc : memref<!tpu.dma_semaphore, #tpu.memory_space<semaphore_mem>>
        %dma_start3A_123 = arith.constant 0 : i32
        %dma_start3A_124 = tpu.memref_slice %arg4[%add3A_69, %dma_start3A_123] : memref<5120x64xi32, #tpu.memory_space<hbm>> -> memref<32x64xi32, #tpu.memory_space<hbm>>
        %dma_start3A_125 = arith.constant 0 : i32
        %dma_start3A_126 = tpu.memref_slice %arg4[%add3A_69, %dma_start3A_125] : memref<5120x64xi32, #tpu.memory_space<hbm>> -> memref<32x64xi32, #tpu.memory_space<hbm>>
        tpu.enqueue_dma source(%dma_start3A_126 : memref<32x64xi32, #tpu.memory_space<hbm>>) target(%arg8 : memref<32x64xi32, #tpu.memory_space<vmem>>) target_semaphore(%run_scoped3A_122 : memref<!tpu.dma_semaphore, #tpu.memory_space<semaphore_mem>>)
        %dma_wait3A = arith.constant 0 : i32
        %dma_wait3A_127 = tpu.memref_slice %arg4[%add3A_69, %dma_wait3A] : memref<5120x64xi32, #tpu.memory_space<hbm>> -> memref<32x64xi32, #tpu.memory_space<hbm>>
        %dma_wait3A_128 = arith.constant 0 : i32
        %dma_wait3A_129 = tpu.memref_slice %arg4[%add3A_69, %dma_wait3A_128] : memref<5120x64xi32, #tpu.memory_space<hbm>> -> memref<32x64xi32, #tpu.memory_space<hbm>>
        tpu.wait_dma2 semaphore(%run_scoped3A_122 : memref<!tpu.dma_semaphore, #tpu.memory_space<semaphore_mem>>) src(%dma_wait3A_129 : memref<32x64xi32, #tpu.memory_space<hbm>>) dst(%arg8 : memref<32x64xi32, #tpu.memory_space<vmem>>)
        tpu.yield
      }) : () -> ()
      %dma_start3A = arith.constant 0 : i32
      %dma_start3A_70 = arith.constant 0 : i32
      %dma_start3A_71 = arith.constant 0 : i32
      %dma_start3A_72 = arith.constant 0 : i32
      %dma_start3A_73 = tpu.memref_slice %arg9[%dma_start3A_70, %dma_start3A_71, %dma_start3A_72] : memref<4x64x128xf32, #tpu.memory_space<vmem>> -> memref<1x64x128xf32, #tpu.memory_space<vmem>>
      %dma_start3A_74 = tpu.memref_squeeze %dma_start3A_73 : memref<1x64x128xf32, #tpu.memory_space<vmem>> -> memref<64x128xf32, #tpu.memory_space<vmem>>
      %dma_start3A_75 = arith.constant 0 : i32
      %dma_start3A_76 = tpu.memref_slice %arg7[%dma_start3A, %dma_start3A_75] : memref<32x64xi32, #tpu.memory_space<vmem>> -> memref<1x64xi32, #tpu.memory_space<vmem>>
      %dma_start3A_77 = tpu.memref_squeeze %dma_start3A_76 : memref<1x64xi32, #tpu.memory_space<vmem>> -> memref<64xi32, #tpu.memory_space<vmem>>
      %dma_start3A_78 = arith.constant 0 : i32
      %dma_start3A_79 = arith.constant 0 : i32
      %dma_start3A_80 = tpu.memref_slice %arg2[%dma_start3A_78, %dma_start3A_79] : memref<10000x128xf32, #tpu.memory_space<hbm>> -> memref<10000x128xf32, #tpu.memory_space<hbm>>
      tpu.enqueue_indirect_dma source(%dma_start3A_80 : memref<10000x128xf32, #tpu.memory_space<hbm>>) target(%dma_start3A_74 : memref<64x128xf32, #tpu.memory_space<vmem>>) offsets(%dma_start3A_77 : memref<64xi32, #tpu.memory_space<vmem>>) semaphore(%arg11 : memref<!tpu.dma_semaphore, #tpu.memory_space<semaphore_mem>>)
      %dma_start3A_81 = arith.constant 1 : i32
      %dma_start3A_82 = arith.constant 1 : i32
      %dma_start3A_83 = arith.constant 0 : i32
      %dma_start3A_84 = arith.constant 0 : i32
      %dma_start3A_85 = tpu.memref_slice %arg9[%dma_start3A_82, %dma_start3A_83, %dma_start3A_84] : memref<4x64x128xf32, #tpu.memory_space<vmem>> -> memref<1x64x128xf32, #tpu.memory_space<vmem>>
      %dma_start3A_86 = tpu.memref_squeeze %dma_start3A_85 : memref<1x64x128xf32, #tpu.memory_space<vmem>> -> memref<64x128xf32, #tpu.memory_space<vmem>>
      %dma_start3A_87 = arith.constant 0 : i32
      %dma_start3A_88 = tpu.memref_slice %arg7[%dma_start3A_81, %dma_start3A_87] : memref<32x64xi32, #tpu.memory_space<vmem>> -> memref<1x64xi32, #tpu.memory_space<vmem>>
      %dma_start3A_89 = tpu.memref_squeeze %dma_start3A_88 : memref<1x64xi32, #tpu.memory_space<vmem>> -> memref<64xi32, #tpu.memory_space<vmem>>
      %dma_start3A_90 = arith.constant 0 : i32
      %dma_start3A_91 = arith.constant 0 : i32
      %dma_start3A_92 = tpu.memref_slice %arg2[%dma_start3A_90, %dma_start3A_91] : memref<10000x128xf32, #tpu.memory_space<hbm>> -> memref<10000x128xf32, #tpu.memory_space<hbm>>
      tpu.enqueue_indirect_dma source(%dma_start3A_92 : memref<10000x128xf32, #tpu.memory_space<hbm>>) target(%dma_start3A_86 : memref<64x128xf32, #tpu.memory_space<vmem>>) offsets(%dma_start3A_89 : memref<64xi32, #tpu.memory_space<vmem>>) semaphore(%arg12 : memref<!tpu.dma_semaphore, #tpu.memory_space<semaphore_mem>>)
      %dma_start3A_93 = arith.constant 2 : i32
      %dma_start3A_94 = arith.constant 2 : i32
      %dma_start3A_95 = arith.constant 0 : i32
      %dma_start3A_96 = arith.constant 0 : i32
      %dma_start3A_97 = tpu.memref_slice %arg9[%dma_start3A_94, %dma_start3A_95, %dma_start3A_96] : memref<4x64x128xf32, #tpu.memory_space<vmem>> -> memref<1x64x128xf32, #tpu.memory_space<vmem>>
      %dma_start3A_98 = tpu.memref_squeeze %dma_start3A_97 : memref<1x64x128xf32, #tpu.memory_space<vmem>> -> memref<64x128xf32, #tpu.memory_space<vmem>>
      %dma_start3A_99 = arith.constant 0 : i32
      %dma_start3A_100 = tpu.memref_slice %arg7[%dma_start3A_93, %dma_start3A_99] : memref<32x64xi32, #tpu.memory_space<vmem>> -> memref<1x64xi32, #tpu.memory_space<vmem>>
      %dma_start3A_101 = tpu.memref_squeeze %dma_start3A_100 : memref<1x64xi32, #tpu.memory_space<vmem>> -> memref<64xi32, #tpu.memory_space<vmem>>
      %dma_start3A_102 = arith.constant 0 : i32
      %dma_start3A_103 = arith.constant 0 : i32
      %dma_start3A_104 = tpu.memref_slice %arg2[%dma_start3A_102, %dma_start3A_103] : memref<10000x128xf32, #tpu.memory_space<hbm>> -> memref<10000x128xf32, #tpu.memory_space<hbm>>
      tpu.enqueue_indirect_dma source(%dma_start3A_104 : memref<10000x128xf32, #tpu.memory_space<hbm>>) target(%dma_start3A_98 : memref<64x128xf32, #tpu.memory_space<vmem>>) offsets(%dma_start3A_101 : memref<64xi32, #tpu.memory_space<vmem>>) semaphore(%arg13 : memref<!tpu.dma_semaphore, #tpu.memory_space<semaphore_mem>>)
      %dma_start3A_105 = arith.constant 3 : i32
      %dma_start3A_106 = arith.constant 3 : i32
      %dma_start3A_107 = arith.constant 0 : i32
      %dma_start3A_108 = arith.constant 0 : i32
      %dma_start3A_109 = tpu.memref_slice %arg9[%dma_start3A_106, %dma_start3A_107, %dma_start3A_108] : memref<4x64x128xf32, #tpu.memory_space<vmem>> -> memref<1x64x128xf32, #tpu.memory_space<vmem>>
      %dma_start3A_110 = tpu.memref_squeeze %dma_start3A_109 : memref<1x64x128xf32, #tpu.memory_space<vmem>> -> memref<64x128xf32, #tpu.memory_space<vmem>>
      %dma_start3A_111 = arith.constant 0 : i32
      %dma_start3A_112 = tpu.memref_slice %arg7[%dma_start3A_105, %dma_start3A_111] : memref<32x64xi32, #tpu.memory_space<vmem>> -> memref<1x64xi32, #tpu.memory_space<vmem>>
      %dma_start3A_113 = tpu.memref_squeeze %dma_start3A_112 : memref<1x64xi32, #tpu.memory_space<vmem>> -> memref<64xi32, #tpu.memory_space<vmem>>
      %dma_start3A_114 = arith.constant 0 : i32
      %dma_start3A_115 = arith.constant 0 : i32
      %dma_start3A_116 = tpu.memref_slice %arg2[%dma_start3A_114, %dma_start3A_115] : memref<10000x128xf32, #tpu.memory_space<hbm>> -> memref<10000x128xf32, #tpu.memory_space<hbm>>
      tpu.enqueue_indirect_dma source(%dma_start3A_116 : memref<10000x128xf32, #tpu.memory_space<hbm>>) target(%dma_start3A_110 : memref<64x128xf32, #tpu.memory_space<vmem>>) offsets(%dma_start3A_113 : memref<64xi32, #tpu.memory_space<vmem>>) semaphore(%arg14 : memref<!tpu.dma_semaphore, #tpu.memory_space<semaphore_mem>>)
      %scan3A = arith.constant 0 : i32
      %scan3A_117 = arith.constant 0 : i32
      %scan3A_118 = arith.constant 8 : i32
      %scan3A_119 = arith.addi %scan3A_117, %scan3A_118 : i32
      %scan3A_120 = arith.constant 1 : i32
      scf.for %scan3A_122 = %scan3A_117 to %scan3A_119 step %scan3A_120  : i32 {
        %mul3A_123 = arith.constant 4 : i32
        %mul3A_124 = arith.muli %scan3A_122, %mul3A_123 : i32
        %add3A_125 = arith.constant 0 : i32
        %add3A_126 = arith.addi %mul3A_124, %add3A_125 : i32
        %dma_wait3A = arith.constant 0 : i32
        %dma_wait3A_127 = arith.constant 0 : i32
        %dma_wait3A_128 = arith.constant 0 : i32
        %dma_wait3A_129 = tpu.memref_slice %arg9[%dma_wait3A, %dma_wait3A_127, %dma_wait3A_128] : memref<4x64x128xf32, #tpu.memory_space<vmem>> -> memref<1x64x128xf32, #tpu.memory_space<vmem>>
        %dma_wait3A_130 = tpu.memref_squeeze %dma_wait3A_129 : memref<1x64x128xf32, #tpu.memory_space<vmem>> -> memref<64x128xf32, #tpu.memory_space<vmem>>
        %dma_wait3A_131 = arith.constant 0 : i32
        %dma_wait3A_132 = arith.constant 0 : i32
        %dma_wait3A_133 = tpu.memref_slice %arg2[%dma_wait3A_131, %dma_wait3A_132] : memref<10000x128xf32, #tpu.memory_space<hbm>> -> memref<64x128xf32, #tpu.memory_space<hbm>>
        %dma_wait3A_134 = arith.constant 0 : i32
        %dma_wait3A_135 = arith.constant 0 : i32
        %dma_wait3A_136 = tpu.memref_slice %arg9[%dma_wait3A, %dma_wait3A_134, %dma_wait3A_135] : memref<4x64x128xf32, #tpu.memory_space<vmem>> -> memref<1x64x128xf32, #tpu.memory_space<vmem>>
        %dma_wait3A_137 = tpu.memref_squeeze %dma_wait3A_136 : memref<1x64x128xf32, #tpu.memory_space<vmem>> -> memref<64x128xf32, #tpu.memory_space<vmem>>
        %dma_wait3A_138 = arith.constant 0 : i32
        %dma_wait3A_139 = arith.constant 0 : i32
        %dma_wait3A_140 = tpu.memref_slice %arg2[%dma_wait3A_138, %dma_wait3A_139] : memref<10000x128xf32, #tpu.memory_space<hbm>> -> memref<64x128xf32, #tpu.memory_space<hbm>>
        tpu.wait_dma2 semaphore(%arg11 : memref<!tpu.dma_semaphore, #tpu.memory_space<semaphore_mem>>) src(%dma_wait3A_140 : memref<64x128xf32, #tpu.memory_space<hbm>>) dst(%dma_wait3A_137 : memref<64x128xf32, #tpu.memory_space<vmem>>)
        %run_scoped3A_141 = arith.constant 0 : i32
        "tpu.region"() ({
          %run_scoped3A_227 = tpu.sem_alloc : memref<!tpu.dma_semaphore, #tpu.memory_space<semaphore_mem>>
          %dma_start3A_228 = arith.constant 0 : i32
          %dma_start3A_229 = arith.constant 0 : i32
          %dma_start3A_230 = tpu.memref_slice %arg9[%run_scoped3A_141, %dma_start3A_228, %dma_start3A_229] : memref<4x64x128xf32, #tpu.memory_space<vmem>> -> memref<1x64x128xf32, #tpu.memory_space<vmem>>
          %dma_start3A_231 = tpu.memref_squeeze %dma_start3A_230 : memref<1x64x128xf32, #tpu.memory_space<vmem>> -> memref<64x128xf32, #tpu.memory_space<vmem>>
          %dma_start3A_232 = arith.constant 0 : i32
          %dma_start3A_233 = tpu.memref_slice %arg8[%add3A_126, %dma_start3A_232] : memref<32x64xi32, #tpu.memory_space<vmem>> -> memref<1x64xi32, #tpu.memory_space<vmem>>
          %dma_start3A_234 = tpu.memref_squeeze %dma_start3A_233 : memref<1x64xi32, #tpu.memory_space<vmem>> -> memref<64xi32, #tpu.memory_space<vmem>>
          %dma_start3A_235 = arith.constant 0 : i32
          %dma_start3A_236 = arith.constant 0 : i32
          %dma_start3A_237 = tpu.memref_slice %arg10[%dma_start3A_235, %dma_start3A_236] : memref<10112x128xf32, #tpu.memory_space<vmem_shared>> -> memref<10112x128xf32, #tpu.memory_space<vmem_shared>>
          tpu.enqueue_indirect_dma source(%dma_start3A_231 : memref<64x128xf32, #tpu.memory_space<vmem>>) target(%dma_start3A_237 : memref<10112x128xf32, #tpu.memory_space<vmem_shared>>) offsets(%dma_start3A_234 : memref<64xi32, #tpu.memory_space<vmem>>) semaphore(%run_scoped3A_227 : memref<!tpu.dma_semaphore, #tpu.memory_space<semaphore_mem>>) {add = true}
          %dma_wait3A_238 = arith.constant 0 : i32
          %dma_wait3A_239 = arith.constant 0 : i32
          %dma_wait3A_240 = tpu.memref_slice %arg9[%run_scoped3A_141, %dma_wait3A_238, %dma_wait3A_239] : memref<4x64x128xf32, #tpu.memory_space<vmem>> -> memref<1x64x128xf32, #tpu.memory_space<vmem>>
          %dma_wait3A_241 = tpu.memref_squeeze %dma_wait3A_240 : memref<1x64x128xf32, #tpu.memory_space<vmem>> -> memref<64x128xf32, #tpu.memory_space<vmem>>
          %dma_wait3A_242 = arith.constant 0 : i32
          %dma_wait3A_243 = tpu.memref_slice %arg8[%add3A_126, %dma_wait3A_242] : memref<32x64xi32, #tpu.memory_space<vmem>> -> memref<1x64xi32, #tpu.memory_space<vmem>>
          %dma_wait3A_244 = tpu.memref_squeeze %dma_wait3A_243 : memref<1x64xi32, #tpu.memory_space<vmem>> -> memref<64xi32, #tpu.memory_space<vmem>>
          %dma_wait3A_245 = arith.constant 0 : i32
          %dma_wait3A_246 = arith.constant 0 : i32
          %dma_wait3A_247 = tpu.memref_slice %arg10[%dma_wait3A_245, %dma_wait3A_246] : memref<10112x128xf32, #tpu.memory_space<vmem_shared>> -> memref<10112x128xf32, #tpu.memory_space<vmem_shared>>
          tpu.wait_indirect_dma semaphore(%run_scoped3A_227 : memref<!tpu.dma_semaphore, #tpu.memory_space<semaphore_mem>>) src(%dma_wait3A_241 : memref<64x128xf32, #tpu.memory_space<vmem>>) dst(%dma_wait3A_247 : memref<10112x128xf32, #tpu.memory_space<vmem_shared>>)
          tpu.yield
        }) : () -> ()
        %add3A_142 = arith.constant 4 : i32
        %add3A_143 = arith.addi %add3A_126, %add3A_142 : i32
        %lt3A = arith.constant 32 : i32
        %lt3A_144 = arith.cmpi slt, %add3A_143, %lt3A : i32
        %convert_element_type3A = arith.extui %lt3A_144 : i1 to i32
        %cond3A = arith.constant 0 : i32
        %cond3A_145 = arith.cmpi ne, %convert_element_type3A, %cond3A : i32
        scf.if %cond3A_145 {
          %add3A_227 = arith.constant 4 : i32
          %add3A_228 = arith.addi %add3A_126, %add3A_227 : i32
          %dma_start3A_229 = arith.constant 0 : i32
          %dma_start3A_230 = arith.constant 0 : i32
          %dma_start3A_231 = arith.constant 0 : i32
          %dma_start3A_232 = tpu.memref_slice %arg9[%dma_start3A_229, %dma_start3A_230, %dma_start3A_231] : memref<4x64x128xf32, #tpu.memory_space<vmem>> -> memref<1x64x128xf32, #tpu.memory_space<vmem>>
          %dma_start3A_233 = tpu.memref_squeeze %dma_start3A_232 : memref<1x64x128xf32, #tpu.memory_space<vmem>> -> memref<64x128xf32, #tpu.memory_space<vmem>>
          %dma_start3A_234 = arith.constant 0 : i32
          %dma_start3A_235 = tpu.memref_slice %arg7[%add3A_228, %dma_start3A_234] : memref<32x64xi32, #tpu.memory_space<vmem>> -> memref<1x64xi32, #tpu.memory_space<vmem>>
          %dma_start3A_236 = tpu.memref_squeeze %dma_start3A_235 : memref<1x64xi32, #tpu.memory_space<vmem>> -> memref<64xi32, #tpu.memory_space<vmem>>
          %dma_start3A_237 = arith.constant 0 : i32
          %dma_start3A_238 = arith.constant 0 : i32
          %dma_start3A_239 = tpu.memref_slice %arg2[%dma_start3A_237, %dma_start3A_238] : memref<10000x128xf32, #tpu.memory_space<hbm>> -> memref<10000x128xf32, #tpu.memory_space<hbm>>
          tpu.enqueue_indirect_dma source(%dma_start3A_239 : memref<10000x128xf32, #tpu.memory_space<hbm>>) target(%dma_start3A_233 : memref<64x128xf32, #tpu.memory_space<vmem>>) offsets(%dma_start3A_236 : memref<64xi32, #tpu.memory_space<vmem>>) semaphore(%arg11 : memref<!tpu.dma_semaphore, #tpu.memory_space<semaphore_mem>>)
        } else {
        }
        %mul3A_146 = arith.constant 4 : i32
        %mul3A_147 = arith.muli %scan3A_122, %mul3A_146 : i32
        %add3A_148 = arith.constant 1 : i32
        %add3A_149 = arith.addi %mul3A_147, %add3A_148 : i32
        %dma_wait3A_150 = arith.constant 1 : i32
        %dma_wait3A_151 = arith.constant 0 : i32
        %dma_wait3A_152 = arith.constant 0 : i32
        %dma_wait3A_153 = tpu.memref_slice %arg9[%dma_wait3A_150, %dma_wait3A_151, %dma_wait3A_152] : memref<4x64x128xf32, #tpu.memory_space<vmem>> -> memref<1x64x128xf32, #tpu.memory_space<vmem>>
        %dma_wait3A_154 = tpu.memref_squeeze %dma_wait3A_153 : memref<1x64x128xf32, #tpu.memory_space<vmem>> -> memref<64x128xf32, #tpu.memory_space<vmem>>
        %dma_wait3A_155 = arith.constant 0 : i32
        %dma_wait3A_156 = arith.constant 0 : i32
        %dma_wait3A_157 = tpu.memref_slice %arg2[%dma_wait3A_155, %dma_wait3A_156] : memref<10000x128xf32, #tpu.memory_space<hbm>> -> memref<64x128xf32, #tpu.memory_space<hbm>>
        %dma_wait3A_158 = arith.constant 0 : i32
        %dma_wait3A_159 = arith.constant 0 : i32
        %dma_wait3A_160 = tpu.memref_slice %arg9[%dma_wait3A_150, %dma_wait3A_158, %dma_wait3A_159] : memref<4x64x128xf32, #tpu.memory_space<vmem>> -> memref<1x64x128xf32, #tpu.memory_space<vmem>>
        %dma_wait3A_161 = tpu.memref_squeeze %dma_wait3A_160 : memref<1x64x128xf32, #tpu.memory_space<vmem>> -> memref<64x128xf32, #tpu.memory_space<vmem>>
        %dma_wait3A_162 = arith.constant 0 : i32
        %dma_wait3A_163 = arith.constant 0 : i32
        %dma_wait3A_164 = tpu.memref_slice %arg2[%dma_wait3A_162, %dma_wait3A_163] : memref<10000x128xf32, #tpu.memory_space<hbm>> -> memref<64x128xf32, #tpu.memory_space<hbm>>
        tpu.wait_dma2 semaphore(%arg12 : memref<!tpu.dma_semaphore, #tpu.memory_space<semaphore_mem>>) src(%dma_wait3A_164 : memref<64x128xf32, #tpu.memory_space<hbm>>) dst(%dma_wait3A_161 : memref<64x128xf32, #tpu.memory_space<vmem>>)
        %run_scoped3A_165 = arith.constant 1 : i32
        "tpu.region"() ({
          %run_scoped3A_227 = tpu.sem_alloc : memref<!tpu.dma_semaphore, #tpu.memory_space<semaphore_mem>>
          %dma_start3A_228 = arith.constant 0 : i32
          %dma_start3A_229 = arith.constant 0 : i32
          %dma_start3A_230 = tpu.memref_slice %arg9[%run_scoped3A_165, %dma_start3A_228, %dma_start3A_229] : memref<4x64x128xf32, #tpu.memory_space<vmem>> -> memref<1x64x128xf32, #tpu.memory_space<vmem>>
          %dma_start3A_231 = tpu.memref_squeeze %dma_start3A_230 : memref<1x64x128xf32, #tpu.memory_space<vmem>> -> memref<64x128xf32, #tpu.memory_space<vmem>>
          %dma_start3A_232 = arith.constant 0 : i32
          %dma_start3A_233 = tpu.memref_slice %arg8[%add3A_149, %dma_start3A_232] : memref<32x64xi32, #tpu.memory_space<vmem>> -> memref<1x64xi32, #tpu.memory_space<vmem>>
          %dma_start3A_234 = tpu.memref_squeeze %dma_start3A_233 : memref<1x64xi32, #tpu.memory_space<vmem>> -> memref<64xi32, #tpu.memory_space<vmem>>
          %dma_start3A_235 = arith.constant 0 : i32
          %dma_start3A_236 = arith.constant 0 : i32
          %dma_start3A_237 = tpu.memref_slice %arg10[%dma_start3A_235, %dma_start3A_236] : memref<10112x128xf32, #tpu.memory_space<vmem_shared>> -> memref<10112x128xf32, #tpu.memory_space<vmem_shared>>
          tpu.enqueue_indirect_dma source(%dma_start3A_231 : memref<64x128xf32, #tpu.memory_space<vmem>>) target(%dma_start3A_237 : memref<10112x128xf32, #tpu.memory_space<vmem_shared>>) offsets(%dma_start3A_234 : memref<64xi32, #tpu.memory_space<vmem>>) semaphore(%run_scoped3A_227 : memref<!tpu.dma_semaphore, #tpu.memory_space<semaphore_mem>>) {add = true}
          %dma_wait3A_238 = arith.constant 0 : i32
          %dma_wait3A_239 = arith.constant 0 : i32
          %dma_wait3A_240 = tpu.memref_slice %arg9[%run_scoped3A_165, %dma_wait3A_238, %dma_wait3A_239] : memref<4x64x128xf32, #tpu.memory_space<vmem>> -> memref<1x64x128xf32, #tpu.memory_space<vmem>>
          %dma_wait3A_241 = tpu.memref_squeeze %dma_wait3A_240 : memref<1x64x128xf32, #tpu.memory_space<vmem>> -> memref<64x128xf32, #tpu.memory_space<vmem>>
          %dma_wait3A_242 = arith.constant 0 : i32
          %dma_wait3A_243 = tpu.memref_slice %arg8[%add3A_149, %dma_wait3A_242] : memref<32x64xi32, #tpu.memory_space<vmem>> -> memref<1x64xi32, #tpu.memory_space<vmem>>
          %dma_wait3A_244 = tpu.memref_squeeze %dma_wait3A_243 : memref<1x64xi32, #tpu.memory_space<vmem>> -> memref<64xi32, #tpu.memory_space<vmem>>
          %dma_wait3A_245 = arith.constant 0 : i32
          %dma_wait3A_246 = arith.constant 0 : i32
          %dma_wait3A_247 = tpu.memref_slice %arg10[%dma_wait3A_245, %dma_wait3A_246] : memref<10112x128xf32, #tpu.memory_space<vmem_shared>> -> memref<10112x128xf32, #tpu.memory_space<vmem_shared>>
          tpu.wait_indirect_dma semaphore(%run_scoped3A_227 : memref<!tpu.dma_semaphore, #tpu.memory_space<semaphore_mem>>) src(%dma_wait3A_241 : memref<64x128xf32, #tpu.memory_space<vmem>>) dst(%dma_wait3A_247 : memref<10112x128xf32, #tpu.memory_space<vmem_shared>>)
          tpu.yield
        }) : () -> ()
        %add3A_166 = arith.constant 4 : i32
        %add3A_167 = arith.addi %add3A_149, %add3A_166 : i32
        %lt3A_168 = arith.constant 32 : i32
        %lt3A_169 = arith.cmpi slt, %add3A_167, %lt3A_168 : i32
        %convert_element_type3A_170 = arith.extui %lt3A_169 : i1 to i32
        %cond3A_171 = arith.constant 0 : i32
        %cond3A_172 = arith.cmpi ne, %convert_element_type3A_170, %cond3A_171 : i32
        scf.if %cond3A_172 {
          %add3A_227 = arith.constant 4 : i32
          %add3A_228 = arith.addi %add3A_149, %add3A_227 : i32
          %dma_start3A_229 = arith.constant 1 : i32
          %dma_start3A_230 = arith.constant 0 : i32
          %dma_start3A_231 = arith.constant 0 : i32
          %dma_start3A_232 = tpu.memref_slice %arg9[%dma_start3A_229, %dma_start3A_230, %dma_start3A_231] : memref<4x64x128xf32, #tpu.memory_space<vmem>> -> memref<1x64x128xf32, #tpu.memory_space<vmem>>
          %dma_start3A_233 = tpu.memref_squeeze %dma_start3A_232 : memref<1x64x128xf32, #tpu.memory_space<vmem>> -> memref<64x128xf32, #tpu.memory_space<vmem>>
          %dma_start3A_234 = arith.constant 0 : i32
          %dma_start3A_235 = tpu.memref_slice %arg7[%add3A_228, %dma_start3A_234] : memref<32x64xi32, #tpu.memory_space<vmem>> -> memref<1x64xi32, #tpu.memory_space<vmem>>
          %dma_start3A_236 = tpu.memref_squeeze %dma_start3A_235 : memref<1x64xi32, #tpu.memory_space<vmem>> -> memref<64xi32, #tpu.memory_space<vmem>>
          %dma_start3A_237 = arith.constant 0 : i32
          %dma_start3A_238 = arith.constant 0 : i32
          %dma_start3A_239 = tpu.memref_slice %arg2[%dma_start3A_237, %dma_start3A_238] : memref<10000x128xf32, #tpu.memory_space<hbm>> -> memref<10000x128xf32, #tpu.memory_space<hbm>>
          tpu.enqueue_indirect_dma source(%dma_start3A_239 : memref<10000x128xf32, #tpu.memory_space<hbm>>) target(%dma_start3A_233 : memref<64x128xf32, #tpu.memory_space<vmem>>) offsets(%dma_start3A_236 : memref<64xi32, #tpu.memory_space<vmem>>) semaphore(%arg12 : memref<!tpu.dma_semaphore, #tpu.memory_space<semaphore_mem>>)
        } else {
        }
        %mul3A_173 = arith.constant 4 : i32
        %mul3A_174 = arith.muli %scan3A_122, %mul3A_173 : i32
        %add3A_175 = arith.constant 2 : i32
        %add3A_176 = arith.addi %mul3A_174, %add3A_175 : i32
        %dma_wait3A_177 = arith.constant 2 : i32
        %dma_wait3A_178 = arith.constant 0 : i32
        %dma_wait3A_179 = arith.constant 0 : i32
        %dma_wait3A_180 = tpu.memref_slice %arg9[%dma_wait3A_177, %dma_wait3A_178, %dma_wait3A_179] : memref<4x64x128xf32, #tpu.memory_space<vmem>> -> memref<1x64x128xf32, #tpu.memory_space<vmem>>
        %dma_wait3A_181 = tpu.memref_squeeze %dma_wait3A_180 : memref<1x64x128xf32, #tpu.memory_space<vmem>> -> memref<64x128xf32, #tpu.memory_space<vmem>>
        %dma_wait3A_182 = arith.constant 0 : i32
        %dma_wait3A_183 = arith.constant 0 : i32
        %dma_wait3A_184 = tpu.memref_slice %arg2[%dma_wait3A_182, %dma_wait3A_183] : memref<10000x128xf32, #tpu.memory_space<hbm>> -> memref<64x128xf32, #tpu.memory_space<hbm>>
        %dma_wait3A_185 = arith.constant 0 : i32
        %dma_wait3A_186 = arith.constant 0 : i32
        %dma_wait3A_187 = tpu.memref_slice %arg9[%dma_wait3A_177, %dma_wait3A_185, %dma_wait3A_186] : memref<4x64x128xf32, #tpu.memory_space<vmem>> -> memref<1x64x128xf32, #tpu.memory_space<vmem>>
        %dma_wait3A_188 = tpu.memref_squeeze %dma_wait3A_187 : memref<1x64x128xf32, #tpu.memory_space<vmem>> -> memref<64x128xf32, #tpu.memory_space<vmem>>
        %dma_wait3A_189 = arith.constant 0 : i32
        %dma_wait3A_190 = arith.constant 0 : i32
        %dma_wait3A_191 = tpu.memref_slice %arg2[%dma_wait3A_189, %dma_wait3A_190] : memref<10000x128xf32, #tpu.memory_space<hbm>> -> memref<64x128xf32, #tpu.memory_space<hbm>>
        tpu.wait_dma2 semaphore(%arg13 : memref<!tpu.dma_semaphore, #tpu.memory_space<semaphore_mem>>) src(%dma_wait3A_191 : memref<64x128xf32, #tpu.memory_space<hbm>>) dst(%dma_wait3A_188 : memref<64x128xf32, #tpu.memory_space<vmem>>)
        %run_scoped3A_192 = arith.constant 2 : i32
        "tpu.region"() ({
          %run_scoped3A_227 = tpu.sem_alloc : memref<!tpu.dma_semaphore, #tpu.memory_space<semaphore_mem>>
          %dma_start3A_228 = arith.constant 0 : i32
          %dma_start3A_229 = arith.constant 0 : i32
          %dma_start3A_230 = tpu.memref_slice %arg9[%run_scoped3A_192, %dma_start3A_228, %dma_start3A_229] : memref<4x64x128xf32, #tpu.memory_space<vmem>> -> memref<1x64x128xf32, #tpu.memory_space<vmem>>
          %dma_start3A_231 = tpu.memref_squeeze %dma_start3A_230 : memref<1x64x128xf32, #tpu.memory_space<vmem>> -> memref<64x128xf32, #tpu.memory_space<vmem>>
          %dma_start3A_232 = arith.constant 0 : i32
          %dma_start3A_233 = tpu.memref_slice %arg8[%add3A_176, %dma_start3A_232] : memref<32x64xi32, #tpu.memory_space<vmem>> -> memref<1x64xi32, #tpu.memory_space<vmem>>
          %dma_start3A_234 = tpu.memref_squeeze %dma_start3A_233 : memref<1x64xi32, #tpu.memory_space<vmem>> -> memref<64xi32, #tpu.memory_space<vmem>>
          %dma_start3A_235 = arith.constant 0 : i32
          %dma_start3A_236 = arith.constant 0 : i32
          %dma_start3A_237 = tpu.memref_slice %arg10[%dma_start3A_235, %dma_start3A_236] : memref<10112x128xf32, #tpu.memory_space<vmem_shared>> -> memref<10112x128xf32, #tpu.memory_space<vmem_shared>>
          tpu.enqueue_indirect_dma source(%dma_start3A_231 : memref<64x128xf32, #tpu.memory_space<vmem>>) target(%dma_start3A_237 : memref<10112x128xf32, #tpu.memory_space<vmem_shared>>) offsets(%dma_start3A_234 : memref<64xi32, #tpu.memory_space<vmem>>) semaphore(%run_scoped3A_227 : memref<!tpu.dma_semaphore, #tpu.memory_space<semaphore_mem>>) {add = true}
          %dma_wait3A_238 = arith.constant 0 : i32
          %dma_wait3A_239 = arith.constant 0 : i32
          %dma_wait3A_240 = tpu.memref_slice %arg9[%run_scoped3A_192, %dma_wait3A_238, %dma_wait3A_239] : memref<4x64x128xf32, #tpu.memory_space<vmem>> -> memref<1x64x128xf32, #tpu.memory_space<vmem>>
          %dma_wait3A_241 = tpu.memref_squeeze %dma_wait3A_240 : memref<1x64x128xf32, #tpu.memory_space<vmem>> -> memref<64x128xf32, #tpu.memory_space<vmem>>
          %dma_wait3A_242 = arith.constant 0 : i32
          %dma_wait3A_243 = tpu.memref_slice %arg8[%add3A_176, %dma_wait3A_242] : memref<32x64xi32, #tpu.memory_space<vmem>> -> memref<1x64xi32, #tpu.memory_space<vmem>>
          %dma_wait3A_244 = tpu.memref_squeeze %dma_wait3A_243 : memref<1x64xi32, #tpu.memory_space<vmem>> -> memref<64xi32, #tpu.memory_space<vmem>>
          %dma_wait3A_245 = arith.constant 0 : i32
          %dma_wait3A_246 = arith.constant 0 : i32
          %dma_wait3A_247 = tpu.memref_slice %arg10[%dma_wait3A_245, %dma_wait3A_246] : memref<10112x128xf32, #tpu.memory_space<vmem_shared>> -> memref<10112x128xf32, #tpu.memory_space<vmem_shared>>
          tpu.wait_indirect_dma semaphore(%run_scoped3A_227 : memref<!tpu.dma_semaphore, #tpu.memory_space<semaphore_mem>>) src(%dma_wait3A_241 : memref<64x128xf32, #tpu.memory_space<vmem>>) dst(%dma_wait3A_247 : memref<10112x128xf32, #tpu.memory_space<vmem_shared>>)
          tpu.yield
        }) : () -> ()
        %add3A_193 = arith.constant 4 : i32
        %add3A_194 = arith.addi %add3A_176, %add3A_193 : i32
        %lt3A_195 = arith.constant 32 : i32
        %lt3A_196 = arith.cmpi slt, %add3A_194, %lt3A_195 : i32
        %convert_element_type3A_197 = arith.extui %lt3A_196 : i1 to i32
        %cond3A_198 = arith.constant 0 : i32
        %cond3A_199 = arith.cmpi ne, %convert_element_type3A_197, %cond3A_198 : i32
        scf.if %cond3A_199 {
          %add3A_227 = arith.constant 4 : i32
          %add3A_228 = arith.addi %add3A_176, %add3A_227 : i32
          %dma_start3A_229 = arith.constant 2 : i32
          %dma_start3A_230 = arith.constant 0 : i32
          %dma_start3A_231 = arith.constant 0 : i32
          %dma_start3A_232 = tpu.memref_slice %arg9[%dma_start3A_229, %dma_start3A_230, %dma_start3A_231] : memref<4x64x128xf32, #tpu.memory_space<vmem>> -> memref<1x64x128xf32, #tpu.memory_space<vmem>>
          %dma_start3A_233 = tpu.memref_squeeze %dma_start3A_232 : memref<1x64x128xf32, #tpu.memory_space<vmem>> -> memref<64x128xf32, #tpu.memory_space<vmem>>
          %dma_start3A_234 = arith.constant 0 : i32
          %dma_start3A_235 = tpu.memref_slice %arg7[%add3A_228, %dma_start3A_234] : memref<32x64xi32, #tpu.memory_space<vmem>> -> memref<1x64xi32, #tpu.memory_space<vmem>>
          %dma_start3A_236 = tpu.memref_squeeze %dma_start3A_235 : memref<1x64xi32, #tpu.memory_space<vmem>> -> memref<64xi32, #tpu.memory_space<vmem>>
          %dma_start3A_237 = arith.constant 0 : i32
          %dma_start3A_238 = arith.constant 0 : i32
          %dma_start3A_239 = tpu.memref_slice %arg2[%dma_start3A_237, %dma_start3A_238] : memref<10000x128xf32, #tpu.memory_space<hbm>> -> memref<10000x128xf32, #tpu.memory_space<hbm>>
          tpu.enqueue_indirect_dma source(%dma_start3A_239 : memref<10000x128xf32, #tpu.memory_space<hbm>>) target(%dma_start3A_233 : memref<64x128xf32, #tpu.memory_space<vmem>>) offsets(%dma_start3A_236 : memref<64xi32, #tpu.memory_space<vmem>>) semaphore(%arg13 : memref<!tpu.dma_semaphore, #tpu.memory_space<semaphore_mem>>)
        } else {
        }
        %mul3A_200 = arith.constant 4 : i32
        %mul3A_201 = arith.muli %scan3A_122, %mul3A_200 : i32
        %add3A_202 = arith.constant 3 : i32
        %add3A_203 = arith.addi %mul3A_201, %add3A_202 : i32
        %dma_wait3A_204 = arith.constant 3 : i32
        %dma_wait3A_205 = arith.constant 0 : i32
        %dma_wait3A_206 = arith.constant 0 : i32
        %dma_wait3A_207 = tpu.memref_slice %arg9[%dma_wait3A_204, %dma_wait3A_205, %dma_wait3A_206] : memref<4x64x128xf32, #tpu.memory_space<vmem>> -> memref<1x64x128xf32, #tpu.memory_space<vmem>>
        %dma_wait3A_208 = tpu.memref_squeeze %dma_wait3A_207 : memref<1x64x128xf32, #tpu.memory_space<vmem>> -> memref<64x128xf32, #tpu.memory_space<vmem>>
        %dma_wait3A_209 = arith.constant 0 : i32
        %dma_wait3A_210 = arith.constant 0 : i32
        %dma_wait3A_211 = tpu.memref_slice %arg2[%dma_wait3A_209, %dma_wait3A_210] : memref<10000x128xf32, #tpu.memory_space<hbm>> -> memref<64x128xf32, #tpu.memory_space<hbm>>
        %dma_wait3A_212 = arith.constant 0 : i32
        %dma_wait3A_213 = arith.constant 0 : i32
        %dma_wait3A_214 = tpu.memref_slice %arg9[%dma_wait3A_204, %dma_wait3A_212, %dma_wait3A_213] : memref<4x64x128xf32, #tpu.memory_space<vmem>> -> memref<1x64x128xf32, #tpu.memory_space<vmem>>
        %dma_wait3A_215 = tpu.memref_squeeze %dma_wait3A_214 : memref<1x64x128xf32, #tpu.memory_space<vmem>> -> memref<64x128xf32, #tpu.memory_space<vmem>>
        %dma_wait3A_216 = arith.constant 0 : i32
        %dma_wait3A_217 = arith.constant 0 : i32
        %dma_wait3A_218 = tpu.memref_slice %arg2[%dma_wait3A_216, %dma_wait3A_217] : memref<10000x128xf32, #tpu.memory_space<hbm>> -> memref<64x128xf32, #tpu.memory_space<hbm>>
        tpu.wait_dma2 semaphore(%arg14 : memref<!tpu.dma_semaphore, #tpu.memory_space<semaphore_mem>>) src(%dma_wait3A_218 : memref<64x128xf32, #tpu.memory_space<hbm>>) dst(%dma_wait3A_215 : memref<64x128xf32, #tpu.memory_space<vmem>>)
        %run_scoped3A_219 = arith.constant 3 : i32
        "tpu.region"() ({
          %run_scoped3A_227 = tpu.sem_alloc : memref<!tpu.dma_semaphore, #tpu.memory_space<semaphore_mem>>
          %dma_start3A_228 = arith.constant 0 : i32
          %dma_start3A_229 = arith.constant 0 : i32
          %dma_start3A_230 = tpu.memref_slice %arg9[%run_scoped3A_219, %dma_start3A_228, %dma_start3A_229] : memref<4x64x128xf32, #tpu.memory_space<vmem>> -> memref<1x64x128xf32, #tpu.memory_space<vmem>>
          %dma_start3A_231 = tpu.memref_squeeze %dma_start3A_230 : memref<1x64x128xf32, #tpu.memory_space<vmem>> -> memref<64x128xf32, #tpu.memory_space<vmem>>
          %dma_start3A_232 = arith.constant 0 : i32
          %dma_start3A_233 = tpu.memref_slice %arg8[%add3A_203, %dma_start3A_232] : memref<32x64xi32, #tpu.memory_space<vmem>> -> memref<1x64xi32, #tpu.memory_space<vmem>>
          %dma_start3A_234 = tpu.memref_squeeze %dma_start3A_233 : memref<1x64xi32, #tpu.memory_space<vmem>> -> memref<64xi32, #tpu.memory_space<vmem>>
          %dma_start3A_235 = arith.constant 0 : i32
          %dma_start3A_236 = arith.constant 0 : i32
          %dma_start3A_237 = tpu.memref_slice %arg10[%dma_start3A_235, %dma_start3A_236] : memref<10112x128xf32, #tpu.memory_space<vmem_shared>> -> memref<10112x128xf32, #tpu.memory_space<vmem_shared>>
          tpu.enqueue_indirect_dma source(%dma_start3A_231 : memref<64x128xf32, #tpu.memory_space<vmem>>) target(%dma_start3A_237 : memref<10112x128xf32, #tpu.memory_space<vmem_shared>>) offsets(%dma_start3A_234 : memref<64xi32, #tpu.memory_space<vmem>>) semaphore(%run_scoped3A_227 : memref<!tpu.dma_semaphore, #tpu.memory_space<semaphore_mem>>) {add = true}
          %dma_wait3A_238 = arith.constant 0 : i32
          %dma_wait3A_239 = arith.constant 0 : i32
          %dma_wait3A_240 = tpu.memref_slice %arg9[%run_scoped3A_219, %dma_wait3A_238, %dma_wait3A_239] : memref<4x64x128xf32, #tpu.memory_space<vmem>> -> memref<1x64x128xf32, #tpu.memory_space<vmem>>
          %dma_wait3A_241 = tpu.memref_squeeze %dma_wait3A_240 : memref<1x64x128xf32, #tpu.memory_space<vmem>> -> memref<64x128xf32, #tpu.memory_space<vmem>>
          %dma_wait3A_242 = arith.constant 0 : i32
          %dma_wait3A_243 = tpu.memref_slice %arg8[%add3A_203, %dma_wait3A_242] : memref<32x64xi32, #tpu.memory_space<vmem>> -> memref<1x64xi32, #tpu.memory_space<vmem>>
          %dma_wait3A_244 = tpu.memref_squeeze %dma_wait3A_243 : memref<1x64xi32, #tpu.memory_space<vmem>> -> memref<64xi32, #tpu.memory_space<vmem>>
          %dma_wait3A_245 = arith.constant 0 : i32
          %dma_wait3A_246 = arith.constant 0 : i32
          %dma_wait3A_247 = tpu.memref_slice %arg10[%dma_wait3A_245, %dma_wait3A_246] : memref<10112x128xf32, #tpu.memory_space<vmem_shared>> -> memref<10112x128xf32, #tpu.memory_space<vmem_shared>>
          tpu.wait_indirect_dma semaphore(%run_scoped3A_227 : memref<!tpu.dma_semaphore, #tpu.memory_space<semaphore_mem>>) src(%dma_wait3A_241 : memref<64x128xf32, #tpu.memory_space<vmem>>) dst(%dma_wait3A_247 : memref<10112x128xf32, #tpu.memory_space<vmem_shared>>)
          tpu.yield
        }) : () -> ()
        %add3A_220 = arith.constant 4 : i32
        %add3A_221 = arith.addi %add3A_203, %add3A_220 : i32
        %lt3A_222 = arith.constant 32 : i32
        %lt3A_223 = arith.cmpi slt, %add3A_221, %lt3A_222 : i32
        %convert_element_type3A_224 = arith.extui %lt3A_223 : i1 to i32
        %cond3A_225 = arith.constant 0 : i32
        %cond3A_226 = arith.cmpi ne, %convert_element_type3A_224, %cond3A_225 : i32
        scf.if %cond3A_226 {
          %add3A_227 = arith.constant 4 : i32
          %add3A_228 = arith.addi %add3A_203, %add3A_227 : i32
          %dma_start3A_229 = arith.constant 3 : i32
          %dma_start3A_230 = arith.constant 0 : i32
          %dma_start3A_231 = arith.constant 0 : i32
          %dma_start3A_232 = tpu.memref_slice %arg9[%dma_start3A_229, %dma_start3A_230, %dma_start3A_231] : memref<4x64x128xf32, #tpu.memory_space<vmem>> -> memref<1x64x128xf32, #tpu.memory_space<vmem>>
          %dma_start3A_233 = tpu.memref_squeeze %dma_start3A_232 : memref<1x64x128xf32, #tpu.memory_space<vmem>> -> memref<64x128xf32, #tpu.memory_space<vmem>>
          %dma_start3A_234 = arith.constant 0 : i32
          %dma_start3A_235 = tpu.memref_slice %arg7[%add3A_228, %dma_start3A_234] : memref<32x64xi32, #tpu.memory_space<vmem>> -> memref<1x64xi32, #tpu.memory_space<vmem>>
          %dma_start3A_236 = tpu.memref_squeeze %dma_start3A_235 : memref<1x64xi32, #tpu.memory_space<vmem>> -> memref<64xi32, #tpu.memory_space<vmem>>
          %dma_start3A_237 = arith.constant 0 : i32
          %dma_start3A_238 = arith.constant 0 : i32
          %dma_start3A_239 = tpu.memref_slice %arg2[%dma_start3A_237, %dma_start3A_238] : memref<10000x128xf32, #tpu.memory_space<hbm>> -> memref<10000x128xf32, #tpu.memory_space<hbm>>
          tpu.enqueue_indirect_dma source(%dma_start3A_239 : memref<10000x128xf32, #tpu.memory_space<hbm>>) target(%dma_start3A_233 : memref<64x128xf32, #tpu.memory_space<vmem>>) offsets(%dma_start3A_236 : memref<64xi32, #tpu.memory_space<vmem>>) semaphore(%arg14 : memref<!tpu.dma_semaphore, #tpu.memory_space<semaphore_mem>>)
        } else {
        }
      }
      %scan3A_121 = arith.constant 8 : i32
    }
    %while3A_50 = arith.constant 1 : i32
    scf.for %while3A_63 = %while3A_48 to %while3A_44 step %while3A_50  : i32 {
      %mul3A_64 = arith.constant 32 : i32
      %mul3A_65 = arith.muli %while3A_63, %mul3A_64 : i32
      %add3A_66 = arith.addi %select_n3A_25, %mul3A_65 : i32
      "tpu.region"() ({
        %run_scoped3A_122 = tpu.sem_alloc : memref<!tpu.dma_semaphore, #tpu.memory_space<semaphore_mem>>
        %dma_start3A_123 = arith.constant 0 : i32
        %dma_start3A_124 = tpu.memref_slice %arg3[%add3A_66, %dma_start3A_123] : memref<5120x64xi32, #tpu.memory_space<hbm>> -> memref<32x64xi32, #tpu.memory_space<hbm>>
        %dma_start3A_125 = arith.constant 0 : i32
        %dma_start3A_126 = tpu.memref_slice %arg3[%add3A_66, %dma_start3A_125] : memref<5120x64xi32, #tpu.memory_space<hbm>> -> memref<32x64xi32, #tpu.memory_space<hbm>>
        tpu.enqueue_dma source(%dma_start3A_126 : memref<32x64xi32, #tpu.memory_space<hbm>>) target(%arg7 : memref<32x64xi32, #tpu.memory_space<vmem>>) target_semaphore(%run_scoped3A_122 : memref<!tpu.dma_semaphore, #tpu.memory_space<semaphore_mem>>)
        %dma_wait3A = arith.constant 0 : i32
        %dma_wait3A_127 = tpu.memref_slice %arg3[%add3A_66, %dma_wait3A] : memref<5120x64xi32, #tpu.memory_space<hbm>> -> memref<32x64xi32, #tpu.memory_space<hbm>>
        %dma_wait3A_128 = arith.constant 0 : i32
        %dma_wait3A_129 = tpu.memref_slice %arg3[%add3A_66, %dma_wait3A_128] : memref<5120x64xi32, #tpu.memory_space<hbm>> -> memref<32x64xi32, #tpu.memory_space<hbm>>
        tpu.wait_dma2 semaphore(%run_scoped3A_122 : memref<!tpu.dma_semaphore, #tpu.memory_space<semaphore_mem>>) src(%dma_wait3A_129 : memref<32x64xi32, #tpu.memory_space<hbm>>) dst(%arg7 : memref<32x64xi32, #tpu.memory_space<vmem>>)
        tpu.yield
      }) : () -> ()
      %mul3A_67 = arith.constant 32 : i32
      %mul3A_68 = arith.muli %while3A_63, %mul3A_67 : i32
      %add3A_69 = arith.addi %select_n3A_25, %mul3A_68 : i32
      "tpu.region"() ({
        %run_scoped3A_122 = tpu.sem_alloc : memref<!tpu.dma_semaphore, #tpu.memory_space<semaphore_mem>>
        %dma_start3A_123 = arith.constant 0 : i32
        %dma_start3A_124 = tpu.memref_slice %arg4[%add3A_69, %dma_start3A_123] : memref<5120x64xi32, #tpu.memory_space<hbm>> -> memref<32x64xi32, #tpu.memory_space<hbm>>
        %dma_start3A_125 = arith.constant 0 : i32
        %dma_start3A_126 = tpu.memref_slice %arg4[%add3A_69, %dma_start3A_125] : memref<5120x64xi32, #tpu.memory_space<hbm>> -> memref<32x64xi32, #tpu.memory_space<hbm>>
        tpu.enqueue_dma source(%dma_start3A_126 : memref<32x64xi32, #tpu.memory_space<hbm>>) target(%arg8 : memref<32x64xi32, #tpu.memory_space<vmem>>) target_semaphore(%run_scoped3A_122 : memref<!tpu.dma_semaphore, #tpu.memory_space<semaphore_mem>>)
        %dma_wait3A = arith.constant 0 : i32
        %dma_wait3A_127 = tpu.memref_slice %arg4[%add3A_69, %dma_wait3A] : memref<5120x64xi32, #tpu.memory_space<hbm>> -> memref<32x64xi32, #tpu.memory_space<hbm>>
        %dma_wait3A_128 = arith.constant 0 : i32
        %dma_wait3A_129 = tpu.memref_slice %arg4[%add3A_69, %dma_wait3A_128] : memref<5120x64xi32, #tpu.memory_space<hbm>> -> memref<32x64xi32, #tpu.memory_space<hbm>>
        tpu.wait_dma2 semaphore(%run_scoped3A_122 : memref<!tpu.dma_semaphore, #tpu.memory_space<semaphore_mem>>) src(%dma_wait3A_129 : memref<32x64xi32, #tpu.memory_space<hbm>>) dst(%arg8 : memref<32x64xi32, #tpu.memory_space<vmem>>)
        tpu.yield
      }) : () -> ()
      %dma_start3A = arith.constant 0 : i32
      %dma_start3A_70 = arith.constant 0 : i32
      %dma_start3A_71 = arith.constant 0 : i32
      %dma_start3A_72 = arith.constant 0 : i32
      %dma_start3A_73 = tpu.memref_slice %arg9[%dma_start3A_70, %dma_start3A_71, %dma_start3A_72] : memref<4x64x128xf32, #tpu.memory_space<vmem>> -> memref<1x64x128xf32, #tpu.memory_space<vmem>>
      %dma_start3A_74 = tpu.memref_squeeze %dma_start3A_73 : memref<1x64x128xf32, #tpu.memory_space<vmem>> -> memref<64x128xf32, #tpu.memory_space<vmem>>
      %dma_start3A_75 = arith.constant 0 : i32
      %dma_start3A_76 = tpu.memref_slice %arg7[%dma_start3A, %dma_start3A_75] : memref<32x64xi32, #tpu.memory_space<vmem>> -> memref<1x64xi32, #tpu.memory_space<vmem>>
      %dma_start3A_77 = tpu.memref_squeeze %dma_start3A_76 : memref<1x64xi32, #tpu.memory_space<vmem>> -> memref<64xi32, #tpu.memory_space<vmem>>
      %dma_start3A_78 = arith.constant 0 : i32
      %dma_start3A_79 = arith.constant 0 : i32
      %dma_start3A_80 = tpu.memref_slice %arg2[%dma_start3A_78, %dma_start3A_79] : memref<10000x128xf32, #tpu.memory_space<hbm>> -> memref<10000x128xf32, #tpu.memory_space<hbm>>
      tpu.enqueue_indirect_dma source(%dma_start3A_80 : memref<10000x128xf32, #tpu.memory_space<hbm>>) target(%dma_start3A_74 : memref<64x128xf32, #tpu.memory_space<vmem>>) offsets(%dma_start3A_77 : memref<64xi32, #tpu.memory_space<vmem>>) semaphore(%arg11 : memref<!tpu.dma_semaphore, #tpu.memory_space<semaphore_mem>>)
      %dma_start3A_81 = arith.constant 1 : i32
      %dma_start3A_82 = arith.constant 1 : i32
      %dma_start3A_83 = arith.constant 0 : i32
      %dma_start3A_84 = arith.constant 0 : i32
      %dma_start3A_85 = tpu.memref_slice %arg9[%dma_start3A_82, %dma_start3A_83, %dma_start3A_84] : memref<4x64x128xf32, #tpu.memory_space<vmem>> -> memref<1x64x128xf32, #tpu.memory_space<vmem>>
      %dma_start3A_86 = tpu.memref_squeeze %dma_start3A_85 : memref<1x64x128xf32, #tpu.memory_space<vmem>> -> memref<64x128xf32, #tpu.memory_space<vmem>>
      %dma_start3A_87 = arith.constant 0 : i32
      %dma_start3A_88 = tpu.memref_slice %arg7[%dma_start3A_81, %dma_start3A_87] : memref<32x64xi32, #tpu.memory_space<vmem>> -> memref<1x64xi32, #tpu.memory_space<vmem>>
      %dma_start3A_89 = tpu.memref_squeeze %dma_start3A_88 : memref<1x64xi32, #tpu.memory_space<vmem>> -> memref<64xi32, #tpu.memory_space<vmem>>
      %dma_start3A_90 = arith.constant 0 : i32
      %dma_start3A_91 = arith.constant 0 : i32
      %dma_start3A_92 = tpu.memref_slice %arg2[%dma_start3A_90, %dma_start3A_91] : memref<10000x128xf32, #tpu.memory_space<hbm>> -> memref<10000x128xf32, #tpu.memory_space<hbm>>
      tpu.enqueue_indirect_dma source(%dma_start3A_92 : memref<10000x128xf32, #tpu.memory_space<hbm>>) target(%dma_start3A_86 : memref<64x128xf32, #tpu.memory_space<vmem>>) offsets(%dma_start3A_89 : memref<64xi32, #tpu.memory_space<vmem>>) semaphore(%arg12 : memref<!tpu.dma_semaphore, #tpu.memory_space<semaphore_mem>>)
      %dma_start3A_93 = arith.constant 2 : i32
      %dma_start3A_94 = arith.constant 2 : i32
      %dma_start3A_95 = arith.constant 0 : i32
      %dma_start3A_96 = arith.constant 0 : i32
      %dma_start3A_97 = tpu.memref_slice %arg9[%dma_start3A_94, %dma_start3A_95, %dma_start3A_96] : memref<4x64x128xf32, #tpu.memory_space<vmem>> -> memref<1x64x128xf32, #tpu.memory_space<vmem>>
      %dma_start3A_98 = tpu.memref_squeeze %dma_start3A_97 : memref<1x64x128xf32, #tpu.memory_space<vmem>> -> memref<64x128xf32, #tpu.memory_space<vmem>>
      %dma_start3A_99 = arith.constant 0 : i32
      %dma_start3A_100 = tpu.memref_slice %arg7[%dma_start3A_93, %dma_start3A_99] : memref<32x64xi32, #tpu.memory_space<vmem>> -> memref<1x64xi32, #tpu.memory_space<vmem>>
      %dma_start3A_101 = tpu.memref_squeeze %dma_start3A_100 : memref<1x64xi32, #tpu.memory_space<vmem>> -> memref<64xi32, #tpu.memory_space<vmem>>
      %dma_start3A_102 = arith.constant 0 : i32
      %dma_start3A_103 = arith.constant 0 : i32
      %dma_start3A_104 = tpu.memref_slice %arg2[%dma_start3A_102, %dma_start3A_103] : memref<10000x128xf32, #tpu.memory_space<hbm>> -> memref<10000x128xf32, #tpu.memory_space<hbm>>
      tpu.enqueue_indirect_dma source(%dma_start3A_104 : memref<10000x128xf32, #tpu.memory_space<hbm>>) target(%dma_start3A_98 : memref<64x128xf32, #tpu.memory_space<vmem>>) offsets(%dma_start3A_101 : memref<64xi32, #tpu.memory_space<vmem>>) semaphore(%arg13 : memref<!tpu.dma_semaphore, #tpu.memory_space<semaphore_mem>>)
      %dma_start3A_105 = arith.constant 3 : i32
      %dma_start3A_106 = arith.constant 3 : i32
      %dma_start3A_107 = arith.constant 0 : i32
      %dma_start3A_108 = arith.constant 0 : i32
      %dma_start3A_109 = tpu.memref_slice %arg9[%dma_start3A_106, %dma_start3A_107, %dma_start3A_108] : memref<4x64x128xf32, #tpu.memory_space<vmem>> -> memref<1x64x128xf32, #tpu.memory_space<vmem>>
      %dma_start3A_110 = tpu.memref_squeeze %dma_start3A_109 : memref<1x64x128xf32, #tpu.memory_space<vmem>> -> memref<64x128xf32, #tpu.memory_space<vmem>>
      %dma_start3A_111 = arith.constant 0 : i32
      %dma_start3A_112 = tpu.memref_slice %arg7[%dma_start3A_105, %dma_start3A_111] : memref<32x64xi32, #tpu.memory_space<vmem>> -> memref<1x64xi32, #tpu.memory_space<vmem>>
      %dma_start3A_113 = tpu.memref_squeeze %dma_start3A_112 : memref<1x64xi32, #tpu.memory_space<vmem>> -> memref<64xi32, #tpu.memory_space<vmem>>
      %dma_start3A_114 = arith.constant 0 : i32
      %dma_start3A_115 = arith.constant 0 : i32
      %dma_start3A_116 = tpu.memref_slice %arg2[%dma_start3A_114, %dma_start3A_115] : memref<10000x128xf32, #tpu.memory_space<hbm>> -> memref<10000x128xf32, #tpu.memory_space<hbm>>
      tpu.enqueue_indirect_dma source(%dma_start3A_116 : memref<10000x128xf32, #tpu.memory_space<hbm>>) target(%dma_start3A_110 : memref<64x128xf32, #tpu.memory_space<vmem>>) offsets(%dma_start3A_113 : memref<64xi32, #tpu.memory_space<vmem>>) semaphore(%arg14 : memref<!tpu.dma_semaphore, #tpu.memory_space<semaphore_mem>>)
      %scan3A = arith.constant 0 : i32
      %scan3A_117 = arith.constant 0 : i32
      %scan3A_118 = arith.constant 8 : i32
      %scan3A_119 = arith.addi %scan3A_117, %scan3A_118 : i32
      %scan3A_120 = arith.constant 1 : i32
      scf.for %scan3A_122 = %scan3A_117 to %scan3A_119 step %scan3A_120  : i32 {
        %mul3A_123 = arith.constant 4 : i32
        %mul3A_124 = arith.muli %scan3A_122, %mul3A_123 : i32
        %add3A_125 = arith.constant 0 : i32
        %add3A_126 = arith.addi %mul3A_124, %add3A_125 : i32
        %dma_wait3A = arith.constant 0 : i32
        %dma_wait3A_127 = arith.constant 0 : i32
        %dma_wait3A_128 = arith.constant 0 : i32
        %dma_wait3A_129 = tpu.memref_slice %arg9[%dma_wait3A, %dma_wait3A_127, %dma_wait3A_128] : memref<4x64x128xf32, #tpu.memory_space<vmem>> -> memref<1x64x128xf32, #tpu.memory_space<vmem>>
        %dma_wait3A_130 = tpu.memref_squeeze %dma_wait3A_129 : memref<1x64x128xf32, #tpu.memory_space<vmem>> -> memref<64x128xf32, #tpu.memory_space<vmem>>
        %dma_wait3A_131 = arith.constant 0 : i32
        %dma_wait3A_132 = arith.constant 0 : i32
        %dma_wait3A_133 = tpu.memref_slice %arg2[%dma_wait3A_131, %dma_wait3A_132] : memref<10000x128xf32, #tpu.memory_space<hbm>> -> memref<64x128xf32, #tpu.memory_space<hbm>>
        %dma_wait3A_134 = arith.constant 0 : i32
        %dma_wait3A_135 = arith.constant 0 : i32
        %dma_wait3A_136 = tpu.memref_slice %arg9[%dma_wait3A, %dma_wait3A_134, %dma_wait3A_135] : memref<4x64x128xf32, #tpu.memory_space<vmem>> -> memref<1x64x128xf32, #tpu.memory_space<vmem>>
        %dma_wait3A_137 = tpu.memref_squeeze %dma_wait3A_136 : memref<1x64x128xf32, #tpu.memory_space<vmem>> -> memref<64x128xf32, #tpu.memory_space<vmem>>
        %dma_wait3A_138 = arith.constant 0 : i32
        %dma_wait3A_139 = arith.constant 0 : i32
        %dma_wait3A_140 = tpu.memref_slice %arg2[%dma_wait3A_138, %dma_wait3A_139] : memref<10000x128xf32, #tpu.memory_space<hbm>> -> memref<64x128xf32, #tpu.memory_space<hbm>>
        tpu.wait_dma2 semaphore(%arg11 : memref<!tpu.dma_semaphore, #tpu.memory_space<semaphore_mem>>) src(%dma_wait3A_140 : memref<64x128xf32, #tpu.memory_space<hbm>>) dst(%dma_wait3A_137 : memref<64x128xf32, #tpu.memory_space<vmem>>)
        %run_scoped3A_141 = arith.constant 0 : i32
        "tpu.region"() ({
          %run_scoped3A_227 = tpu.sem_alloc : memref<!tpu.dma_semaphore, #tpu.memory_space<semaphore_mem>>
          %dma_start3A_228 = arith.constant 0 : i32
          %dma_start3A_229 = arith.constant 0 : i32
          %dma_start3A_230 = tpu.memref_slice %arg9[%run_scoped3A_141, %dma_start3A_228, %dma_start3A_229] : memref<4x64x128xf32, #tpu.memory_space<vmem>> -> memref<1x64x128xf32, #tpu.memory_space<vmem>>
          %dma_start3A_231 = tpu.memref_squeeze %dma_start3A_230 : memref<1x64x128xf32, #tpu.memory_space<vmem>> -> memref<64x128xf32, #tpu.memory_space<vmem>>
          %dma_start3A_232 = arith.constant 0 : i32
          %dma_start3A_233 = tpu.memref_slice %arg8[%add3A_126, %dma_start3A_232] : memref<32x64xi32, #tpu.memory_space<vmem>> -> memref<1x64xi32, #tpu.memory_space<vmem>>
          %dma_start3A_234 = tpu.memref_squeeze %dma_start3A_233 : memref<1x64xi32, #tpu.memory_space<vmem>> -> memref<64xi32, #tpu.memory_space<vmem>>
          %dma_start3A_235 = arith.constant 0 : i32
          %dma_start3A_236 = arith.constant 0 : i32
          %dma_start3A_237 = tpu.memref_slice %arg10[%dma_start3A_235, %dma_start3A_236] : memref<10112x128xf32, #tpu.memory_space<vmem_shared>> -> memref<10112x128xf32, #tpu.memory_space<vmem_shared>>
          tpu.enqueue_indirect_dma source(%dma_start3A_231 : memref<64x128xf32, #tpu.memory_space<vmem>>) target(%dma_start3A_237 : memref<10112x128xf32, #tpu.memory_space<vmem_shared>>) offsets(%dma_start3A_234 : memref<64xi32, #tpu.memory_space<vmem>>) semaphore(%run_scoped3A_227 : memref<!tpu.dma_semaphore, #tpu.memory_space<semaphore_mem>>) {add = true}
          %dma_wait3A_238 = arith.constant 0 : i32
          %dma_wait3A_239 = arith.constant 0 : i32
          %dma_wait3A_240 = tpu.memref_slice %arg9[%run_scoped3A_141, %dma_wait3A_238, %dma_wait3A_239] : memref<4x64x128xf32, #tpu.memory_space<vmem>> -> memref<1x64x128xf32, #tpu.memory_space<vmem>>
          %dma_wait3A_241 = tpu.memref_squeeze %dma_wait3A_240 : memref<1x64x128xf32, #tpu.memory_space<vmem>> -> memref<64x128xf32, #tpu.memory_space<vmem>>
          %dma_wait3A_242 = arith.constant 0 : i32
          %dma_wait3A_243 = tpu.memref_slice %arg8[%add3A_126, %dma_wait3A_242] : memref<32x64xi32, #tpu.memory_space<vmem>> -> memref<1x64xi32, #tpu.memory_space<vmem>>
          %dma_wait3A_244 = tpu.memref_squeeze %dma_wait3A_243 : memref<1x64xi32, #tpu.memory_space<vmem>> -> memref<64xi32, #tpu.memory_space<vmem>>
          %dma_wait3A_245 = arith.constant 0 : i32
          %dma_wait3A_246 = arith.constant 0 : i32
          %dma_wait3A_247 = tpu.memref_slice %arg10[%dma_wait3A_245, %dma_wait3A_246] : memref<10112x128xf32, #tpu.memory_space<vmem_shared>> -> memref<10112x128xf32, #tpu.memory_space<vmem_shared>>
          tpu.wait_indirect_dma semaphore(%run_scoped3A_227 : memref<!tpu.dma_semaphore, #tpu.memory_space<semaphore_mem>>) src(%dma_wait3A_241 : memref<64x128xf32, #tpu.memory_space<vmem>>) dst(%dma_wait3A_247 : memref<10112x128xf32, #tpu.memory_space<vmem_shared>>)
          tpu.yield
        }) : () -> ()
        %add3A_142 = arith.constant 4 : i32
        %add3A_143 = arith.addi %add3A_126, %add3A_142 : i32
        %lt3A = arith.constant 32 : i32
        %lt3A_144 = arith.cmpi slt, %add3A_143, %lt3A : i32
        %convert_element_type3A = arith.extui %lt3A_144 : i1 to i32
        %cond3A = arith.constant 0 : i32
        %cond3A_145 = arith.cmpi ne, %convert_element_type3A, %cond3A : i32
        scf.if %cond3A_145 {
          %add3A_227 = arith.constant 4 : i32
          %add3A_228 = arith.addi %add3A_126, %add3A_227 : i32
          %dma_start3A_229 = arith.constant 0 : i32
          %dma_start3A_230 = arith.constant 0 : i32
          %dma_start3A_231 = arith.constant 0 : i32
          %dma_start3A_232 = tpu.memref_slice %arg9[%dma_start3A_229, %dma_start3A_230, %dma_start3A_231] : memref<4x64x128xf32, #tpu.memory_space<vmem>> -> memref<1x64x128xf32, #tpu.memory_space<vmem>>
          %dma_start3A_233 = tpu.memref_squeeze %dma_start3A_232 : memref<1x64x128xf32, #tpu.memory_space<vmem>> -> memref<64x128xf32, #tpu.memory_space<vmem>>
          %dma_start3A_234 = arith.constant 0 : i32
          %dma_start3A_235 = tpu.memref_slice %arg7[%add3A_228, %dma_start3A_234] : memref<32x64xi32, #tpu.memory_space<vmem>> -> memref<1x64xi32, #tpu.memory_space<vmem>>
          %dma_start3A_236 = tpu.memref_squeeze %dma_start3A_235 : memref<1x64xi32, #tpu.memory_space<vmem>> -> memref<64xi32, #tpu.memory_space<vmem>>
          %dma_start3A_237 = arith.constant 0 : i32
          %dma_start3A_238 = arith.constant 0 : i32
          %dma_start3A_239 = tpu.memref_slice %arg2[%dma_start3A_237, %dma_start3A_238] : memref<10000x128xf32, #tpu.memory_space<hbm>> -> memref<10000x128xf32, #tpu.memory_space<hbm>>
          tpu.enqueue_indirect_dma source(%dma_start3A_239 : memref<10000x128xf32, #tpu.memory_space<hbm>>) target(%dma_start3A_233 : memref<64x128xf32, #tpu.memory_space<vmem>>) offsets(%dma_start3A_236 : memref<64xi32, #tpu.memory_space<vmem>>) semaphore(%arg11 : memref<!tpu.dma_semaphore, #tpu.memory_space<semaphore_mem>>)
        } else {
        }
        %mul3A_146 = arith.constant 4 : i32
        %mul3A_147 = arith.muli %scan3A_122, %mul3A_146 : i32
        %add3A_148 = arith.constant 1 : i32
        %add3A_149 = arith.addi %mul3A_147, %add3A_148 : i32
        %dma_wait3A_150 = arith.constant 1 : i32
        %dma_wait3A_151 = arith.constant 0 : i32
        %dma_wait3A_152 = arith.constant 0 : i32
        %dma_wait3A_153 = tpu.memref_slice %arg9[%dma_wait3A_150, %dma_wait3A_151, %dma_wait3A_152] : memref<4x64x128xf32, #tpu.memory_space<vmem>> -> memref<1x64x128xf32, #tpu.memory_space<vmem>>
        %dma_wait3A_154 = tpu.memref_squeeze %dma_wait3A_153 : memref<1x64x128xf32, #tpu.memory_space<vmem>> -> memref<64x128xf32, #tpu.memory_space<vmem>>
        %dma_wait3A_155 = arith.constant 0 : i32
        %dma_wait3A_156 = arith.constant 0 : i32
        %dma_wait3A_157 = tpu.memref_slice %arg2[%dma_wait3A_155, %dma_wait3A_156] : memref<10000x128xf32, #tpu.memory_space<hbm>> -> memref<64x128xf32, #tpu.memory_space<hbm>>
        %dma_wait3A_158 = arith.constant 0 : i32
        %dma_wait3A_159 = arith.constant 0 : i32
        %dma_wait3A_160 = tpu.memref_slice %arg9[%dma_wait3A_150, %dma_wait3A_158, %dma_wait3A_159] : memref<4x64x128xf32, #tpu.memory_space<vmem>> -> memref<1x64x128xf32, #tpu.memory_space<vmem>>
        %dma_wait3A_161 = tpu.memref_squeeze %dma_wait3A_160 : memref<1x64x128xf32, #tpu.memory_space<vmem>> -> memref<64x128xf32, #tpu.memory_space<vmem>>
        %dma_wait3A_162 = arith.constant 0 : i32
        %dma_wait3A_163 = arith.constant 0 : i32
        %dma_wait3A_164 = tpu.memref_slice %arg2[%dma_wait3A_162, %dma_wait3A_163] : memref<10000x128xf32, #tpu.memory_space<hbm>> -> memref<64x128xf32, #tpu.memory_space<hbm>>
        tpu.wait_dma2 semaphore(%arg12 : memref<!tpu.dma_semaphore, #tpu.memory_space<semaphore_mem>>) src(%dma_wait3A_164 : memref<64x128xf32, #tpu.memory_space<hbm>>) dst(%dma_wait3A_161 : memref<64x128xf32, #tpu.memory_space<vmem>>)
        %run_scoped3A_165 = arith.constant 1 : i32
        "tpu.region"() ({
          %run_scoped3A_227 = tpu.sem_alloc : memref<!tpu.dma_semaphore, #tpu.memory_space<semaphore_mem>>
          %dma_start3A_228 = arith.constant 0 : i32
          %dma_start3A_229 = arith.constant 0 : i32
          %dma_start3A_230 = tpu.memref_slice %arg9[%run_scoped3A_165, %dma_start3A_228, %dma_start3A_229] : memref<4x64x128xf32, #tpu.memory_space<vmem>> -> memref<1x64x128xf32, #tpu.memory_space<vmem>>
          %dma_start3A_231 = tpu.memref_squeeze %dma_start3A_230 : memref<1x64x128xf32, #tpu.memory_space<vmem>> -> memref<64x128xf32, #tpu.memory_space<vmem>>
          %dma_start3A_232 = arith.constant 0 : i32
          %dma_start3A_233 = tpu.memref_slice %arg8[%add3A_149, %dma_start3A_232] : memref<32x64xi32, #tpu.memory_space<vmem>> -> memref<1x64xi32, #tpu.memory_space<vmem>>
          %dma_start3A_234 = tpu.memref_squeeze %dma_start3A_233 : memref<1x64xi32, #tpu.memory_space<vmem>> -> memref<64xi32, #tpu.memory_space<vmem>>
          %dma_start3A_235 = arith.constant 0 : i32
          %dma_start3A_236 = arith.constant 0 : i32
          %dma_start3A_237 = tpu.memref_slice %arg10[%dma_start3A_235, %dma_start3A_236] : memref<10112x128xf32, #tpu.memory_space<vmem_shared>> -> memref<10112x128xf32, #tpu.memory_space<vmem_shared>>
          tpu.enqueue_indirect_dma source(%dma_start3A_231 : memref<64x128xf32, #tpu.memory_space<vmem>>) target(%dma_start3A_237 : memref<10112x128xf32, #tpu.memory_space<vmem_shared>>) offsets(%dma_start3A_234 : memref<64xi32, #tpu.memory_space<vmem>>) semaphore(%run_scoped3A_227 : memref<!tpu.dma_semaphore, #tpu.memory_space<semaphore_mem>>) {add = true}
          %dma_wait3A_238 = arith.constant 0 : i32
          %dma_wait3A_239 = arith.constant 0 : i32
          %dma_wait3A_240 = tpu.memref_slice %arg9[%run_scoped3A_165, %dma_wait3A_238, %dma_wait3A_239] : memref<4x64x128xf32, #tpu.memory_space<vmem>> -> memref<1x64x128xf32, #tpu.memory_space<vmem>>
          %dma_wait3A_241 = tpu.memref_squeeze %dma_wait3A_240 : memref<1x64x128xf32, #tpu.memory_space<vmem>> -> memref<64x128xf32, #tpu.memory_space<vmem>>
          %dma_wait3A_242 = arith.constant 0 : i32
          %dma_wait3A_243 = tpu.memref_slice %arg8[%add3A_149, %dma_wait3A_242] : memref<32x64xi32, #tpu.memory_space<vmem>> -> memref<1x64xi32, #tpu.memory_space<vmem>>
          %dma_wait3A_244 = tpu.memref_squeeze %dma_wait3A_243 : memref<1x64xi32, #tpu.memory_space<vmem>> -> memref<64xi32, #tpu.memory_space<vmem>>
          %dma_wait3A_245 = arith.constant 0 : i32
          %dma_wait3A_246 = arith.constant 0 : i32
          %dma_wait3A_247 = tpu.memref_slice %arg10[%dma_wait3A_245, %dma_wait3A_246] : memref<10112x128xf32, #tpu.memory_space<vmem_shared>> -> memref<10112x128xf32, #tpu.memory_space<vmem_shared>>
          tpu.wait_indirect_dma semaphore(%run_scoped3A_227 : memref<!tpu.dma_semaphore, #tpu.memory_space<semaphore_mem>>) src(%dma_wait3A_241 : memref<64x128xf32, #tpu.memory_space<vmem>>) dst(%dma_wait3A_247 : memref<10112x128xf32, #tpu.memory_space<vmem_shared>>)
          tpu.yield
        }) : () -> ()
        %add3A_166 = arith.constant 4 : i32
        %add3A_167 = arith.addi %add3A_149, %add3A_166 : i32
        %lt3A_168 = arith.constant 32 : i32
        %lt3A_169 = arith.cmpi slt, %add3A_167, %lt3A_168 : i32
        %convert_element_type3A_170 = arith.extui %lt3A_169 : i1 to i32
        %cond3A_171 = arith.constant 0 : i32
        %cond3A_172 = arith.cmpi ne, %convert_element_type3A_170, %cond3A_171 : i32
        scf.if %cond3A_172 {
          %add3A_227 = arith.constant 4 : i32
          %add3A_228 = arith.addi %add3A_149, %add3A_227 : i32
          %dma_start3A_229 = arith.constant 1 : i32
          %dma_start3A_230 = arith.constant 0 : i32
          %dma_start3A_231 = arith.constant 0 : i32
          %dma_start3A_232 = tpu.memref_slice %arg9[%dma_start3A_229, %dma_start3A_230, %dma_start3A_231] : memref<4x64x128xf32, #tpu.memory_space<vmem>> -> memref<1x64x128xf32, #tpu.memory_space<vmem>>
          %dma_start3A_233 = tpu.memref_squeeze %dma_start3A_232 : memref<1x64x128xf32, #tpu.memory_space<vmem>> -> memref<64x128xf32, #tpu.memory_space<vmem>>
          %dma_start3A_234 = arith.constant 0 : i32
          %dma_start3A_235 = tpu.memref_slice %arg7[%add3A_228, %dma_start3A_234] : memref<32x64xi32, #tpu.memory_space<vmem>> -> memref<1x64xi32, #tpu.memory_space<vmem>>
          %dma_start3A_236 = tpu.memref_squeeze %dma_start3A_235 : memref<1x64xi32, #tpu.memory_space<vmem>> -> memref<64xi32, #tpu.memory_space<vmem>>
          %dma_start3A_237 = arith.constant 0 : i32
          %dma_start3A_238 = arith.constant 0 : i32
          %dma_start3A_239 = tpu.memref_slice %arg2[%dma_start3A_237, %dma_start3A_238] : memref<10000x128xf32, #tpu.memory_space<hbm>> -> memref<10000x128xf32, #tpu.memory_space<hbm>>
          tpu.enqueue_indirect_dma source(%dma_start3A_239 : memref<10000x128xf32, #tpu.memory_space<hbm>>) target(%dma_start3A_233 : memref<64x128xf32, #tpu.memory_space<vmem>>) offsets(%dma_start3A_236 : memref<64xi32, #tpu.memory_space<vmem>>) semaphore(%arg12 : memref<!tpu.dma_semaphore, #tpu.memory_space<semaphore_mem>>)
        } else {
        }
        %mul3A_173 = arith.constant 4 : i32
        %mul3A_174 = arith.muli %scan3A_122, %mul3A_173 : i32
        %add3A_175 = arith.constant 2 : i32
        %add3A_176 = arith.addi %mul3A_174, %add3A_175 : i32
        %dma_wait3A_177 = arith.constant 2 : i32
        %dma_wait3A_178 = arith.constant 0 : i32
        %dma_wait3A_179 = arith.constant 0 : i32
        %dma_wait3A_180 = tpu.memref_slice %arg9[%dma_wait3A_177, %dma_wait3A_178, %dma_wait3A_179] : memref<4x64x128xf32, #tpu.memory_space<vmem>> -> memref<1x64x128xf32, #tpu.memory_space<vmem>>
        %dma_wait3A_181 = tpu.memref_squeeze %dma_wait3A_180 : memref<1x64x128xf32, #tpu.memory_space<vmem>> -> memref<64x128xf32, #tpu.memory_space<vmem>>
        %dma_wait3A_182 = arith.constant 0 : i32
        %dma_wait3A_183 = arith.constant 0 : i32
        %dma_wait3A_184 = tpu.memref_slice %arg2[%dma_wait3A_182, %dma_wait3A_183] : memref<10000x128xf32, #tpu.memory_space<hbm>> -> memref<64x128xf32, #tpu.memory_space<hbm>>
        %dma_wait3A_185 = arith.constant 0 : i32
        %dma_wait3A_186 = arith.constant 0 : i32
        %dma_wait3A_187 = tpu.memref_slice %arg9[%dma_wait3A_177, %dma_wait3A_185, %dma_wait3A_186] : memref<4x64x128xf32, #tpu.memory_space<vmem>> -> memref<1x64x128xf32, #tpu.memory_space<vmem>>
        %dma_wait3A_188 = tpu.memref_squeeze %dma_wait3A_187 : memref<1x64x128xf32, #tpu.memory_space<vmem>> -> memref<64x128xf32, #tpu.memory_space<vmem>>
        %dma_wait3A_189 = arith.constant 0 : i32
        %dma_wait3A_190 = arith.constant 0 : i32
        %dma_wait3A_191 = tpu.memref_slice %arg2[%dma_wait3A_189, %dma_wait3A_190] : memref<10000x128xf32, #tpu.memory_space<hbm>> -> memref<64x128xf32, #tpu.memory_space<hbm>>
        tpu.wait_dma2 semaphore(%arg13 : memref<!tpu.dma_semaphore, #tpu.memory_space<semaphore_mem>>) src(%dma_wait3A_191 : memref<64x128xf32, #tpu.memory_space<hbm>>) dst(%dma_wait3A_188 : memref<64x128xf32, #tpu.memory_space<vmem>>)
        %run_scoped3A_192 = arith.constant 2 : i32
        "tpu.region"() ({
          %run_scoped3A_227 = tpu.sem_alloc : memref<!tpu.dma_semaphore, #tpu.memory_space<semaphore_mem>>
          %dma_start3A_228 = arith.constant 0 : i32
          %dma_start3A_229 = arith.constant 0 : i32
          %dma_start3A_230 = tpu.memref_slice %arg9[%run_scoped3A_192, %dma_start3A_228, %dma_start3A_229] : memref<4x64x128xf32, #tpu.memory_space<vmem>> -> memref<1x64x128xf32, #tpu.memory_space<vmem>>
          %dma_start3A_231 = tpu.memref_squeeze %dma_start3A_230 : memref<1x64x128xf32, #tpu.memory_space<vmem>> -> memref<64x128xf32, #tpu.memory_space<vmem>>
          %dma_start3A_232 = arith.constant 0 : i32
          %dma_start3A_233 = tpu.memref_slice %arg8[%add3A_176, %dma_start3A_232] : memref<32x64xi32, #tpu.memory_space<vmem>> -> memref<1x64xi32, #tpu.memory_space<vmem>>
          %dma_start3A_234 = tpu.memref_squeeze %dma_start3A_233 : memref<1x64xi32, #tpu.memory_space<vmem>> -> memref<64xi32, #tpu.memory_space<vmem>>
          %dma_start3A_235 = arith.constant 0 : i32
          %dma_start3A_236 = arith.constant 0 : i32
          %dma_start3A_237 = tpu.memref_slice %arg10[%dma_start3A_235, %dma_start3A_236] : memref<10112x128xf32, #tpu.memory_space<vmem_shared>> -> memref<10112x128xf32, #tpu.memory_space<vmem_shared>>
          tpu.enqueue_indirect_dma source(%dma_start3A_231 : memref<64x128xf32, #tpu.memory_space<vmem>>) target(%dma_start3A_237 : memref<10112x128xf32, #tpu.memory_space<vmem_shared>>) offsets(%dma_start3A_234 : memref<64xi32, #tpu.memory_space<vmem>>) semaphore(%run_scoped3A_227 : memref<!tpu.dma_semaphore, #tpu.memory_space<semaphore_mem>>) {add = true}
          %dma_wait3A_238 = arith.constant 0 : i32
          %dma_wait3A_239 = arith.constant 0 : i32
          %dma_wait3A_240 = tpu.memref_slice %arg9[%run_scoped3A_192, %dma_wait3A_238, %dma_wait3A_239] : memref<4x64x128xf32, #tpu.memory_space<vmem>> -> memref<1x64x128xf32, #tpu.memory_space<vmem>>
          %dma_wait3A_241 = tpu.memref_squeeze %dma_wait3A_240 : memref<1x64x128xf32, #tpu.memory_space<vmem>> -> memref<64x128xf32, #tpu.memory_space<vmem>>
          %dma_wait3A_242 = arith.constant 0 : i32
          %dma_wait3A_243 = tpu.memref_slice %arg8[%add3A_176, %dma_wait3A_242] : memref<32x64xi32, #tpu.memory_space<vmem>> -> memref<1x64xi32, #tpu.memory_space<vmem>>
          %dma_wait3A_244 = tpu.memref_squeeze %dma_wait3A_243 : memref<1x64xi32, #tpu.memory_space<vmem>> -> memref<64xi32, #tpu.memory_space<vmem>>
          %dma_wait3A_245 = arith.constant 0 : i32
          %dma_wait3A_246 = arith.constant 0 : i32
          %dma_wait3A_247 = tpu.memref_slice %arg10[%dma_wait3A_245, %dma_wait3A_246] : memref<10112x128xf32, #tpu.memory_space<vmem_shared>> -> memref<10112x128xf32, #tpu.memory_space<vmem_shared>>
          tpu.wait_indirect_dma semaphore(%run_scoped3A_227 : memref<!tpu.dma_semaphore, #tpu.memory_space<semaphore_mem>>) src(%dma_wait3A_241 : memref<64x128xf32, #tpu.memory_space<vmem>>) dst(%dma_wait3A_247 : memref<10112x128xf32, #tpu.memory_space<vmem_shared>>)
          tpu.yield
        }) : () -> ()
        %add3A_193 = arith.constant 4 : i32
        %add3A_194 = arith.addi %add3A_176, %add3A_193 : i32
        %lt3A_195 = arith.constant 32 : i32
        %lt3A_196 = arith.cmpi slt, %add3A_194, %lt3A_195 : i32
        %convert_element_type3A_197 = arith.extui %lt3A_196 : i1 to i32
        %cond3A_198 = arith.constant 0 : i32
        %cond3A_199 = arith.cmpi ne, %convert_element_type3A_197, %cond3A_198 : i32
        scf.if %cond3A_199 {
          %add3A_227 = arith.constant 4 : i32
          %add3A_228 = arith.addi %add3A_176, %add3A_227 : i32
          %dma_start3A_229 = arith.constant 2 : i32
          %dma_start3A_230 = arith.constant 0 : i32
          %dma_start3A_231 = arith.constant 0 : i32
          %dma_start3A_232 = tpu.memref_slice %arg9[%dma_start3A_229, %dma_start3A_230, %dma_start3A_231] : memref<4x64x128xf32, #tpu.memory_space<vmem>> -> memref<1x64x128xf32, #tpu.memory_space<vmem>>
          %dma_start3A_233 = tpu.memref_squeeze %dma_start3A_232 : memref<1x64x128xf32, #tpu.memory_space<vmem>> -> memref<64x128xf32, #tpu.memory_space<vmem>>
          %dma_start3A_234 = arith.constant 0 : i32
          %dma_start3A_235 = tpu.memref_slice %arg7[%add3A_228, %dma_start3A_234] : memref<32x64xi32, #tpu.memory_space<vmem>> -> memref<1x64xi32, #tpu.memory_space<vmem>>
          %dma_start3A_236 = tpu.memref_squeeze %dma_start3A_235 : memref<1x64xi32, #tpu.memory_space<vmem>> -> memref<64xi32, #tpu.memory_space<vmem>>
          %dma_start3A_237 = arith.constant 0 : i32
          %dma_start3A_238 = arith.constant 0 : i32
          %dma_start3A_239 = tpu.memref_slice %arg2[%dma_start3A_237, %dma_start3A_238] : memref<10000x128xf32, #tpu.memory_space<hbm>> -> memref<10000x128xf32, #tpu.memory_space<hbm>>
          tpu.enqueue_indirect_dma source(%dma_start3A_239 : memref<10000x128xf32, #tpu.memory_space<hbm>>) target(%dma_start3A_233 : memref<64x128xf32, #tpu.memory_space<vmem>>) offsets(%dma_start3A_236 : memref<64xi32, #tpu.memory_space<vmem>>) semaphore(%arg13 : memref<!tpu.dma_semaphore, #tpu.memory_space<semaphore_mem>>)
        } else {
        }
        %mul3A_200 = arith.constant 4 : i32
        %mul3A_201 = arith.muli %scan3A_122, %mul3A_200 : i32
        %add3A_202 = arith.constant 3 : i32
        %add3A_203 = arith.addi %mul3A_201, %add3A_202 : i32
        %dma_wait3A_204 = arith.constant 3 : i32
        %dma_wait3A_205 = arith.constant 0 : i32
        %dma_wait3A_206 = arith.constant 0 : i32
        %dma_wait3A_207 = tpu.memref_slice %arg9[%dma_wait3A_204, %dma_wait3A_205, %dma_wait3A_206] : memref<4x64x128xf32, #tpu.memory_space<vmem>> -> memref<1x64x128xf32, #tpu.memory_space<vmem>>
        %dma_wait3A_208 = tpu.memref_squeeze %dma_wait3A_207 : memref<1x64x128xf32, #tpu.memory_space<vmem>> -> memref<64x128xf32, #tpu.memory_space<vmem>>
        %dma_wait3A_209 = arith.constant 0 : i32
        %dma_wait3A_210 = arith.constant 0 : i32
        %dma_wait3A_211 = tpu.memref_slice %arg2[%dma_wait3A_209, %dma_wait3A_210] : memref<10000x128xf32, #tpu.memory_space<hbm>> -> memref<64x128xf32, #tpu.memory_space<hbm>>
        %dma_wait3A_212 = arith.constant 0 : i32
        %dma_wait3A_213 = arith.constant 0 : i32
        %dma_wait3A_214 = tpu.memref_slice %arg9[%dma_wait3A_204, %dma_wait3A_212, %dma_wait3A_213] : memref<4x64x128xf32, #tpu.memory_space<vmem>> -> memref<1x64x128xf32, #tpu.memory_space<vmem>>
        %dma_wait3A_215 = tpu.memref_squeeze %dma_wait3A_214 : memref<1x64x128xf32, #tpu.memory_space<vmem>> -> memref<64x128xf32, #tpu.memory_space<vmem>>
        %dma_wait3A_216 = arith.constant 0 : i32
        %dma_wait3A_217 = arith.constant 0 : i32
        %dma_wait3A_218 = tpu.memref_slice %arg2[%dma_wait3A_216, %dma_wait3A_217] : memref<10000x128xf32, #tpu.memory_space<hbm>> -> memref<64x128xf32, #tpu.memory_space<hbm>>
        tpu.wait_dma2 semaphore(%arg14 : memref<!tpu.dma_semaphore, #tpu.memory_space<semaphore_mem>>) src(%dma_wait3A_218 : memref<64x128xf32, #tpu.memory_space<hbm>>) dst(%dma_wait3A_215 : memref<64x128xf32, #tpu.memory_space<vmem>>)
        %run_scoped3A_219 = arith.constant 3 : i32
        "tpu.region"() ({
          %run_scoped3A_227 = tpu.sem_alloc : memref<!tpu.dma_semaphore, #tpu.memory_space<semaphore_mem>>
          %dma_start3A_228 = arith.constant 0 : i32
          %dma_start3A_229 = arith.constant 0 : i32
          %dma_start3A_230 = tpu.memref_slice %arg9[%run_scoped3A_219, %dma_start3A_228, %dma_start3A_229] : memref<4x64x128xf32, #tpu.memory_space<vmem>> -> memref<1x64x128xf32, #tpu.memory_space<vmem>>
          %dma_start3A_231 = tpu.memref_squeeze %dma_start3A_230 : memref<1x64x128xf32, #tpu.memory_space<vmem>> -> memref<64x128xf32, #tpu.memory_space<vmem>>
          %dma_start3A_232 = arith.constant 0 : i32
          %dma_start3A_233 = tpu.memref_slice %arg8[%add3A_203, %dma_start3A_232] : memref<32x64xi32, #tpu.memory_space<vmem>> -> memref<1x64xi32, #tpu.memory_space<vmem>>
          %dma_start3A_234 = tpu.memref_squeeze %dma_start3A_233 : memref<1x64xi32, #tpu.memory_space<vmem>> -> memref<64xi32, #tpu.memory_space<vmem>>
          %dma_start3A_235 = arith.constant 0 : i32
          %dma_start3A_236 = arith.constant 0 : i32
          %dma_start3A_237 = tpu.memref_slice %arg10[%dma_start3A_235, %dma_start3A_236] : memref<10112x128xf32, #tpu.memory_space<vmem_shared>> -> memref<10112x128xf32, #tpu.memory_space<vmem_shared>>
          tpu.enqueue_indirect_dma source(%dma_start3A_231 : memref<64x128xf32, #tpu.memory_space<vmem>>) target(%dma_start3A_237 : memref<10112x128xf32, #tpu.memory_space<vmem_shared>>) offsets(%dma_start3A_234 : memref<64xi32, #tpu.memory_space<vmem>>) semaphore(%run_scoped3A_227 : memref<!tpu.dma_semaphore, #tpu.memory_space<semaphore_mem>>) {add = true}
          %dma_wait3A_238 = arith.constant 0 : i32
          %dma_wait3A_239 = arith.constant 0 : i32
          %dma_wait3A_240 = tpu.memref_slice %arg9[%run_scoped3A_219, %dma_wait3A_238, %dma_wait3A_239] : memref<4x64x128xf32, #tpu.memory_space<vmem>> -> memref<1x64x128xf32, #tpu.memory_space<vmem>>
          %dma_wait3A_241 = tpu.memref_squeeze %dma_wait3A_240 : memref<1x64x128xf32, #tpu.memory_space<vmem>> -> memref<64x128xf32, #tpu.memory_space<vmem>>
          %dma_wait3A_242 = arith.constant 0 : i32
          %dma_wait3A_243 = tpu.memref_slice %arg8[%add3A_203, %dma_wait3A_242] : memref<32x64xi32, #tpu.memory_space<vmem>> -> memref<1x64xi32, #tpu.memory_space<vmem>>
          %dma_wait3A_244 = tpu.memref_squeeze %dma_wait3A_243 : memref<1x64xi32, #tpu.memory_space<vmem>> -> memref<64xi32, #tpu.memory_space<vmem>>
          %dma_wait3A_245 = arith.constant 0 : i32
          %dma_wait3A_246 = arith.constant 0 : i32
          %dma_wait3A_247 = tpu.memref_slice %arg10[%dma_wait3A_245, %dma_wait3A_246] : memref<10112x128xf32, #tpu.memory_space<vmem_shared>> -> memref<10112x128xf32, #tpu.memory_space<vmem_shared>>
          tpu.wait_indirect_dma semaphore(%run_scoped3A_227 : memref<!tpu.dma_semaphore, #tpu.memory_space<semaphore_mem>>) src(%dma_wait3A_241 : memref<64x128xf32, #tpu.memory_space<vmem>>) dst(%dma_wait3A_247 : memref<10112x128xf32, #tpu.memory_space<vmem_shared>>)
          tpu.yield
        }) : () -> ()
        %add3A_220 = arith.constant 4 : i32
        %add3A_221 = arith.addi %add3A_203, %add3A_220 : i32
        %lt3A_222 = arith.constant 32 : i32
        %lt3A_223 = arith.cmpi slt, %add3A_221, %lt3A_222 : i32
        %convert_element_type3A_224 = arith.extui %lt3A_223 : i1 to i32
        %cond3A_225 = arith.constant 0 : i32
        %cond3A_226 = arith.cmpi ne, %convert_element_type3A_224, %cond3A_225 : i32
        scf.if %cond3A_226 {
          %add3A_227 = arith.constant 4 : i32
          %add3A_228 = arith.addi %add3A_203, %add3A_227 : i32
          %dma_start3A_229 = arith.constant 3 : i32
          %dma_start3A_230 = arith.constant 0 : i32
          %dma_start3A_231 = arith.constant 0 : i32
          %dma_start3A_232 = tpu.memref_slice %arg9[%dma_start3A_229, %dma_start3A_230, %dma_start3A_231] : memref<4x64x128xf32, #tpu.memory_space<vmem>> -> memref<1x64x128xf32, #tpu.memory_space<vmem>>
          %dma_start3A_233 = tpu.memref_squeeze %dma_start3A_232 : memref<1x64x128xf32, #tpu.memory_space<vmem>> -> memref<64x128xf32, #tpu.memory_space<vmem>>
          %dma_start3A_234 = arith.constant 0 : i32
          %dma_start3A_235 = tpu.memref_slice %arg7[%add3A_228, %dma_start3A_234] : memref<32x64xi32, #tpu.memory_space<vmem>> -> memref<1x64xi32, #tpu.memory_space<vmem>>
          %dma_start3A_236 = tpu.memref_squeeze %dma_start3A_235 : memref<1x64xi32, #tpu.memory_space<vmem>> -> memref<64xi32, #tpu.memory_space<vmem>>
          %dma_start3A_237 = arith.constant 0 : i32
          %dma_start3A_238 = arith.constant 0 : i32
          %dma_start3A_239 = tpu.memref_slice %arg2[%dma_start3A_237, %dma_start3A_238] : memref<10000x128xf32, #tpu.memory_space<hbm>> -> memref<10000x128xf32, #tpu.memory_space<hbm>>
          tpu.enqueue_indirect_dma source(%dma_start3A_239 : memref<10000x128xf32, #tpu.memory_space<hbm>>) target(%dma_start3A_233 : memref<64x128xf32, #tpu.memory_space<vmem>>) offsets(%dma_start3A_236 : memref<64xi32, #tpu.memory_space<vmem>>) semaphore(%arg14 : memref<!tpu.dma_semaphore, #tpu.memory_space<semaphore_mem>>)
        } else {
        }
      }
      %scan3A_121 = arith.constant 8 : i32
    }
    %barrier3A_51 = arith.constant 0 : index
    tpu.barrier barrier_id(%barrier3A_51)
    %while3A_52 = arith.constant 0 : i32
    %while3A_53 = arith.constant 0 : i32
    %while3A_54 = arith.constant 0 : i32
    %while3A_55 = arith.subi %add3A_18, %while3A_54 : i32
    %while3A_56 = arith.addi %while3A_54, %while3A_55 : i32
    %while3A_57 = arith.constant 1 : i32
    %while3A_58 = arith.divsi %while3A_55, %while3A_57 : i32
    %while3A_59 = arith.muli %while3A_58, %while3A_57 : i32
    %while3A_60 = arith.addi %while3A_54, %while3A_59 : i32
    %while3A_61 = arith.constant 1 : i32
    scf.for %while3A_63 = %while3A_54 to %while3A_60 step %while3A_61  : i32 {
      %mul3A_64 = arith.constant 16 : i32
      %mul3A_65 = arith.muli %while3A_63, %mul3A_64 : i32
      %add3A_66 = arith.addi %arg1, %mul3A_65 : i32
      %mul3A_67 = arith.constant 64 : i32
      %mul3A_68 = arith.muli %add3A_66, %mul3A_67 : i32
      "tpu.region"() ({
        %run_scoped3A_69 = tpu.sem_alloc : memref<!tpu.dma_semaphore, #tpu.memory_space<semaphore_mem>>
        %dma_start3A = arith.constant 0 : i32
        %dma_start3A_70 = arith.constant 0 : i32
        %dma_start3A_71 = tpu.memref_slice %arg9[%while3A_53, %dma_start3A, %dma_start3A_70] : memref<4x64x128xf32, #tpu.memory_space<vmem>> -> memref<1x64x128xf32, #tpu.memory_space<vmem>>
        %dma_start3A_72 = tpu.memref_squeeze %dma_start3A_71 : memref<1x64x128xf32, #tpu.memory_space<vmem>> -> memref<64x128xf32, #tpu.memory_space<vmem>>
        %dma_start3A_73 = arith.constant 0 : i32
        %dma_start3A_74 = tpu.memref_slice %arg10[%mul3A_68, %dma_start3A_73] : memref<10112x128xf32, #tpu.memory_space<vmem_shared>> -> memref<64x128xf32, #tpu.memory_space<vmem_shared>>
        %dma_start3A_75 = arith.constant 0 : i32
        %dma_start3A_76 = arith.constant 0 : i32
        %dma_start3A_77 = tpu.memref_slice %arg9[%while3A_53, %dma_start3A_75, %dma_start3A_76] : memref<4x64x128xf32, #tpu.memory_space<vmem>> -> memref<1x64x128xf32, #tpu.memory_space<vmem>>
        %dma_start3A_78 = tpu.memref_squeeze %dma_start3A_77 : memref<1x64x128xf32, #tpu.memory_space<vmem>> -> memref<64x128xf32, #tpu.memory_space<vmem>>
        %dma_start3A_79 = arith.constant 0 : i32
        %dma_start3A_80 = tpu.memref_slice %arg10[%mul3A_68, %dma_start3A_79] : memref<10112x128xf32, #tpu.memory_space<vmem_shared>> -> memref<64x128xf32, #tpu.memory_space<vmem_shared>>
        tpu.enqueue_dma source(%dma_start3A_80 : memref<64x128xf32, #tpu.memory_space<vmem_shared>>) target(%dma_start3A_78 : memref<64x128xf32, #tpu.memory_space<vmem>>) target_semaphore(%run_scoped3A_69 : memref<!tpu.dma_semaphore, #tpu.memory_space<semaphore_mem>>)
        %dma_wait3A = arith.constant 0 : i32
        %dma_wait3A_81 = arith.constant 0 : i32
        %dma_wait3A_82 = tpu.memref_slice %arg9[%while3A_53, %dma_wait3A, %dma_wait3A_81] : memref<4x64x128xf32, #tpu.memory_space<vmem>> -> memref<1x64x128xf32, #tpu.memory_space<vmem>>
        %dma_wait3A_83 = tpu.memref_squeeze %dma_wait3A_82 : memref<1x64x128xf32, #tpu.memory_space<vmem>> -> memref<64x128xf32, #tpu.memory_space<vmem>>
        %dma_wait3A_84 = arith.constant 0 : i32
        %dma_wait3A_85 = tpu.memref_slice %arg10[%mul3A_68, %dma_wait3A_84] : memref<10112x128xf32, #tpu.memory_space<vmem_shared>> -> memref<64x128xf32, #tpu.memory_space<vmem_shared>>
        %dma_wait3A_86 = arith.constant 0 : i32
        %dma_wait3A_87 = arith.constant 0 : i32
        %dma_wait3A_88 = tpu.memref_slice %arg9[%while3A_53, %dma_wait3A_86, %dma_wait3A_87] : memref<4x64x128xf32, #tpu.memory_space<vmem>> -> memref<1x64x128xf32, #tpu.memory_space<vmem>>
        %dma_wait3A_89 = tpu.memref_squeeze %dma_wait3A_88 : memref<1x64x128xf32, #tpu.memory_space<vmem>> -> memref<64x128xf32, #tpu.memory_space<vmem>>
        %dma_wait3A_90 = arith.constant 0 : i32
        %dma_wait3A_91 = tpu.memref_slice %arg10[%mul3A_68, %dma_wait3A_90] : memref<10112x128xf32, #tpu.memory_space<vmem_shared>> -> memref<64x128xf32, #tpu.memory_space<vmem_shared>>
        tpu.wait_dma2 semaphore(%run_scoped3A_69 : memref<!tpu.dma_semaphore, #tpu.memory_space<semaphore_mem>>) src(%dma_wait3A_91 : memref<64x128xf32, #tpu.memory_space<vmem_shared>>) dst(%dma_wait3A_89 : memref<64x128xf32, #tpu.memory_space<vmem>>)
        tpu.yield
      }) : () -> ()
      "tpu.region"() ({
        %run_scoped3A_69 = tpu.sem_alloc : memref<!tpu.dma_semaphore, #tpu.memory_space<semaphore_mem>>
        %dma_start3A = arith.constant 0 : i32
        %dma_start3A_70 = arith.constant 0 : i32
        %dma_start3A_71 = tpu.memref_slice %arg9[%while3A_53, %dma_start3A, %dma_start3A_70] : memref<4x64x128xf32, #tpu.memory_space<vmem>> -> memref<1x64x128xf32, #tpu.memory_space<vmem>>
        %dma_start3A_72 = tpu.memref_squeeze %dma_start3A_71 : memref<1x64x128xf32, #tpu.memory_space<vmem>> -> memref<64x128xf32, #tpu.memory_space<vmem>>
        %dma_start3A_73 = arith.constant 0 : i32
        %dma_start3A_74 = tpu.memref_slice %arg6[%arg0, %mul3A_68, %dma_start3A_73] : memref<2x10112x128xf32, #tpu.memory_space<hbm>> -> memref<1x64x128xf32, #tpu.memory_space<hbm>>
        %dma_start3A_75 = tpu.memref_squeeze %dma_start3A_74 : memref<1x64x128xf32, #tpu.memory_space<hbm>> -> memref<64x128xf32, #tpu.memory_space<hbm>>
        %dma_start3A_76 = arith.constant 0 : i32
        %dma_start3A_77 = tpu.memref_slice %arg6[%arg0, %mul3A_68, %dma_start3A_76] : memref<2x10112x128xf32, #tpu.memory_space<hbm>> -> memref<1x64x128xf32, #tpu.memory_space<hbm>>
        %dma_start3A_78 = tpu.memref_squeeze %dma_start3A_77 : memref<1x64x128xf32, #tpu.memory_space<hbm>> -> memref<64x128xf32, #tpu.memory_space<hbm>>
        %dma_start3A_79 = arith.constant 0 : i32
        %dma_start3A_80 = arith.constant 0 : i32
        %dma_start3A_81 = tpu.memref_slice %arg9[%while3A_53, %dma_start3A_79, %dma_start3A_80] : memref<4x64x128xf32, #tpu.memory_space<vmem>> -> memref<1x64x128xf32, #tpu.memory_space<vmem>>
        %dma_start3A_82 = tpu.memref_squeeze %dma_start3A_81 : memref<1x64x128xf32, #tpu.memory_space<vmem>> -> memref<64x128xf32, #tpu.memory_space<vmem>>
        tpu.enqueue_dma source(%dma_start3A_82 : memref<64x128xf32, #tpu.memory_space<vmem>>) target(%dma_start3A_78 : memref<64x128xf32, #tpu.memory_space<hbm>>) target_semaphore(%run_scoped3A_69 : memref<!tpu.dma_semaphore, #tpu.memory_space<semaphore_mem>>)
        %dma_wait3A = arith.constant 0 : i32
        %dma_wait3A_83 = arith.constant 0 : i32
        %dma_wait3A_84 = tpu.memref_slice %arg9[%while3A_53, %dma_wait3A, %dma_wait3A_83] : memref<4x64x128xf32, #tpu.memory_space<vmem>> -> memref<1x64x128xf32, #tpu.memory_space<vmem>>
        %dma_wait3A_85 = tpu.memref_squeeze %dma_wait3A_84 : memref<1x64x128xf32, #tpu.memory_space<vmem>> -> memref<64x128xf32, #tpu.memory_space<vmem>>
        %dma_wait3A_86 = arith.constant 0 : i32
        %dma_wait3A_87 = tpu.memref_slice %arg6[%arg0, %mul3A_68, %dma_wait3A_86] : memref<2x10112x128xf32, #tpu.memory_space<hbm>> -> memref<1x64x128xf32, #tpu.memory_space<hbm>>
        %dma_wait3A_88 = tpu.memref_squeeze %dma_wait3A_87 : memref<1x64x128xf32, #tpu.memory_space<hbm>> -> memref<64x128xf32, #tpu.memory_space<hbm>>
        %dma_wait3A_89 = arith.constant 0 : i32
        %dma_wait3A_90 = tpu.memref_slice %arg6[%arg0, %mul3A_68, %dma_wait3A_89] : memref<2x10112x128xf32, #tpu.memory_space<hbm>> -> memref<1x64x128xf32, #tpu.memory_space<hbm>>
        %dma_wait3A_91 = tpu.memref_squeeze %dma_wait3A_90 : memref<1x64x128xf32, #tpu.memory_space<hbm>> -> memref<64x128xf32, #tpu.memory_space<hbm>>
        %dma_wait3A_92 = arith.constant 0 : i32
        %dma_wait3A_93 = arith.constant 0 : i32
        %dma_wait3A_94 = tpu.memref_slice %arg9[%while3A_53, %dma_wait3A_92, %dma_wait3A_93] : memref<4x64x128xf32, #tpu.memory_space<vmem>> -> memref<1x64x128xf32, #tpu.memory_space<vmem>>
        %dma_wait3A_95 = tpu.memref_squeeze %dma_wait3A_94 : memref<1x64x128xf32, #tpu.memory_space<vmem>> -> memref<64x128xf32, #tpu.memory_space<vmem>>
        tpu.wait_dma2 semaphore(%run_scoped3A_69 : memref<!tpu.dma_semaphore, #tpu.memory_space<semaphore_mem>>) src(%dma_wait3A_95 : memref<64x128xf32, #tpu.memory_space<vmem>>) dst(%dma_wait3A_91 : memref<64x128xf32, #tpu.memory_space<hbm>>)
        tpu.yield
      }) : () -> ()
    }
    %while3A_62 = arith.constant 1 : i32
    scf.for %while3A_63 = %while3A_60 to %while3A_56 step %while3A_62  : i32 {
      %mul3A_64 = arith.constant 16 : i32
      %mul3A_65 = arith.muli %while3A_63, %mul3A_64 : i32
      %add3A_66 = arith.addi %arg1, %mul3A_65 : i32
      %mul3A_67 = arith.constant 64 : i32
      %mul3A_68 = arith.muli %add3A_66, %mul3A_67 : i32
      "tpu.region"() ({
        %run_scoped3A_69 = tpu.sem_alloc : memref<!tpu.dma_semaphore, #tpu.memory_space<semaphore_mem>>
        %dma_start3A = arith.constant 0 : i32
        %dma_start3A_70 = arith.constant 0 : i32
        %dma_start3A_71 = tpu.memref_slice %arg9[%while3A_53, %dma_start3A, %dma_start3A_70] : memref<4x64x128xf32, #tpu.memory_space<vmem>> -> memref<1x64x128xf32, #tpu.memory_space<vmem>>
        %dma_start3A_72 = tpu.memref_squeeze %dma_start3A_71 : memref<1x64x128xf32, #tpu.memory_space<vmem>> -> memref<64x128xf32, #tpu.memory_space<vmem>>
        %dma_start3A_73 = arith.constant 0 : i32
        %dma_start3A_74 = tpu.memref_slice %arg10[%mul3A_68, %dma_start3A_73] : memref<10112x128xf32, #tpu.memory_space<vmem_shared>> -> memref<64x128xf32, #tpu.memory_space<vmem_shared>>
        %dma_start3A_75 = arith.constant 0 : i32
        %dma_start3A_76 = arith.constant 0 : i32
        %dma_start3A_77 = tpu.memref_slice %arg9[%while3A_53, %dma_start3A_75, %dma_start3A_76] : memref<4x64x128xf32, #tpu.memory_space<vmem>> -> memref<1x64x128xf32, #tpu.memory_space<vmem>>
        %dma_start3A_78 = tpu.memref_squeeze %dma_start3A_77 : memref<1x64x128xf32, #tpu.memory_space<vmem>> -> memref<64x128xf32, #tpu.memory_space<vmem>>
        %dma_start3A_79 = arith.constant 0 : i32
        %dma_start3A_80 = tpu.memref_slice %arg10[%mul3A_68, %dma_start3A_79] : memref<10112x128xf32, #tpu.memory_space<vmem_shared>> -> memref<64x128xf32, #tpu.memory_space<vmem_shared>>
        tpu.enqueue_dma source(%dma_start3A_80 : memref<64x128xf32, #tpu.memory_space<vmem_shared>>) target(%dma_start3A_78 : memref<64x128xf32, #tpu.memory_space<vmem>>) target_semaphore(%run_scoped3A_69 : memref<!tpu.dma_semaphore, #tpu.memory_space<semaphore_mem>>)
        %dma_wait3A = arith.constant 0 : i32
        %dma_wait3A_81 = arith.constant 0 : i32
        %dma_wait3A_82 = tpu.memref_slice %arg9[%while3A_53, %dma_wait3A, %dma_wait3A_81] : memref<4x64x128xf32, #tpu.memory_space<vmem>> -> memref<1x64x128xf32, #tpu.memory_space<vmem>>
        %dma_wait3A_83 = tpu.memref_squeeze %dma_wait3A_82 : memref<1x64x128xf32, #tpu.memory_space<vmem>> -> memref<64x128xf32, #tpu.memory_space<vmem>>
        %dma_wait3A_84 = arith.constant 0 : i32
        %dma_wait3A_85 = tpu.memref_slice %arg10[%mul3A_68, %dma_wait3A_84] : memref<10112x128xf32, #tpu.memory_space<vmem_shared>> -> memref<64x128xf32, #tpu.memory_space<vmem_shared>>
        %dma_wait3A_86 = arith.constant 0 : i32
        %dma_wait3A_87 = arith.constant 0 : i32
        %dma_wait3A_88 = tpu.memref_slice %arg9[%while3A_53, %dma_wait3A_86, %dma_wait3A_87] : memref<4x64x128xf32, #tpu.memory_space<vmem>> -> memref<1x64x128xf32, #tpu.memory_space<vmem>>
        %dma_wait3A_89 = tpu.memref_squeeze %dma_wait3A_88 : memref<1x64x128xf32, #tpu.memory_space<vmem>> -> memref<64x128xf32, #tpu.memory_space<vmem>>
        %dma_wait3A_90 = arith.constant 0 : i32
        %dma_wait3A_91 = tpu.memref_slice %arg10[%mul3A_68, %dma_wait3A_90] : memref<10112x128xf32, #tpu.memory_space<vmem_shared>> -> memref<64x128xf32, #tpu.memory_space<vmem_shared>>
        tpu.wait_dma2 semaphore(%run_scoped3A_69 : memref<!tpu.dma_semaphore, #tpu.memory_space<semaphore_mem>>) src(%dma_wait3A_91 : memref<64x128xf32, #tpu.memory_space<vmem_shared>>) dst(%dma_wait3A_89 : memref<64x128xf32, #tpu.memory_space<vmem>>)
        tpu.yield
      }) : () -> ()
      "tpu.region"() ({
        %run_scoped3A_69 = tpu.sem_alloc : memref<!tpu.dma_semaphore, #tpu.memory_space<semaphore_mem>>
        %dma_start3A = arith.constant 0 : i32
        %dma_start3A_70 = arith.constant 0 : i32
        %dma_start3A_71 = tpu.memref_slice %arg9[%while3A_53, %dma_start3A, %dma_start3A_70] : memref<4x64x128xf32, #tpu.memory_space<vmem>> -> memref<1x64x128xf32, #tpu.memory_space<vmem>>
        %dma_start3A_72 = tpu.memref_squeeze %dma_start3A_71 : memref<1x64x128xf32, #tpu.memory_space<vmem>> -> memref<64x128xf32, #tpu.memory_space<vmem>>
        %dma_start3A_73 = arith.constant 0 : i32
        %dma_start3A_74 = tpu.memref_slice %arg6[%arg0, %mul3A_68, %dma_start3A_73] : memref<2x10112x128xf32, #tpu.memory_space<hbm>> -> memref<1x64x128xf32, #tpu.memory_space<hbm>>
        %dma_start3A_75 = tpu.memref_squeeze %dma_start3A_74 : memref<1x64x128xf32, #tpu.memory_space<hbm>> -> memref<64x128xf32, #tpu.memory_space<hbm>>
        %dma_start3A_76 = arith.constant 0 : i32
        %dma_start3A_77 = tpu.memref_slice %arg6[%arg0, %mul3A_68, %dma_start3A_76] : memref<2x10112x128xf32, #tpu.memory_space<hbm>> -> memref<1x64x128xf32, #tpu.memory_space<hbm>>
        %dma_start3A_78 = tpu.memref_squeeze %dma_start3A_77 : memref<1x64x128xf32, #tpu.memory_space<hbm>> -> memref<64x128xf32, #tpu.memory_space<hbm>>
        %dma_start3A_79 = arith.constant 0 : i32
        %dma_start3A_80 = arith.constant 0 : i32
        %dma_start3A_81 = tpu.memref_slice %arg9[%while3A_53, %dma_start3A_79, %dma_start3A_80] : memref<4x64x128xf32, #tpu.memory_space<vmem>> -> memref<1x64x128xf32, #tpu.memory_space<vmem>>
        %dma_start3A_82 = tpu.memref_squeeze %dma_start3A_81 : memref<1x64x128xf32, #tpu.memory_space<vmem>> -> memref<64x128xf32, #tpu.memory_space<vmem>>
        tpu.enqueue_dma source(%dma_start3A_82 : memref<64x128xf32, #tpu.memory_space<vmem>>) target(%dma_start3A_78 : memref<64x128xf32, #tpu.memory_space<hbm>>) target_semaphore(%run_scoped3A_69 : memref<!tpu.dma_semaphore, #tpu.memory_space<semaphore_mem>>)
        %dma_wait3A = arith.constant 0 : i32
        %dma_wait3A_83 = arith.constant 0 : i32
        %dma_wait3A_84 = tpu.memref_slice %arg9[%while3A_53, %dma_wait3A, %dma_wait3A_83] : memref<4x64x128xf32, #tpu.memory_space<vmem>> -> memref<1x64x128xf32, #tpu.memory_space<vmem>>
        %dma_wait3A_85 = tpu.memref_squeeze %dma_wait3A_84 : memref<1x64x128xf32, #tpu.memory_space<vmem>> -> memref<64x128xf32, #tpu.memory_space<vmem>>
        %dma_wait3A_86 = arith.constant 0 : i32
        %dma_wait3A_87 = tpu.memref_slice %arg6[%arg0, %mul3A_68, %dma_wait3A_86] : memref<2x10112x128xf32, #tpu.memory_space<hbm>> -> memref<1x64x128xf32, #tpu.memory_space<hbm>>
        %dma_wait3A_88 = tpu.memref_squeeze %dma_wait3A_87 : memref<1x64x128xf32, #tpu.memory_space<hbm>> -> memref<64x128xf32, #tpu.memory_space<hbm>>
        %dma_wait3A_89 = arith.constant 0 : i32
        %dma_wait3A_90 = tpu.memref_slice %arg6[%arg0, %mul3A_68, %dma_wait3A_89] : memref<2x10112x128xf32, #tpu.memory_space<hbm>> -> memref<1x64x128xf32, #tpu.memory_space<hbm>>
        %dma_wait3A_91 = tpu.memref_squeeze %dma_wait3A_90 : memref<1x64x128xf32, #tpu.memory_space<hbm>> -> memref<64x128xf32, #tpu.memory_space<hbm>>
        %dma_wait3A_92 = arith.constant 0 : i32
        %dma_wait3A_93 = arith.constant 0 : i32
        %dma_wait3A_94 = tpu.memref_slice %arg9[%while3A_53, %dma_wait3A_92, %dma_wait3A_93] : memref<4x64x128xf32, #tpu.memory_space<vmem>> -> memref<1x64x128xf32, #tpu.memory_space<vmem>>
        %dma_wait3A_95 = tpu.memref_squeeze %dma_wait3A_94 : memref<1x64x128xf32, #tpu.memory_space<vmem>> -> memref<64x128xf32, #tpu.memory_space<vmem>>
        tpu.wait_dma2 semaphore(%run_scoped3A_69 : memref<!tpu.dma_semaphore, #tpu.memory_space<semaphore_mem>>) src(%dma_wait3A_95 : memref<64x128xf32, #tpu.memory_space<vmem>>) dst(%dma_wait3A_91 : memref<64x128xf32, #tpu.memory_space<hbm>>)
        tpu.yield
      }) : () -> ()
    }
    return
  }
}

#map = affine_map<(d0, d1) -> (0, 0)>
#map1 = affine_map<(d0, d1) -> (0, 0, 0)>
module attributes {stable_mosaic.version = 14 : i64} {
  func.func @body(%arg0: i32, %arg1: i32, %arg2: memref<10000x128xf32, #tpu.memory_space<hbm>>, %arg3: memref<5120x64xi32, #tpu.memory_space<hbm>>, %arg4: memref<5120x64xi32, #tpu.memory_space<hbm>>, %arg5: memref<10112x128xf32, #tpu.memory_space<hbm>>, %arg6: memref<2x10112x128xf32, #tpu.memory_space<hbm>>, %arg7: memref<32x64xi32, #tpu.memory_space<vmem>>, %arg8: memref<32x64xi32, #tpu.memory_space<vmem>>, %arg9: memref<4x64x128xf32, #tpu.memory_space<vmem>>, %arg10: memref<10112x128xf32, #tpu.memory_space<vmem_shared>>, %arg11: memref<!tpu.dma_semaphore, #tpu.memory_space<semaphore_mem>>, %arg12: memref<!tpu.dma_semaphore, #tpu.memory_space<semaphore_mem>>, %arg13: memref<!tpu.dma_semaphore, #tpu.memory_space<semaphore_mem>>, %arg14: memref<!tpu.dma_semaphore, #tpu.memory_space<semaphore_mem>>) attributes {dimension_semantics = [#tpu.dimension_semantics<core_parallel>, #tpu.dimension_semantics<subcore_parallel>], iteration_bounds = array<i64: 2, 16>, scalar_prefetch = 0 : i64, scratch_operands = 8 : i64, tpu.core_type = #tpu.core_type<sc_vector_subcore>, window_params = [{transform_indices = #map}, {transform_indices = #map}, {transform_indices = #map}, {transform_indices = #map}, {transform_indices = #map1}]} {
    %sub3A = arith.constant 157 : i32
    %sub3A_0 = arith.subi %sub3A, %arg1 : i32
    %jit3A = arith.constant 16 : i32
    %div3A = arith.divsi %sub3A_0, %jit3A : i32
    %sign3A = arith.constant 0 : i32
    %sign3A_1 = arith.cmpi sgt, %sub3A_0, %sign3A : i32
    %sign3A_2 = arith.extui %sign3A_1 : i1 to i32
    %sign3A_3 = arith.constant 0 : i32
    %sign3A_4 = arith.cmpi slt, %sub3A_0, %sign3A_3 : i32
    %sign3A_5 = arith.extui %sign3A_4 : i1 to i32
    %sign3A_6 = arith.subi %sign3A_2, %sign3A_5 : i32
    %sign3A_7 = arith.constant 0 : i32
    %sign3A_8 = arith.cmpi sgt, %jit3A, %sign3A_7 : i32
    %sign3A_9 = arith.extui %sign3A_8 : i1 to i32
    %sign3A_10 = arith.constant 0 : i32
    %sign3A_11 = arith.cmpi slt, %jit3A, %sign3A_10 : i32
    %sign3A_12 = arith.extui %sign3A_11 : i1 to i32
    %sign3A_13 = arith.subi %sign3A_9, %sign3A_12 : i32
    %ne3A = arith.cmpi ne, %sign3A_6, %sign3A_13 : i32
    %rem3A = arith.remsi %sub3A_0, %jit3A : i32
    %ne3A_14 = arith.constant 0 : i32
    %ne3A_15 = arith.cmpi ne, %rem3A, %ne3A_14 : i32
    %and3A = arith.andi %ne3A, %ne3A_15 : i1
    %sub3A_16 = arith.constant 1 : i32
    %sub3A_17 = arith.subi %div3A, %sub3A_16 : i32
    %select_n3A = arith.select %and3A, %sub3A_17, %div3A : i32
    %add3A = arith.constant 1 : i32
    %add3A_18 = arith.addi %select_n3A, %add3A : i32
    %eq3A = arith.constant 0 : i32
    %eq3A_19 = arith.cmpi eq, %arg0, %eq3A : i32
    %mul3A = arith.constant 256 : i32
    %mul3A_20 = arith.muli %arg1, %mul3A : i32
    %mul3A_21 = arith.constant 64 : i32
    %mul3A_22 = arith.muli %arg1, %mul3A_21 : i32
    %add3A_23 = arith.constant 4096 : i32
    %add3A_24 = arith.addi %add3A_23, %mul3A_22 : i32
    %select_n3A_25 = arith.select %eq3A_19, %mul3A_20, %add3A_24 : i32
    %eq3A_26 = arith.constant 0 : i32
    %eq3A_27 = arith.cmpi eq, %arg0, %eq3A_26 : i32
    %jit3A_28 = arith.constant 8 : i32
    %jit3A_29 = arith.constant 2 : i32
    %select_n3A_30 = arith.select %eq3A_27, %jit3A_28, %jit3A_29 : i32
    %run_scoped3A = arith.constant 0 : i32
    "tpu.region"() ({
      %run_scoped3A_63 = tpu.sem_alloc : memref<!tpu.dma_semaphore, #tpu.memory_space<semaphore_mem>>
      %dma_start3A = arith.constant 0 : i32
      %dma_start3A_64 = arith.constant 0 : i32
      %dma_start3A_65 = tpu.memref_slice %arg9[%run_scoped3A, %dma_start3A, %dma_start3A_64] : memref<4x64x128xf32, #tpu.memory_space<vmem>> -> memref<1x64x128xf32, #tpu.memory_space<vmem>>
      %dma_start3A_66 = tpu.memref_squeeze %dma_start3A_65 : memref<1x64x128xf32, #tpu.memory_space<vmem>> -> memref<64x128xf32, #tpu.memory_space<vmem>>
      %dma_start3A_67 = arith.constant 0 : i32
      %dma_start3A_68 = arith.constant 0 : i32
      %dma_start3A_69 = tpu.memref_slice %arg5[%dma_start3A_67, %dma_start3A_68] : memref<10112x128xf32, #tpu.memory_space<hbm>> -> memref<64x128xf32, #tpu.memory_space<hbm>>
      %dma_start3A_70 = arith.constant 0 : i32
      %dma_start3A_71 = arith.constant 0 : i32
      %dma_start3A_72 = tpu.memref_slice %arg9[%run_scoped3A, %dma_start3A_70, %dma_start3A_71] : memref<4x64x128xf32, #tpu.memory_space<vmem>> -> memref<1x64x128xf32, #tpu.memory_space<vmem>>
      %dma_start3A_73 = tpu.memref_squeeze %dma_start3A_72 : memref<1x64x128xf32, #tpu.memory_space<vmem>> -> memref<64x128xf32, #tpu.memory_space<vmem>>
      %dma_start3A_74 = arith.constant 0 : i32
      %dma_start3A_75 = arith.constant 0 : i32
      %dma_start3A_76 = tpu.memref_slice %arg5[%dma_start3A_74, %dma_start3A_75] : memref<10112x128xf32, #tpu.memory_space<hbm>> -> memref<64x128xf32, #tpu.memory_space<hbm>>
      tpu.enqueue_dma source(%dma_start3A_76 : memref<64x128xf32, #tpu.memory_space<hbm>>) target(%dma_start3A_73 : memref<64x128xf32, #tpu.memory_space<vmem>>) target_semaphore(%run_scoped3A_63 : memref<!tpu.dma_semaphore, #tpu.memory_space<semaphore_mem>>)
      %dma_wait3A = arith.constant 0 : i32
      %dma_wait3A_77 = arith.constant 0 : i32
      %dma_wait3A_78 = tpu.memref_slice %arg9[%run_scoped3A, %dma_wait3A, %dma_wait3A_77] : memref<4x64x128xf32, #tpu.memory_space<vmem>> -> memref<1x64x128xf32, #tpu.memory_space<vmem>>
      %dma_wait3A_79 = tpu.memref_squeeze %dma_wait3A_78 : memref<1x64x128xf32, #tpu.memory_space<vmem>> -> memref<64x128xf32, #tpu.memory_space<vmem>>
      %dma_wait3A_80 = arith.constant 0 : i32
      %dma_wait3A_81 = arith.constant 0 : i32
      %dma_wait3A_82 = tpu.memref_slice %arg5[%dma_wait3A_80, %dma_wait3A_81] : memref<10112x128xf32, #tpu.memory_space<hbm>> -> memref<64x128xf32, #tpu.memory_space<hbm>>
      %dma_wait3A_83 = arith.constant 0 : i32
      %dma_wait3A_84 = arith.constant 0 : i32
      %dma_wait3A_85 = tpu.memref_slice %arg9[%run_scoped3A, %dma_wait3A_83, %dma_wait3A_84] : memref<4x64x128xf32, #tpu.memory_space<vmem>> -> memref<1x64x128xf32, #tpu.memory_space<vmem>>
      %dma_wait3A_86 = tpu.memref_squeeze %dma_wait3A_85 : memref<1x64x128xf32, #tpu.memory_space<vmem>> -> memref<64x128xf32, #tpu.memory_space<vmem>>
      %dma_wait3A_87 = arith.constant 0 : i32
      %dma_wait3A_88 = arith.constant 0 : i32
      %dma_wait3A_89 = tpu.memref_slice %arg5[%dma_wait3A_87, %dma_wait3A_88] : memref<10112x128xf32, #tpu.memory_space<hbm>> -> memref<64x128xf32, #tpu.memory_space<hbm>>
      tpu.wait_dma2 semaphore(%run_scoped3A_63 : memref<!tpu.dma_semaphore, #tpu.memory_space<semaphore_mem>>) src(%dma_wait3A_89 : memref<64x128xf32, #tpu.memory_space<hbm>>) dst(%dma_wait3A_86 : memref<64x128xf32, #tpu.memory_space<vmem>>)
      tpu.yield
    }) : () -> ()
    %while3A = arith.constant 0 : i32
    %while3A_31 = arith.constant 0 : i32
    %while3A_32 = arith.constant 0 : i32
    %while3A_33 = arith.subi %add3A_18, %while3A_32 : i32
    %while3A_34 = arith.addi %while3A_32, %while3A_33 : i32
    %while3A_35 = arith.constant 1 : i32
    %while3A_36 = arith.divsi %while3A_33, %while3A_35 : i32
    %while3A_37 = arith.muli %while3A_36, %while3A_35 : i32
    %while3A_38 = arith.addi %while3A_32, %while3A_37 : i32
    %while3A_39 = arith.constant 1 : i32
    scf.for %while3A_63 = %while3A_32 to %while3A_38 step %while3A_39  : i32 {
      %mul3A_64 = arith.constant 16 : i32
      %mul3A_65 = arith.muli %while3A_63, %mul3A_64 : i32
      %add3A_66 = arith.addi %arg1, %mul3A_65 : i32
      %mul3A_67 = arith.constant 64 : i32
      %mul3A_68 = arith.muli %add3A_66, %mul3A_67 : i32
      "tpu.region"() ({
        %run_scoped3A_69 = tpu.sem_alloc : memref<!tpu.dma_semaphore, #tpu.memory_space<semaphore_mem>>
        %dma_start3A = arith.constant 0 : i32
        %dma_start3A_70 = arith.constant 0 : i32
        %dma_start3A_71 = tpu.memref_slice %arg9[%while3A_31, %dma_start3A, %dma_start3A_70] : memref<4x64x128xf32, #tpu.memory_space<vmem>> -> memref<1x64x128xf32, #tpu.memory_space<vmem>>
        %dma_start3A_72 = tpu.memref_squeeze %dma_start3A_71 : memref<1x64x128xf32, #tpu.memory_space<vmem>> -> memref<64x128xf32, #tpu.memory_space<vmem>>
        %dma_start3A_73 = arith.constant 0 : i32
        %dma_start3A_74 = tpu.memref_slice %arg10[%mul3A_68, %dma_start3A_73] : memref<10112x128xf32, #tpu.memory_space<vmem_shared>> -> memref<64x128xf32, #tpu.memory_space<vmem_shared>>
        %dma_start3A_75 = arith.constant 0 : i32
        %dma_start3A_76 = tpu.memref_slice %arg10[%mul3A_68, %dma_start3A_75] : memref<10112x128xf32, #tpu.memory_space<vmem_shared>> -> memref<64x128xf32, #tpu.memory_space<vmem_shared>>
        %dma_start3A_77 = arith.constant 0 : i32
        %dma_start3A_78 = arith.constant 0 : i32
        %dma_start3A_79 = tpu.memref_slice %arg9[%while3A_31, %dma_start3A_77, %dma_start3A_78] : memref<4x64x128xf32, #tpu.memory_space<vmem>> -> memref<1x64x128xf32, #tpu.memory_space<vmem>>
        %dma_start3A_80 = tpu.memref_squeeze %dma_start3A_79 : memref<1x64x128xf32, #tpu.memory_space<vmem>> -> memref<64x128xf32, #tpu.memory_space<vmem>>
        tpu.enqueue_dma source(%dma_start3A_80 : memref<64x128xf32, #tpu.memory_space<vmem>>) target(%dma_start3A_76 : memref<64x128xf32, #tpu.memory_space<vmem_shared>>) target_semaphore(%run_scoped3A_69 : memref<!tpu.dma_semaphore, #tpu.memory_space<semaphore_mem>>)
        %dma_wait3A = arith.constant 0 : i32
        %dma_wait3A_81 = arith.constant 0 : i32
        %dma_wait3A_82 = tpu.memref_slice %arg9[%while3A_31, %dma_wait3A, %dma_wait3A_81] : memref<4x64x128xf32, #tpu.memory_space<vmem>> -> memref<1x64x128xf32, #tpu.memory_space<vmem>>
        %dma_wait3A_83 = tpu.memref_squeeze %dma_wait3A_82 : memref<1x64x128xf32, #tpu.memory_space<vmem>> -> memref<64x128xf32, #tpu.memory_space<vmem>>
        %dma_wait3A_84 = arith.constant 0 : i32
        %dma_wait3A_85 = tpu.memref_slice %arg10[%mul3A_68, %dma_wait3A_84] : memref<10112x128xf32, #tpu.memory_space<vmem_shared>> -> memref<64x128xf32, #tpu.memory_space<vmem_shared>>
        %dma_wait3A_86 = arith.constant 0 : i32
        %dma_wait3A_87 = tpu.memref_slice %arg10[%mul3A_68, %dma_wait3A_86] : memref<10112x128xf32, #tpu.memory_space<vmem_shared>> -> memref<64x128xf32, #tpu.memory_space<vmem_shared>>
        %dma_wait3A_88 = arith.constant 0 : i32
        %dma_wait3A_89 = arith.constant 0 : i32
        %dma_wait3A_90 = tpu.memref_slice %arg9[%while3A_31, %dma_wait3A_88, %dma_wait3A_89] : memref<4x64x128xf32, #tpu.memory_space<vmem>> -> memref<1x64x128xf32, #tpu.memory_space<vmem>>
        %dma_wait3A_91 = tpu.memref_squeeze %dma_wait3A_90 : memref<1x64x128xf32, #tpu.memory_space<vmem>> -> memref<64x128xf32, #tpu.memory_space<vmem>>
        tpu.wait_dma2 semaphore(%run_scoped3A_69 : memref<!tpu.dma_semaphore, #tpu.memory_space<semaphore_mem>>) src(%dma_wait3A_91 : memref<64x128xf32, #tpu.memory_space<vmem>>) dst(%dma_wait3A_87 : memref<64x128xf32, #tpu.memory_space<vmem_shared>>)
        tpu.yield
      }) : () -> ()
    }
    %while3A_40 = arith.constant 1 : i32
    scf.for %while3A_63 = %while3A_38 to %while3A_34 step %while3A_40  : i32 {
      %mul3A_64 = arith.constant 16 : i32
      %mul3A_65 = arith.muli %while3A_63, %mul3A_64 : i32
      %add3A_66 = arith.addi %arg1, %mul3A_65 : i32
      %mul3A_67 = arith.constant 64 : i32
      %mul3A_68 = arith.muli %add3A_66, %mul3A_67 : i32
      "tpu.region"() ({
        %run_scoped3A_69 = tpu.sem_alloc : memref<!tpu.dma_semaphore, #tpu.memory_space<semaphore_mem>>
        %dma_start3A = arith.constant 0 : i32
        %dma_start3A_70 = arith.constant 0 : i32
        %dma_start3A_71 = tpu.memref_slice %arg9[%while3A_31, %dma_start3A, %dma_start3A_70] : memref<4x64x128xf32, #tpu.memory_space<vmem>> -> memref<1x64x128xf32, #tpu.memory_space<vmem>>
        %dma_start3A_72 = tpu.memref_squeeze %dma_start3A_71 : memref<1x64x128xf32, #tpu.memory_space<vmem>> -> memref<64x128xf32, #tpu.memory_space<vmem>>
        %dma_start3A_73 = arith.constant 0 : i32
        %dma_start3A_74 = tpu.memref_slice %arg10[%mul3A_68, %dma_start3A_73] : memref<10112x128xf32, #tpu.memory_space<vmem_shared>> -> memref<64x128xf32, #tpu.memory_space<vmem_shared>>
        %dma_start3A_75 = arith.constant 0 : i32
        %dma_start3A_76 = tpu.memref_slice %arg10[%mul3A_68, %dma_start3A_75] : memref<10112x128xf32, #tpu.memory_space<vmem_shared>> -> memref<64x128xf32, #tpu.memory_space<vmem_shared>>
        %dma_start3A_77 = arith.constant 0 : i32
        %dma_start3A_78 = arith.constant 0 : i32
        %dma_start3A_79 = tpu.memref_slice %arg9[%while3A_31, %dma_start3A_77, %dma_start3A_78] : memref<4x64x128xf32, #tpu.memory_space<vmem>> -> memref<1x64x128xf32, #tpu.memory_space<vmem>>
        %dma_start3A_80 = tpu.memref_squeeze %dma_start3A_79 : memref<1x64x128xf32, #tpu.memory_space<vmem>> -> memref<64x128xf32, #tpu.memory_space<vmem>>
        tpu.enqueue_dma source(%dma_start3A_80 : memref<64x128xf32, #tpu.memory_space<vmem>>) target(%dma_start3A_76 : memref<64x128xf32, #tpu.memory_space<vmem_shared>>) target_semaphore(%run_scoped3A_69 : memref<!tpu.dma_semaphore, #tpu.memory_space<semaphore_mem>>)
        %dma_wait3A = arith.constant 0 : i32
        %dma_wait3A_81 = arith.constant 0 : i32
        %dma_wait3A_82 = tpu.memref_slice %arg9[%while3A_31, %dma_wait3A, %dma_wait3A_81] : memref<4x64x128xf32, #tpu.memory_space<vmem>> -> memref<1x64x128xf32, #tpu.memory_space<vmem>>
        %dma_wait3A_83 = tpu.memref_squeeze %dma_wait3A_82 : memref<1x64x128xf32, #tpu.memory_space<vmem>> -> memref<64x128xf32, #tpu.memory_space<vmem>>
        %dma_wait3A_84 = arith.constant 0 : i32
        %dma_wait3A_85 = tpu.memref_slice %arg10[%mul3A_68, %dma_wait3A_84] : memref<10112x128xf32, #tpu.memory_space<vmem_shared>> -> memref<64x128xf32, #tpu.memory_space<vmem_shared>>
        %dma_wait3A_86 = arith.constant 0 : i32
        %dma_wait3A_87 = tpu.memref_slice %arg10[%mul3A_68, %dma_wait3A_86] : memref<10112x128xf32, #tpu.memory_space<vmem_shared>> -> memref<64x128xf32, #tpu.memory_space<vmem_shared>>
        %dma_wait3A_88 = arith.constant 0 : i32
        %dma_wait3A_89 = arith.constant 0 : i32
        %dma_wait3A_90 = tpu.memref_slice %arg9[%while3A_31, %dma_wait3A_88, %dma_wait3A_89] : memref<4x64x128xf32, #tpu.memory_space<vmem>> -> memref<1x64x128xf32, #tpu.memory_space<vmem>>
        %dma_wait3A_91 = tpu.memref_squeeze %dma_wait3A_90 : memref<1x64x128xf32, #tpu.memory_space<vmem>> -> memref<64x128xf32, #tpu.memory_space<vmem>>
        tpu.wait_dma2 semaphore(%run_scoped3A_69 : memref<!tpu.dma_semaphore, #tpu.memory_space<semaphore_mem>>) src(%dma_wait3A_91 : memref<64x128xf32, #tpu.memory_space<vmem>>) dst(%dma_wait3A_87 : memref<64x128xf32, #tpu.memory_space<vmem_shared>>)
        tpu.yield
      }) : () -> ()
    }
    %barrier3A = arith.constant 0 : index
    tpu.barrier barrier_id(%barrier3A)
    %while3A_41 = arith.constant 0 : i32
    %while3A_42 = arith.constant 0 : i32
    %while3A_43 = arith.subi %select_n3A_30, %while3A_42 : i32
    %while3A_44 = arith.addi %while3A_42, %while3A_43 : i32
    %while3A_45 = arith.constant 1 : i32
    %while3A_46 = arith.divsi %while3A_43, %while3A_45 : i32
    %while3A_47 = arith.muli %while3A_46, %while3A_45 : i32
    %while3A_48 = arith.addi %while3A_42, %while3A_47 : i32
    %while3A_49 = arith.constant 1 : i32
    scf.for %while3A_63 = %while3A_42 to %while3A_48 step %while3A_49  : i32 {
      %mul3A_64 = arith.constant 32 : i32
      %mul3A_65 = arith.muli %while3A_63, %mul3A_64 : i32
      %add3A_66 = arith.addi %select_n3A_25, %mul3A_65 : i32
      "tpu.region"() ({
        %run_scoped3A_122 = tpu.sem_alloc : memref<!tpu.dma_semaphore, #tpu.memory_space<semaphore_mem>>
        %dma_start3A_123 = arith.constant 0 : i32
        %dma_start3A_124 = tpu.memref_slice %arg3[%add3A_66, %dma_start3A_123] : memref<5120x64xi32, #tpu.memory_space<hbm>> -> memref<32x64xi32, #tpu.memory_space<hbm>>
        %dma_start3A_125 = arith.constant 0 : i32
        %dma_start3A_126 = tpu.memref_slice %arg3[%add3A_66, %dma_start3A_125] : memref<5120x64xi32, #tpu.memory_space<hbm>> -> memref<32x64xi32, #tpu.memory_space<hbm>>
        tpu.enqueue_dma source(%dma_start3A_126 : memref<32x64xi32, #tpu.memory_space<hbm>>) target(%arg7 : memref<32x64xi32, #tpu.memory_space<vmem>>) target_semaphore(%run_scoped3A_122 : memref<!tpu.dma_semaphore, #tpu.memory_space<semaphore_mem>>)
        %dma_wait3A = arith.constant 0 : i32
        %dma_wait3A_127 = tpu.memref_slice %arg3[%add3A_66, %dma_wait3A] : memref<5120x64xi32, #tpu.memory_space<hbm>> -> memref<32x64xi32, #tpu.memory_space<hbm>>
        %dma_wait3A_128 = arith.constant 0 : i32
        %dma_wait3A_129 = tpu.memref_slice %arg3[%add3A_66, %dma_wait3A_128] : memref<5120x64xi32, #tpu.memory_space<hbm>> -> memref<32x64xi32, #tpu.memory_space<hbm>>
        tpu.wait_dma2 semaphore(%run_scoped3A_122 : memref<!tpu.dma_semaphore, #tpu.memory_space<semaphore_mem>>) src(%dma_wait3A_129 : memref<32x64xi32, #tpu.memory_space<hbm>>) dst(%arg7 : memref<32x64xi32, #tpu.memory_space<vmem>>)
        tpu.yield
      }) : () -> ()
      %mul3A_67 = arith.constant 32 : i32
      %mul3A_68 = arith.muli %while3A_63, %mul3A_67 : i32
      %add3A_69 = arith.addi %select_n3A_25, %mul3A_68 : i32
      "tpu.region"() ({
        %run_scoped3A_122 = tpu.sem_alloc : memref<!tpu.dma_semaphore, #tpu.memory_space<semaphore_mem>>
        %dma_start3A_123 = arith.constant 0 : i32
        %dma_start3A_124 = tpu.memref_slice %arg4[%add3A_69, %dma_start3A_123] : memref<5120x64xi32, #tpu.memory_space<hbm>> -> memref<32x64xi32, #tpu.memory_space<hbm>>
        %dma_start3A_125 = arith.constant 0 : i32
        %dma_start3A_126 = tpu.memref_slice %arg4[%add3A_69, %dma_start3A_125] : memref<5120x64xi32, #tpu.memory_space<hbm>> -> memref<32x64xi32, #tpu.memory_space<hbm>>
        tpu.enqueue_dma source(%dma_start3A_126 : memref<32x64xi32, #tpu.memory_space<hbm>>) target(%arg8 : memref<32x64xi32, #tpu.memory_space<vmem>>) target_semaphore(%run_scoped3A_122 : memref<!tpu.dma_semaphore, #tpu.memory_space<semaphore_mem>>)
        %dma_wait3A = arith.constant 0 : i32
        %dma_wait3A_127 = tpu.memref_slice %arg4[%add3A_69, %dma_wait3A] : memref<5120x64xi32, #tpu.memory_space<hbm>> -> memref<32x64xi32, #tpu.memory_space<hbm>>
        %dma_wait3A_128 = arith.constant 0 : i32
        %dma_wait3A_129 = tpu.memref_slice %arg4[%add3A_69, %dma_wait3A_128] : memref<5120x64xi32, #tpu.memory_space<hbm>> -> memref<32x64xi32, #tpu.memory_space<hbm>>
        tpu.wait_dma2 semaphore(%run_scoped3A_122 : memref<!tpu.dma_semaphore, #tpu.memory_space<semaphore_mem>>) src(%dma_wait3A_129 : memref<32x64xi32, #tpu.memory_space<hbm>>) dst(%arg8 : memref<32x64xi32, #tpu.memory_space<vmem>>)
        tpu.yield
      }) : () -> ()
      %dma_start3A = arith.constant 0 : i32
      %dma_start3A_70 = arith.constant 0 : i32
      %dma_start3A_71 = arith.constant 0 : i32
      %dma_start3A_72 = arith.constant 0 : i32
      %dma_start3A_73 = tpu.memref_slice %arg9[%dma_start3A_70, %dma_start3A_71, %dma_start3A_72] : memref<4x64x128xf32, #tpu.memory_space<vmem>> -> memref<1x64x128xf32, #tpu.memory_space<vmem>>
      %dma_start3A_74 = tpu.memref_squeeze %dma_start3A_73 : memref<1x64x128xf32, #tpu.memory_space<vmem>> -> memref<64x128xf32, #tpu.memory_space<vmem>>
      %dma_start3A_75 = arith.constant 0 : i32
      %dma_start3A_76 = tpu.memref_slice %arg7[%dma_start3A, %dma_start3A_75] : memref<32x64xi32, #tpu.memory_space<vmem>> -> memref<1x64xi32, #tpu.memory_space<vmem>>
      %dma_start3A_77 = tpu.memref_squeeze %dma_start3A_76 : memref<1x64xi32, #tpu.memory_space<vmem>> -> memref<64xi32, #tpu.memory_space<vmem>>
      %dma_start3A_78 = arith.constant 0 : i32
      %dma_start3A_79 = arith.constant 0 : i32
      %dma_start3A_80 = tpu.memref_slice %arg2[%dma_start3A_78, %dma_start3A_79] : memref<10000x128xf32, #tpu.memory_space<hbm>> -> memref<10000x128xf32, #tpu.memory_space<hbm>>
      tpu.enqueue_indirect_dma source(%dma_start3A_80 : memref<10000x128xf32, #tpu.memory_space<hbm>>) target(%dma_start3A_74 : memref<64x128xf32, #tpu.memory_space<vmem>>) offsets(%dma_start3A_77 : memref<64xi32, #tpu.memory_space<vmem>>) semaphore(%arg11 : memref<!tpu.dma_semaphore, #tpu.memory_space<semaphore_mem>>)
      %dma_start3A_81 = arith.constant 1 : i32
      %dma_start3A_82 = arith.constant 1 : i32
      %dma_start3A_83 = arith.constant 0 : i32
      %dma_start3A_84 = arith.constant 0 : i32
      %dma_start3A_85 = tpu.memref_slice %arg9[%dma_start3A_82, %dma_start3A_83, %dma_start3A_84] : memref<4x64x128xf32, #tpu.memory_space<vmem>> -> memref<1x64x128xf32, #tpu.memory_space<vmem>>
      %dma_start3A_86 = tpu.memref_squeeze %dma_start3A_85 : memref<1x64x128xf32, #tpu.memory_space<vmem>> -> memref<64x128xf32, #tpu.memory_space<vmem>>
      %dma_start3A_87 = arith.constant 0 : i32
      %dma_start3A_88 = tpu.memref_slice %arg7[%dma_start3A_81, %dma_start3A_87] : memref<32x64xi32, #tpu.memory_space<vmem>> -> memref<1x64xi32, #tpu.memory_space<vmem>>
      %dma_start3A_89 = tpu.memref_squeeze %dma_start3A_88 : memref<1x64xi32, #tpu.memory_space<vmem>> -> memref<64xi32, #tpu.memory_space<vmem>>
      %dma_start3A_90 = arith.constant 0 : i32
      %dma_start3A_91 = arith.constant 0 : i32
      %dma_start3A_92 = tpu.memref_slice %arg2[%dma_start3A_90, %dma_start3A_91] : memref<10000x128xf32, #tpu.memory_space<hbm>> -> memref<10000x128xf32, #tpu.memory_space<hbm>>
      tpu.enqueue_indirect_dma source(%dma_start3A_92 : memref<10000x128xf32, #tpu.memory_space<hbm>>) target(%dma_start3A_86 : memref<64x128xf32, #tpu.memory_space<vmem>>) offsets(%dma_start3A_89 : memref<64xi32, #tpu.memory_space<vmem>>) semaphore(%arg12 : memref<!tpu.dma_semaphore, #tpu.memory_space<semaphore_mem>>)
      %dma_start3A_93 = arith.constant 2 : i32
      %dma_start3A_94 = arith.constant 2 : i32
      %dma_start3A_95 = arith.constant 0 : i32
      %dma_start3A_96 = arith.constant 0 : i32
      %dma_start3A_97 = tpu.memref_slice %arg9[%dma_start3A_94, %dma_start3A_95, %dma_start3A_96] : memref<4x64x128xf32, #tpu.memory_space<vmem>> -> memref<1x64x128xf32, #tpu.memory_space<vmem>>
      %dma_start3A_98 = tpu.memref_squeeze %dma_start3A_97 : memref<1x64x128xf32, #tpu.memory_space<vmem>> -> memref<64x128xf32, #tpu.memory_space<vmem>>
      %dma_start3A_99 = arith.constant 0 : i32
      %dma_start3A_100 = tpu.memref_slice %arg7[%dma_start3A_93, %dma_start3A_99] : memref<32x64xi32, #tpu.memory_space<vmem>> -> memref<1x64xi32, #tpu.memory_space<vmem>>
      %dma_start3A_101 = tpu.memref_squeeze %dma_start3A_100 : memref<1x64xi32, #tpu.memory_space<vmem>> -> memref<64xi32, #tpu.memory_space<vmem>>
      %dma_start3A_102 = arith.constant 0 : i32
      %dma_start3A_103 = arith.constant 0 : i32
      %dma_start3A_104 = tpu.memref_slice %arg2[%dma_start3A_102, %dma_start3A_103] : memref<10000x128xf32, #tpu.memory_space<hbm>> -> memref<10000x128xf32, #tpu.memory_space<hbm>>
      tpu.enqueue_indirect_dma source(%dma_start3A_104 : memref<10000x128xf32, #tpu.memory_space<hbm>>) target(%dma_start3A_98 : memref<64x128xf32, #tpu.memory_space<vmem>>) offsets(%dma_start3A_101 : memref<64xi32, #tpu.memory_space<vmem>>) semaphore(%arg13 : memref<!tpu.dma_semaphore, #tpu.memory_space<semaphore_mem>>)
      %dma_start3A_105 = arith.constant 3 : i32
      %dma_start3A_106 = arith.constant 3 : i32
      %dma_start3A_107 = arith.constant 0 : i32
      %dma_start3A_108 = arith.constant 0 : i32
      %dma_start3A_109 = tpu.memref_slice %arg9[%dma_start3A_106, %dma_start3A_107, %dma_start3A_108] : memref<4x64x128xf32, #tpu.memory_space<vmem>> -> memref<1x64x128xf32, #tpu.memory_space<vmem>>
      %dma_start3A_110 = tpu.memref_squeeze %dma_start3A_109 : memref<1x64x128xf32, #tpu.memory_space<vmem>> -> memref<64x128xf32, #tpu.memory_space<vmem>>
      %dma_start3A_111 = arith.constant 0 : i32
      %dma_start3A_112 = tpu.memref_slice %arg7[%dma_start3A_105, %dma_start3A_111] : memref<32x64xi32, #tpu.memory_space<vmem>> -> memref<1x64xi32, #tpu.memory_space<vmem>>
      %dma_start3A_113 = tpu.memref_squeeze %dma_start3A_112 : memref<1x64xi32, #tpu.memory_space<vmem>> -> memref<64xi32, #tpu.memory_space<vmem>>
      %dma_start3A_114 = arith.constant 0 : i32
      %dma_start3A_115 = arith.constant 0 : i32
      %dma_start3A_116 = tpu.memref_slice %arg2[%dma_start3A_114, %dma_start3A_115] : memref<10000x128xf32, #tpu.memory_space<hbm>> -> memref<10000x128xf32, #tpu.memory_space<hbm>>
      tpu.enqueue_indirect_dma source(%dma_start3A_116 : memref<10000x128xf32, #tpu.memory_space<hbm>>) target(%dma_start3A_110 : memref<64x128xf32, #tpu.memory_space<vmem>>) offsets(%dma_start3A_113 : memref<64xi32, #tpu.memory_space<vmem>>) semaphore(%arg14 : memref<!tpu.dma_semaphore, #tpu.memory_space<semaphore_mem>>)
      %scan3A = arith.constant 0 : i32
      %scan3A_117 = arith.constant 0 : i32
      %scan3A_118 = arith.constant 8 : i32
      %scan3A_119 = arith.addi %scan3A_117, %scan3A_118 : i32
      %scan3A_120 = arith.constant 1 : i32
      scf.for %scan3A_122 = %scan3A_117 to %scan3A_119 step %scan3A_120  : i32 {
        %mul3A_123 = arith.constant 4 : i32
        %mul3A_124 = arith.muli %scan3A_122, %mul3A_123 : i32
        %add3A_125 = arith.constant 0 : i32
        %add3A_126 = arith.addi %mul3A_124, %add3A_125 : i32
        %dma_wait3A = arith.constant 0 : i32
        %dma_wait3A_127 = arith.constant 0 : i32
        %dma_wait3A_128 = arith.constant 0 : i32
        %dma_wait3A_129 = tpu.memref_slice %arg9[%dma_wait3A, %dma_wait3A_127, %dma_wait3A_128] : memref<4x64x128xf32, #tpu.memory_space<vmem>> -> memref<1x64x128xf32, #tpu.memory_space<vmem>>
        %dma_wait3A_130 = tpu.memref_squeeze %dma_wait3A_129 : memref<1x64x128xf32, #tpu.memory_space<vmem>> -> memref<64x128xf32, #tpu.memory_space<vmem>>
        %dma_wait3A_131 = arith.constant 0 : i32
        %dma_wait3A_132 = arith.constant 0 : i32
        %dma_wait3A_133 = tpu.memref_slice %arg2[%dma_wait3A_131, %dma_wait3A_132] : memref<10000x128xf32, #tpu.memory_space<hbm>> -> memref<64x128xf32, #tpu.memory_space<hbm>>
        %dma_wait3A_134 = arith.constant 0 : i32
        %dma_wait3A_135 = arith.constant 0 : i32
        %dma_wait3A_136 = tpu.memref_slice %arg9[%dma_wait3A, %dma_wait3A_134, %dma_wait3A_135] : memref<4x64x128xf32, #tpu.memory_space<vmem>> -> memref<1x64x128xf32, #tpu.memory_space<vmem>>
        %dma_wait3A_137 = tpu.memref_squeeze %dma_wait3A_136 : memref<1x64x128xf32, #tpu.memory_space<vmem>> -> memref<64x128xf32, #tpu.memory_space<vmem>>
        %dma_wait3A_138 = arith.constant 0 : i32
        %dma_wait3A_139 = arith.constant 0 : i32
        %dma_wait3A_140 = tpu.memref_slice %arg2[%dma_wait3A_138, %dma_wait3A_139] : memref<10000x128xf32, #tpu.memory_space<hbm>> -> memref<64x128xf32, #tpu.memory_space<hbm>>
        tpu.wait_dma2 semaphore(%arg11 : memref<!tpu.dma_semaphore, #tpu.memory_space<semaphore_mem>>) src(%dma_wait3A_140 : memref<64x128xf32, #tpu.memory_space<hbm>>) dst(%dma_wait3A_137 : memref<64x128xf32, #tpu.memory_space<vmem>>)
        %run_scoped3A_141 = arith.constant 0 : i32
        "tpu.region"() ({
          %run_scoped3A_227 = tpu.sem_alloc : memref<!tpu.dma_semaphore, #tpu.memory_space<semaphore_mem>>
          %dma_start3A_228 = arith.constant 0 : i32
          %dma_start3A_229 = arith.constant 0 : i32
          %dma_start3A_230 = tpu.memref_slice %arg9[%run_scoped3A_141, %dma_start3A_228, %dma_start3A_229] : memref<4x64x128xf32, #tpu.memory_space<vmem>> -> memref<1x64x128xf32, #tpu.memory_space<vmem>>
          %dma_start3A_231 = tpu.memref_squeeze %dma_start3A_230 : memref<1x64x128xf32, #tpu.memory_space<vmem>> -> memref<64x128xf32, #tpu.memory_space<vmem>>
          %dma_start3A_232 = arith.constant 0 : i32
          %dma_start3A_233 = tpu.memref_slice %arg8[%add3A_126, %dma_start3A_232] : memref<32x64xi32, #tpu.memory_space<vmem>> -> memref<1x64xi32, #tpu.memory_space<vmem>>
          %dma_start3A_234 = tpu.memref_squeeze %dma_start3A_233 : memref<1x64xi32, #tpu.memory_space<vmem>> -> memref<64xi32, #tpu.memory_space<vmem>>
          %dma_start3A_235 = arith.constant 0 : i32
          %dma_start3A_236 = arith.constant 0 : i32
          %dma_start3A_237 = tpu.memref_slice %arg10[%dma_start3A_235, %dma_start3A_236] : memref<10112x128xf32, #tpu.memory_space<vmem_shared>> -> memref<10112x128xf32, #tpu.memory_space<vmem_shared>>
          tpu.enqueue_indirect_dma source(%dma_start3A_231 : memref<64x128xf32, #tpu.memory_space<vmem>>) target(%dma_start3A_237 : memref<10112x128xf32, #tpu.memory_space<vmem_shared>>) offsets(%dma_start3A_234 : memref<64xi32, #tpu.memory_space<vmem>>) semaphore(%run_scoped3A_227 : memref<!tpu.dma_semaphore, #tpu.memory_space<semaphore_mem>>) {add = true}
          %dma_wait3A_238 = arith.constant 0 : i32
          %dma_wait3A_239 = arith.constant 0 : i32
          %dma_wait3A_240 = tpu.memref_slice %arg9[%run_scoped3A_141, %dma_wait3A_238, %dma_wait3A_239] : memref<4x64x128xf32, #tpu.memory_space<vmem>> -> memref<1x64x128xf32, #tpu.memory_space<vmem>>
          %dma_wait3A_241 = tpu.memref_squeeze %dma_wait3A_240 : memref<1x64x128xf32, #tpu.memory_space<vmem>> -> memref<64x128xf32, #tpu.memory_space<vmem>>
          %dma_wait3A_242 = arith.constant 0 : i32
          %dma_wait3A_243 = tpu.memref_slice %arg8[%add3A_126, %dma_wait3A_242] : memref<32x64xi32, #tpu.memory_space<vmem>> -> memref<1x64xi32, #tpu.memory_space<vmem>>
          %dma_wait3A_244 = tpu.memref_squeeze %dma_wait3A_243 : memref<1x64xi32, #tpu.memory_space<vmem>> -> memref<64xi32, #tpu.memory_space<vmem>>
          %dma_wait3A_245 = arith.constant 0 : i32
          %dma_wait3A_246 = arith.constant 0 : i32
          %dma_wait3A_247 = tpu.memref_slice %arg10[%dma_wait3A_245, %dma_wait3A_246] : memref<10112x128xf32, #tpu.memory_space<vmem_shared>> -> memref<10112x128xf32, #tpu.memory_space<vmem_shared>>
          tpu.wait_indirect_dma semaphore(%run_scoped3A_227 : memref<!tpu.dma_semaphore, #tpu.memory_space<semaphore_mem>>) src(%dma_wait3A_241 : memref<64x128xf32, #tpu.memory_space<vmem>>) dst(%dma_wait3A_247 : memref<10112x128xf32, #tpu.memory_space<vmem_shared>>)
          tpu.yield
        }) : () -> ()
        %add3A_142 = arith.constant 4 : i32
        %add3A_143 = arith.addi %add3A_126, %add3A_142 : i32
        %lt3A = arith.constant 32 : i32
        %lt3A_144 = arith.cmpi slt, %add3A_143, %lt3A : i32
        %convert_element_type3A = arith.extui %lt3A_144 : i1 to i32
        %cond3A = arith.constant 0 : i32
        %cond3A_145 = arith.cmpi ne, %convert_element_type3A, %cond3A : i32
        scf.if %cond3A_145 {
          %add3A_227 = arith.constant 4 : i32
          %add3A_228 = arith.addi %add3A_126, %add3A_227 : i32
          %dma_start3A_229 = arith.constant 0 : i32
          %dma_start3A_230 = arith.constant 0 : i32
          %dma_start3A_231 = arith.constant 0 : i32
          %dma_start3A_232 = tpu.memref_slice %arg9[%dma_start3A_229, %dma_start3A_230, %dma_start3A_231] : memref<4x64x128xf32, #tpu.memory_space<vmem>> -> memref<1x64x128xf32, #tpu.memory_space<vmem>>
          %dma_start3A_233 = tpu.memref_squeeze %dma_start3A_232 : memref<1x64x128xf32, #tpu.memory_space<vmem>> -> memref<64x128xf32, #tpu.memory_space<vmem>>
          %dma_start3A_234 = arith.constant 0 : i32
          %dma_start3A_235 = tpu.memref_slice %arg7[%add3A_228, %dma_start3A_234] : memref<32x64xi32, #tpu.memory_space<vmem>> -> memref<1x64xi32, #tpu.memory_space<vmem>>
          %dma_start3A_236 = tpu.memref_squeeze %dma_start3A_235 : memref<1x64xi32, #tpu.memory_space<vmem>> -> memref<64xi32, #tpu.memory_space<vmem>>
          %dma_start3A_237 = arith.constant 0 : i32
          %dma_start3A_238 = arith.constant 0 : i32
          %dma_start3A_239 = tpu.memref_slice %arg2[%dma_start3A_237, %dma_start3A_238] : memref<10000x128xf32, #tpu.memory_space<hbm>> -> memref<10000x128xf32, #tpu.memory_space<hbm>>
          tpu.enqueue_indirect_dma source(%dma_start3A_239 : memref<10000x128xf32, #tpu.memory_space<hbm>>) target(%dma_start3A_233 : memref<64x128xf32, #tpu.memory_space<vmem>>) offsets(%dma_start3A_236 : memref<64xi32, #tpu.memory_space<vmem>>) semaphore(%arg11 : memref<!tpu.dma_semaphore, #tpu.memory_space<semaphore_mem>>)
        } else {
        }
        %mul3A_146 = arith.constant 4 : i32
        %mul3A_147 = arith.muli %scan3A_122, %mul3A_146 : i32
        %add3A_148 = arith.constant 1 : i32
        %add3A_149 = arith.addi %mul3A_147, %add3A_148 : i32
        %dma_wait3A_150 = arith.constant 1 : i32
        %dma_wait3A_151 = arith.constant 0 : i32
        %dma_wait3A_152 = arith.constant 0 : i32
        %dma_wait3A_153 = tpu.memref_slice %arg9[%dma_wait3A_150, %dma_wait3A_151, %dma_wait3A_152] : memref<4x64x128xf32, #tpu.memory_space<vmem>> -> memref<1x64x128xf32, #tpu.memory_space<vmem>>
        %dma_wait3A_154 = tpu.memref_squeeze %dma_wait3A_153 : memref<1x64x128xf32, #tpu.memory_space<vmem>> -> memref<64x128xf32, #tpu.memory_space<vmem>>
        %dma_wait3A_155 = arith.constant 0 : i32
        %dma_wait3A_156 = arith.constant 0 : i32
        %dma_wait3A_157 = tpu.memref_slice %arg2[%dma_wait3A_155, %dma_wait3A_156] : memref<10000x128xf32, #tpu.memory_space<hbm>> -> memref<64x128xf32, #tpu.memory_space<hbm>>
        %dma_wait3A_158 = arith.constant 0 : i32
        %dma_wait3A_159 = arith.constant 0 : i32
        %dma_wait3A_160 = tpu.memref_slice %arg9[%dma_wait3A_150, %dma_wait3A_158, %dma_wait3A_159] : memref<4x64x128xf32, #tpu.memory_space<vmem>> -> memref<1x64x128xf32, #tpu.memory_space<vmem>>
        %dma_wait3A_161 = tpu.memref_squeeze %dma_wait3A_160 : memref<1x64x128xf32, #tpu.memory_space<vmem>> -> memref<64x128xf32, #tpu.memory_space<vmem>>
        %dma_wait3A_162 = arith.constant 0 : i32
        %dma_wait3A_163 = arith.constant 0 : i32
        %dma_wait3A_164 = tpu.memref_slice %arg2[%dma_wait3A_162, %dma_wait3A_163] : memref<10000x128xf32, #tpu.memory_space<hbm>> -> memref<64x128xf32, #tpu.memory_space<hbm>>
        tpu.wait_dma2 semaphore(%arg12 : memref<!tpu.dma_semaphore, #tpu.memory_space<semaphore_mem>>) src(%dma_wait3A_164 : memref<64x128xf32, #tpu.memory_space<hbm>>) dst(%dma_wait3A_161 : memref<64x128xf32, #tpu.memory_space<vmem>>)
        %run_scoped3A_165 = arith.constant 1 : i32
        "tpu.region"() ({
          %run_scoped3A_227 = tpu.sem_alloc : memref<!tpu.dma_semaphore, #tpu.memory_space<semaphore_mem>>
          %dma_start3A_228 = arith.constant 0 : i32
          %dma_start3A_229 = arith.constant 0 : i32
          %dma_start3A_230 = tpu.memref_slice %arg9[%run_scoped3A_165, %dma_start3A_228, %dma_start3A_229] : memref<4x64x128xf32, #tpu.memory_space<vmem>> -> memref<1x64x128xf32, #tpu.memory_space<vmem>>
          %dma_start3A_231 = tpu.memref_squeeze %dma_start3A_230 : memref<1x64x128xf32, #tpu.memory_space<vmem>> -> memref<64x128xf32, #tpu.memory_space<vmem>>
          %dma_start3A_232 = arith.constant 0 : i32
          %dma_start3A_233 = tpu.memref_slice %arg8[%add3A_149, %dma_start3A_232] : memref<32x64xi32, #tpu.memory_space<vmem>> -> memref<1x64xi32, #tpu.memory_space<vmem>>
          %dma_start3A_234 = tpu.memref_squeeze %dma_start3A_233 : memref<1x64xi32, #tpu.memory_space<vmem>> -> memref<64xi32, #tpu.memory_space<vmem>>
          %dma_start3A_235 = arith.constant 0 : i32
          %dma_start3A_236 = arith.constant 0 : i32
          %dma_start3A_237 = tpu.memref_slice %arg10[%dma_start3A_235, %dma_start3A_236] : memref<10112x128xf32, #tpu.memory_space<vmem_shared>> -> memref<10112x128xf32, #tpu.memory_space<vmem_shared>>
          tpu.enqueue_indirect_dma source(%dma_start3A_231 : memref<64x128xf32, #tpu.memory_space<vmem>>) target(%dma_start3A_237 : memref<10112x128xf32, #tpu.memory_space<vmem_shared>>) offsets(%dma_start3A_234 : memref<64xi32, #tpu.memory_space<vmem>>) semaphore(%run_scoped3A_227 : memref<!tpu.dma_semaphore, #tpu.memory_space<semaphore_mem>>) {add = true}
          %dma_wait3A_238 = arith.constant 0 : i32
          %dma_wait3A_239 = arith.constant 0 : i32
          %dma_wait3A_240 = tpu.memref_slice %arg9[%run_scoped3A_165, %dma_wait3A_238, %dma_wait3A_239] : memref<4x64x128xf32, #tpu.memory_space<vmem>> -> memref<1x64x128xf32, #tpu.memory_space<vmem>>
          %dma_wait3A_241 = tpu.memref_squeeze %dma_wait3A_240 : memref<1x64x128xf32, #tpu.memory_space<vmem>> -> memref<64x128xf32, #tpu.memory_space<vmem>>
          %dma_wait3A_242 = arith.constant 0 : i32
          %dma_wait3A_243 = tpu.memref_slice %arg8[%add3A_149, %dma_wait3A_242] : memref<32x64xi32, #tpu.memory_space<vmem>> -> memref<1x64xi32, #tpu.memory_space<vmem>>
          %dma_wait3A_244 = tpu.memref_squeeze %dma_wait3A_243 : memref<1x64xi32, #tpu.memory_space<vmem>> -> memref<64xi32, #tpu.memory_space<vmem>>
          %dma_wait3A_245 = arith.constant 0 : i32
          %dma_wait3A_246 = arith.constant 0 : i32
          %dma_wait3A_247 = tpu.memref_slice %arg10[%dma_wait3A_245, %dma_wait3A_246] : memref<10112x128xf32, #tpu.memory_space<vmem_shared>> -> memref<10112x128xf32, #tpu.memory_space<vmem_shared>>
          tpu.wait_indirect_dma semaphore(%run_scoped3A_227 : memref<!tpu.dma_semaphore, #tpu.memory_space<semaphore_mem>>) src(%dma_wait3A_241 : memref<64x128xf32, #tpu.memory_space<vmem>>) dst(%dma_wait3A_247 : memref<10112x128xf32, #tpu.memory_space<vmem_shared>>)
          tpu.yield
        }) : () -> ()
        %add3A_166 = arith.constant 4 : i32
        %add3A_167 = arith.addi %add3A_149, %add3A_166 : i32
        %lt3A_168 = arith.constant 32 : i32
        %lt3A_169 = arith.cmpi slt, %add3A_167, %lt3A_168 : i32
        %convert_element_type3A_170 = arith.extui %lt3A_169 : i1 to i32
        %cond3A_171 = arith.constant 0 : i32
        %cond3A_172 = arith.cmpi ne, %convert_element_type3A_170, %cond3A_171 : i32
        scf.if %cond3A_172 {
          %add3A_227 = arith.constant 4 : i32
          %add3A_228 = arith.addi %add3A_149, %add3A_227 : i32
          %dma_start3A_229 = arith.constant 1 : i32
          %dma_start3A_230 = arith.constant 0 : i32
          %dma_start3A_231 = arith.constant 0 : i32
          %dma_start3A_232 = tpu.memref_slice %arg9[%dma_start3A_229, %dma_start3A_230, %dma_start3A_231] : memref<4x64x128xf32, #tpu.memory_space<vmem>> -> memref<1x64x128xf32, #tpu.memory_space<vmem>>
          %dma_start3A_233 = tpu.memref_squeeze %dma_start3A_232 : memref<1x64x128xf32, #tpu.memory_space<vmem>> -> memref<64x128xf32, #tpu.memory_space<vmem>>
          %dma_start3A_234 = arith.constant 0 : i32
          %dma_start3A_235 = tpu.memref_slice %arg7[%add3A_228, %dma_start3A_234] : memref<32x64xi32, #tpu.memory_space<vmem>> -> memref<1x64xi32, #tpu.memory_space<vmem>>
          %dma_start3A_236 = tpu.memref_squeeze %dma_start3A_235 : memref<1x64xi32, #tpu.memory_space<vmem>> -> memref<64xi32, #tpu.memory_space<vmem>>
          %dma_start3A_237 = arith.constant 0 : i32
          %dma_start3A_238 = arith.constant 0 : i32
          %dma_start3A_239 = tpu.memref_slice %arg2[%dma_start3A_237, %dma_start3A_238] : memref<10000x128xf32, #tpu.memory_space<hbm>> -> memref<10000x128xf32, #tpu.memory_space<hbm>>
          tpu.enqueue_indirect_dma source(%dma_start3A_239 : memref<10000x128xf32, #tpu.memory_space<hbm>>) target(%dma_start3A_233 : memref<64x128xf32, #tpu.memory_space<vmem>>) offsets(%dma_start3A_236 : memref<64xi32, #tpu.memory_space<vmem>>) semaphore(%arg12 : memref<!tpu.dma_semaphore, #tpu.memory_space<semaphore_mem>>)
        } else {
        }
        %mul3A_173 = arith.constant 4 : i32
        %mul3A_174 = arith.muli %scan3A_122, %mul3A_173 : i32
        %add3A_175 = arith.constant 2 : i32
        %add3A_176 = arith.addi %mul3A_174, %add3A_175 : i32
        %dma_wait3A_177 = arith.constant 2 : i32
        %dma_wait3A_178 = arith.constant 0 : i32
        %dma_wait3A_179 = arith.constant 0 : i32
        %dma_wait3A_180 = tpu.memref_slice %arg9[%dma_wait3A_177, %dma_wait3A_178, %dma_wait3A_179] : memref<4x64x128xf32, #tpu.memory_space<vmem>> -> memref<1x64x128xf32, #tpu.memory_space<vmem>>
        %dma_wait3A_181 = tpu.memref_squeeze %dma_wait3A_180 : memref<1x64x128xf32, #tpu.memory_space<vmem>> -> memref<64x128xf32, #tpu.memory_space<vmem>>
        %dma_wait3A_182 = arith.constant 0 : i32
        %dma_wait3A_183 = arith.constant 0 : i32
        %dma_wait3A_184 = tpu.memref_slice %arg2[%dma_wait3A_182, %dma_wait3A_183] : memref<10000x128xf32, #tpu.memory_space<hbm>> -> memref<64x128xf32, #tpu.memory_space<hbm>>
        %dma_wait3A_185 = arith.constant 0 : i32
        %dma_wait3A_186 = arith.constant 0 : i32
        %dma_wait3A_187 = tpu.memref_slice %arg9[%dma_wait3A_177, %dma_wait3A_185, %dma_wait3A_186] : memref<4x64x128xf32, #tpu.memory_space<vmem>> -> memref<1x64x128xf32, #tpu.memory_space<vmem>>
        %dma_wait3A_188 = tpu.memref_squeeze %dma_wait3A_187 : memref<1x64x128xf32, #tpu.memory_space<vmem>> -> memref<64x128xf32, #tpu.memory_space<vmem>>
        %dma_wait3A_189 = arith.constant 0 : i32
        %dma_wait3A_190 = arith.constant 0 : i32
        %dma_wait3A_191 = tpu.memref_slice %arg2[%dma_wait3A_189, %dma_wait3A_190] : memref<10000x128xf32, #tpu.memory_space<hbm>> -> memref<64x128xf32, #tpu.memory_space<hbm>>
        tpu.wait_dma2 semaphore(%arg13 : memref<!tpu.dma_semaphore, #tpu.memory_space<semaphore_mem>>) src(%dma_wait3A_191 : memref<64x128xf32, #tpu.memory_space<hbm>>) dst(%dma_wait3A_188 : memref<64x128xf32, #tpu.memory_space<vmem>>)
        %run_scoped3A_192 = arith.constant 2 : i32
        "tpu.region"() ({
          %run_scoped3A_227 = tpu.sem_alloc : memref<!tpu.dma_semaphore, #tpu.memory_space<semaphore_mem>>
          %dma_start3A_228 = arith.constant 0 : i32
          %dma_start3A_229 = arith.constant 0 : i32
          %dma_start3A_230 = tpu.memref_slice %arg9[%run_scoped3A_192, %dma_start3A_228, %dma_start3A_229] : memref<4x64x128xf32, #tpu.memory_space<vmem>> -> memref<1x64x128xf32, #tpu.memory_space<vmem>>
          %dma_start3A_231 = tpu.memref_squeeze %dma_start3A_230 : memref<1x64x128xf32, #tpu.memory_space<vmem>> -> memref<64x128xf32, #tpu.memory_space<vmem>>
          %dma_start3A_232 = arith.constant 0 : i32
          %dma_start3A_233 = tpu.memref_slice %arg8[%add3A_176, %dma_start3A_232] : memref<32x64xi32, #tpu.memory_space<vmem>> -> memref<1x64xi32, #tpu.memory_space<vmem>>
          %dma_start3A_234 = tpu.memref_squeeze %dma_start3A_233 : memref<1x64xi32, #tpu.memory_space<vmem>> -> memref<64xi32, #tpu.memory_space<vmem>>
          %dma_start3A_235 = arith.constant 0 : i32
          %dma_start3A_236 = arith.constant 0 : i32
          %dma_start3A_237 = tpu.memref_slice %arg10[%dma_start3A_235, %dma_start3A_236] : memref<10112x128xf32, #tpu.memory_space<vmem_shared>> -> memref<10112x128xf32, #tpu.memory_space<vmem_shared>>
          tpu.enqueue_indirect_dma source(%dma_start3A_231 : memref<64x128xf32, #tpu.memory_space<vmem>>) target(%dma_start3A_237 : memref<10112x128xf32, #tpu.memory_space<vmem_shared>>) offsets(%dma_start3A_234 : memref<64xi32, #tpu.memory_space<vmem>>) semaphore(%run_scoped3A_227 : memref<!tpu.dma_semaphore, #tpu.memory_space<semaphore_mem>>) {add = true}
          %dma_wait3A_238 = arith.constant 0 : i32
          %dma_wait3A_239 = arith.constant 0 : i32
          %dma_wait3A_240 = tpu.memref_slice %arg9[%run_scoped3A_192, %dma_wait3A_238, %dma_wait3A_239] : memref<4x64x128xf32, #tpu.memory_space<vmem>> -> memref<1x64x128xf32, #tpu.memory_space<vmem>>
          %dma_wait3A_241 = tpu.memref_squeeze %dma_wait3A_240 : memref<1x64x128xf32, #tpu.memory_space<vmem>> -> memref<64x128xf32, #tpu.memory_space<vmem>>
          %dma_wait3A_242 = arith.constant 0 : i32
          %dma_wait3A_243 = tpu.memref_slice %arg8[%add3A_176, %dma_wait3A_242] : memref<32x64xi32, #tpu.memory_space<vmem>> -> memref<1x64xi32, #tpu.memory_space<vmem>>
          %dma_wait3A_244 = tpu.memref_squeeze %dma_wait3A_243 : memref<1x64xi32, #tpu.memory_space<vmem>> -> memref<64xi32, #tpu.memory_space<vmem>>
          %dma_wait3A_245 = arith.constant 0 : i32
          %dma_wait3A_246 = arith.constant 0 : i32
          %dma_wait3A_247 = tpu.memref_slice %arg10[%dma_wait3A_245, %dma_wait3A_246] : memref<10112x128xf32, #tpu.memory_space<vmem_shared>> -> memref<10112x128xf32, #tpu.memory_space<vmem_shared>>
          tpu.wait_indirect_dma semaphore(%run_scoped3A_227 : memref<!tpu.dma_semaphore, #tpu.memory_space<semaphore_mem>>) src(%dma_wait3A_241 : memref<64x128xf32, #tpu.memory_space<vmem>>) dst(%dma_wait3A_247 : memref<10112x128xf32, #tpu.memory_space<vmem_shared>>)
          tpu.yield
        }) : () -> ()
        %add3A_193 = arith.constant 4 : i32
        %add3A_194 = arith.addi %add3A_176, %add3A_193 : i32
        %lt3A_195 = arith.constant 32 : i32
        %lt3A_196 = arith.cmpi slt, %add3A_194, %lt3A_195 : i32
        %convert_element_type3A_197 = arith.extui %lt3A_196 : i1 to i32
        %cond3A_198 = arith.constant 0 : i32
        %cond3A_199 = arith.cmpi ne, %convert_element_type3A_197, %cond3A_198 : i32
        scf.if %cond3A_199 {
          %add3A_227 = arith.constant 4 : i32
          %add3A_228 = arith.addi %add3A_176, %add3A_227 : i32
          %dma_start3A_229 = arith.constant 2 : i32
          %dma_start3A_230 = arith.constant 0 : i32
          %dma_start3A_231 = arith.constant 0 : i32
          %dma_start3A_232 = tpu.memref_slice %arg9[%dma_start3A_229, %dma_start3A_230, %dma_start3A_231] : memref<4x64x128xf32, #tpu.memory_space<vmem>> -> memref<1x64x128xf32, #tpu.memory_space<vmem>>
          %dma_start3A_233 = tpu.memref_squeeze %dma_start3A_232 : memref<1x64x128xf32, #tpu.memory_space<vmem>> -> memref<64x128xf32, #tpu.memory_space<vmem>>
          %dma_start3A_234 = arith.constant 0 : i32
          %dma_start3A_235 = tpu.memref_slice %arg7[%add3A_228, %dma_start3A_234] : memref<32x64xi32, #tpu.memory_space<vmem>> -> memref<1x64xi32, #tpu.memory_space<vmem>>
          %dma_start3A_236 = tpu.memref_squeeze %dma_start3A_235 : memref<1x64xi32, #tpu.memory_space<vmem>> -> memref<64xi32, #tpu.memory_space<vmem>>
          %dma_start3A_237 = arith.constant 0 : i32
          %dma_start3A_238 = arith.constant 0 : i32
          %dma_start3A_239 = tpu.memref_slice %arg2[%dma_start3A_237, %dma_start3A_238] : memref<10000x128xf32, #tpu.memory_space<hbm>> -> memref<10000x128xf32, #tpu.memory_space<hbm>>
          tpu.enqueue_indirect_dma source(%dma_start3A_239 : memref<10000x128xf32, #tpu.memory_space<hbm>>) target(%dma_start3A_233 : memref<64x128xf32, #tpu.memory_space<vmem>>) offsets(%dma_start3A_236 : memref<64xi32, #tpu.memory_space<vmem>>) semaphore(%arg13 : memref<!tpu.dma_semaphore, #tpu.memory_space<semaphore_mem>>)
        } else {
        }
        %mul3A_200 = arith.constant 4 : i32
        %mul3A_201 = arith.muli %scan3A_122, %mul3A_200 : i32
        %add3A_202 = arith.constant 3 : i32
        %add3A_203 = arith.addi %mul3A_201, %add3A_202 : i32
        %dma_wait3A_204 = arith.constant 3 : i32
        %dma_wait3A_205 = arith.constant 0 : i32
        %dma_wait3A_206 = arith.constant 0 : i32
        %dma_wait3A_207 = tpu.memref_slice %arg9[%dma_wait3A_204, %dma_wait3A_205, %dma_wait3A_206] : memref<4x64x128xf32, #tpu.memory_space<vmem>> -> memref<1x64x128xf32, #tpu.memory_space<vmem>>
        %dma_wait3A_208 = tpu.memref_squeeze %dma_wait3A_207 : memref<1x64x128xf32, #tpu.memory_space<vmem>> -> memref<64x128xf32, #tpu.memory_space<vmem>>
        %dma_wait3A_209 = arith.constant 0 : i32
        %dma_wait3A_210 = arith.constant 0 : i32
        %dma_wait3A_211 = tpu.memref_slice %arg2[%dma_wait3A_209, %dma_wait3A_210] : memref<10000x128xf32, #tpu.memory_space<hbm>> -> memref<64x128xf32, #tpu.memory_space<hbm>>
        %dma_wait3A_212 = arith.constant 0 : i32
        %dma_wait3A_213 = arith.constant 0 : i32
        %dma_wait3A_214 = tpu.memref_slice %arg9[%dma_wait3A_204, %dma_wait3A_212, %dma_wait3A_213] : memref<4x64x128xf32, #tpu.memory_space<vmem>> -> memref<1x64x128xf32, #tpu.memory_space<vmem>>
        %dma_wait3A_215 = tpu.memref_squeeze %dma_wait3A_214 : memref<1x64x128xf32, #tpu.memory_space<vmem>> -> memref<64x128xf32, #tpu.memory_space<vmem>>
        %dma_wait3A_216 = arith.constant 0 : i32
        %dma_wait3A_217 = arith.constant 0 : i32
        %dma_wait3A_218 = tpu.memref_slice %arg2[%dma_wait3A_216, %dma_wait3A_217] : memref<10000x128xf32, #tpu.memory_space<hbm>> -> memref<64x128xf32, #tpu.memory_space<hbm>>
        tpu.wait_dma2 semaphore(%arg14 : memref<!tpu.dma_semaphore, #tpu.memory_space<semaphore_mem>>) src(%dma_wait3A_218 : memref<64x128xf32, #tpu.memory_space<hbm>>) dst(%dma_wait3A_215 : memref<64x128xf32, #tpu.memory_space<vmem>>)
        %run_scoped3A_219 = arith.constant 3 : i32
        "tpu.region"() ({
          %run_scoped3A_227 = tpu.sem_alloc : memref<!tpu.dma_semaphore, #tpu.memory_space<semaphore_mem>>
          %dma_start3A_228 = arith.constant 0 : i32
          %dma_start3A_229 = arith.constant 0 : i32
          %dma_start3A_230 = tpu.memref_slice %arg9[%run_scoped3A_219, %dma_start3A_228, %dma_start3A_229] : memref<4x64x128xf32, #tpu.memory_space<vmem>> -> memref<1x64x128xf32, #tpu.memory_space<vmem>>
          %dma_start3A_231 = tpu.memref_squeeze %dma_start3A_230 : memref<1x64x128xf32, #tpu.memory_space<vmem>> -> memref<64x128xf32, #tpu.memory_space<vmem>>
          %dma_start3A_232 = arith.constant 0 : i32
          %dma_start3A_233 = tpu.memref_slice %arg8[%add3A_203, %dma_start3A_232] : memref<32x64xi32, #tpu.memory_space<vmem>> -> memref<1x64xi32, #tpu.memory_space<vmem>>
          %dma_start3A_234 = tpu.memref_squeeze %dma_start3A_233 : memref<1x64xi32, #tpu.memory_space<vmem>> -> memref<64xi32, #tpu.memory_space<vmem>>
          %dma_start3A_235 = arith.constant 0 : i32
          %dma_start3A_236 = arith.constant 0 : i32
          %dma_start3A_237 = tpu.memref_slice %arg10[%dma_start3A_235, %dma_start3A_236] : memref<10112x128xf32, #tpu.memory_space<vmem_shared>> -> memref<10112x128xf32, #tpu.memory_space<vmem_shared>>
          tpu.enqueue_indirect_dma source(%dma_start3A_231 : memref<64x128xf32, #tpu.memory_space<vmem>>) target(%dma_start3A_237 : memref<10112x128xf32, #tpu.memory_space<vmem_shared>>) offsets(%dma_start3A_234 : memref<64xi32, #tpu.memory_space<vmem>>) semaphore(%run_scoped3A_227 : memref<!tpu.dma_semaphore, #tpu.memory_space<semaphore_mem>>) {add = true}
          %dma_wait3A_238 = arith.constant 0 : i32
          %dma_wait3A_239 = arith.constant 0 : i32
          %dma_wait3A_240 = tpu.memref_slice %arg9[%run_scoped3A_219, %dma_wait3A_238, %dma_wait3A_239] : memref<4x64x128xf32, #tpu.memory_space<vmem>> -> memref<1x64x128xf32, #tpu.memory_space<vmem>>
          %dma_wait3A_241 = tpu.memref_squeeze %dma_wait3A_240 : memref<1x64x128xf32, #tpu.memory_space<vmem>> -> memref<64x128xf32, #tpu.memory_space<vmem>>
          %dma_wait3A_242 = arith.constant 0 : i32
          %dma_wait3A_243 = tpu.memref_slice %arg8[%add3A_203, %dma_wait3A_242] : memref<32x64xi32, #tpu.memory_space<vmem>> -> memref<1x64xi32, #tpu.memory_space<vmem>>
          %dma_wait3A_244 = tpu.memref_squeeze %dma_wait3A_243 : memref<1x64xi32, #tpu.memory_space<vmem>> -> memref<64xi32, #tpu.memory_space<vmem>>
          %dma_wait3A_245 = arith.constant 0 : i32
          %dma_wait3A_246 = arith.constant 0 : i32
          %dma_wait3A_247 = tpu.memref_slice %arg10[%dma_wait3A_245, %dma_wait3A_246] : memref<10112x128xf32, #tpu.memory_space<vmem_shared>> -> memref<10112x128xf32, #tpu.memory_space<vmem_shared>>
          tpu.wait_indirect_dma semaphore(%run_scoped3A_227 : memref<!tpu.dma_semaphore, #tpu.memory_space<semaphore_mem>>) src(%dma_wait3A_241 : memref<64x128xf32, #tpu.memory_space<vmem>>) dst(%dma_wait3A_247 : memref<10112x128xf32, #tpu.memory_space<vmem_shared>>)
          tpu.yield
        }) : () -> ()
        %add3A_220 = arith.constant 4 : i32
        %add3A_221 = arith.addi %add3A_203, %add3A_220 : i32
        %lt3A_222 = arith.constant 32 : i32
        %lt3A_223 = arith.cmpi slt, %add3A_221, %lt3A_222 : i32
        %convert_element_type3A_224 = arith.extui %lt3A_223 : i1 to i32
        %cond3A_225 = arith.constant 0 : i32
        %cond3A_226 = arith.cmpi ne, %convert_element_type3A_224, %cond3A_225 : i32
        scf.if %cond3A_226 {
          %add3A_227 = arith.constant 4 : i32
          %add3A_228 = arith.addi %add3A_203, %add3A_227 : i32
          %dma_start3A_229 = arith.constant 3 : i32
          %dma_start3A_230 = arith.constant 0 : i32
          %dma_start3A_231 = arith.constant 0 : i32
          %dma_start3A_232 = tpu.memref_slice %arg9[%dma_start3A_229, %dma_start3A_230, %dma_start3A_231] : memref<4x64x128xf32, #tpu.memory_space<vmem>> -> memref<1x64x128xf32, #tpu.memory_space<vmem>>
          %dma_start3A_233 = tpu.memref_squeeze %dma_start3A_232 : memref<1x64x128xf32, #tpu.memory_space<vmem>> -> memref<64x128xf32, #tpu.memory_space<vmem>>
          %dma_start3A_234 = arith.constant 0 : i32
          %dma_start3A_235 = tpu.memref_slice %arg7[%add3A_228, %dma_start3A_234] : memref<32x64xi32, #tpu.memory_space<vmem>> -> memref<1x64xi32, #tpu.memory_space<vmem>>
          %dma_start3A_236 = tpu.memref_squeeze %dma_start3A_235 : memref<1x64xi32, #tpu.memory_space<vmem>> -> memref<64xi32, #tpu.memory_space<vmem>>
          %dma_start3A_237 = arith.constant 0 : i32
          %dma_start3A_238 = arith.constant 0 : i32
          %dma_start3A_239 = tpu.memref_slice %arg2[%dma_start3A_237, %dma_start3A_238] : memref<10000x128xf32, #tpu.memory_space<hbm>> -> memref<10000x128xf32, #tpu.memory_space<hbm>>
          tpu.enqueue_indirect_dma source(%dma_start3A_239 : memref<10000x128xf32, #tpu.memory_space<hbm>>) target(%dma_start3A_233 : memref<64x128xf32, #tpu.memory_space<vmem>>) offsets(%dma_start3A_236 : memref<64xi32, #tpu.memory_space<vmem>>) semaphore(%arg14 : memref<!tpu.dma_semaphore, #tpu.memory_space<semaphore_mem>>)
        } else {
        }
      }
      %scan3A_121 = arith.constant 8 : i32
    }
    %while3A_50 = arith.constant 1 : i32
    scf.for %while3A_63 = %while3A_48 to %while3A_44 step %while3A_50  : i32 {
      %mul3A_64 = arith.constant 32 : i32
      %mul3A_65 = arith.muli %while3A_63, %mul3A_64 : i32
      %add3A_66 = arith.addi %select_n3A_25, %mul3A_65 : i32
      "tpu.region"() ({
        %run_scoped3A_122 = tpu.sem_alloc : memref<!tpu.dma_semaphore, #tpu.memory_space<semaphore_mem>>
        %dma_start3A_123 = arith.constant 0 : i32
        %dma_start3A_124 = tpu.memref_slice %arg3[%add3A_66, %dma_start3A_123] : memref<5120x64xi32, #tpu.memory_space<hbm>> -> memref<32x64xi32, #tpu.memory_space<hbm>>
        %dma_start3A_125 = arith.constant 0 : i32
        %dma_start3A_126 = tpu.memref_slice %arg3[%add3A_66, %dma_start3A_125] : memref<5120x64xi32, #tpu.memory_space<hbm>> -> memref<32x64xi32, #tpu.memory_space<hbm>>
        tpu.enqueue_dma source(%dma_start3A_126 : memref<32x64xi32, #tpu.memory_space<hbm>>) target(%arg7 : memref<32x64xi32, #tpu.memory_space<vmem>>) target_semaphore(%run_scoped3A_122 : memref<!tpu.dma_semaphore, #tpu.memory_space<semaphore_mem>>)
        %dma_wait3A = arith.constant 0 : i32
        %dma_wait3A_127 = tpu.memref_slice %arg3[%add3A_66, %dma_wait3A] : memref<5120x64xi32, #tpu.memory_space<hbm>> -> memref<32x64xi32, #tpu.memory_space<hbm>>
        %dma_wait3A_128 = arith.constant 0 : i32
        %dma_wait3A_129 = tpu.memref_slice %arg3[%add3A_66, %dma_wait3A_128] : memref<5120x64xi32, #tpu.memory_space<hbm>> -> memref<32x64xi32, #tpu.memory_space<hbm>>
        tpu.wait_dma2 semaphore(%run_scoped3A_122 : memref<!tpu.dma_semaphore, #tpu.memory_space<semaphore_mem>>) src(%dma_wait3A_129 : memref<32x64xi32, #tpu.memory_space<hbm>>) dst(%arg7 : memref<32x64xi32, #tpu.memory_space<vmem>>)
        tpu.yield
      }) : () -> ()
      %mul3A_67 = arith.constant 32 : i32
      %mul3A_68 = arith.muli %while3A_63, %mul3A_67 : i32
      %add3A_69 = arith.addi %select_n3A_25, %mul3A_68 : i32
      "tpu.region"() ({
        %run_scoped3A_122 = tpu.sem_alloc : memref<!tpu.dma_semaphore, #tpu.memory_space<semaphore_mem>>
        %dma_start3A_123 = arith.constant 0 : i32
        %dma_start3A_124 = tpu.memref_slice %arg4[%add3A_69, %dma_start3A_123] : memref<5120x64xi32, #tpu.memory_space<hbm>> -> memref<32x64xi32, #tpu.memory_space<hbm>>
        %dma_start3A_125 = arith.constant 0 : i32
        %dma_start3A_126 = tpu.memref_slice %arg4[%add3A_69, %dma_start3A_125] : memref<5120x64xi32, #tpu.memory_space<hbm>> -> memref<32x64xi32, #tpu.memory_space<hbm>>
        tpu.enqueue_dma source(%dma_start3A_126 : memref<32x64xi32, #tpu.memory_space<hbm>>) target(%arg8 : memref<32x64xi32, #tpu.memory_space<vmem>>) target_semaphore(%run_scoped3A_122 : memref<!tpu.dma_semaphore, #tpu.memory_space<semaphore_mem>>)
        %dma_wait3A = arith.constant 0 : i32
        %dma_wait3A_127 = tpu.memref_slice %arg4[%add3A_69, %dma_wait3A] : memref<5120x64xi32, #tpu.memory_space<hbm>> -> memref<32x64xi32, #tpu.memory_space<hbm>>
        %dma_wait3A_128 = arith.constant 0 : i32
        %dma_wait3A_129 = tpu.memref_slice %arg4[%add3A_69, %dma_wait3A_128] : memref<5120x64xi32, #tpu.memory_space<hbm>> -> memref<32x64xi32, #tpu.memory_space<hbm>>
        tpu.wait_dma2 semaphore(%run_scoped3A_122 : memref<!tpu.dma_semaphore, #tpu.memory_space<semaphore_mem>>) src(%dma_wait3A_129 : memref<32x64xi32, #tpu.memory_space<hbm>>) dst(%arg8 : memref<32x64xi32, #tpu.memory_space<vmem>>)
        tpu.yield
      }) : () -> ()
      %dma_start3A = arith.constant 0 : i32
      %dma_start3A_70 = arith.constant 0 : i32
      %dma_start3A_71 = arith.constant 0 : i32
      %dma_start3A_72 = arith.constant 0 : i32
      %dma_start3A_73 = tpu.memref_slice %arg9[%dma_start3A_70, %dma_start3A_71, %dma_start3A_72] : memref<4x64x128xf32, #tpu.memory_space<vmem>> -> memref<1x64x128xf32, #tpu.memory_space<vmem>>
      %dma_start3A_74 = tpu.memref_squeeze %dma_start3A_73 : memref<1x64x128xf32, #tpu.memory_space<vmem>> -> memref<64x128xf32, #tpu.memory_space<vmem>>
      %dma_start3A_75 = arith.constant 0 : i32
      %dma_start3A_76 = tpu.memref_slice %arg7[%dma_start3A, %dma_start3A_75] : memref<32x64xi32, #tpu.memory_space<vmem>> -> memref<1x64xi32, #tpu.memory_space<vmem>>
      %dma_start3A_77 = tpu.memref_squeeze %dma_start3A_76 : memref<1x64xi32, #tpu.memory_space<vmem>> -> memref<64xi32, #tpu.memory_space<vmem>>
      %dma_start3A_78 = arith.constant 0 : i32
      %dma_start3A_79 = arith.constant 0 : i32
      %dma_start3A_80 = tpu.memref_slice %arg2[%dma_start3A_78, %dma_start3A_79] : memref<10000x128xf32, #tpu.memory_space<hbm>> -> memref<10000x128xf32, #tpu.memory_space<hbm>>
      tpu.enqueue_indirect_dma source(%dma_start3A_80 : memref<10000x128xf32, #tpu.memory_space<hbm>>) target(%dma_start3A_74 : memref<64x128xf32, #tpu.memory_space<vmem>>) offsets(%dma_start3A_77 : memref<64xi32, #tpu.memory_space<vmem>>) semaphore(%arg11 : memref<!tpu.dma_semaphore, #tpu.memory_space<semaphore_mem>>)
      %dma_start3A_81 = arith.constant 1 : i32
      %dma_start3A_82 = arith.constant 1 : i32
      %dma_start3A_83 = arith.constant 0 : i32
      %dma_start3A_84 = arith.constant 0 : i32
      %dma_start3A_85 = tpu.memref_slice %arg9[%dma_start3A_82, %dma_start3A_83, %dma_start3A_84] : memref<4x64x128xf32, #tpu.memory_space<vmem>> -> memref<1x64x128xf32, #tpu.memory_space<vmem>>
      %dma_start3A_86 = tpu.memref_squeeze %dma_start3A_85 : memref<1x64x128xf32, #tpu.memory_space<vmem>> -> memref<64x128xf32, #tpu.memory_space<vmem>>
      %dma_start3A_87 = arith.constant 0 : i32
      %dma_start3A_88 = tpu.memref_slice %arg7[%dma_start3A_81, %dma_start3A_87] : memref<32x64xi32, #tpu.memory_space<vmem>> -> memref<1x64xi32, #tpu.memory_space<vmem>>
      %dma_start3A_89 = tpu.memref_squeeze %dma_start3A_88 : memref<1x64xi32, #tpu.memory_space<vmem>> -> memref<64xi32, #tpu.memory_space<vmem>>
      %dma_start3A_90 = arith.constant 0 : i32
      %dma_start3A_91 = arith.constant 0 : i32
      %dma_start3A_92 = tpu.memref_slice %arg2[%dma_start3A_90, %dma_start3A_91] : memref<10000x128xf32, #tpu.memory_space<hbm>> -> memref<10000x128xf32, #tpu.memory_space<hbm>>
      tpu.enqueue_indirect_dma source(%dma_start3A_92 : memref<10000x128xf32, #tpu.memory_space<hbm>>) target(%dma_start3A_86 : memref<64x128xf32, #tpu.memory_space<vmem>>) offsets(%dma_start3A_89 : memref<64xi32, #tpu.memory_space<vmem>>) semaphore(%arg12 : memref<!tpu.dma_semaphore, #tpu.memory_space<semaphore_mem>>)
      %dma_start3A_93 = arith.constant 2 : i32
      %dma_start3A_94 = arith.constant 2 : i32
      %dma_start3A_95 = arith.constant 0 : i32
      %dma_start3A_96 = arith.constant 0 : i32
      %dma_start3A_97 = tpu.memref_slice %arg9[%dma_start3A_94, %dma_start3A_95, %dma_start3A_96] : memref<4x64x128xf32, #tpu.memory_space<vmem>> -> memref<1x64x128xf32, #tpu.memory_space<vmem>>
      %dma_start3A_98 = tpu.memref_squeeze %dma_start3A_97 : memref<1x64x128xf32, #tpu.memory_space<vmem>> -> memref<64x128xf32, #tpu.memory_space<vmem>>
      %dma_start3A_99 = arith.constant 0 : i32
      %dma_start3A_100 = tpu.memref_slice %arg7[%dma_start3A_93, %dma_start3A_99] : memref<32x64xi32, #tpu.memory_space<vmem>> -> memref<1x64xi32, #tpu.memory_space<vmem>>
      %dma_start3A_101 = tpu.memref_squeeze %dma_start3A_100 : memref<1x64xi32, #tpu.memory_space<vmem>> -> memref<64xi32, #tpu.memory_space<vmem>>
      %dma_start3A_102 = arith.constant 0 : i32
      %dma_start3A_103 = arith.constant 0 : i32
      %dma_start3A_104 = tpu.memref_slice %arg2[%dma_start3A_102, %dma_start3A_103] : memref<10000x128xf32, #tpu.memory_space<hbm>> -> memref<10000x128xf32, #tpu.memory_space<hbm>>
      tpu.enqueue_indirect_dma source(%dma_start3A_104 : memref<10000x128xf32, #tpu.memory_space<hbm>>) target(%dma_start3A_98 : memref<64x128xf32, #tpu.memory_space<vmem>>) offsets(%dma_start3A_101 : memref<64xi32, #tpu.memory_space<vmem>>) semaphore(%arg13 : memref<!tpu.dma_semaphore, #tpu.memory_space<semaphore_mem>>)
      %dma_start3A_105 = arith.constant 3 : i32
      %dma_start3A_106 = arith.constant 3 : i32
      %dma_start3A_107 = arith.constant 0 : i32
      %dma_start3A_108 = arith.constant 0 : i32
      %dma_start3A_109 = tpu.memref_slice %arg9[%dma_start3A_106, %dma_start3A_107, %dma_start3A_108] : memref<4x64x128xf32, #tpu.memory_space<vmem>> -> memref<1x64x128xf32, #tpu.memory_space<vmem>>
      %dma_start3A_110 = tpu.memref_squeeze %dma_start3A_109 : memref<1x64x128xf32, #tpu.memory_space<vmem>> -> memref<64x128xf32, #tpu.memory_space<vmem>>
      %dma_start3A_111 = arith.constant 0 : i32
      %dma_start3A_112 = tpu.memref_slice %arg7[%dma_start3A_105, %dma_start3A_111] : memref<32x64xi32, #tpu.memory_space<vmem>> -> memref<1x64xi32, #tpu.memory_space<vmem>>
      %dma_start3A_113 = tpu.memref_squeeze %dma_start3A_112 : memref<1x64xi32, #tpu.memory_space<vmem>> -> memref<64xi32, #tpu.memory_space<vmem>>
      %dma_start3A_114 = arith.constant 0 : i32
      %dma_start3A_115 = arith.constant 0 : i32
      %dma_start3A_116 = tpu.memref_slice %arg2[%dma_start3A_114, %dma_start3A_115] : memref<10000x128xf32, #tpu.memory_space<hbm>> -> memref<10000x128xf32, #tpu.memory_space<hbm>>
      tpu.enqueue_indirect_dma source(%dma_start3A_116 : memref<10000x128xf32, #tpu.memory_space<hbm>>) target(%dma_start3A_110 : memref<64x128xf32, #tpu.memory_space<vmem>>) offsets(%dma_start3A_113 : memref<64xi32, #tpu.memory_space<vmem>>) semaphore(%arg14 : memref<!tpu.dma_semaphore, #tpu.memory_space<semaphore_mem>>)
      %scan3A = arith.constant 0 : i32
      %scan3A_117 = arith.constant 0 : i32
      %scan3A_118 = arith.constant 8 : i32
      %scan3A_119 = arith.addi %scan3A_117, %scan3A_118 : i32
      %scan3A_120 = arith.constant 1 : i32
      scf.for %scan3A_122 = %scan3A_117 to %scan3A_119 step %scan3A_120  : i32 {
        %mul3A_123 = arith.constant 4 : i32
        %mul3A_124 = arith.muli %scan3A_122, %mul3A_123 : i32
        %add3A_125 = arith.constant 0 : i32
        %add3A_126 = arith.addi %mul3A_124, %add3A_125 : i32
        %dma_wait3A = arith.constant 0 : i32
        %dma_wait3A_127 = arith.constant 0 : i32
        %dma_wait3A_128 = arith.constant 0 : i32
        %dma_wait3A_129 = tpu.memref_slice %arg9[%dma_wait3A, %dma_wait3A_127, %dma_wait3A_128] : memref<4x64x128xf32, #tpu.memory_space<vmem>> -> memref<1x64x128xf32, #tpu.memory_space<vmem>>
        %dma_wait3A_130 = tpu.memref_squeeze %dma_wait3A_129 : memref<1x64x128xf32, #tpu.memory_space<vmem>> -> memref<64x128xf32, #tpu.memory_space<vmem>>
        %dma_wait3A_131 = arith.constant 0 : i32
        %dma_wait3A_132 = arith.constant 0 : i32
        %dma_wait3A_133 = tpu.memref_slice %arg2[%dma_wait3A_131, %dma_wait3A_132] : memref<10000x128xf32, #tpu.memory_space<hbm>> -> memref<64x128xf32, #tpu.memory_space<hbm>>
        %dma_wait3A_134 = arith.constant 0 : i32
        %dma_wait3A_135 = arith.constant 0 : i32
        %dma_wait3A_136 = tpu.memref_slice %arg9[%dma_wait3A, %dma_wait3A_134, %dma_wait3A_135] : memref<4x64x128xf32, #tpu.memory_space<vmem>> -> memref<1x64x128xf32, #tpu.memory_space<vmem>>
        %dma_wait3A_137 = tpu.memref_squeeze %dma_wait3A_136 : memref<1x64x128xf32, #tpu.memory_space<vmem>> -> memref<64x128xf32, #tpu.memory_space<vmem>>
        %dma_wait3A_138 = arith.constant 0 : i32
        %dma_wait3A_139 = arith.constant 0 : i32
        %dma_wait3A_140 = tpu.memref_slice %arg2[%dma_wait3A_138, %dma_wait3A_139] : memref<10000x128xf32, #tpu.memory_space<hbm>> -> memref<64x128xf32, #tpu.memory_space<hbm>>
        tpu.wait_dma2 semaphore(%arg11 : memref<!tpu.dma_semaphore, #tpu.memory_space<semaphore_mem>>) src(%dma_wait3A_140 : memref<64x128xf32, #tpu.memory_space<hbm>>) dst(%dma_wait3A_137 : memref<64x128xf32, #tpu.memory_space<vmem>>)
        %run_scoped3A_141 = arith.constant 0 : i32
        "tpu.region"() ({
          %run_scoped3A_227 = tpu.sem_alloc : memref<!tpu.dma_semaphore, #tpu.memory_space<semaphore_mem>>
          %dma_start3A_228 = arith.constant 0 : i32
          %dma_start3A_229 = arith.constant 0 : i32
          %dma_start3A_230 = tpu.memref_slice %arg9[%run_scoped3A_141, %dma_start3A_228, %dma_start3A_229] : memref<4x64x128xf32, #tpu.memory_space<vmem>> -> memref<1x64x128xf32, #tpu.memory_space<vmem>>
          %dma_start3A_231 = tpu.memref_squeeze %dma_start3A_230 : memref<1x64x128xf32, #tpu.memory_space<vmem>> -> memref<64x128xf32, #tpu.memory_space<vmem>>
          %dma_start3A_232 = arith.constant 0 : i32
          %dma_start3A_233 = tpu.memref_slice %arg8[%add3A_126, %dma_start3A_232] : memref<32x64xi32, #tpu.memory_space<vmem>> -> memref<1x64xi32, #tpu.memory_space<vmem>>
          %dma_start3A_234 = tpu.memref_squeeze %dma_start3A_233 : memref<1x64xi32, #tpu.memory_space<vmem>> -> memref<64xi32, #tpu.memory_space<vmem>>
          %dma_start3A_235 = arith.constant 0 : i32
          %dma_start3A_236 = arith.constant 0 : i32
          %dma_start3A_237 = tpu.memref_slice %arg10[%dma_start3A_235, %dma_start3A_236] : memref<10112x128xf32, #tpu.memory_space<vmem_shared>> -> memref<10112x128xf32, #tpu.memory_space<vmem_shared>>
          tpu.enqueue_indirect_dma source(%dma_start3A_231 : memref<64x128xf32, #tpu.memory_space<vmem>>) target(%dma_start3A_237 : memref<10112x128xf32, #tpu.memory_space<vmem_shared>>) offsets(%dma_start3A_234 : memref<64xi32, #tpu.memory_space<vmem>>) semaphore(%run_scoped3A_227 : memref<!tpu.dma_semaphore, #tpu.memory_space<semaphore_mem>>) {add = true}
          %dma_wait3A_238 = arith.constant 0 : i32
          %dma_wait3A_239 = arith.constant 0 : i32
          %dma_wait3A_240 = tpu.memref_slice %arg9[%run_scoped3A_141, %dma_wait3A_238, %dma_wait3A_239] : memref<4x64x128xf32, #tpu.memory_space<vmem>> -> memref<1x64x128xf32, #tpu.memory_space<vmem>>
          %dma_wait3A_241 = tpu.memref_squeeze %dma_wait3A_240 : memref<1x64x128xf32, #tpu.memory_space<vmem>> -> memref<64x128xf32, #tpu.memory_space<vmem>>
          %dma_wait3A_242 = arith.constant 0 : i32
          %dma_wait3A_243 = tpu.memref_slice %arg8[%add3A_126, %dma_wait3A_242] : memref<32x64xi32, #tpu.memory_space<vmem>> -> memref<1x64xi32, #tpu.memory_space<vmem>>
          %dma_wait3A_244 = tpu.memref_squeeze %dma_wait3A_243 : memref<1x64xi32, #tpu.memory_space<vmem>> -> memref<64xi32, #tpu.memory_space<vmem>>
          %dma_wait3A_245 = arith.constant 0 : i32
          %dma_wait3A_246 = arith.constant 0 : i32
          %dma_wait3A_247 = tpu.memref_slice %arg10[%dma_wait3A_245, %dma_wait3A_246] : memref<10112x128xf32, #tpu.memory_space<vmem_shared>> -> memref<10112x128xf32, #tpu.memory_space<vmem_shared>>
          tpu.wait_indirect_dma semaphore(%run_scoped3A_227 : memref<!tpu.dma_semaphore, #tpu.memory_space<semaphore_mem>>) src(%dma_wait3A_241 : memref<64x128xf32, #tpu.memory_space<vmem>>) dst(%dma_wait3A_247 : memref<10112x128xf32, #tpu.memory_space<vmem_shared>>)
          tpu.yield
        }) : () -> ()
        %add3A_142 = arith.constant 4 : i32
        %add3A_143 = arith.addi %add3A_126, %add3A_142 : i32
        %lt3A = arith.constant 32 : i32
        %lt3A_144 = arith.cmpi slt, %add3A_143, %lt3A : i32
        %convert_element_type3A = arith.extui %lt3A_144 : i1 to i32
        %cond3A = arith.constant 0 : i32
        %cond3A_145 = arith.cmpi ne, %convert_element_type3A, %cond3A : i32
        scf.if %cond3A_145 {
          %add3A_227 = arith.constant 4 : i32
          %add3A_228 = arith.addi %add3A_126, %add3A_227 : i32
          %dma_start3A_229 = arith.constant 0 : i32
          %dma_start3A_230 = arith.constant 0 : i32
          %dma_start3A_231 = arith.constant 0 : i32
          %dma_start3A_232 = tpu.memref_slice %arg9[%dma_start3A_229, %dma_start3A_230, %dma_start3A_231] : memref<4x64x128xf32, #tpu.memory_space<vmem>> -> memref<1x64x128xf32, #tpu.memory_space<vmem>>
          %dma_start3A_233 = tpu.memref_squeeze %dma_start3A_232 : memref<1x64x128xf32, #tpu.memory_space<vmem>> -> memref<64x128xf32, #tpu.memory_space<vmem>>
          %dma_start3A_234 = arith.constant 0 : i32
          %dma_start3A_235 = tpu.memref_slice %arg7[%add3A_228, %dma_start3A_234] : memref<32x64xi32, #tpu.memory_space<vmem>> -> memref<1x64xi32, #tpu.memory_space<vmem>>
          %dma_start3A_236 = tpu.memref_squeeze %dma_start3A_235 : memref<1x64xi32, #tpu.memory_space<vmem>> -> memref<64xi32, #tpu.memory_space<vmem>>
          %dma_start3A_237 = arith.constant 0 : i32
          %dma_start3A_238 = arith.constant 0 : i32
          %dma_start3A_239 = tpu.memref_slice %arg2[%dma_start3A_237, %dma_start3A_238] : memref<10000x128xf32, #tpu.memory_space<hbm>> -> memref<10000x128xf32, #tpu.memory_space<hbm>>
          tpu.enqueue_indirect_dma source(%dma_start3A_239 : memref<10000x128xf32, #tpu.memory_space<hbm>>) target(%dma_start3A_233 : memref<64x128xf32, #tpu.memory_space<vmem>>) offsets(%dma_start3A_236 : memref<64xi32, #tpu.memory_space<vmem>>) semaphore(%arg11 : memref<!tpu.dma_semaphore, #tpu.memory_space<semaphore_mem>>)
        } else {
        }
        %mul3A_146 = arith.constant 4 : i32
        %mul3A_147 = arith.muli %scan3A_122, %mul3A_146 : i32
        %add3A_148 = arith.constant 1 : i32
        %add3A_149 = arith.addi %mul3A_147, %add3A_148 : i32
        %dma_wait3A_150 = arith.constant 1 : i32
        %dma_wait3A_151 = arith.constant 0 : i32
        %dma_wait3A_152 = arith.constant 0 : i32
        %dma_wait3A_153 = tpu.memref_slice %arg9[%dma_wait3A_150, %dma_wait3A_151, %dma_wait3A_152] : memref<4x64x128xf32, #tpu.memory_space<vmem>> -> memref<1x64x128xf32, #tpu.memory_space<vmem>>
        %dma_wait3A_154 = tpu.memref_squeeze %dma_wait3A_153 : memref<1x64x128xf32, #tpu.memory_space<vmem>> -> memref<64x128xf32, #tpu.memory_space<vmem>>
        %dma_wait3A_155 = arith.constant 0 : i32
        %dma_wait3A_156 = arith.constant 0 : i32
        %dma_wait3A_157 = tpu.memref_slice %arg2[%dma_wait3A_155, %dma_wait3A_156] : memref<10000x128xf32, #tpu.memory_space<hbm>> -> memref<64x128xf32, #tpu.memory_space<hbm>>
        %dma_wait3A_158 = arith.constant 0 : i32
        %dma_wait3A_159 = arith.constant 0 : i32
        %dma_wait3A_160 = tpu.memref_slice %arg9[%dma_wait3A_150, %dma_wait3A_158, %dma_wait3A_159] : memref<4x64x128xf32, #tpu.memory_space<vmem>> -> memref<1x64x128xf32, #tpu.memory_space<vmem>>
        %dma_wait3A_161 = tpu.memref_squeeze %dma_wait3A_160 : memref<1x64x128xf32, #tpu.memory_space<vmem>> -> memref<64x128xf32, #tpu.memory_space<vmem>>
        %dma_wait3A_162 = arith.constant 0 : i32
        %dma_wait3A_163 = arith.constant 0 : i32
        %dma_wait3A_164 = tpu.memref_slice %arg2[%dma_wait3A_162, %dma_wait3A_163] : memref<10000x128xf32, #tpu.memory_space<hbm>> -> memref<64x128xf32, #tpu.memory_space<hbm>>
        tpu.wait_dma2 semaphore(%arg12 : memref<!tpu.dma_semaphore, #tpu.memory_space<semaphore_mem>>) src(%dma_wait3A_164 : memref<64x128xf32, #tpu.memory_space<hbm>>) dst(%dma_wait3A_161 : memref<64x128xf32, #tpu.memory_space<vmem>>)
        %run_scoped3A_165 = arith.constant 1 : i32
        "tpu.region"() ({
          %run_scoped3A_227 = tpu.sem_alloc : memref<!tpu.dma_semaphore, #tpu.memory_space<semaphore_mem>>
          %dma_start3A_228 = arith.constant 0 : i32
          %dma_start3A_229 = arith.constant 0 : i32
          %dma_start3A_230 = tpu.memref_slice %arg9[%run_scoped3A_165, %dma_start3A_228, %dma_start3A_229] : memref<4x64x128xf32, #tpu.memory_space<vmem>> -> memref<1x64x128xf32, #tpu.memory_space<vmem>>
          %dma_start3A_231 = tpu.memref_squeeze %dma_start3A_230 : memref<1x64x128xf32, #tpu.memory_space<vmem>> -> memref<64x128xf32, #tpu.memory_space<vmem>>
          %dma_start3A_232 = arith.constant 0 : i32
          %dma_start3A_233 = tpu.memref_slice %arg8[%add3A_149, %dma_start3A_232] : memref<32x64xi32, #tpu.memory_space<vmem>> -> memref<1x64xi32, #tpu.memory_space<vmem>>
          %dma_start3A_234 = tpu.memref_squeeze %dma_start3A_233 : memref<1x64xi32, #tpu.memory_space<vmem>> -> memref<64xi32, #tpu.memory_space<vmem>>
          %dma_start3A_235 = arith.constant 0 : i32
          %dma_start3A_236 = arith.constant 0 : i32
          %dma_start3A_237 = tpu.memref_slice %arg10[%dma_start3A_235, %dma_start3A_236] : memref<10112x128xf32, #tpu.memory_space<vmem_shared>> -> memref<10112x128xf32, #tpu.memory_space<vmem_shared>>
          tpu.enqueue_indirect_dma source(%dma_start3A_231 : memref<64x128xf32, #tpu.memory_space<vmem>>) target(%dma_start3A_237 : memref<10112x128xf32, #tpu.memory_space<vmem_shared>>) offsets(%dma_start3A_234 : memref<64xi32, #tpu.memory_space<vmem>>) semaphore(%run_scoped3A_227 : memref<!tpu.dma_semaphore, #tpu.memory_space<semaphore_mem>>) {add = true}
          %dma_wait3A_238 = arith.constant 0 : i32
          %dma_wait3A_239 = arith.constant 0 : i32
          %dma_wait3A_240 = tpu.memref_slice %arg9[%run_scoped3A_165, %dma_wait3A_238, %dma_wait3A_239] : memref<4x64x128xf32, #tpu.memory_space<vmem>> -> memref<1x64x128xf32, #tpu.memory_space<vmem>>
          %dma_wait3A_241 = tpu.memref_squeeze %dma_wait3A_240 : memref<1x64x128xf32, #tpu.memory_space<vmem>> -> memref<64x128xf32, #tpu.memory_space<vmem>>
          %dma_wait3A_242 = arith.constant 0 : i32
          %dma_wait3A_243 = tpu.memref_slice %arg8[%add3A_149, %dma_wait3A_242] : memref<32x64xi32, #tpu.memory_space<vmem>> -> memref<1x64xi32, #tpu.memory_space<vmem>>
          %dma_wait3A_244 = tpu.memref_squeeze %dma_wait3A_243 : memref<1x64xi32, #tpu.memory_space<vmem>> -> memref<64xi32, #tpu.memory_space<vmem>>
          %dma_wait3A_245 = arith.constant 0 : i32
          %dma_wait3A_246 = arith.constant 0 : i32
          %dma_wait3A_247 = tpu.memref_slice %arg10[%dma_wait3A_245, %dma_wait3A_246] : memref<10112x128xf32, #tpu.memory_space<vmem_shared>> -> memref<10112x128xf32, #tpu.memory_space<vmem_shared>>
          tpu.wait_indirect_dma semaphore(%run_scoped3A_227 : memref<!tpu.dma_semaphore, #tpu.memory_space<semaphore_mem>>) src(%dma_wait3A_241 : memref<64x128xf32, #tpu.memory_space<vmem>>) dst(%dma_wait3A_247 : memref<10112x128xf32, #tpu.memory_space<vmem_shared>>)
          tpu.yield
        }) : () -> ()
        %add3A_166 = arith.constant 4 : i32
        %add3A_167 = arith.addi %add3A_149, %add3A_166 : i32
        %lt3A_168 = arith.constant 32 : i32
        %lt3A_169 = arith.cmpi slt, %add3A_167, %lt3A_168 : i32
        %convert_element_type3A_170 = arith.extui %lt3A_169 : i1 to i32
        %cond3A_171 = arith.constant 0 : i32
        %cond3A_172 = arith.cmpi ne, %convert_element_type3A_170, %cond3A_171 : i32
        scf.if %cond3A_172 {
          %add3A_227 = arith.constant 4 : i32
          %add3A_228 = arith.addi %add3A_149, %add3A_227 : i32
          %dma_start3A_229 = arith.constant 1 : i32
          %dma_start3A_230 = arith.constant 0 : i32
          %dma_start3A_231 = arith.constant 0 : i32
          %dma_start3A_232 = tpu.memref_slice %arg9[%dma_start3A_229, %dma_start3A_230, %dma_start3A_231] : memref<4x64x128xf32, #tpu.memory_space<vmem>> -> memref<1x64x128xf32, #tpu.memory_space<vmem>>
          %dma_start3A_233 = tpu.memref_squeeze %dma_start3A_232 : memref<1x64x128xf32, #tpu.memory_space<vmem>> -> memref<64x128xf32, #tpu.memory_space<vmem>>
          %dma_start3A_234 = arith.constant 0 : i32
          %dma_start3A_235 = tpu.memref_slice %arg7[%add3A_228, %dma_start3A_234] : memref<32x64xi32, #tpu.memory_space<vmem>> -> memref<1x64xi32, #tpu.memory_space<vmem>>
          %dma_start3A_236 = tpu.memref_squeeze %dma_start3A_235 : memref<1x64xi32, #tpu.memory_space<vmem>> -> memref<64xi32, #tpu.memory_space<vmem>>
          %dma_start3A_237 = arith.constant 0 : i32
          %dma_start3A_238 = arith.constant 0 : i32
          %dma_start3A_239 = tpu.memref_slice %arg2[%dma_start3A_237, %dma_start3A_238] : memref<10000x128xf32, #tpu.memory_space<hbm>> -> memref<10000x128xf32, #tpu.memory_space<hbm>>
          tpu.enqueue_indirect_dma source(%dma_start3A_239 : memref<10000x128xf32, #tpu.memory_space<hbm>>) target(%dma_start3A_233 : memref<64x128xf32, #tpu.memory_space<vmem>>) offsets(%dma_start3A_236 : memref<64xi32, #tpu.memory_space<vmem>>) semaphore(%arg12 : memref<!tpu.dma_semaphore, #tpu.memory_space<semaphore_mem>>)
        } else {
        }
        %mul3A_173 = arith.constant 4 : i32
        %mul3A_174 = arith.muli %scan3A_122, %mul3A_173 : i32
        %add3A_175 = arith.constant 2 : i32
        %add3A_176 = arith.addi %mul3A_174, %add3A_175 : i32
        %dma_wait3A_177 = arith.constant 2 : i32
        %dma_wait3A_178 = arith.constant 0 : i32
        %dma_wait3A_179 = arith.constant 0 : i32
        %dma_wait3A_180 = tpu.memref_slice %arg9[%dma_wait3A_177, %dma_wait3A_178, %dma_wait3A_179] : memref<4x64x128xf32, #tpu.memory_space<vmem>> -> memref<1x64x128xf32, #tpu.memory_space<vmem>>
        %dma_wait3A_181 = tpu.memref_squeeze %dma_wait3A_180 : memref<1x64x128xf32, #tpu.memory_space<vmem>> -> memref<64x128xf32, #tpu.memory_space<vmem>>
        %dma_wait3A_182 = arith.constant 0 : i32
        %dma_wait3A_183 = arith.constant 0 : i32
        %dma_wait3A_184 = tpu.memref_slice %arg2[%dma_wait3A_182, %dma_wait3A_183] : memref<10000x128xf32, #tpu.memory_space<hbm>> -> memref<64x128xf32, #tpu.memory_space<hbm>>
        %dma_wait3A_185 = arith.constant 0 : i32
        %dma_wait3A_186 = arith.constant 0 : i32
        %dma_wait3A_187 = tpu.memref_slice %arg9[%dma_wait3A_177, %dma_wait3A_185, %dma_wait3A_186] : memref<4x64x128xf32, #tpu.memory_space<vmem>> -> memref<1x64x128xf32, #tpu.memory_space<vmem>>
        %dma_wait3A_188 = tpu.memref_squeeze %dma_wait3A_187 : memref<1x64x128xf32, #tpu.memory_space<vmem>> -> memref<64x128xf32, #tpu.memory_space<vmem>>
        %dma_wait3A_189 = arith.constant 0 : i32
        %dma_wait3A_190 = arith.constant 0 : i32
        %dma_wait3A_191 = tpu.memref_slice %arg2[%dma_wait3A_189, %dma_wait3A_190] : memref<10000x128xf32, #tpu.memory_space<hbm>> -> memref<64x128xf32, #tpu.memory_space<hbm>>
        tpu.wait_dma2 semaphore(%arg13 : memref<!tpu.dma_semaphore, #tpu.memory_space<semaphore_mem>>) src(%dma_wait3A_191 : memref<64x128xf32, #tpu.memory_space<hbm>>) dst(%dma_wait3A_188 : memref<64x128xf32, #tpu.memory_space<vmem>>)
        %run_scoped3A_192 = arith.constant 2 : i32
        "tpu.region"() ({
          %run_scoped3A_227 = tpu.sem_alloc : memref<!tpu.dma_semaphore, #tpu.memory_space<semaphore_mem>>
          %dma_start3A_228 = arith.constant 0 : i32
          %dma_start3A_229 = arith.constant 0 : i32
          %dma_start3A_230 = tpu.memref_slice %arg9[%run_scoped3A_192, %dma_start3A_228, %dma_start3A_229] : memref<4x64x128xf32, #tpu.memory_space<vmem>> -> memref<1x64x128xf32, #tpu.memory_space<vmem>>
          %dma_start3A_231 = tpu.memref_squeeze %dma_start3A_230 : memref<1x64x128xf32, #tpu.memory_space<vmem>> -> memref<64x128xf32, #tpu.memory_space<vmem>>
          %dma_start3A_232 = arith.constant 0 : i32
          %dma_start3A_233 = tpu.memref_slice %arg8[%add3A_176, %dma_start3A_232] : memref<32x64xi32, #tpu.memory_space<vmem>> -> memref<1x64xi32, #tpu.memory_space<vmem>>
          %dma_start3A_234 = tpu.memref_squeeze %dma_start3A_233 : memref<1x64xi32, #tpu.memory_space<vmem>> -> memref<64xi32, #tpu.memory_space<vmem>>
          %dma_start3A_235 = arith.constant 0 : i32
          %dma_start3A_236 = arith.constant 0 : i32
          %dma_start3A_237 = tpu.memref_slice %arg10[%dma_start3A_235, %dma_start3A_236] : memref<10112x128xf32, #tpu.memory_space<vmem_shared>> -> memref<10112x128xf32, #tpu.memory_space<vmem_shared>>
          tpu.enqueue_indirect_dma source(%dma_start3A_231 : memref<64x128xf32, #tpu.memory_space<vmem>>) target(%dma_start3A_237 : memref<10112x128xf32, #tpu.memory_space<vmem_shared>>) offsets(%dma_start3A_234 : memref<64xi32, #tpu.memory_space<vmem>>) semaphore(%run_scoped3A_227 : memref<!tpu.dma_semaphore, #tpu.memory_space<semaphore_mem>>) {add = true}
          %dma_wait3A_238 = arith.constant 0 : i32
          %dma_wait3A_239 = arith.constant 0 : i32
          %dma_wait3A_240 = tpu.memref_slice %arg9[%run_scoped3A_192, %dma_wait3A_238, %dma_wait3A_239] : memref<4x64x128xf32, #tpu.memory_space<vmem>> -> memref<1x64x128xf32, #tpu.memory_space<vmem>>
          %dma_wait3A_241 = tpu.memref_squeeze %dma_wait3A_240 : memref<1x64x128xf32, #tpu.memory_space<vmem>> -> memref<64x128xf32, #tpu.memory_space<vmem>>
          %dma_wait3A_242 = arith.constant 0 : i32
          %dma_wait3A_243 = tpu.memref_slice %arg8[%add3A_176, %dma_wait3A_242] : memref<32x64xi32, #tpu.memory_space<vmem>> -> memref<1x64xi32, #tpu.memory_space<vmem>>
          %dma_wait3A_244 = tpu.memref_squeeze %dma_wait3A_243 : memref<1x64xi32, #tpu.memory_space<vmem>> -> memref<64xi32, #tpu.memory_space<vmem>>
          %dma_wait3A_245 = arith.constant 0 : i32
          %dma_wait3A_246 = arith.constant 0 : i32
          %dma_wait3A_247 = tpu.memref_slice %arg10[%dma_wait3A_245, %dma_wait3A_246] : memref<10112x128xf32, #tpu.memory_space<vmem_shared>> -> memref<10112x128xf32, #tpu.memory_space<vmem_shared>>
          tpu.wait_indirect_dma semaphore(%run_scoped3A_227 : memref<!tpu.dma_semaphore, #tpu.memory_space<semaphore_mem>>) src(%dma_wait3A_241 : memref<64x128xf32, #tpu.memory_space<vmem>>) dst(%dma_wait3A_247 : memref<10112x128xf32, #tpu.memory_space<vmem_shared>>)
          tpu.yield
        }) : () -> ()
        %add3A_193 = arith.constant 4 : i32
        %add3A_194 = arith.addi %add3A_176, %add3A_193 : i32
        %lt3A_195 = arith.constant 32 : i32
        %lt3A_196 = arith.cmpi slt, %add3A_194, %lt3A_195 : i32
        %convert_element_type3A_197 = arith.extui %lt3A_196 : i1 to i32
        %cond3A_198 = arith.constant 0 : i32
        %cond3A_199 = arith.cmpi ne, %convert_element_type3A_197, %cond3A_198 : i32
        scf.if %cond3A_199 {
          %add3A_227 = arith.constant 4 : i32
          %add3A_228 = arith.addi %add3A_176, %add3A_227 : i32
          %dma_start3A_229 = arith.constant 2 : i32
          %dma_start3A_230 = arith.constant 0 : i32
          %dma_start3A_231 = arith.constant 0 : i32
          %dma_start3A_232 = tpu.memref_slice %arg9[%dma_start3A_229, %dma_start3A_230, %dma_start3A_231] : memref<4x64x128xf32, #tpu.memory_space<vmem>> -> memref<1x64x128xf32, #tpu.memory_space<vmem>>
          %dma_start3A_233 = tpu.memref_squeeze %dma_start3A_232 : memref<1x64x128xf32, #tpu.memory_space<vmem>> -> memref<64x128xf32, #tpu.memory_space<vmem>>
          %dma_start3A_234 = arith.constant 0 : i32
          %dma_start3A_235 = tpu.memref_slice %arg7[%add3A_228, %dma_start3A_234] : memref<32x64xi32, #tpu.memory_space<vmem>> -> memref<1x64xi32, #tpu.memory_space<vmem>>
          %dma_start3A_236 = tpu.memref_squeeze %dma_start3A_235 : memref<1x64xi32, #tpu.memory_space<vmem>> -> memref<64xi32, #tpu.memory_space<vmem>>
          %dma_start3A_237 = arith.constant 0 : i32
          %dma_start3A_238 = arith.constant 0 : i32
          %dma_start3A_239 = tpu.memref_slice %arg2[%dma_start3A_237, %dma_start3A_238] : memref<10000x128xf32, #tpu.memory_space<hbm>> -> memref<10000x128xf32, #tpu.memory_space<hbm>>
          tpu.enqueue_indirect_dma source(%dma_start3A_239 : memref<10000x128xf32, #tpu.memory_space<hbm>>) target(%dma_start3A_233 : memref<64x128xf32, #tpu.memory_space<vmem>>) offsets(%dma_start3A_236 : memref<64xi32, #tpu.memory_space<vmem>>) semaphore(%arg13 : memref<!tpu.dma_semaphore, #tpu.memory_space<semaphore_mem>>)
        } else {
        }
        %mul3A_200 = arith.constant 4 : i32
        %mul3A_201 = arith.muli %scan3A_122, %mul3A_200 : i32
        %add3A_202 = arith.constant 3 : i32
        %add3A_203 = arith.addi %mul3A_201, %add3A_202 : i32
        %dma_wait3A_204 = arith.constant 3 : i32
        %dma_wait3A_205 = arith.constant 0 : i32
        %dma_wait3A_206 = arith.constant 0 : i32
        %dma_wait3A_207 = tpu.memref_slice %arg9[%dma_wait3A_204, %dma_wait3A_205, %dma_wait3A_206] : memref<4x64x128xf32, #tpu.memory_space<vmem>> -> memref<1x64x128xf32, #tpu.memory_space<vmem>>
        %dma_wait3A_208 = tpu.memref_squeeze %dma_wait3A_207 : memref<1x64x128xf32, #tpu.memory_space<vmem>> -> memref<64x128xf32, #tpu.memory_space<vmem>>
        %dma_wait3A_209 = arith.constant 0 : i32
        %dma_wait3A_210 = arith.constant 0 : i32
        %dma_wait3A_211 = tpu.memref_slice %arg2[%dma_wait3A_209, %dma_wait3A_210] : memref<10000x128xf32, #tpu.memory_space<hbm>> -> memref<64x128xf32, #tpu.memory_space<hbm>>
        %dma_wait3A_212 = arith.constant 0 : i32
        %dma_wait3A_213 = arith.constant 0 : i32
        %dma_wait3A_214 = tpu.memref_slice %arg9[%dma_wait3A_204, %dma_wait3A_212, %dma_wait3A_213] : memref<4x64x128xf32, #tpu.memory_space<vmem>> -> memref<1x64x128xf32, #tpu.memory_space<vmem>>
        %dma_wait3A_215 = tpu.memref_squeeze %dma_wait3A_214 : memref<1x64x128xf32, #tpu.memory_space<vmem>> -> memref<64x128xf32, #tpu.memory_space<vmem>>
        %dma_wait3A_216 = arith.constant 0 : i32
        %dma_wait3A_217 = arith.constant 0 : i32
        %dma_wait3A_218 = tpu.memref_slice %arg2[%dma_wait3A_216, %dma_wait3A_217] : memref<10000x128xf32, #tpu.memory_space<hbm>> -> memref<64x128xf32, #tpu.memory_space<hbm>>
        tpu.wait_dma2 semaphore(%arg14 : memref<!tpu.dma_semaphore, #tpu.memory_space<semaphore_mem>>) src(%dma_wait3A_218 : memref<64x128xf32, #tpu.memory_space<hbm>>) dst(%dma_wait3A_215 : memref<64x128xf32, #tpu.memory_space<vmem>>)
        %run_scoped3A_219 = arith.constant 3 : i32
        "tpu.region"() ({
          %run_scoped3A_227 = tpu.sem_alloc : memref<!tpu.dma_semaphore, #tpu.memory_space<semaphore_mem>>
          %dma_start3A_228 = arith.constant 0 : i32
          %dma_start3A_229 = arith.constant 0 : i32
          %dma_start3A_230 = tpu.memref_slice %arg9[%run_scoped3A_219, %dma_start3A_228, %dma_start3A_229] : memref<4x64x128xf32, #tpu.memory_space<vmem>> -> memref<1x64x128xf32, #tpu.memory_space<vmem>>
          %dma_start3A_231 = tpu.memref_squeeze %dma_start3A_230 : memref<1x64x128xf32, #tpu.memory_space<vmem>> -> memref<64x128xf32, #tpu.memory_space<vmem>>
          %dma_start3A_232 = arith.constant 0 : i32
          %dma_start3A_233 = tpu.memref_slice %arg8[%add3A_203, %dma_start3A_232] : memref<32x64xi32, #tpu.memory_space<vmem>> -> memref<1x64xi32, #tpu.memory_space<vmem>>
          %dma_start3A_234 = tpu.memref_squeeze %dma_start3A_233 : memref<1x64xi32, #tpu.memory_space<vmem>> -> memref<64xi32, #tpu.memory_space<vmem>>
          %dma_start3A_235 = arith.constant 0 : i32
          %dma_start3A_236 = arith.constant 0 : i32
          %dma_start3A_237 = tpu.memref_slice %arg10[%dma_start3A_235, %dma_start3A_236] : memref<10112x128xf32, #tpu.memory_space<vmem_shared>> -> memref<10112x128xf32, #tpu.memory_space<vmem_shared>>
          tpu.enqueue_indirect_dma source(%dma_start3A_231 : memref<64x128xf32, #tpu.memory_space<vmem>>) target(%dma_start3A_237 : memref<10112x128xf32, #tpu.memory_space<vmem_shared>>) offsets(%dma_start3A_234 : memref<64xi32, #tpu.memory_space<vmem>>) semaphore(%run_scoped3A_227 : memref<!tpu.dma_semaphore, #tpu.memory_space<semaphore_mem>>) {add = true}
          %dma_wait3A_238 = arith.constant 0 : i32
          %dma_wait3A_239 = arith.constant 0 : i32
          %dma_wait3A_240 = tpu.memref_slice %arg9[%run_scoped3A_219, %dma_wait3A_238, %dma_wait3A_239] : memref<4x64x128xf32, #tpu.memory_space<vmem>> -> memref<1x64x128xf32, #tpu.memory_space<vmem>>
          %dma_wait3A_241 = tpu.memref_squeeze %dma_wait3A_240 : memref<1x64x128xf32, #tpu.memory_space<vmem>> -> memref<64x128xf32, #tpu.memory_space<vmem>>
          %dma_wait3A_242 = arith.constant 0 : i32
          %dma_wait3A_243 = tpu.memref_slice %arg8[%add3A_203, %dma_wait3A_242] : memref<32x64xi32, #tpu.memory_space<vmem>> -> memref<1x64xi32, #tpu.memory_space<vmem>>
          %dma_wait3A_244 = tpu.memref_squeeze %dma_wait3A_243 : memref<1x64xi32, #tpu.memory_space<vmem>> -> memref<64xi32, #tpu.memory_space<vmem>>
          %dma_wait3A_245 = arith.constant 0 : i32
          %dma_wait3A_246 = arith.constant 0 : i32
          %dma_wait3A_247 = tpu.memref_slice %arg10[%dma_wait3A_245, %dma_wait3A_246] : memref<10112x128xf32, #tpu.memory_space<vmem_shared>> -> memref<10112x128xf32, #tpu.memory_space<vmem_shared>>
          tpu.wait_indirect_dma semaphore(%run_scoped3A_227 : memref<!tpu.dma_semaphore, #tpu.memory_space<semaphore_mem>>) src(%dma_wait3A_241 : memref<64x128xf32, #tpu.memory_space<vmem>>) dst(%dma_wait3A_247 : memref<10112x128xf32, #tpu.memory_space<vmem_shared>>)
          tpu.yield
        }) : () -> ()
        %add3A_220 = arith.constant 4 : i32
        %add3A_221 = arith.addi %add3A_203, %add3A_220 : i32
        %lt3A_222 = arith.constant 32 : i32
        %lt3A_223 = arith.cmpi slt, %add3A_221, %lt3A_222 : i32
        %convert_element_type3A_224 = arith.extui %lt3A_223 : i1 to i32
        %cond3A_225 = arith.constant 0 : i32
        %cond3A_226 = arith.cmpi ne, %convert_element_type3A_224, %cond3A_225 : i32
        scf.if %cond3A_226 {
          %add3A_227 = arith.constant 4 : i32
          %add3A_228 = arith.addi %add3A_203, %add3A_227 : i32
          %dma_start3A_229 = arith.constant 3 : i32
          %dma_start3A_230 = arith.constant 0 : i32
          %dma_start3A_231 = arith.constant 0 : i32
          %dma_start3A_232 = tpu.memref_slice %arg9[%dma_start3A_229, %dma_start3A_230, %dma_start3A_231] : memref<4x64x128xf32, #tpu.memory_space<vmem>> -> memref<1x64x128xf32, #tpu.memory_space<vmem>>
          %dma_start3A_233 = tpu.memref_squeeze %dma_start3A_232 : memref<1x64x128xf32, #tpu.memory_space<vmem>> -> memref<64x128xf32, #tpu.memory_space<vmem>>
          %dma_start3A_234 = arith.constant 0 : i32
          %dma_start3A_235 = tpu.memref_slice %arg7[%add3A_228, %dma_start3A_234] : memref<32x64xi32, #tpu.memory_space<vmem>> -> memref<1x64xi32, #tpu.memory_space<vmem>>
          %dma_start3A_236 = tpu.memref_squeeze %dma_start3A_235 : memref<1x64xi32, #tpu.memory_space<vmem>> -> memref<64xi32, #tpu.memory_space<vmem>>
          %dma_start3A_237 = arith.constant 0 : i32
          %dma_start3A_238 = arith.constant 0 : i32
          %dma_start3A_239 = tpu.memref_slice %arg2[%dma_start3A_237, %dma_start3A_238] : memref<10000x128xf32, #tpu.memory_space<hbm>> -> memref<10000x128xf32, #tpu.memory_space<hbm>>
          tpu.enqueue_indirect_dma source(%dma_start3A_239 : memref<10000x128xf32, #tpu.memory_space<hbm>>) target(%dma_start3A_233 : memref<64x128xf32, #tpu.memory_space<vmem>>) offsets(%dma_start3A_236 : memref<64xi32, #tpu.memory_space<vmem>>) semaphore(%arg14 : memref<!tpu.dma_semaphore, #tpu.memory_space<semaphore_mem>>)
        } else {
        }
      }
      %scan3A_121 = arith.constant 8 : i32
    }
    %barrier3A_51 = arith.constant 0 : index
    tpu.barrier barrier_id(%barrier3A_51)
    %while3A_52 = arith.constant 0 : i32
    %while3A_53 = arith.constant 0 : i32
    %while3A_54 = arith.constant 0 : i32
    %while3A_55 = arith.subi %add3A_18, %while3A_54 : i32
    %while3A_56 = arith.addi %while3A_54, %while3A_55 : i32
    %while3A_57 = arith.constant 1 : i32
    %while3A_58 = arith.divsi %while3A_55, %while3A_57 : i32
    %while3A_59 = arith.muli %while3A_58, %while3A_57 : i32
    %while3A_60 = arith.addi %while3A_54, %while3A_59 : i32
    %while3A_61 = arith.constant 1 : i32
    scf.for %while3A_63 = %while3A_54 to %while3A_60 step %while3A_61  : i32 {
      %mul3A_64 = arith.constant 16 : i32
      %mul3A_65 = arith.muli %while3A_63, %mul3A_64 : i32
      %add3A_66 = arith.addi %arg1, %mul3A_65 : i32
      %mul3A_67 = arith.constant 64 : i32
      %mul3A_68 = arith.muli %add3A_66, %mul3A_67 : i32
      "tpu.region"() ({
        %run_scoped3A_69 = tpu.sem_alloc : memref<!tpu.dma_semaphore, #tpu.memory_space<semaphore_mem>>
        %dma_start3A = arith.constant 0 : i32
        %dma_start3A_70 = arith.constant 0 : i32
        %dma_start3A_71 = tpu.memref_slice %arg9[%while3A_53, %dma_start3A, %dma_start3A_70] : memref<4x64x128xf32, #tpu.memory_space<vmem>> -> memref<1x64x128xf32, #tpu.memory_space<vmem>>
        %dma_start3A_72 = tpu.memref_squeeze %dma_start3A_71 : memref<1x64x128xf32, #tpu.memory_space<vmem>> -> memref<64x128xf32, #tpu.memory_space<vmem>>
        %dma_start3A_73 = arith.constant 0 : i32
        %dma_start3A_74 = tpu.memref_slice %arg10[%mul3A_68, %dma_start3A_73] : memref<10112x128xf32, #tpu.memory_space<vmem_shared>> -> memref<64x128xf32, #tpu.memory_space<vmem_shared>>
        %dma_start3A_75 = arith.constant 0 : i32
        %dma_start3A_76 = arith.constant 0 : i32
        %dma_start3A_77 = tpu.memref_slice %arg9[%while3A_53, %dma_start3A_75, %dma_start3A_76] : memref<4x64x128xf32, #tpu.memory_space<vmem>> -> memref<1x64x128xf32, #tpu.memory_space<vmem>>
        %dma_start3A_78 = tpu.memref_squeeze %dma_start3A_77 : memref<1x64x128xf32, #tpu.memory_space<vmem>> -> memref<64x128xf32, #tpu.memory_space<vmem>>
        %dma_start3A_79 = arith.constant 0 : i32
        %dma_start3A_80 = tpu.memref_slice %arg10[%mul3A_68, %dma_start3A_79] : memref<10112x128xf32, #tpu.memory_space<vmem_shared>> -> memref<64x128xf32, #tpu.memory_space<vmem_shared>>
        tpu.enqueue_dma source(%dma_start3A_80 : memref<64x128xf32, #tpu.memory_space<vmem_shared>>) target(%dma_start3A_78 : memref<64x128xf32, #tpu.memory_space<vmem>>) target_semaphore(%run_scoped3A_69 : memref<!tpu.dma_semaphore, #tpu.memory_space<semaphore_mem>>)
        %dma_wait3A = arith.constant 0 : i32
        %dma_wait3A_81 = arith.constant 0 : i32
        %dma_wait3A_82 = tpu.memref_slice %arg9[%while3A_53, %dma_wait3A, %dma_wait3A_81] : memref<4x64x128xf32, #tpu.memory_space<vmem>> -> memref<1x64x128xf32, #tpu.memory_space<vmem>>
        %dma_wait3A_83 = tpu.memref_squeeze %dma_wait3A_82 : memref<1x64x128xf32, #tpu.memory_space<vmem>> -> memref<64x128xf32, #tpu.memory_space<vmem>>
        %dma_wait3A_84 = arith.constant 0 : i32
        %dma_wait3A_85 = tpu.memref_slice %arg10[%mul3A_68, %dma_wait3A_84] : memref<10112x128xf32, #tpu.memory_space<vmem_shared>> -> memref<64x128xf32, #tpu.memory_space<vmem_shared>>
        %dma_wait3A_86 = arith.constant 0 : i32
        %dma_wait3A_87 = arith.constant 0 : i32
        %dma_wait3A_88 = tpu.memref_slice %arg9[%while3A_53, %dma_wait3A_86, %dma_wait3A_87] : memref<4x64x128xf32, #tpu.memory_space<vmem>> -> memref<1x64x128xf32, #tpu.memory_space<vmem>>
        %dma_wait3A_89 = tpu.memref_squeeze %dma_wait3A_88 : memref<1x64x128xf32, #tpu.memory_space<vmem>> -> memref<64x128xf32, #tpu.memory_space<vmem>>
        %dma_wait3A_90 = arith.constant 0 : i32
        %dma_wait3A_91 = tpu.memref_slice %arg10[%mul3A_68, %dma_wait3A_90] : memref<10112x128xf32, #tpu.memory_space<vmem_shared>> -> memref<64x128xf32, #tpu.memory_space<vmem_shared>>
        tpu.wait_dma2 semaphore(%run_scoped3A_69 : memref<!tpu.dma_semaphore, #tpu.memory_space<semaphore_mem>>) src(%dma_wait3A_91 : memref<64x128xf32, #tpu.memory_space<vmem_shared>>) dst(%dma_wait3A_89 : memref<64x128xf32, #tpu.memory_space<vmem>>)
        tpu.yield
      }) : () -> ()
      "tpu.region"() ({
        %run_scoped3A_69 = tpu.sem_alloc : memref<!tpu.dma_semaphore, #tpu.memory_space<semaphore_mem>>
        %dma_start3A = arith.constant 0 : i32
        %dma_start3A_70 = arith.constant 0 : i32
        %dma_start3A_71 = tpu.memref_slice %arg9[%while3A_53, %dma_start3A, %dma_start3A_70] : memref<4x64x128xf32, #tpu.memory_space<vmem>> -> memref<1x64x128xf32, #tpu.memory_space<vmem>>
        %dma_start3A_72 = tpu.memref_squeeze %dma_start3A_71 : memref<1x64x128xf32, #tpu.memory_space<vmem>> -> memref<64x128xf32, #tpu.memory_space<vmem>>
        %dma_start3A_73 = arith.constant 0 : i32
        %dma_start3A_74 = tpu.memref_slice %arg6[%arg0, %mul3A_68, %dma_start3A_73] : memref<2x10112x128xf32, #tpu.memory_space<hbm>> -> memref<1x64x128xf32, #tpu.memory_space<hbm>>
        %dma_start3A_75 = tpu.memref_squeeze %dma_start3A_74 : memref<1x64x128xf32, #tpu.memory_space<hbm>> -> memref<64x128xf32, #tpu.memory_space<hbm>>
        %dma_start3A_76 = arith.constant 0 : i32
        %dma_start3A_77 = tpu.memref_slice %arg6[%arg0, %mul3A_68, %dma_start3A_76] : memref<2x10112x128xf32, #tpu.memory_space<hbm>> -> memref<1x64x128xf32, #tpu.memory_space<hbm>>
        %dma_start3A_78 = tpu.memref_squeeze %dma_start3A_77 : memref<1x64x128xf32, #tpu.memory_space<hbm>> -> memref<64x128xf32, #tpu.memory_space<hbm>>
        %dma_start3A_79 = arith.constant 0 : i32
        %dma_start3A_80 = arith.constant 0 : i32
        %dma_start3A_81 = tpu.memref_slice %arg9[%while3A_53, %dma_start3A_79, %dma_start3A_80] : memref<4x64x128xf32, #tpu.memory_space<vmem>> -> memref<1x64x128xf32, #tpu.memory_space<vmem>>
        %dma_start3A_82 = tpu.memref_squeeze %dma_start3A_81 : memref<1x64x128xf32, #tpu.memory_space<vmem>> -> memref<64x128xf32, #tpu.memory_space<vmem>>
        tpu.enqueue_dma source(%dma_start3A_82 : memref<64x128xf32, #tpu.memory_space<vmem>>) target(%dma_start3A_78 : memref<64x128xf32, #tpu.memory_space<hbm>>) target_semaphore(%run_scoped3A_69 : memref<!tpu.dma_semaphore, #tpu.memory_space<semaphore_mem>>)
        %dma_wait3A = arith.constant 0 : i32
        %dma_wait3A_83 = arith.constant 0 : i32
        %dma_wait3A_84 = tpu.memref_slice %arg9[%while3A_53, %dma_wait3A, %dma_wait3A_83] : memref<4x64x128xf32, #tpu.memory_space<vmem>> -> memref<1x64x128xf32, #tpu.memory_space<vmem>>
        %dma_wait3A_85 = tpu.memref_squeeze %dma_wait3A_84 : memref<1x64x128xf32, #tpu.memory_space<vmem>> -> memref<64x128xf32, #tpu.memory_space<vmem>>
        %dma_wait3A_86 = arith.constant 0 : i32
        %dma_wait3A_87 = tpu.memref_slice %arg6[%arg0, %mul3A_68, %dma_wait3A_86] : memref<2x10112x128xf32, #tpu.memory_space<hbm>> -> memref<1x64x128xf32, #tpu.memory_space<hbm>>
        %dma_wait3A_88 = tpu.memref_squeeze %dma_wait3A_87 : memref<1x64x128xf32, #tpu.memory_space<hbm>> -> memref<64x128xf32, #tpu.memory_space<hbm>>
        %dma_wait3A_89 = arith.constant 0 : i32
        %dma_wait3A_90 = tpu.memref_slice %arg6[%arg0, %mul3A_68, %dma_wait3A_89] : memref<2x10112x128xf32, #tpu.memory_space<hbm>> -> memref<1x64x128xf32, #tpu.memory_space<hbm>>
        %dma_wait3A_91 = tpu.memref_squeeze %dma_wait3A_90 : memref<1x64x128xf32, #tpu.memory_space<hbm>> -> memref<64x128xf32, #tpu.memory_space<hbm>>
        %dma_wait3A_92 = arith.constant 0 : i32
        %dma_wait3A_93 = arith.constant 0 : i32
        %dma_wait3A_94 = tpu.memref_slice %arg9[%while3A_53, %dma_wait3A_92, %dma_wait3A_93] : memref<4x64x128xf32, #tpu.memory_space<vmem>> -> memref<1x64x128xf32, #tpu.memory_space<vmem>>
        %dma_wait3A_95 = tpu.memref_squeeze %dma_wait3A_94 : memref<1x64x128xf32, #tpu.memory_space<vmem>> -> memref<64x128xf32, #tpu.memory_space<vmem>>
        tpu.wait_dma2 semaphore(%run_scoped3A_69 : memref<!tpu.dma_semaphore, #tpu.memory_space<semaphore_mem>>) src(%dma_wait3A_95 : memref<64x128xf32, #tpu.memory_space<vmem>>) dst(%dma_wait3A_91 : memref<64x128xf32, #tpu.memory_space<hbm>>)
        tpu.yield
      }) : () -> ()
    }
    %while3A_62 = arith.constant 1 : i32
    scf.for %while3A_63 = %while3A_60 to %while3A_56 step %while3A_62  : i32 {
      %mul3A_64 = arith.constant 16 : i32
      %mul3A_65 = arith.muli %while3A_63, %mul3A_64 : i32
      %add3A_66 = arith.addi %arg1, %mul3A_65 : i32
      %mul3A_67 = arith.constant 64 : i32
      %mul3A_68 = arith.muli %add3A_66, %mul3A_67 : i32
      "tpu.region"() ({
        %run_scoped3A_69 = tpu.sem_alloc : memref<!tpu.dma_semaphore, #tpu.memory_space<semaphore_mem>>
        %dma_start3A = arith.constant 0 : i32
        %dma_start3A_70 = arith.constant 0 : i32
        %dma_start3A_71 = tpu.memref_slice %arg9[%while3A_53, %dma_start3A, %dma_start3A_70] : memref<4x64x128xf32, #tpu.memory_space<vmem>> -> memref<1x64x128xf32, #tpu.memory_space<vmem>>
        %dma_start3A_72 = tpu.memref_squeeze %dma_start3A_71 : memref<1x64x128xf32, #tpu.memory_space<vmem>> -> memref<64x128xf32, #tpu.memory_space<vmem>>
        %dma_start3A_73 = arith.constant 0 : i32
        %dma_start3A_74 = tpu.memref_slice %arg10[%mul3A_68, %dma_start3A_73] : memref<10112x128xf32, #tpu.memory_space<vmem_shared>> -> memref<64x128xf32, #tpu.memory_space<vmem_shared>>
        %dma_start3A_75 = arith.constant 0 : i32
        %dma_start3A_76 = arith.constant 0 : i32
        %dma_start3A_77 = tpu.memref_slice %arg9[%while3A_53, %dma_start3A_75, %dma_start3A_76] : memref<4x64x128xf32, #tpu.memory_space<vmem>> -> memref<1x64x128xf32, #tpu.memory_space<vmem>>
        %dma_start3A_78 = tpu.memref_squeeze %dma_start3A_77 : memref<1x64x128xf32, #tpu.memory_space<vmem>> -> memref<64x128xf32, #tpu.memory_space<vmem>>
        %dma_start3A_79 = arith.constant 0 : i32
        %dma_start3A_80 = tpu.memref_slice %arg10[%mul3A_68, %dma_start3A_79] : memref<10112x128xf32, #tpu.memory_space<vmem_shared>> -> memref<64x128xf32, #tpu.memory_space<vmem_shared>>
        tpu.enqueue_dma source(%dma_start3A_80 : memref<64x128xf32, #tpu.memory_space<vmem_shared>>) target(%dma_start3A_78 : memref<64x128xf32, #tpu.memory_space<vmem>>) target_semaphore(%run_scoped3A_69 : memref<!tpu.dma_semaphore, #tpu.memory_space<semaphore_mem>>)
        %dma_wait3A = arith.constant 0 : i32
        %dma_wait3A_81 = arith.constant 0 : i32
        %dma_wait3A_82 = tpu.memref_slice %arg9[%while3A_53, %dma_wait3A, %dma_wait3A_81] : memref<4x64x128xf32, #tpu.memory_space<vmem>> -> memref<1x64x128xf32, #tpu.memory_space<vmem>>
        %dma_wait3A_83 = tpu.memref_squeeze %dma_wait3A_82 : memref<1x64x128xf32, #tpu.memory_space<vmem>> -> memref<64x128xf32, #tpu.memory_space<vmem>>
        %dma_wait3A_84 = arith.constant 0 : i32
        %dma_wait3A_85 = tpu.memref_slice %arg10[%mul3A_68, %dma_wait3A_84] : memref<10112x128xf32, #tpu.memory_space<vmem_shared>> -> memref<64x128xf32, #tpu.memory_space<vmem_shared>>
        %dma_wait3A_86 = arith.constant 0 : i32
        %dma_wait3A_87 = arith.constant 0 : i32
        %dma_wait3A_88 = tpu.memref_slice %arg9[%while3A_53, %dma_wait3A_86, %dma_wait3A_87] : memref<4x64x128xf32, #tpu.memory_space<vmem>> -> memref<1x64x128xf32, #tpu.memory_space<vmem>>
        %dma_wait3A_89 = tpu.memref_squeeze %dma_wait3A_88 : memref<1x64x128xf32, #tpu.memory_space<vmem>> -> memref<64x128xf32, #tpu.memory_space<vmem>>
        %dma_wait3A_90 = arith.constant 0 : i32
        %dma_wait3A_91 = tpu.memref_slice %arg10[%mul3A_68, %dma_wait3A_90] : memref<10112x128xf32, #tpu.memory_space<vmem_shared>> -> memref<64x128xf32, #tpu.memory_space<vmem_shared>>
        tpu.wait_dma2 semaphore(%run_scoped3A_69 : memref<!tpu.dma_semaphore, #tpu.memory_space<semaphore_mem>>) src(%dma_wait3A_91 : memref<64x128xf32, #tpu.memory_space<vmem_shared>>) dst(%dma_wait3A_89 : memref<64x128xf32, #tpu.memory_space<vmem>>)
        tpu.yield
      }) : () -> ()
      "tpu.region"() ({
        %run_scoped3A_69 = tpu.sem_alloc : memref<!tpu.dma_semaphore, #tpu.memory_space<semaphore_mem>>
        %dma_start3A = arith.constant 0 : i32
        %dma_start3A_70 = arith.constant 0 : i32
        %dma_start3A_71 = tpu.memref_slice %arg9[%while3A_53, %dma_start3A, %dma_start3A_70] : memref<4x64x128xf32, #tpu.memory_space<vmem>> -> memref<1x64x128xf32, #tpu.memory_space<vmem>>
        %dma_start3A_72 = tpu.memref_squeeze %dma_start3A_71 : memref<1x64x128xf32, #tpu.memory_space<vmem>> -> memref<64x128xf32, #tpu.memory_space<vmem>>
        %dma_start3A_73 = arith.constant 0 : i32
        %dma_start3A_74 = tpu.memref_slice %arg6[%arg0, %mul3A_68, %dma_start3A_73] : memref<2x10112x128xf32, #tpu.memory_space<hbm>> -> memref<1x64x128xf32, #tpu.memory_space<hbm>>
        %dma_start3A_75 = tpu.memref_squeeze %dma_start3A_74 : memref<1x64x128xf32, #tpu.memory_space<hbm>> -> memref<64x128xf32, #tpu.memory_space<hbm>>
        %dma_start3A_76 = arith.constant 0 : i32
        %dma_start3A_77 = tpu.memref_slice %arg6[%arg0, %mul3A_68, %dma_start3A_76] : memref<2x10112x128xf32, #tpu.memory_space<hbm>> -> memref<1x64x128xf32, #tpu.memory_space<hbm>>
        %dma_start3A_78 = tpu.memref_squeeze %dma_start3A_77 : memref<1x64x128xf32, #tpu.memory_space<hbm>> -> memref<64x128xf32, #tpu.memory_space<hbm>>
        %dma_start3A_79 = arith.constant 0 : i32
        %dma_start3A_80 = arith.constant 0 : i32
        %dma_start3A_81 = tpu.memref_slice %arg9[%while3A_53, %dma_start3A_79, %dma_start3A_80] : memref<4x64x128xf32, #tpu.memory_space<vmem>> -> memref<1x64x128xf32, #tpu.memory_space<vmem>>
        %dma_start3A_82 = tpu.memref_squeeze %dma_start3A_81 : memref<1x64x128xf32, #tpu.memory_space<vmem>> -> memref<64x128xf32, #tpu.memory_space<vmem>>
        tpu.enqueue_dma source(%dma_start3A_82 : memref<64x128xf32, #tpu.memory_space<vmem>>) target(%dma_start3A_78 : memref<64x128xf32, #tpu.memory_space<hbm>>) target_semaphore(%run_scoped3A_69 : memref<!tpu.dma_semaphore, #tpu.memory_space<semaphore_mem>>)
        %dma_wait3A = arith.constant 0 : i32
        %dma_wait3A_83 = arith.constant 0 : i32
        %dma_wait3A_84 = tpu.memref_slice %arg9[%while3A_53, %dma_wait3A, %dma_wait3A_83] : memref<4x64x128xf32, #tpu.memory_space<vmem>> -> memref<1x64x128xf32, #tpu.memory_space<vmem>>
        %dma_wait3A_85 = tpu.memref_squeeze %dma_wait3A_84 : memref<1x64x128xf32, #tpu.memory_space<vmem>> -> memref<64x128xf32, #tpu.memory_space<vmem>>
        %dma_wait3A_86 = arith.constant 0 : i32
        %dma_wait3A_87 = tpu.memref_slice %arg6[%arg0, %mul3A_68, %dma_wait3A_86] : memref<2x10112x128xf32, #tpu.memory_space<hbm>> -> memref<1x64x128xf32, #tpu.memory_space<hbm>>
        %dma_wait3A_88 = tpu.memref_squeeze %dma_wait3A_87 : memref<1x64x128xf32, #tpu.memory_space<hbm>> -> memref<64x128xf32, #tpu.memory_space<hbm>>
        %dma_wait3A_89 = arith.constant 0 : i32
        %dma_wait3A_90 = tpu.memref_slice %arg6[%arg0, %mul3A_68, %dma_wait3A_89] : memref<2x10112x128xf32, #tpu.memory_space<hbm>> -> memref<1x64x128xf32, #tpu.memory_space<hbm>>
        %dma_wait3A_91 = tpu.memref_squeeze %dma_wait3A_90 : memref<1x64x128xf32, #tpu.memory_space<hbm>> -> memref<64x128xf32, #tpu.memory_space<hbm>>
        %dma_wait3A_92 = arith.constant 0 : i32
        %dma_wait3A_93 = arith.constant 0 : i32
        %dma_wait3A_94 = tpu.memref_slice %arg9[%while3A_53, %dma_wait3A_92, %dma_wait3A_93] : memref<4x64x128xf32, #tpu.memory_space<vmem>> -> memref<1x64x128xf32, #tpu.memory_space<vmem>>
        %dma_wait3A_95 = tpu.memref_squeeze %dma_wait3A_94 : memref<1x64x128xf32, #tpu.memory_space<vmem>> -> memref<64x128xf32, #tpu.memory_space<vmem>>
        tpu.wait_dma2 semaphore(%run_scoped3A_69 : memref<!tpu.dma_semaphore, #tpu.memory_space<semaphore_mem>>) src(%dma_wait3A_95 : memref<64x128xf32, #tpu.memory_space<vmem>>) dst(%dma_wait3A_91 : memref<64x128xf32, #tpu.memory_space<hbm>>)
        tpu.yield
      }) : () -> ()
    }
    return
  }
}

module attributes {stable_mosaic.version = 14 : i64} {
  func.func @_mm2_body(%arg0: i32, %arg1: memref<1000x128xf32, #tpu.memory_space<vmem>>, %arg2: memref<128x128xf32, #tpu.memory_space<vmem>>, %arg3: memref<128x128xf32, #tpu.memory_space<vmem>>, %arg4: memref<1000x128xf32, #tpu.memory_space<vmem>>, %arg5: memref<1000x128xf32, #tpu.memory_space<vmem>>) attributes {dimension_semantics = [#tpu.dimension_semantics<arbitrary>], iteration_bounds = array<i64: 10>, scalar_prefetch = 0 : i64, scratch_operands = 0 : i64, tpu.core_type = #tpu.core_type<tc>, window_params = [{transform_indices = @transform_0, window_bounds = array<i64: 1000, 128>}, {pipeline_mode = #tpu.pipeline_mode<synchronous>, transform_indices = @transform_1, window_bounds = array<i64: 128, 128>}, {pipeline_mode = #tpu.pipeline_mode<synchronous>, transform_indices = @transform_2, window_bounds = array<i64: 128, 128>}, {transform_indices = @transform_3, window_bounds = array<i64: 1000, 128>}, {transform_indices = @transform_4, window_bounds = array<i64: 1000, 128>}]} {
    %get3A = arith.constant 0 : index
    %get3A_0 = arith.constant 0 : index
    %get3A_1 = vector.load %arg1[%get3A, %get3A_0] : memref<1000x128xf32, #tpu.memory_space<vmem>>, vector<1000x128xf32>
    %get3A_2 = arith.constant 0 : index
    %get3A_3 = arith.constant 0 : index
    %get3A_4 = vector.load %arg2[%get3A_2, %get3A_3] : memref<128x128xf32, #tpu.memory_space<vmem>>, vector<128x128xf32>
    %dot_general3A = arith.constant dense<0.000000e+00> : vector<1000x128xf32>
    %dot_general3A_5 = tpu.matmul %get3A_1, %get3A_4, %dot_general3A {dimension_numbers = #tpu.dot_dimension_numbers<[1], [0], [0], [1], [0, 0, 1, 1], [], []>, transpose_lhs_hint = false} : vector<1000x128xf32>, vector<128x128xf32>, vector<1000x128xf32> -> vector<1000x128xf32>
    %swap3A = arith.constant 0 : index
    %swap3A_6 = arith.constant 0 : index
    %swap3A_7 = vector.load %arg4[%swap3A, %swap3A_6] : memref<1000x128xf32, #tpu.memory_space<vmem>>, vector<1000x128xf32>
    tpu.vector_store %arg4[%swap3A, %swap3A_6], %dot_general3A_5 {strides = array<i32>} : memref<1000x128xf32, #tpu.memory_space<vmem>>, vector<1000x128xf32>,
    %get3A_8 = arith.constant 0 : index
    %get3A_9 = arith.constant 0 : index
    %get3A_10 = vector.load %arg3[%get3A_8, %get3A_9] : memref<128x128xf32, #tpu.memory_space<vmem>>, vector<128x128xf32>
    %dot_general3A_11 = arith.constant dense<0.000000e+00> : vector<1000x128xf32>
    %dot_general3A_12 = tpu.matmul %get3A_1, %get3A_10, %dot_general3A_11 {dimension_numbers = #tpu.dot_dimension_numbers<[1], [0], [0], [1], [0, 0, 1, 1], [], []>, transpose_lhs_hint = false} : vector<1000x128xf32>, vector<128x128xf32>, vector<1000x128xf32> -> vector<1000x128xf32>
    %swap3A_13 = arith.constant 0 : index
    %swap3A_14 = arith.constant 0 : index
    %swap3A_15 = vector.load %arg5[%swap3A_13, %swap3A_14] : memref<1000x128xf32, #tpu.memory_space<vmem>>, vector<1000x128xf32>
    tpu.vector_store %arg5[%swap3A_13, %swap3A_14], %dot_general3A_12 {strides = array<i32>} : memref<1000x128xf32, #tpu.memory_space<vmem>>, vector<1000x128xf32>,
    return
  }
  func.func @transform_0(%arg0: i32) -> (i32, i32) {
    %c0_i32 = arith.constant 0 : i32
    %c0_i32_0 = arith.constant 0 : i32
    return %arg0, %c0_i32 : i32, i32
  }
  func.func @transform_1(%arg0: i32) -> (i32, i32) {
    %c0_i32 = arith.constant 0 : i32
    %c0_i32_0 = arith.constant 0 : i32
    %c0_i32_1 = arith.constant 0 : i32
    return %c0_i32, %c0_i32_0 : i32, i32
  }
  func.func @transform_2(%arg0: i32) -> (i32, i32) {
    %c0_i32 = arith.constant 0 : i32
    %c0_i32_0 = arith.constant 0 : i32
    %c0_i32_1 = arith.constant 0 : i32
    return %c0_i32, %c0_i32_0 : i32, i32
  }
  func.func @transform_3(%arg0: i32) -> (i32, i32) {
    %c0_i32 = arith.constant 0 : i32
    %c0_i32_0 = arith.constant 0 : i32
    return %arg0, %c0_i32 : i32, i32
  }
  func.func @transform_4(%arg0: i32) -> (i32, i32) {
    %c0_i32 = arith.constant 0 : i32
    %c0_i32_0 = arith.constant 0 : i32
    return %arg0, %c0_i32 : i32, i32
  }
}

module attributes {stable_mosaic.version = 14 : i64} {
  func.func @_mid_body(%arg0: i32, %arg1: memref<2x1000x128xf32, #tpu.memory_space<vmem>>, %arg2: memref<2x1000x128xf32, #tpu.memory_space<vmem>>, %arg3: memref<1000x128xf32, #tpu.memory_space<vmem>>, %arg4: memref<1x128xf32, #tpu.memory_space<vmem>>, %arg5: memref<128x128xf32, #tpu.memory_space<vmem>>, %arg6: memref<128x128xf32, #tpu.memory_space<vmem>>, %arg7: memref<1000x128xf32, #tpu.memory_space<vmem>>, %arg8: memref<1000x128xf32, #tpu.memory_space<vmem>>) attributes {dimension_semantics = [#tpu.dimension_semantics<arbitrary>], iteration_bounds = array<i64: 10>, scalar_prefetch = 0 : i64, scratch_operands = 0 : i64, tpu.core_type = #tpu.core_type<tc>, window_params = [{transform_indices = @transform_0, window_bounds = array<i64: 2, 1000, 128>}, {transform_indices = @transform_1, window_bounds = array<i64: 2, 1000, 128>}, {transform_indices = @transform_2, window_bounds = array<i64: 1000, 128>}, {pipeline_mode = #tpu.pipeline_mode<synchronous>, transform_indices = @transform_3, window_bounds = array<i64: 1, 128>}, {pipeline_mode = #tpu.pipeline_mode<synchronous>, transform_indices = @transform_4, window_bounds = array<i64: 128, 128>}, {pipeline_mode = #tpu.pipeline_mode<synchronous>, transform_indices = @transform_5, window_bounds = array<i64: 128, 128>}, {transform_indices = @transform_6, window_bounds = array<i64: 1000, 128>}, {transform_indices = @transform_7, window_bounds = array<i64: 1000, 128>}]} {
    %get3A = arith.constant 0 : index
    %get3A_0 = arith.constant 0 : index
    %get3A_1 = arith.constant 0 : index
    %get3A_2 = vector.load %arg1[%get3A, %get3A_0, %get3A_1] : memref<2x1000x128xf32, #tpu.memory_space<vmem>>, vector<1x1000x128xf32>
    %get3A_3 = vector.shape_cast %get3A_2 : vector<1x1000x128xf32> to vector<1000x128xf32>
    %get3A_4 = arith.constant 1 : index
    %get3A_5 = arith.constant 0 : index
    %get3A_6 = arith.constant 0 : index
    %get3A_7 = vector.load %arg1[%get3A_4, %get3A_5, %get3A_6] : memref<2x1000x128xf32, #tpu.memory_space<vmem>>, vector<1x1000x128xf32>
    %get3A_8 = vector.shape_cast %get3A_7 : vector<1x1000x128xf32> to vector<1000x128xf32>
    %add3A = arith.addf %get3A_3, %get3A_8 : vector<1000x128xf32>
    %get3A_9 = arith.constant 0 : index
    %get3A_10 = arith.constant 0 : index
    %get3A_11 = arith.constant 0 : index
    %get3A_12 = vector.load %arg2[%get3A_9, %get3A_10, %get3A_11] : memref<2x1000x128xf32, #tpu.memory_space<vmem>>, vector<1x1000x1xf32>
    %get3A_13 = vector.shape_cast %get3A_12 : vector<1x1000x1xf32> to vector<1000x1xf32>
    %get3A_14 = arith.constant 1 : index
    %get3A_15 = arith.constant 0 : index
    %get3A_16 = arith.constant 0 : index
    %get3A_17 = vector.load %arg2[%get3A_14, %get3A_15, %get3A_16] : memref<2x1000x128xf32, #tpu.memory_space<vmem>>, vector<1x1000x1xf32>
    %get3A_18 = vector.shape_cast %get3A_17 : vector<1x1000x1xf32> to vector<1000x1xf32>
    %add3A_19 = arith.addf %get3A_13, %get3A_18 : vector<1000x1xf32>
    %max3A = arith.constant 1.000000e+00 : f32
    %max3A_20 = vector.broadcast %max3A : f32 to vector<1000x1xf32>
    %max3A_21 = arith.maximumf %add3A_19, %max3A_20 : vector<1000x1xf32>
    %div3A = arith.constant 1.000000e+00 : f32
    %div3A_22 = vector.broadcast %div3A : f32 to vector<1000x1xf32>
    %div3A_23 = arith.divf %div3A_22, %max3A_21 : vector<1000x1xf32>
    %mul3A = vector.broadcast %div3A_23 : vector<1000x1xf32> to vector<1000x128xf32>
    %mul3A_24 = arith.mulf %add3A, %mul3A : vector<1000x128xf32>
    %get3A_25 = arith.constant 0 : index
    %get3A_26 = arith.constant 0 : index
    %get3A_27 = vector.load %arg3[%get3A_25, %get3A_26] : memref<1000x128xf32, #tpu.memory_space<vmem>>, vector<1000x128xf32>
    %add3A_28 = arith.addf %mul3A_24, %get3A_27 : vector<1000x128xf32>
    %get3A_29 = arith.constant 0 : index
    %get3A_30 = arith.constant 0 : index
    %get3A_31 = vector.load %arg4[%get3A_29, %get3A_30] : memref<1x128xf32, #tpu.memory_space<vmem>>, vector<1x128xf32>
    %add3A_32 = vector.broadcast %get3A_31 : vector<1x128xf32> to vector<1000x128xf32>
    %add3A_33 = arith.addf %add3A_28, %add3A_32 : vector<1000x128xf32>
    %mul3A_34 = arith.mulf %add3A_33, %add3A_33 : vector<1000x128xf32>
    %reduce_sum3A = arith.constant dense<0.000000e+00> : vector<1000xf32>
    %reduce_sum3A_35 = vector.multi_reduction <add>, %mul3A_34, %reduce_sum3A [1] : vector<1000x128xf32> to vector<1000xf32>
    %broadcast_in_dim3A = vector.shape_cast %reduce_sum3A_35 : vector<1000xf32> to vector<1000x1xf32>
    %sqrt3A = math.sqrt %broadcast_in_dim3A : vector<1000x1xf32>
    %max3A_36 = arith.constant 9.99999996E-13 : f32
    %max3A_37 = vector.broadcast %max3A_36 : f32 to vector<1000x1xf32>
    %max3A_38 = arith.maximumf %sqrt3A, %max3A_37 : vector<1000x1xf32>
    %div3A_39 = vector.broadcast %max3A_38 : vector<1000x1xf32> to vector<1000x128xf32>
    %div3A_40 = arith.divf %add3A_33, %div3A_39 : vector<1000x128xf32>
    %max3A_41 = arith.constant 0.000000e+00 : f32
    %max3A_42 = vector.broadcast %max3A_41 : f32 to vector<1000x128xf32>
    %max3A_43 = arith.maximumf %div3A_40, %max3A_42 : vector<1000x128xf32>
    %get3A_44 = arith.constant 0 : index
    %get3A_45 = arith.constant 0 : index
    %get3A_46 = vector.load %arg5[%get3A_44, %get3A_45] : memref<128x128xf32, #tpu.memory_space<vmem>>, vector<128x128xf32>
    %dot_general3A = arith.constant dense<0.000000e+00> : vector<1000x128xf32>
    %dot_general3A_47 = tpu.matmul %max3A_43, %get3A_46, %dot_general3A {dimension_numbers = #tpu.dot_dimension_numbers<[1], [0], [0], [1], [0, 0, 1, 1], [], []>, transpose_lhs_hint = false} : vector<1000x128xf32>, vector<128x128xf32>, vector<1000x128xf32> -> vector<1000x128xf32>
    %swap3A = arith.constant 0 : index
    %swap3A_48 = arith.constant 0 : index
    %swap3A_49 = vector.load %arg7[%swap3A, %swap3A_48] : memref<1000x128xf32, #tpu.memory_space<vmem>>, vector<1000x128xf32>
    tpu.vector_store %arg7[%swap3A, %swap3A_48], %dot_general3A_47 {strides = array<i32>} : memref<1000x128xf32, #tpu.memory_space<vmem>>, vector<1000x128xf32>,
    %get3A_50 = arith.constant 0 : index
    %get3A_51 = arith.constant 0 : index
    %get3A_52 = vector.load %arg6[%get3A_50, %get3A_51] : memref<128x128xf32, #tpu.memory_space<vmem>>, vector<128x128xf32>
    %dot_general3A_53 = arith.constant dense<0.000000e+00> : vector<1000x128xf32>
    %dot_general3A_54 = tpu.matmul %max3A_43, %get3A_52, %dot_general3A_53 {dimension_numbers = #tpu.dot_dimension_numbers<[1], [0], [0], [1], [0, 0, 1, 1], [], []>, transpose_lhs_hint = false} : vector<1000x128xf32>, vector<128x128xf32>, vector<1000x128xf32> -> vector<1000x128xf32>
    %swap3A_55 = arith.constant 0 : index
    %swap3A_56 = arith.constant 0 : index
    %swap3A_57 = vector.load %arg8[%swap3A_55, %swap3A_56] : memref<1000x128xf32, #tpu.memory_space<vmem>>, vector<1000x128xf32>
    tpu.vector_store %arg8[%swap3A_55, %swap3A_56], %dot_general3A_54 {strides = array<i32>} : memref<1000x128xf32, #tpu.memory_space<vmem>>, vector<1000x128xf32>,
    return
  }
  func.func @transform_0(%arg0: i32) -> (i32, i32, i32) {
    %c0_i32 = arith.constant 0 : i32
    %c0_i32_0 = arith.constant 0 : i32
    %c0_i32_1 = arith.constant 0 : i32
    return %c0_i32, %arg0, %c0_i32_0 : i32, i32, i32
  }
  func.func @transform_1(%arg0: i32) -> (i32, i32, i32) {
    %c0_i32 = arith.constant 0 : i32
    %c0_i32_0 = arith.constant 0 : i32
    %c0_i32_1 = arith.constant 0 : i32
    return %c0_i32, %arg0, %c0_i32_0 : i32, i32, i32
  }
  func.func @transform_2(%arg0: i32) -> (i32, i32) {
    %c0_i32 = arith.constant 0 : i32
    %c0_i32_0 = arith.constant 0 : i32
    return %arg0, %c0_i32 : i32, i32
  }
  func.func @transform_3(%arg0: i32) -> (i32, i32) {
    %c0_i32 = arith.constant 0 : i32
    %c0_i32_0 = arith.constant 0 : i32
    %c0_i32_1 = arith.constant 0 : i32
    return %c0_i32, %c0_i32_0 : i32, i32
  }
  func.func @transform_4(%arg0: i32) -> (i32, i32) {
    %c0_i32 = arith.constant 0 : i32
    %c0_i32_0 = arith.constant 0 : i32
    %c0_i32_1 = arith.constant 0 : i32
    return %c0_i32, %c0_i32_0 : i32, i32
  }
  func.func @transform_5(%arg0: i32) -> (i32, i32) {
    %c0_i32 = arith.constant 0 : i32
    %c0_i32_0 = arith.constant 0 : i32
    %c0_i32_1 = arith.constant 0 : i32
    return %c0_i32, %c0_i32_0 : i32, i32
  }
  func.func @transform_6(%arg0: i32) -> (i32, i32) {
    %c0_i32 = arith.constant 0 : i32
    %c0_i32_0 = arith.constant 0 : i32
    return %arg0, %c0_i32 : i32, i32
  }
  func.func @transform_7(%arg0: i32) -> (i32, i32) {
    %c0_i32 = arith.constant 0 : i32
    %c0_i32_0 = arith.constant 0 : i32
    return %arg0, %c0_i32 : i32, i32
  }
}

module attributes {stable_mosaic.version = 14 : i64} {
  func.func @_final_body(%arg0: i32, %arg1: memref<2x1000x128xf32, #tpu.memory_space<vmem>>, %arg2: memref<2x1000x128xf32, #tpu.memory_space<vmem>>, %arg3: memref<1000x128xf32, #tpu.memory_space<vmem>>, %arg4: memref<1x128xf32, #tpu.memory_space<vmem>>, %arg5: memref<1000x128xf32, #tpu.memory_space<vmem>>) attributes {dimension_semantics = [#tpu.dimension_semantics<arbitrary>], iteration_bounds = array<i64: 10>, scalar_prefetch = 0 : i64, scratch_operands = 0 : i64, tpu.core_type = #tpu.core_type<tc>, window_params = [{transform_indices = @transform_0, window_bounds = array<i64: 2, 1000, 128>}, {transform_indices = @transform_1, window_bounds = array<i64: 2, 1000, 128>}, {transform_indices = @transform_2, window_bounds = array<i64: 1000, 128>}, {pipeline_mode = #tpu.pipeline_mode<synchronous>, transform_indices = @transform_3, window_bounds = array<i64: 1, 128>}, {transform_indices = @transform_4, window_bounds = array<i64: 1000, 128>}]} {
    %get3A = arith.constant 0 : index
    %get3A_0 = arith.constant 0 : index
    %get3A_1 = arith.constant 0 : index
    %get3A_2 = vector.load %arg1[%get3A, %get3A_0, %get3A_1] : memref<2x1000x128xf32, #tpu.memory_space<vmem>>, vector<1x1000x128xf32>
    %get3A_3 = vector.shape_cast %get3A_2 : vector<1x1000x128xf32> to vector<1000x128xf32>
    %get3A_4 = arith.constant 1 : index
    %get3A_5 = arith.constant 0 : index
    %get3A_6 = arith.constant 0 : index
    %get3A_7 = vector.load %arg1[%get3A_4, %get3A_5, %get3A_6] : memref<2x1000x128xf32, #tpu.memory_space<vmem>>, vector<1x1000x128xf32>
    %get3A_8 = vector.shape_cast %get3A_7 : vector<1x1000x128xf32> to vector<1000x128xf32>
    %add3A = arith.addf %get3A_3, %get3A_8 : vector<1000x128xf32>
    %get3A_9 = arith.constant 0 : index
    %get3A_10 = arith.constant 0 : index
    %get3A_11 = arith.constant 0 : index
    %get3A_12 = vector.load %arg2[%get3A_9, %get3A_10, %get3A_11] : memref<2x1000x128xf32, #tpu.memory_space<vmem>>, vector<1x1000x1xf32>
    %get3A_13 = vector.shape_cast %get3A_12 : vector<1x1000x1xf32> to vector<1000x1xf32>
    %get3A_14 = arith.constant 1 : index
    %get3A_15 = arith.constant 0 : index
    %get3A_16 = arith.constant 0 : index
    %get3A_17 = vector.load %arg2[%get3A_14, %get3A_15, %get3A_16] : memref<2x1000x128xf32, #tpu.memory_space<vmem>>, vector<1x1000x1xf32>
    %get3A_18 = vector.shape_cast %get3A_17 : vector<1x1000x1xf32> to vector<1000x1xf32>
    %add3A_19 = arith.addf %get3A_13, %get3A_18 : vector<1000x1xf32>
    %max3A = arith.constant 1.000000e+00 : f32
    %max3A_20 = vector.broadcast %max3A : f32 to vector<1000x1xf32>
    %max3A_21 = arith.maximumf %add3A_19, %max3A_20 : vector<1000x1xf32>
    %div3A = arith.constant 1.000000e+00 : f32
    %div3A_22 = vector.broadcast %div3A : f32 to vector<1000x1xf32>
    %div3A_23 = arith.divf %div3A_22, %max3A_21 : vector<1000x1xf32>
    %mul3A = vector.broadcast %div3A_23 : vector<1000x1xf32> to vector<1000x128xf32>
    %mul3A_24 = arith.mulf %add3A, %mul3A : vector<1000x128xf32>
    %get3A_25 = arith.constant 0 : index
    %get3A_26 = arith.constant 0 : index
    %get3A_27 = vector.load %arg3[%get3A_25, %get3A_26] : memref<1000x128xf32, #tpu.memory_space<vmem>>, vector<1000x128xf32>
    %add3A_28 = arith.addf %mul3A_24, %get3A_27 : vector<1000x128xf32>
    %get3A_29 = arith.constant 0 : index
    %get3A_30 = arith.constant 0 : index
    %get3A_31 = vector.load %arg4[%get3A_29, %get3A_30] : memref<1x128xf32, #tpu.memory_space<vmem>>, vector<1x128xf32>
    %add3A_32 = vector.broadcast %get3A_31 : vector<1x128xf32> to vector<1000x128xf32>
    %add3A_33 = arith.addf %add3A_28, %add3A_32 : vector<1000x128xf32>
    %mul3A_34 = arith.mulf %add3A_33, %add3A_33 : vector<1000x128xf32>
    %reduce_sum3A = arith.constant dense<0.000000e+00> : vector<1000xf32>
    %reduce_sum3A_35 = vector.multi_reduction <add>, %mul3A_34, %reduce_sum3A [1] : vector<1000x128xf32> to vector<1000xf32>
    %broadcast_in_dim3A = vector.shape_cast %reduce_sum3A_35 : vector<1000xf32> to vector<1000x1xf32>
    %sqrt3A = math.sqrt %broadcast_in_dim3A : vector<1000x1xf32>
    %max3A_36 = arith.constant 9.99999996E-13 : f32
    %max3A_37 = vector.broadcast %max3A_36 : f32 to vector<1000x1xf32>
    %max3A_38 = arith.maximumf %sqrt3A, %max3A_37 : vector<1000x1xf32>
    %div3A_39 = vector.broadcast %max3A_38 : vector<1000x1xf32> to vector<1000x128xf32>
    %div3A_40 = arith.divf %add3A_33, %div3A_39 : vector<1000x128xf32>
    %swap3A = arith.constant 0 : index
    %swap3A_41 = arith.constant 0 : index
    %swap3A_42 = vector.load %arg5[%swap3A, %swap3A_41] : memref<1000x128xf32, #tpu.memory_space<vmem>>, vector<1000x128xf32>
    tpu.vector_store %arg5[%swap3A, %swap3A_41], %div3A_40 {strides = array<i32>} : memref<1000x128xf32, #tpu.memory_space<vmem>>, vector<1000x128xf32>,
    return
  }
  func.func @transform_0(%arg0: i32) -> (i32, i32, i32) {
    %c0_i32 = arith.constant 0 : i32
    %c0_i32_0 = arith.constant 0 : i32
    %c0_i32_1 = arith.constant 0 : i32
    return %c0_i32, %arg0, %c0_i32_0 : i32, i32, i32
  }
  func.func @transform_1(%arg0: i32) -> (i32, i32, i32) {
    %c0_i32 = arith.constant 0 : i32
    %c0_i32_0 = arith.constant 0 : i32
    %c0_i32_1 = arith.constant 0 : i32
    return %c0_i32, %arg0, %c0_i32_0 : i32, i32, i32
  }
  func.func @transform_2(%arg0: i32) -> (i32, i32) {
    %c0_i32 = arith.constant 0 : i32
    %c0_i32_0 = arith.constant 0 : i32
    return %arg0, %c0_i32 : i32, i32
  }
  func.func @transform_3(%arg0: i32) -> (i32, i32) {
    %c0_i32 = arith.constant 0 : i32
    %c0_i32_0 = arith.constant 0 : i32
    %c0_i32_1 = arith.constant 0 : i32
    return %c0_i32, %c0_i32_0 : i32, i32
  }
  func.func @transform_4(%arg0: i32) -> (i32, i32) {
    %c0_i32 = arith.constant 0 : i32
    %c0_i32_0 = arith.constant 0 : i32
    return %arg0, %c0_i32 : i32, i32
  }
}

</mosaic_0001>

<sc_bundles>
// kernel: kernel.11.cloned.1.call-start
scs
__scs_entry_jumppad:
0x0: {  	(pc) =	sbr.rel $0x88, $3  }
0x1: {  	(tag) =	ssettag $0x0;
	lr =	simm.s32 $0x1  }
0x2: {  	[smem:$0x3F99] =	sst lr;
	_ =	strace $0xD0000000  }
0x3: {  	_ = 	snop  }
0x4: {  	_ = 	snop  }
0x5: {  	_ = 	snop  }
0x6: {  	_ = 	snop  }
0x7: {  	_ = 	snop  }
__scs_overlays_trampoline_lowered:
0x8: {  	[smem:$0x3FA8] =	sst s0  }
0x9: {  	[smem:$0x3FA9] =	sst s1  }
0xa: {  	[smem:$0x3FAA] =	sst s2  }
0xb: {  	[smem:$0x3FAB] =	sst s3  }
0xc: {  	[smem:$0x3FAC] =	sst s4  }
0xd: {  	[smem:$0x3FAD] =	sst s5  }
0xe: {  	[smem:$0x3FAE] =	sst s6  }
0xf: {  	[smem:$0x3FAF] =	sst s7  }
0x10: {  	[smem:$0x3FB0] =	sst s8  }
0x11: {  	[smem:$0x3FB1] =	sst s9;
	s0 =	simm.s32 @!p0 $0x0  }
0x12: {  	s1 =	sld [smem:$0x3F97];
	s0 =	simm.s32 @p0 $0x1  }
0x13: {  	[smem:$0x3FB2] =	sst s0;
	s0 =	simm.s32 @!p1 $0x0  }
0x14: {  	s2 =	sld [smem:$0x3F96];
	s0 =	simm.s32 @p1 $0x1  }
0x15: {  	[smem:$0x3FB3] =	sst s0;
	s0 =	simm.s32 @!p2 $0x0  }
0x16: {  	s3 =	sld [smem:$0x3FDB];
	s0 =	simm.s32 @p2 $0x1  }
0x17: {  	s4 =	simm.s32 $0x1BF5;
	[smem:$0x3FB5] =	sst s0  }
0x18: {  	s0 =	sld [smem:$0x3F98];
	_ =	swait.ge [sflag:s4], $0x0  }
0x19: {  	s7 =	sld [smem:$0x3F99]  }
0x1a: {  	s8 =	sadd.s32 $0xFFFFE003, lr  }
0x1b: {  	s9 =	sadd.s32 $0xFFFFFEF7, lr;
	s5 =	simm.s32 $0xFFFFFFFF;
	p2 =	slt.u32 s8, $0xFFFFF086  }
0x1c: {  	p1 =	slt.u32 s9, $0xF7A;
	s5 =	simm.s32 @!p2 $0x0  }
0x1d: {  	s5 =	simm.s32 @p1 $0x1;
	p0 =	seq.s32 s7, s2  }
0x1e: {  	s7 =	smul.u32 @!p0 $0xF7A, s2;
	p2 =	seq.s32 @!p0 s5, $0x0  }
0x1f: {  	s9 =	smul.u32 $0xF7A, s1;
	s8 =	simm.s32 @!p0 $0x1BF5;
	p2 =	por !p2, p0  }
0x20: {  	[sflag:s8] =	ssyncset.s32 @!p0 $0xFFFFF086;
	s6 =	sadd.s32 @!p0 s3, s7;
	s7 =	simm.s32 @!p0 $0x108  }
0x21: {  	s3 =	sadd.s32 s3, s9;
	s6 =	sadd.s32 @!p0 $0x88, s6;
	s7 =	simm.s32 @p2 $0x1082  }
0x22: {  	[simem:s7], [sflag:s8] =	dma.local @!p0 [hbm:s6], $0xF7A  }
0x23: {  	s9 =	sor.u32 $0xD0000000, s2;
	s6 =	simm.s32 $0x108;
	_ =	swait.ge @!p0 [sflag:s8], $0x0  }
0x24: {  	s3 =	sadd.s32 $0x88, s3;
	s6 =	simm.s32 @!p1 $0x1082;
	[sflag:s4] =	ssyncset.s32 $0xFFFFF086  }
0x25: {  	[simem:s6], [sflag:s4] =	dma.local [hbm:s3], $0xF7A  }
0x26: {  	[smem:$0x3F99] =	sst s1;
	(tag) =	ssettag s2;
	_ =	strace s9  }
0x27: {  	s1 =	sld [smem:$0x3FA9]  }
0x28: {  	s2 =	sld [smem:$0x3FAA]  }
0x29: {  	s4 =	sld [smem:$0x3FAC]  }
0x2a: {  	p0 =	seq.s32 s5, $0x0;
	s5 =	sld [smem:$0x3FAD]  }
0x2b: {  	s6 =	sld [smem:$0x3FAE]  }
0x2c: {  	s7 =	sld [smem:$0x3FAF]  }
0x2d: {  	s3 =	simm.s32 $0x108;
	s8 =	sld [smem:$0x3FB0]  }
0x2e: {  	s3 =	simm.s32 @!p0 $0x1082;
	s9 =	sld [smem:$0x3FB1]  }
0x2f: {  	lr =	sadd.s32 s0, s3;
	s0 =	sld [smem:$0x3FA8]  }
0x30: {  	s3 =	sld [smem:$0x3FAB]  }
0x31: {  	[smem:$0x3FB4] =	sst s10  }
0x32: {  	s10 =	sld [smem:$0x3FB2];
	_ =	sdelay $0x3  }
0x33: {  	p0 =	seq.s32 s10, $0x1;
	s10 =	sld [smem:$0x3FB4];
	_ =	sdelay $0x3  }
0x34: {  	[smem:$0x3FB4] =	sst s10  }
0x35: {  	s10 =	sld [smem:$0x3FB3];
	_ =	sdelay $0x3  }
0x36: {  	p1 =	seq.s32 s10, $0x1;
	s10 =	sld [smem:$0x3FB4];
	_ =	sdelay $0x3  }
0x37: {  	[smem:$0x3FB4] =	sst s10  }
0x38: {  	s10 =	sld [smem:$0x3FB5]  }
0x39: {  	_ = 	snop;
	(pc) =	sbr.ind lr, $3  }
0x3a: {  	_ = 	snop  }
0x3b: {  	_ = 	snop  }
0x3c: {  	p2 =	seq.s32 s10, $0x1;
	s10 =	sld [smem:$0x3FB4]  }
0x3d: {  	_ =	shalt  }
0x3e: {  	_ =	shalt  }
0x3f: {  	_ =	shalt  }
0x40: {  	_ =	shalt  }
0x41: {  	_ =	shalt  }
0x42: {  	_ =	shalt  }
0x43: {  	_ =	shalt  }
0x44: {  	_ =	shalt  }
0x45: {  	_ =	shalt  }
0x46: {  	_ =	shalt  }
0x47: {  	_ =	shalt  }
0x48: {  	_ =	shalt  }
0x49: {  	_ =	shalt  }
0x4a: {  	_ =	shalt  }
0x4b: {  	_ =	shalt  }
0x4c: {  	_ =	shalt  }
0x4d: {  	_ =	shalt  }
0x4e: {  	_ =	shalt  }
0x4f: {  	_ =	shalt  }
0x50: {  	_ =	shalt  }
0x51: {  	_ =	shalt  }
0x52: {  	_ =	shalt  }
0x53: {  	_ =	shalt  }
0x54: {  	_ =	shalt  }
0x55: {  	_ =	shalt  }
0x56: {  	_ =	shalt  }
0x57: {  	_ =	shalt  }
0x58: {  	_ =	shalt  }
0x59: {  	_ =	shalt  }
0x5a: {  	_ =	shalt  }
0x5b: {  	_ =	shalt  }
0x5c: {  	_ =	shalt  }
0x5d: {  	_ =	shalt  }
0x5e: {  	_ =	shalt  }
0x5f: {  	_ =	shalt  }
0x60: {  	_ =	shalt  }
0x61: {  	_ =	shalt  }
0x62: {  	_ =	shalt  }
0x63: {  	_ =	shalt  }
0x64: {  	_ =	shalt  }
0x65: {  	_ =	shalt  }
0x66: {  	_ =	shalt  }
0x67: {  	_ =	shalt  }
0x68: {  	_ =	shalt  }
0x69: {  	_ =	shalt  }
0x6a: {  	_ =	shalt  }
0x6b: {  	_ =	shalt  }
0x6c: {  	_ =	shalt  }
0x6d: {  	_ =	shalt  }
0x6e: {  	_ =	shalt  }
0x6f: {  	_ =	shalt  }
0x70: {  	_ =	shalt  }
0x71: {  	_ =	shalt  }
0x72: {  	_ =	shalt  }
0x73: {  	_ =	shalt  }
0x74: {  	_ =	shalt  }
0x75: {  	_ =	shalt  }
0x76: {  	_ =	shalt  }
0x77: {  	_ =	shalt  }
0x78: {  	_ =	shalt  }
0x79: {  	_ =	shalt  }
0x7a: {  	_ =	shalt  }
0x7b: {  	_ =	shalt  }
0x7c: {  	_ =	shalt  }
0x7d: {  	_ =	shalt  }
0x7e: {  	_ =	shalt  }
0x7f: {  	_ =	shalt  }
0x80: {  	_ =	shalt  }
0x81: {  	_ =	shalt  }
0x82: {  	_ =	shalt  }
0x83: {  	_ =	shalt  }
0x84: {  	_ =	shalt  }
0x85: {  	_ =	shalt  }
0x86: {  	_ =	shalt  }
0x87: {  	_ =	shalt  }
.Lfunc_end0:
.L_simem_size_0:
called_computation.1_lowered:
.L_overlay_start_0:
0x88: {  	s2 =	sld [smem:$0x3FD9]  }
0x89: {  	s3 =	sld [smem:$0x3FFE];
	_ =	sdelay $0x1  }
0x8a: {  	s1 =	srdreg.scid  }
0x8b: {  	s0 =	sand.u32 $0x1, s1  }
0x8c: {  	s17 =	sshll.u32 s0, $0xA;
	s2 =	sadd.s32 s3, s2  }
0x8d: {  	s2 =	sadd.s32 s2, s17  }
0x8e: {  	[smem:$0x3FC0] =	sst s2  }
0x8f: {  	_ = 	snop  }
0x90: {  	s2 =	sld [smem:$0x3FD0];
	(tm) =	ssettm $0x1  }
0x91: {  	s18 =	sld [smem:$0x3FFB];
	_ =	sdelay $0x3  }
0x92: {  	_ =	strace s18  }
0x93: {  	s3 =	sld [smem:$0x3FFC];
	_ =	sdelay $0x3  }
0x94: {  	_ =	strace s3  }
0x95: {  	s3 =	sld [smem:$0x3FFD];
	_ =	sdelay $0x3  }
0x96: {  	_ =	strace s3  }
0x97: {  	_ =	strace $0x8FFFFFFF  }
0x98: {  	s19 =	sld [smem:$0x3FDB];
	_ =	sdelay $0x1  }
0x99: {  	s4 =	simm.s32 $_scs_section_size  }
0x9a: {  	s5 =	simm.s32 $_size__tile_overlayer_lowered;
	s6 =	simm.s32 $_tile_overlayer_lowered  }
0x9b: {  	s22 =	simm.s32 $0x1BFF;
	s21 =	sshll.u32 s6, $0x1;
	s3 =	sadd.s32 s4, s19  }
0x9c: {  	s7 =	simm.s32 $0x0;
	s20 =	sshll.u32 s5, $0x1;
	s5 =	sadd.s32 s21, s3  }
0x9d: {  	[timem:s7], [sflag:s22] =	dma.local [hbm:s5], s20  }
0x9e: {  	_ =	swait.ge [sflag:s22], s20  }
0x9f: {  	s4 =	ssub.s32 $0x0, s20;
	[sflag:s22] =	ssyncset.done $0x0  }
0xa0: {  	[sflag:s22] =	ssyncadd.s32 s4;
	_ =	sdelay $0x1  }
0xa1: {  	s23 =	simm.s32 $0x1B8B  }
0xa2: {  	_ =	swait.ge [sflag:s23], $0x1  }
0xa3: {  	[sflag:s23] =	ssyncset.done $0x0  }
0xa4: {  	s25 =	simm.s32 $0x1B8E;
	s24 =	sld [smem:$0x3FFE];
	[sflag:s23] =	ssyncadd.s32 $0xFFFFFFFF  }
0xa5: {  	s26 =	simm.s32 $execute0_lowered;
	[smem:$0x3FD2] =	sst s25  }
0xa6: {  	s5 =	sshll.u32 s26, $0x1;
	_ =	strace $0x80000046;
	[dreg:$0x1] =	wrdreg $0xFFFFFFFF  }
0xa7: {  	s28 =	simm.s32 $_size_execute0_lowered;
	s3 =	sadd.s32 s3, s5;
	[dreg:$0x0] =	wrdreg $0x0  }
0xa8: {  	s5 =	sshll.u32 s28, $0x1;
	[dreg:$0x2] =	wrdreg s3  }
0xa9: {  	[dreg:$0x3] =	wrdreg s5  }
0xaa: {  	[dreg:$0x4] =	wrdreg $0xC0  }
0xab: {  	_ =	task [dreg:s7], $0x5FFFF  }
0xac: {  	[dreg:$0x1] =	wrdreg $0xFFFFFFFF  }
0xad: {  	[dreg:$0x0] =	wrdreg $0x60  }
0xae: {  	[dreg:$0x2] =	wrdreg s2  }
0xaf: {  	[dreg:$0x3] =	wrdreg s24  }
0xb0: {  	[dreg:$0x4] =	wrdreg $0xA0000  }
0xb1: {  	[dreg:$0x5] =	wrdreg $0xA  }
0xb2: {  	_ =	task.clear_ibuf [dreg:s7], $0x6FFFF;
	_ =	strace $0x90000046  }
0xb3: {  	s29 =	simm.s32 $0xA;
	_ =	strace $0x80000048  }
0xb4: {  	_ =	swait.ge [sflag:s29], $0x1  }
0xb5: {  	[sflag:s29] =	ssyncadd.s32 $0xFFFFFFFF  }
0xb6: {  	_ =	strace $0x90000048  }
0xb7: {  	_ =	sfence  }
0xb8: {  	s30 =	sld [smem:$0x0];
	_ =	sdelay $0x2  }
0xb9: {  	s31 =	sshll.u32 s1, $0xD;
	s1 =	sshrl.u32 s1, $0x2  }
0xba: {  	s3 =	sand.u32 $0x4000, s31;
	s1 =	sadd.s32 s1, s30  }
0xbb: {  	s0 =	sor.u32 s3, s0;
	s1 =	sshll.u32 s1, $0x11  }
0xbc: {  	s0 =	sor.u32 s1, s0  }
0xbd: {  	s0 =	sadd.s32 $0x8F2B, s0  }
0xbe: {  	[sflag:s0] =	ssyncadd.remote.s32 $0x1  }
0xbf: {  	_ =	sfence.sel $0xFFFF  }
0xc0: {  	[dreg:$0x0] =	wrdreg $0xFFFFFFFF;
	(pc) =	sbr.abs _section_cstart, $3  }
0xc1: {  	[dreg:$0x1] =	wrdreg $0xFFFFFFFF  }
0xc2: {  	_ =	task.clear_ibuf [dreg:s7], $0x2FFFF;
	_ =	strace $0x9FFFFFFF  }
0xc3: {  	(tm) =	ssettm $0x7FFFFFFF  }
tec
execute0_lowered:
.L_overlay_start_1:
0x0: {  	(tag) =	ssettag $0x1  }
0x1: {  	s1 =	rddreg [dreg:$0x0]  }
0x2: {  	s0 =	rddreg [dreg:$0x1]  }
0x3: {  	s2 =	rddreg [dreg:$0x2]  }
0x4: {  	s3 =	simm.s32 $0x0;
	s4 =	srdreg.scid;
	s12 =	stileid.u32  }
0x5: {  	s14 =	simm.s32 $0x2000;
	s15 =	simm.s32 $0x5;
	s16 =	simm.s32 $0x1000  }
0x6: {  	s17 =	simm.s32 $0x40;
	s18 =	simm.s32 $0x80;
	s19 =	simm.s32 $0x4000  }
0x7: {  	s20 =	simm.s32 $0x100;
	s21 =	simm.s32 $0x6000;
	s22 =	simm.s32 $0x180  }
0x8: {  	s23 =	simm.s32 $0x8000;
	s28 =	simm.s32 $0x4;
	s29 =	simm.s32 $0x1E00  }
0x9: {  	s30 =	simm.s32 $0x1E80;
	s31 =	simm.s32 $0x1F00;
	[smem:$0x7FF] =	sst s3  }
0xa: {  	s4 =	sand.u32 $0x1, s4;
	s5 =	sadd.s32 $0x16200, s0;
	s6 =	sadd.s32 $0x2200, s0  }
0xb: {  	s8 =	sshll.u32 s12, $0xD;
	s9 =	sadd.s32 $0x2A200, s0;
	s11 =	ssub.s32 $0x9D, s12  }
0xc: {  	_ =	strace $0x80000047;
	s7 =	smul.u32 $0x13C000, s4;
	[dreg:$0x4] =	wrdreg s9  }
0xd: {  	s24 =	ssub.s32 $0x2, s4;
	s11 =	sshrl.u32 s11, $0x4;
	p0 =	seq.s32 s4, $0x0  }
0xe: {  	s4 =	sshll.u32 s12, $0xF;
	s9 =	simm.s32 $0x8;
	s10 =	sshrl.u32 s24, $0x1  }
0xf: {  	s9 =	simm.s32 @!p0 $0x2;
	s13 =	sadd.s32 $0x1, s11;
	s7 =	sadd.s32 s8, s7  }
0x10: {  	s25 =	ssub.s32 s24, s10;
	s8 =	sor.u32 $0x80000, s8;
	s24 =	simm.s32 $0x1  }
0x11: {  	[dreg:$0x7] =	wrdreg s13;
	s7 =	sshrl.u32 s7, $0x3;
	s8 =	smov.u32 @p0 s4  }
0x12: {  	s4 =	sshrl.u32 s4, $0x2;
	s26 =	smax.u32 s25, $0x1;
	s25 =	simm.s32 $0x2  }
0x13: {  	s0 =	sadd.s32 s7, s0;
	s10 =	sadd.s32 s4, s2;
	[dreg:$0x6] =	wrdreg s26  }
0x14: {  	s26 =	simm.s32 $0x3;
	s0 =	sadd.s32 $0x51A00, s0;
	[dreg:$0x5] =	wrdreg s10  }
0x15: {  	s4 =	simm.s32 $0x0;
	[dreg:$0x8] =	wrdreg s0;
	s0 =	simm.s32 $0x1F80  }
.LBB2_1:
0x16: {  	s7 =	rddreg [dreg:$0x4]  }
0x17: {  	[tilespmem:s14], [sflag:$0x5] =	stream.linear.gather [hbm4b:s7+s3], $0x2000, $0x38;
	[tilespmem:$0x1DC00] =	vst v63  }
0x18: {  	p0 =	sne.s32 s13, $0x1;
	_ =	swait.ge [sflag:s15], $0x2000  }
.Ltmp0:
0x19: {  	[sflag:s15] =	ssyncset.done $0x0;
	(pc) =	sbr.rel @!p0 .LBB2_3-.Ltmp0, $4  }
0x1a: {  	[sflag:s15] =	ssyncadd.s32 $0xFFFFE000  }
0x1b: {  	[spmem:s10] =	stream.linear.scatter [tilespmem:s14], [sflag:$0x5], $0x2000, $0x38;
	[tilespmem:$0x1DC00] =	vst v63  }
0x1c: {  	_ =	swait.ge [sflag:s15], $0x2000  }
0x1d: {  	s11 =	smov.u32 s10;
	s7 =	sadd.s32 $0xFFFFFFFF, s13;
	[sflag:s15] =	ssyncset.done $0x0  }
.LBB2_2:
0x1e: {  	p1 =	sne.s32 s7, $0x1;
	[sflag:s15] =	ssyncadd.s32 $0xFFFFE000;
	s11 =	sadd.s32 $0x20000, s11  }
.Ltmp1:
0x1f: {  	s7 =	sadd.s32 $0xFFFFFFFF, s7;
	(pc) =	sbr.rel @p1 .LBB2_2-.Ltmp1, $4  }
0x20: {  	_ = 	snop  }
0x21: {  	[spmem:s11] =	stream.linear.scatter [tilespmem:s14], [sflag:$0x5], $0x2000, $0x38;
	[tilespmem:$0x1DC00] =	vst v63  }
0x22: {  	_ =	swait.ge [sflag:s15], $0x2000  }
0x23: {  	[sflag:s15] =	ssyncset.done $0x0  }
.LBB2_3:
0x24: {  	[sflag:s15] =	ssyncadd.s32 $0xFFFFE000  }
0x25: {  	s7 =	simm.s32 $0x0;
	s11 =	simm.s32 $0x0;
	[bflag:$0x0] =	sbarrier.arrive $0xFFFF  }
.LBB2_4:
0x26: {  	s12 =	sshll.u32 s11, $0xC  }
0x27: {  	s12 =	sadd.s32 s8, s12  }
0x28: {  	s12 =	sshrl.u32 s12, $0x3  }
0x29: {  	s13 =	sadd.s32 s5, s12  }
0x2a: {  	[tilespmem:s7], [sflag:$0x5] =	stream.linear.gather [hbm4b:s13+s7], $0x1000, $0x38;
	[tilespmem:$0x1DC00] =	vst v63  }
0x2b: {  	_ =	swait.ge [sflag:s15], $0x1000  }
0x2c: {  	[sflag:s15] =	ssyncset.done $0x0  }
0x2d: {  	s12 =	sadd.s32 s6, s12;
	[sflag:s15] =	ssyncadd.s32 $0xFFFFF000  }
0x2e: {  	[tilespmem:s16], [sflag:$0x5] =	stream.linear.gather [hbm4b:s12+s7], $0x1000, $0x38;
	[tilespmem:$0x1DC00] =	vst v63  }
0x2f: {  	_ =	swait.ge [sflag:s15], $0x1000  }
0x30: {  	[sflag:s15] =	ssyncset.done $0x0  }
0x31: {  	[sflag:s15] =	ssyncadd.s32 $0xFFFFF000  }
0x32: {  	[tilespmem:s14], [sflag:$0x1] =	stream.indirect.gather [hbm4b:s1+s17], $0x80, s7, s17, $0xb8;
	[tilespmem:$0x1DC00] =	vst v63  }
0x33: {  	_ = 	snop  }
0x34: {  	[tilespmem:s19], [sflag:$0x2] =	stream.indirect.gather [hbm4b:s1+s17], $0x80, s18, s17, $0xb8;
	[tilespmem:$0x1DC00] =	vst v63  }
0x35: {  	_ = 	snop  }
0x36: {  	[tilespmem:s21], [sflag:$0x3] =	stream.indirect.gather [hbm4b:s1+s17], $0x80, s20, s17, $0xb8;
	[tilespmem:$0x1DC00] =	vst v63  }
0x37: {  	_ = 	snop  }
0x38: {  	[tilespmem:s23], [sflag:$0x4] =	stream.indirect.gather [hbm4b:s1+s17], $0x80, s22, s17, $0xb8;
	[tilespmem:$0x1DC00] =	vst v63  }
0x39: {  	_ =	swait.ge [sflag:s24], $0x2000  }
0x3a: {  	[sflag:s24] =	ssyncset.done $0x0  }
0x3b: {  	s13 =	simm.s32 $0x1000;
	[sflag:s24] =	ssyncadd.s32 $0xFFFFE000  }
0x3c: {  	[spmem:s2] =	stream.indirect.scatter.add.f32 [tilespmem:s14], [sflag:$0x5], $0x80, s13, s17, $0xb8;
	[tilespmem:$0x1DC00] =	vst v63  }
0x3d: {  	_ =	swait.ge [sflag:s15], $0x2000  }
0x3e: {  	[sflag:s15] =	ssyncset.done $0x0  }
0x3f: {  	s10 =	simm.s32 $0x200;
	[sflag:s15] =	ssyncadd.s32 $0xFFFFE000  }
0x40: {  	[tilespmem:s14], [sflag:$0x1] =	stream.indirect.gather [hbm4b:s1+s17], $0x80, s10, s17, $0xb8;
	[tilespmem:$0x1DC00] =	vst v63  }
0x41: {  	_ =	swait.ge [sflag:s25], $0x2000  }
0x42: {  	[sflag:s25] =	ssyncset.done $0x0  }
0x43: {  	s13 =	simm.s32 $0x1080;
	[sflag:s25] =	ssyncadd.s32 $0xFFFFE000  }
0x44: {  	[spmem:s2] =	stream.indirect.scatter.add.f32 [tilespmem:s19], [sflag:$0x5], $0x80, s13, s17, $0xb8;
	[tilespmem:$0x1DC00] =	vst v63  }
0x45: {  	_ =	swait.ge [sflag:s15], $0x2000  }
0x46: {  	[sflag:s15] =	ssyncset.done $0x0  }
0x47: {  	s10 =	simm.s32 $0x280;
	[sflag:s15] =	ssyncadd.s32 $0xFFFFE000  }
0x48: {  	[tilespmem:s19], [sflag:$0x2] =	stream.indirect.gather [hbm4b:s1+s17], $0x80, s10, s17, $0xb8;
	[tilespmem:$0x1DC00] =	vst v63  }
0x49: {  	_ =	swait.ge [sflag:s26], $0x2000  }
0x4a: {  	[sflag:s26] =	ssyncset.done $0x0  }
0x4b: {  	s13 =	simm.s32 $0x1100;
	[sflag:s26] =	ssyncadd.s32 $0xFFFFE000  }
0x4c: {  	[spmem:s2] =	stream.indirect.scatter.add.f32 [tilespmem:s21], [sflag:$0x5], $0x80, s13, s17, $0xb8;
	[tilespmem:$0x1DC00] =	vst v63  }
0x4d: {  	_ =	swait.ge [sflag:s15], $0x2000  }
0x4e: {  	[sflag:s15] =	ssyncset.done $0x0  }
0x4f: {  	s10 =	simm.s32 $0x300;
	[sflag:s15] =	ssyncadd.s32 $0xFFFFE000  }
0x50: {  	[tilespmem:s21], [sflag:$0x3] =	stream.indirect.gather [hbm4b:s1+s17], $0x80, s10, s17, $0xb8;
	[tilespmem:$0x1DC00] =	vst v63  }
0x51: {  	_ =	swait.ge [sflag:s28], $0x2000  }
0x52: {  	[sflag:s28] =	ssyncset.done $0x0  }
0x53: {  	s13 =	simm.s32 $0x1180;
	[sflag:s28] =	ssyncadd.s32 $0xFFFFE000  }
0x54: {  	[spmem:s2] =	stream.indirect.scatter.add.f32 [tilespmem:s23], [sflag:$0x5], $0x80, s13, s17, $0xb8;
	[tilespmem:$0x1DC00] =	vst v63  }
0x55: {  	_ =	swait.ge [sflag:s15], $0x2000  }
0x56: {  	[sflag:s15] =	ssyncset.done $0x0  }
0x57: {  	s12 =	simm.s32 $0x380;
	s13 =	simm.s32 $0x800;
	[sflag:s15] =	ssyncadd.s32 $0xFFFFE000  }
.LBB2_5:
0x58: {  	[tilespmem:s23], [sflag:$0x4] =	stream.indirect.gather [hbm4b:s1+s17], $0x80, s12, s17, $0xb8;
	[tilespmem:$0x1DC00] =	vst v63  }
0x59: {  	s12 =	smov.u32 s13  }
0x5a: {  	p1 =	sne.s32 s13, $0x3000;
	s13 =	sadd.s32 $0x800, s13;
	_ =	swait.ge [sflag:s24], $0x2000  }
0x5b: {  	s12 =	sshra.s32 s12, $0x2;
	[sflag:s24] =	ssyncset.done $0x0  }
0x5c: {  	s10 =	sadd.s32 $0x1000, s12;
	[sflag:s24] =	ssyncadd.s32 $0xFFFFE000  }
0x5d: {  	[spmem:s2] =	stream.indirect.scatter.add.f32 [tilespmem:s14], [sflag:$0x5], $0x80, s10, s17, $0xb8;
	[tilespmem:$0x1DC00] =	vst v63  }
0x5e: {  	_ =	swait.ge [sflag:s15], $0x2000  }
0x5f: {  	[sflag:s15] =	ssyncset.done $0x0  }
0x60: {  	s10 =	sadd.s32 $0x200, s12;
	[sflag:s15] =	ssyncadd.s32 $0xFFFFE000  }
0x61: {  	[tilespmem:s14], [sflag:$0x1] =	stream.indirect.gather [hbm4b:s1+s17], $0x80, s10, s17, $0xb8;
	[tilespmem:$0x1DC00] =	vst v63  }
0x62: {  	_ =	swait.ge [sflag:s25], $0x2000  }
0x63: {  	[sflag:s25] =	ssyncset.done $0x0  }
0x64: {  	s10 =	sadd.s32 $0x1080, s12;
	[sflag:s25] =	ssyncadd.s32 $0xFFFFE000  }
0x65: {  	[spmem:s2] =	stream.indirect.scatter.add.f32 [tilespmem:s19], [sflag:$0x5], $0x80, s10, s17, $0xb8;
	[tilespmem:$0x1DC00] =	vst v63  }
0x66: {  	_ =	swait.ge [sflag:s15], $0x2000  }
0x67: {  	[sflag:s15] =	ssyncset.done $0x0  }
0x68: {  	s10 =	sadd.s32 $0x280, s12;
	[sflag:s15] =	ssyncadd.s32 $0xFFFFE000  }
0x69: {  	[tilespmem:s19], [sflag:$0x2] =	stream.indirect.gather [hbm4b:s1+s17], $0x80, s10, s17, $0xb8;
	[tilespmem:$0x1DC00] =	vst v63  }
0x6a: {  	_ =	swait.ge [sflag:s26], $0x2000  }
0x6b: {  	[sflag:s26] =	ssyncset.done $0x0  }
0x6c: {  	s10 =	sadd.s32 $0x1100, s12;
	[sflag:s26] =	ssyncadd.s32 $0xFFFFE000  }
0x6d: {  	[spmem:s2] =	stream.indirect.scatter.add.f32 [tilespmem:s21], [sflag:$0x5], $0x80, s10, s17, $0xb8;
	[tilespmem:$0x1DC00] =	vst v63  }
0x6e: {  	_ =	swait.ge [sflag:s15], $0x2000  }
0x6f: {  	[sflag:s15] =	ssyncset.done $0x0  }
0x70: {  	s10 =	sadd.s32 $0x300, s12;
	[sflag:s15] =	ssyncadd.s32 $0xFFFFE000  }
0x71: {  	[tilespmem:s21], [sflag:$0x3] =	stream.indirect.gather [hbm4b:s1+s17], $0x80, s10, s17, $0xb8;
	[tilespmem:$0x1DC00] =	vst v63  }
0x72: {  	_ =	swait.ge [sflag:s28], $0x2000  }
0x73: {  	[sflag:s28] =	ssyncset.done $0x0  }
.Ltmp2:
0x74: {  	s10 =	sadd.s32 $0x1180, s12;
	[sflag:s28] =	ssyncadd.s32 $0xFFFFE000;
	(pc) =	sbr.rel @p1 .LBB2_5-.Ltmp2, $4  }
0x75: {  	[spmem:s2] =	stream.indirect.scatter.add.f32 [tilespmem:s23], [sflag:$0x5], $0x80, s10, s17, $0xb8;
	[tilespmem:$0x1DC00] =	vst v63  }
0x76: {  	_ =	swait.ge [sflag:s15], $0x2000  }
0x77: {  	[sflag:s15] =	ssyncset.done $0x0  }
0x78: {  	s12 =	sadd.s32 $0x380, s12;
	[sflag:s15] =	ssyncadd.s32 $0xFFFFE000  }
0x79: {  	[tilespmem:s23], [sflag:$0x4] =	stream.indirect.gather [hbm4b:s1+s17], $0x80, s12, s17, $0xb8;
	[tilespmem:$0x1DC00] =	vst v63  }
0x7a: {  	_ =	swait.ge [sflag:s24], $0x2000  }
0x7b: {  	[sflag:s24] =	ssyncset.done $0x0  }
0x7c: {  	[sflag:s24] =	ssyncadd.s32 $0xFFFFE000  }
0x7d: {  	[spmem:s2] =	stream.indirect.scatter.add.f32 [tilespmem:s14], [sflag:$0x5], $0x80, s29, s17, $0xb8;
	[tilespmem:$0x1DC00] =	vst v63  }
0x7e: {  	_ =	swait.ge [sflag:s15], $0x2000  }
0x7f: {  	[sflag:s15] =	ssyncset.done $0x0  }
0x80: {  	[sflag:s15] =	ssyncadd.s32 $0xFFFFE000  }
0x81: {  	_ =	swait.ge [sflag:s25], $0x2000  }
0x82: {  	[sflag:s25] =	ssyncset.done $0x0  }
0x83: {  	[sflag:s25] =	ssyncadd.s32 $0xFFFFE000  }
0x84: {  	[spmem:s2] =	stream.indirect.scatter.add.f32 [tilespmem:s19], [sflag:$0x5], $0x80, s30, s17, $0xb8;
	[tilespmem:$0x1DC00] =	vst v63  }
0x85: {  	_ =	swait.ge [sflag:s15], $0x2000  }
0x86: {  	[sflag:s15] =	ssyncset.done $0x0  }
0x87: {  	[sflag:s15] =	ssyncadd.s32 $0xFFFFE000  }
0x88: {  	_ =	swait.ge [sflag:s26], $0x2000  }
0x89: {  	[sflag:s26] =	ssyncset.done $0x0  }
0x8a: {  	[sflag:s26] =	ssyncadd.s32 $0xFFFFE000  }
0x8b: {  	[spmem:s2] =	stream.indirect.scatter.add.f32 [tilespmem:s21], [sflag:$0x5], $0x80, s31, s17, $0xb8;
	[tilespmem:$0x1DC00] =	vst v63  }
0x8c: {  	_ =	swait.ge [sflag:s15], $0x2000  }
0x8d: {  	[sflag:s15] =	ssyncset.done $0x0  }
0x8e: {  	[sflag:s15] =	ssyncadd.s32 $0xFFFFE000  }
0x8f: {  	s11 =	sadd.s32 $0x1, s11;
	_ =	swait.ge [sflag:s28], $0x2000  }
0x90: {  	p1 =	sne.s32 s11, s9;
	[sflag:s28] =	ssyncset.done $0x0  }
.Ltmp3:
0x91: {  	[sflag:s28] =	ssyncadd.s32 $0xFFFFE000;
	(pc) =	sbr.rel @p1 .LBB2_4-.Ltmp3, $4  }
0x92: {  	[spmem:s2] =	stream.indirect.scatter.add.f32 [tilespmem:s23], [sflag:$0x5], $0x80, s0, s17, $0xb8;
	[tilespmem:$0x1DC00] =	vst v63  }
0x93: {  	_ =	swait.ge [sflag:s15], $0x2000  }
0x94: {  	[sflag:s15] =	ssyncset.done $0x0  }
0x95: {  	[sflag:s15] =	ssyncadd.s32 $0xFFFFE000  }
0x96: {  	[bflag:$0x0] =	sbarrier.arrive $0xFFFF  }
0x97: {  	s10 =	rddreg [dreg:$0x5]  }
0x98: {  	[tilespmem:s14], [sflag:$0x5] =	stream.linear.gather [spmem:s10], $0x2000, $0x38;
	[tilespmem:$0x1DC00] =	vst v63  }
0x99: {  	_ =	swait.ge [sflag:s15], $0x2000  }
0x9a: {  	[sflag:s15] =	ssyncset.done $0x0  }
.Ltmp4:
0x9b: {  	s11 =	rddreg [dreg:$0x8];
	[sflag:s15] =	ssyncadd.s32 $0xFFFFE000;
	(pc) =	sbr.rel @!p0 .LBB2_9-.Ltmp4, $4  }
0x9c: {  	[hbm4b:s11+s3] =	stream.linear.scatter [tilespmem:s14], [sflag:$0x5], $0x2000, $0x38;
	[tilespmem:$0x1DC00] =	vst v63  }
0x9d: {  	_ =	swait.ge [sflag:s15], $0x2000  }
0x9e: {  	s13 =	rddreg [dreg:$0x7]  }
0x9f: {  	s12 =	smov.u32 s10;
	[sflag:s15] =	ssyncset.done $0x0;
	s7 =	sadd.s32 $0xFFFFFFFF, s13  }
.LBB2_8:
0xa0: {  	[sflag:s15] =	ssyncadd.s32 $0xFFFFE000;
	s11 =	sadd.s32 $0x4000, s11;
	s12 =	sadd.s32 $0x20000, s12  }
0xa1: {  	[tilespmem:s14], [sflag:$0x5] =	stream.linear.gather [spmem:s12], $0x2000, $0x38;
	[tilespmem:$0x1DC00] =	vst v63  }
0xa2: {  	p0 =	sne.s32 s7, $0x1;
	s7 =	sadd.s32 $0xFFFFFFFF, s7;
	_ =	swait.ge [sflag:s15], $0x2000  }
.Ltmp5:
0xa3: {  	[sflag:s15] =	ssyncset.done $0x0;
	(pc) =	sbr.rel @p0 .LBB2_8-.Ltmp5, $4  }
0xa4: {  	[sflag:s15] =	ssyncadd.s32 $0xFFFFE000  }
0xa5: {  	[hbm4b:s11+s3] =	stream.linear.scatter [tilespmem:s14], [sflag:$0x5], $0x2000, $0x38;
	[tilespmem:$0x1DC00] =	vst v63  }
0xa6: {  	_ =	swait.ge [sflag:s15], $0x2000  }
0xa7: {  	[sflag:s15] =	ssyncset.done $0x0  }
.LBB2_9:
0xa8: {  	s4 =	sadd.s32 $0x1, s4;
	s7 =	rddreg [dreg:$0x6]  }
0xa9: {  	p0 =	sne.s32 s4, s7  }
.Ltmp6:
0xaa: {  	_ = 	snop;
	(pc) =	sbr.rel @p0 .LBB2_1-.Ltmp6, $2  }
0xab: {  	_ =	sdelay $0x2  }
0xac: {  	[sflag:s15] =	ssyncadd.s32 $0xFFFFE000  }
0xad: {  	_ =	sfence.sel $0x180000  }
0xae: {  	[bflag:$0x0] =	sbarrier.arrive $0xFFFF  }
0xaf: {  	_ =	strace $0x90000047  }
0xb0: {  	s0 =	stileid.u32;
	[bflag:$0x2] =	sbarrier.arrive $0xFFFF  }
0xb1: {  	p0 =	sne.s32 s0, $0x0;
	s0 =	rddreg [dreg:$0x3]  }
0xb2: {  	s0 =	sadd.s32 @!p0 $0x100000, s0  }
0xb3: {  	[sflag:s0] =	ssyncadd.tile.s32 @!p0 $0x1;
	_ =	shalt  }
.Lfunc_end2:
_tile_overlayer_lowered:
.L_overlay_start_2:
0xb4: {  	(tag) =	ssettag $0x2  }
0xb5: {  	s0 =	rddreg [dreg:$0x0];
	s2 =	stileid.u32  }
0xb6: {  	s1 =	rddreg [dreg:$0x1];
	p0 =	sne.s32 s2, $0x0  }
0xb7: {  	s3 =	rddreg [dreg:$0x2];
	[bflag:$0x3] =	sbarrier.arrive $0xFFFF;
	s2 =	simm.s32 @!p0 $0x1C05  }
0xb8: {  	[timem:s3], [sflag:s2] =	dma.local @!p0 [hbm:s0], s1  }
0xb9: {  	s0 =	simm.s32 @!p0 $0x5  }
0xba: {  	_ =	swait.ge @!p0 [sflag:s0], s1  }
0xbb: {  	s1 =	ssub.s32 @!p0 $0x0, s1;
	[sflag:s0] =	ssyncset.done @!p0 $0x0  }
0xbc: {  	[sflag:s0] =	ssyncadd.s32 @!p0 s1  }
0xbd: {  	[bflag:$0x3] =	sbarrier.arrive $0xFFFF  }
0xbe: {  	_ =	shalt  }

// kernel: kernel.14.cloned.1.call-start
scs
__scs_entry_jumppad:
0x0: {  	(pc) =	sbr.rel $0x88, $3  }
0x1: {  	(tag) =	ssettag $0x0;
	lr =	simm.s32 $0x1  }
0x2: {  	[smem:$0x3F99] =	sst lr;
	_ =	strace $0xD0000000  }
0x3: {  	_ = 	snop  }
0x4: {  	_ = 	snop  }
0x5: {  	_ = 	snop  }
0x6: {  	_ = 	snop  }
0x7: {  	_ = 	snop  }
__scs_overlays_trampoline_lowered:
0x8: {  	[smem:$0x3FA8] =	sst s0  }
0x9: {  	[smem:$0x3FA9] =	sst s1  }
0xa: {  	[smem:$0x3FAA] =	sst s2  }
0xb: {  	[smem:$0x3FAB] =	sst s3  }
0xc: {  	[smem:$0x3FAC] =	sst s4  }
0xd: {  	[smem:$0x3FAD] =	sst s5  }
0xe: {  	[smem:$0x3FAE] =	sst s6  }
0xf: {  	[smem:$0x3FAF] =	sst s7  }
0x10: {  	[smem:$0x3FB0] =	sst s8  }
0x11: {  	[smem:$0x3FB1] =	sst s9;
	s0 =	simm.s32 @!p0 $0x0  }
0x12: {  	s1 =	sld [smem:$0x3F97];
	s0 =	simm.s32 @p0 $0x1  }
0x13: {  	[smem:$0x3FB2] =	sst s0;
	s0 =	simm.s32 @!p1 $0x0  }
0x14: {  	s2 =	sld [smem:$0x3F96];
	s0 =	simm.s32 @p1 $0x1  }
0x15: {  	[smem:$0x3FB3] =	sst s0;
	s0 =	simm.s32 @!p2 $0x0  }
0x16: {  	s3 =	sld [smem:$0x3FDB];
	s0 =	simm.s32 @p2 $0x1  }
0x17: {  	s4 =	simm.s32 $0x1BF5;
	[smem:$0x3FB5] =	sst s0  }
0x18: {  	s0 =	sld [smem:$0x3F98];
	_ =	swait.ge [sflag:s4], $0x0  }
0x19: {  	s7 =	sld [smem:$0x3F99]  }
0x1a: {  	s8 =	sadd.s32 $0xFFFFE003, lr  }
0x1b: {  	s9 =	sadd.s32 $0xFFFFFEF7, lr;
	s5 =	simm.s32 $0xFFFFFFFF;
	p2 =	slt.u32 s8, $0xFFFFF086  }
0x1c: {  	p1 =	slt.u32 s9, $0xF7A;
	s5 =	simm.s32 @!p2 $0x0  }
0x1d: {  	s5 =	simm.s32 @p1 $0x1;
	p0 =	seq.s32 s7, s2  }
0x1e: {  	s7 =	smul.u32 @!p0 $0xF7A, s2;
	p2 =	seq.s32 @!p0 s5, $0x0  }
0x1f: {  	s9 =	smul.u32 $0xF7A, s1;
	s8 =	simm.s32 @!p0 $0x1BF5;
	p2 =	por !p2, p0  }
0x20: {  	[sflag:s8] =	ssyncset.s32 @!p0 $0xFFFFF086;
	s6 =	sadd.s32 @!p0 s3, s7;
	s7 =	simm.s32 @!p0 $0x108  }
0x21: {  	s3 =	sadd.s32 s3, s9;
	s6 =	sadd.s32 @!p0 $0x88, s6;
	s7 =	simm.s32 @p2 $0x1082  }
0x22: {  	[simem:s7], [sflag:s8] =	dma.local @!p0 [hbm:s6], $0xF7A  }
0x23: {  	s9 =	sor.u32 $0xD0000000, s2;
	s6 =	simm.s32 $0x108;
	_ =	swait.ge @!p0 [sflag:s8], $0x0  }
0x24: {  	s3 =	sadd.s32 $0x88, s3;
	s6 =	simm.s32 @!p1 $0x1082;
	[sflag:s4] =	ssyncset.s32 $0xFFFFF086  }
0x25: {  	[simem:s6], [sflag:s4] =	dma.local [hbm:s3], $0xF7A  }
0x26: {  	[smem:$0x3F99] =	sst s1;
	(tag) =	ssettag s2;
	_ =	strace s9  }
0x27: {  	s1 =	sld [smem:$0x3FA9]  }
0x28: {  	s2 =	sld [smem:$0x3FAA]  }
0x29: {  	s4 =	sld [smem:$0x3FAC]  }
0x2a: {  	p0 =	seq.s32 s5, $0x0;
	s5 =	sld [smem:$0x3FAD]  }
0x2b: {  	s6 =	sld [smem:$0x3FAE]  }
0x2c: {  	s7 =	sld [smem:$0x3FAF]  }
0x2d: {  	s3 =	simm.s32 $0x108;
	s8 =	sld [smem:$0x3FB0]  }
0x2e: {  	s3 =	simm.s32 @!p0 $0x1082;
	s9 =	sld [smem:$0x3FB1]  }
0x2f: {  	lr =	sadd.s32 s0, s3;
	s0 =	sld [smem:$0x3FA8]  }
0x30: {  	s3 =	sld [smem:$0x3FAB]  }
0x31: {  	[smem:$0x3FB4] =	sst s10  }
0x32: {  	s10 =	sld [smem:$0x3FB2];
	_ =	sdelay $0x3  }
0x33: {  	p0 =	seq.s32 s10, $0x1;
	s10 =	sld [smem:$0x3FB4];
	_ =	sdelay $0x3  }
0x34: {  	[smem:$0x3FB4] =	sst s10  }
0x35: {  	s10 =	sld [smem:$0x3FB3];
	_ =	sdelay $0x3  }
0x36: {  	p1 =	seq.s32 s10, $0x1;
	s10 =	sld [smem:$0x3FB4];
	_ =	sdelay $0x3  }
0x37: {  	[smem:$0x3FB4] =	sst s10  }
0x38: {  	s10 =	sld [smem:$0x3FB5]  }
0x39: {  	_ = 	snop;
	(pc) =	sbr.ind lr, $3  }
0x3a: {  	_ = 	snop  }
0x3b: {  	_ = 	snop  }
0x3c: {  	p2 =	seq.s32 s10, $0x1;
	s10 =	sld [smem:$0x3FB4]  }
0x3d: {  	_ =	shalt  }
0x3e: {  	_ =	shalt  }
0x3f: {  	_ =	shalt  }
0x40: {  	_ =	shalt  }
0x41: {  	_ =	shalt  }
0x42: {  	_ =	shalt  }
0x43: {  	_ =	shalt  }
0x44: {  	_ =	shalt  }
0x45: {  	_ =	shalt  }
0x46: {  	_ =	shalt  }
0x47: {  	_ =	shalt  }
0x48: {  	_ =	shalt  }
0x49: {  	_ =	shalt  }
0x4a: {  	_ =	shalt  }
0x4b: {  	_ =	shalt  }
0x4c: {  	_ =	shalt  }
0x4d: {  	_ =	shalt  }
0x4e: {  	_ =	shalt  }
0x4f: {  	_ =	shalt  }
0x50: {  	_ =	shalt  }
0x51: {  	_ =	shalt  }
0x52: {  	_ =	shalt  }
0x53: {  	_ =	shalt  }
0x54: {  	_ =	shalt  }
0x55: {  	_ =	shalt  }
0x56: {  	_ =	shalt  }
0x57: {  	_ =	shalt  }
0x58: {  	_ =	shalt  }
0x59: {  	_ =	shalt  }
0x5a: {  	_ =	shalt  }
0x5b: {  	_ =	shalt  }
0x5c: {  	_ =	shalt  }
0x5d: {  	_ =	shalt  }
0x5e: {  	_ =	shalt  }
0x5f: {  	_ =	shalt  }
0x60: {  	_ =	shalt  }
0x61: {  	_ =	shalt  }
0x62: {  	_ =	shalt  }
0x63: {  	_ =	shalt  }
0x64: {  	_ =	shalt  }
0x65: {  	_ =	shalt  }
0x66: {  	_ =	shalt  }
0x67: {  	_ =	shalt  }
0x68: {  	_ =	shalt  }
0x69: {  	_ =	shalt  }
0x6a: {  	_ =	shalt  }
0x6b: {  	_ =	shalt  }
0x6c: {  	_ =	shalt  }
0x6d: {  	_ =	shalt  }
0x6e: {  	_ =	shalt  }
0x6f: {  	_ =	shalt  }
0x70: {  	_ =	shalt  }
0x71: {  	_ =	shalt  }
0x72: {  	_ =	shalt  }
0x73: {  	_ =	shalt  }
0x74: {  	_ =	shalt  }
0x75: {  	_ =	shalt  }
0x76: {  	_ =	shalt  }
0x77: {  	_ =	shalt  }
0x78: {  	_ =	shalt  }
0x79: {  	_ =	shalt  }
0x7a: {  	_ =	shalt  }
0x7b: {  	_ =	shalt  }
0x7c: {  	_ =	shalt  }
0x7d: {  	_ =	shalt  }
0x7e: {  	_ =	shalt  }
0x7f: {  	_ =	shalt  }
0x80: {  	_ =	shalt  }
0x81: {  	_ =	shalt  }
0x82: {  	_ =	shalt  }
0x83: {  	_ =	shalt  }
0x84: {  	_ =	shalt  }
0x85: {  	_ =	shalt  }
0x86: {  	_ =	shalt  }
0x87: {  	_ =	shalt  }
.Lfunc_end0:
.L_simem_size_0:
called_computation.2_lowered:
.L_overlay_start_0:
0x88: {  	s2 =	sld [smem:$0x3FD9]  }
0x89: {  	s3 =	sld [smem:$0x3FFE];
	_ =	sdelay $0x1  }
0x8a: {  	s1 =	srdreg.scid  }
0x8b: {  	s0 =	sand.u32 $0x1, s1  }
0x8c: {  	s17 =	sshll.u32 s0, $0xA;
	s2 =	sadd.s32 s3, s2  }
0x8d: {  	s2 =	sadd.s32 s2, s17  }
0x8e: {  	[smem:$0x3FC0] =	sst s2  }
0x8f: {  	_ = 	snop  }
0x90: {  	s2 =	sld [smem:$0x3FD0];
	(tm) =	ssettm $0x1  }
0x91: {  	s18 =	sld [smem:$0x3FFB];
	_ =	sdelay $0x3  }
0x92: {  	_ =	strace s18  }
0x93: {  	s3 =	sld [smem:$0x3FFC];
	_ =	sdelay $0x3  }
0x94: {  	_ =	strace s3  }
0x95: {  	s3 =	sld [smem:$0x3FFD];
	_ =	sdelay $0x3  }
0x96: {  	_ =	strace s3  }
0x97: {  	_ =	strace $0x8FFFFFFF  }
0x98: {  	s19 =	sld [smem:$0x3FDB];
	_ =	sdelay $0x1  }
0x99: {  	s4 =	simm.s32 $_scs_section_size  }
0x9a: {  	s5 =	simm.s32 $_size__tile_overlayer_lowered;
	s6 =	simm.s32 $_tile_overlayer_lowered  }
0x9b: {  	s22 =	simm.s32 $0x1BFF;
	s21 =	sshll.u32 s6, $0x1;
	s3 =	sadd.s32 s4, s19  }
0x9c: {  	s7 =	simm.s32 $0x0;
	s20 =	sshll.u32 s5, $0x1;
	s5 =	sadd.s32 s21, s3  }
0x9d: {  	[timem:s7], [sflag:s22] =	dma.local [hbm:s5], s20  }
0x9e: {  	_ =	swait.ge [sflag:s22], s20  }
0x9f: {  	s4 =	ssub.s32 $0x0, s20;
	[sflag:s22] =	ssyncset.done $0x0  }
0xa0: {  	[sflag:s22] =	ssyncadd.s32 s4;
	_ =	sdelay $0x1  }
0xa1: {  	s23 =	simm.s32 $0x1B8B  }
0xa2: {  	_ =	swait.ge [sflag:s23], $0x1  }
0xa3: {  	[sflag:s23] =	ssyncset.done $0x0  }
0xa4: {  	s25 =	simm.s32 $0x1B8E;
	s24 =	sld [smem:$0x3FFE];
	[sflag:s23] =	ssyncadd.s32 $0xFFFFFFFF  }
0xa5: {  	s26 =	simm.s32 $execute0_lowered;
	[smem:$0x3FD2] =	sst s25  }
0xa6: {  	s5 =	sshll.u32 s26, $0x1;
	_ =	strace $0x8000004C;
	[dreg:$0x1] =	wrdreg $0xFFFFFFFF  }
0xa7: {  	s28 =	simm.s32 $_size_execute0_lowered;
	s3 =	sadd.s32 s3, s5;
	[dreg:$0x0] =	wrdreg $0x0  }
0xa8: {  	s5 =	sshll.u32 s28, $0x1;
	[dreg:$0x2] =	wrdreg s3  }
0xa9: {  	[dreg:$0x3] =	wrdreg s5  }
0xaa: {  	[dreg:$0x4] =	wrdreg $0xC0  }
0xab: {  	_ =	task [dreg:s7], $0x5FFFF  }
0xac: {  	[dreg:$0x1] =	wrdreg $0xFFFFFFFF  }
0xad: {  	[dreg:$0x0] =	wrdreg $0x60  }
0xae: {  	[dreg:$0x2] =	wrdreg s2  }
0xaf: {  	[dreg:$0x3] =	wrdreg s24  }
0xb0: {  	[dreg:$0x4] =	wrdreg $0xA0000  }
0xb1: {  	[dreg:$0x5] =	wrdreg $0x9  }
0xb2: {  	_ =	task.clear_ibuf [dreg:s7], $0x6FFFF;
	_ =	strace $0x9000004C  }
0xb3: {  	s29 =	simm.s32 $0x9;
	_ =	strace $0x8000004E  }
0xb4: {  	_ =	swait.ge [sflag:s29], $0x1  }
0xb5: {  	[sflag:s29] =	ssyncadd.s32 $0xFFFFFFFF  }
0xb6: {  	_ =	strace $0x9000004E  }
0xb7: {  	_ =	sfence  }
0xb8: {  	s30 =	sld [smem:$0x0];
	_ =	sdelay $0x2  }
0xb9: {  	s31 =	sshll.u32 s1, $0xD;
	s1 =	sshrl.u32 s1, $0x2  }
0xba: {  	s3 =	sand.u32 $0x4000, s31;
	s1 =	sadd.s32 s1, s30  }
0xbb: {  	s0 =	sor.u32 s3, s0;
	s1 =	sshll.u32 s1, $0x11  }
0xbc: {  	s0 =	sor.u32 s1, s0  }
0xbd: {  	s0 =	sadd.s32 $0x8F2B, s0  }
0xbe: {  	[sflag:s0] =	ssyncadd.remote.s32 $0x1  }
0xbf: {  	_ =	sfence.sel $0xFFFF  }
0xc0: {  	[dreg:$0x0] =	wrdreg $0xFFFFFFFF;
	(pc) =	sbr.abs _section_cstart, $3  }
0xc1: {  	[dreg:$0x1] =	wrdreg $0xFFFFFFFF  }
0xc2: {  	_ =	task.clear_ibuf [dreg:s7], $0x2FFFF;
	_ =	strace $0x9FFFFFFF  }
0xc3: {  	(tm) =	ssettm $0x7FFFFFFF  }
tec
execute0_lowered:
.L_overlay_start_1:
0x0: {  	(tag) =	ssettag $0x1  }
0x1: {  	s1 =	rddreg [dreg:$0x0]  }
0x2: {  	s0 =	rddreg [dreg:$0x1]  }
0x3: {  	s2 =	rddreg [dreg:$0x2]  }
0x4: {  	s3 =	simm.s32 $0x0;
	s4 =	srdreg.scid;
	s12 =	stileid.u32  }
0x5: {  	s14 =	simm.s32 $0x2000;
	s15 =	simm.s32 $0x5;
	s16 =	simm.s32 $0x1000  }
0x6: {  	s17 =	simm.s32 $0x40;
	s18 =	simm.s32 $0x80;
	s19 =	simm.s32 $0x4000  }
0x7: {  	s20 =	simm.s32 $0x100;
	s21 =	simm.s32 $0x6000;
	s22 =	simm.s32 $0x180  }
0x8: {  	s23 =	simm.s32 $0x8000;
	s28 =	simm.s32 $0x4;
	s29 =	simm.s32 $0x1E00  }
0x9: {  	s30 =	simm.s32 $0x1E80;
	s31 =	simm.s32 $0x1F00;
	[smem:$0x7FF] =	sst s3  }
0xa: {  	s4 =	sand.u32 $0x1, s4;
	s5 =	sadd.s32 $0x16200, s0;
	s6 =	sadd.s32 $0x2200, s0  }
0xb: {  	s8 =	sshll.u32 s12, $0xD;
	s9 =	sadd.s32 $0x2A200, s0;
	s11 =	ssub.s32 $0x9D, s12  }
0xc: {  	_ =	strace $0x8000004D;
	s7 =	smul.u32 $0x13C000, s4;
	[dreg:$0x4] =	wrdreg s9  }
0xd: {  	s24 =	ssub.s32 $0x2, s4;
	s11 =	sshrl.u32 s11, $0x4;
	p0 =	seq.s32 s4, $0x0  }
0xe: {  	s4 =	sshll.u32 s12, $0xF;
	s9 =	simm.s32 $0x8;
	s10 =	sshrl.u32 s24, $0x1  }
0xf: {  	s9 =	simm.s32 @!p0 $0x2;
	s13 =	sadd.s32 $0x1, s11;
	s7 =	sadd.s32 s8, s7  }
0x10: {  	s25 =	ssub.s32 s24, s10;
	s8 =	sor.u32 $0x80000, s8;
	s24 =	simm.s32 $0x1  }
0x11: {  	[dreg:$0x7] =	wrdreg s13;
	s7 =	sshrl.u32 s7, $0x3;
	s8 =	smov.u32 @p0 s4  }
0x12: {  	s4 =	sshrl.u32 s4, $0x2;
	s26 =	smax.u32 s25, $0x1;
	s25 =	simm.s32 $0x2  }
0x13: {  	s0 =	sadd.s32 s7, s0;
	s10 =	sadd.s32 s4, s2;
	[dreg:$0x6] =	wrdreg s26  }
0x14: {  	s26 =	simm.s32 $0x3;
	s0 =	sadd.s32 $0x51A00, s0;
	[dreg:$0x5] =	wrdreg s10  }
0x15: {  	s4 =	simm.s32 $0x0;
	[dreg:$0x8] =	wrdreg s0;
	s0 =	simm.s32 $0x1F80  }
.LBB2_1:
0x16: {  	s7 =	rddreg [dreg:$0x4]  }
0x17: {  	[tilespmem:s14], [sflag:$0x5] =	stream.linear.gather [hbm4b:s7+s3], $0x2000, $0x38;
	[tilespmem:$0x1DC00] =	vst v63  }
0x18: {  	p0 =	sne.s32 s13, $0x1;
	_ =	swait.ge [sflag:s15], $0x2000  }
.Ltmp0:
0x19: {  	[sflag:s15] =	ssyncset.done $0x0;
	(pc) =	sbr.rel @!p0 .LBB2_3-.Ltmp0, $4  }
0x1a: {  	[sflag:s15] =	ssyncadd.s32 $0xFFFFE000  }
0x1b: {  	[spmem:s10] =	stream.linear.scatter [tilespmem:s14], [sflag:$0x5], $0x2000, $0x38;
	[tilespmem:$0x1DC00] =	vst v63  }
0x1c: {  	_ =	swait.ge [sflag:s15], $0x2000  }
0x1d: {  	s11 =	smov.u32 s10;
	s7 =	sadd.s32 $0xFFFFFFFF, s13;
	[sflag:s15] =	ssyncset.done $0x0  }
.LBB2_2:
0x1e: {  	p1 =	sne.s32 s7, $0x1;
	[sflag:s15] =	ssyncadd.s32 $0xFFFFE000;
	s11 =	sadd.s32 $0x20000, s11  }
.Ltmp1:
0x1f: {  	s7 =	sadd.s32 $0xFFFFFFFF, s7;
	(pc) =	sbr.rel @p1 .LBB2_2-.Ltmp1, $4  }
0x20: {  	_ = 	snop  }
0x21: {  	[spmem:s11] =	stream.linear.scatter [tilespmem:s14], [sflag:$0x5], $0x2000, $0x38;
	[tilespmem:$0x1DC00] =	vst v63  }
0x22: {  	_ =	swait.ge [sflag:s15], $0x2000  }
0x23: {  	[sflag:s15] =	ssyncset.done $0x0  }
.LBB2_3:
0x24: {  	[sflag:s15] =	ssyncadd.s32 $0xFFFFE000  }
0x25: {  	s7 =	simm.s32 $0x0;
	s11 =	simm.s32 $0x0;
	[bflag:$0x0] =	sbarrier.arrive $0xFFFF  }
.LBB2_4:
0x26: {  	s12 =	sshll.u32 s11, $0xC  }
0x27: {  	s12 =	sadd.s32 s8, s12  }
0x28: {  	s12 =	sshrl.u32 s12, $0x3  }
0x29: {  	s13 =	sadd.s32 s5, s12  }
0x2a: {  	[tilespmem:s7], [sflag:$0x5] =	stream.linear.gather [hbm4b:s13+s7], $0x1000, $0x38;
	[tilespmem:$0x1DC00] =	vst v63  }
0x2b: {  	_ =	swait.ge [sflag:s15], $0x1000  }
0x2c: {  	[sflag:s15] =	ssyncset.done $0x0  }
0x2d: {  	s12 =	sadd.s32 s6, s12;
	[sflag:s15] =	ssyncadd.s32 $0xFFFFF000  }
0x2e: {  	[tilespmem:s16], [sflag:$0x5] =	stream.linear.gather [hbm4b:s12+s7], $0x1000, $0x38;
	[tilespmem:$0x1DC00] =	vst v63  }
0x2f: {  	_ =	swait.ge [sflag:s15], $0x1000  }
0x30: {  	[sflag:s15] =	ssyncset.done $0x0  }
0x31: {  	[sflag:s15] =	ssyncadd.s32 $0xFFFFF000  }
0x32: {  	[tilespmem:s14], [sflag:$0x1] =	stream.indirect.gather [hbm4b:s1+s17], $0x80, s7, s17, $0xb8;
	[tilespmem:$0x1DC00] =	vst v63  }
0x33: {  	_ = 	snop  }
0x34: {  	[tilespmem:s19], [sflag:$0x2] =	stream.indirect.gather [hbm4b:s1+s17], $0x80, s18, s17, $0xb8;
	[tilespmem:$0x1DC00] =	vst v63  }
0x35: {  	_ = 	snop  }
0x36: {  	[tilespmem:s21], [sflag:$0x3] =	stream.indirect.gather [hbm4b:s1+s17], $0x80, s20, s17, $0xb8;
	[tilespmem:$0x1DC00] =	vst v63  }
0x37: {  	_ = 	snop  }
0x38: {  	[tilespmem:s23], [sflag:$0x4] =	stream.indirect.gather [hbm4b:s1+s17], $0x80, s22, s17, $0xb8;
	[tilespmem:$0x1DC00] =	vst v63  }
0x39: {  	_ =	swait.ge [sflag:s24], $0x2000  }
0x3a: {  	[sflag:s24] =	ssyncset.done $0x0  }
0x3b: {  	s13 =	simm.s32 $0x1000;
	[sflag:s24] =	ssyncadd.s32 $0xFFFFE000  }
0x3c: {  	[spmem:s2] =	stream.indirect.scatter.add.f32 [tilespmem:s14], [sflag:$0x5], $0x80, s13, s17, $0xb8;
	[tilespmem:$0x1DC00] =	vst v63  }
0x3d: {  	_ =	swait.ge [sflag:s15], $0x2000  }
0x3e: {  	[sflag:s15] =	ssyncset.done $0x0  }
0x3f: {  	s10 =	simm.s32 $0x200;
	[sflag:s15] =	ssyncadd.s32 $0xFFFFE000  }
0x40: {  	[tilespmem:s14], [sflag:$0x1] =	stream.indirect.gather [hbm4b:s1+s17], $0x80, s10, s17, $0xb8;
	[tilespmem:$0x1DC00] =	vst v63  }
0x41: {  	_ =	swait.ge [sflag:s25], $0x2000  }
0x42: {  	[sflag:s25] =	ssyncset.done $0x0  }
0x43: {  	s13 =	simm.s32 $0x1080;
	[sflag:s25] =	ssyncadd.s32 $0xFFFFE000  }
0x44: {  	[spmem:s2] =	stream.indirect.scatter.add.f32 [tilespmem:s19], [sflag:$0x5], $0x80, s13, s17, $0xb8;
	[tilespmem:$0x1DC00] =	vst v63  }
0x45: {  	_ =	swait.ge [sflag:s15], $0x2000  }
0x46: {  	[sflag:s15] =	ssyncset.done $0x0  }
0x47: {  	s10 =	simm.s32 $0x280;
	[sflag:s15] =	ssyncadd.s32 $0xFFFFE000  }
0x48: {  	[tilespmem:s19], [sflag:$0x2] =	stream.indirect.gather [hbm4b:s1+s17], $0x80, s10, s17, $0xb8;
	[tilespmem:$0x1DC00] =	vst v63  }
0x49: {  	_ =	swait.ge [sflag:s26], $0x2000  }
0x4a: {  	[sflag:s26] =	ssyncset.done $0x0  }
0x4b: {  	s13 =	simm.s32 $0x1100;
	[sflag:s26] =	ssyncadd.s32 $0xFFFFE000  }
0x4c: {  	[spmem:s2] =	stream.indirect.scatter.add.f32 [tilespmem:s21], [sflag:$0x5], $0x80, s13, s17, $0xb8;
	[tilespmem:$0x1DC00] =	vst v63  }
0x4d: {  	_ =	swait.ge [sflag:s15], $0x2000  }
0x4e: {  	[sflag:s15] =	ssyncset.done $0x0  }
0x4f: {  	s10 =	simm.s32 $0x300;
	[sflag:s15] =	ssyncadd.s32 $0xFFFFE000  }
0x50: {  	[tilespmem:s21], [sflag:$0x3] =	stream.indirect.gather [hbm4b:s1+s17], $0x80, s10, s17, $0xb8;
	[tilespmem:$0x1DC00] =	vst v63  }
0x51: {  	_ =	swait.ge [sflag:s28], $0x2000  }
0x52: {  	[sflag:s28] =	ssyncset.done $0x0  }
0x53: {  	s13 =	simm.s32 $0x1180;
	[sflag:s28] =	ssyncadd.s32 $0xFFFFE000  }
0x54: {  	[spmem:s2] =	stream.indirect.scatter.add.f32 [tilespmem:s23], [sflag:$0x5], $0x80, s13, s17, $0xb8;
	[tilespmem:$0x1DC00] =	vst v63  }
0x55: {  	_ =	swait.ge [sflag:s15], $0x2000  }
0x56: {  	[sflag:s15] =	ssyncset.done $0x0  }
0x57: {  	s12 =	simm.s32 $0x380;
	s13 =	simm.s32 $0x800;
	[sflag:s15] =	ssyncadd.s32 $0xFFFFE000  }
.LBB2_5:
0x58: {  	[tilespmem:s23], [sflag:$0x4] =	stream.indirect.gather [hbm4b:s1+s17], $0x80, s12, s17, $0xb8;
	[tilespmem:$0x1DC00] =	vst v63  }
0x59: {  	s12 =	smov.u32 s13  }
0x5a: {  	p1 =	sne.s32 s13, $0x3000;
	s13 =	sadd.s32 $0x800, s13;
	_ =	swait.ge [sflag:s24], $0x2000  }
0x5b: {  	s12 =	sshra.s32 s12, $0x2;
	[sflag:s24] =	ssyncset.done $0x0  }
0x5c: {  	s10 =	sadd.s32 $0x1000, s12;
	[sflag:s24] =	ssyncadd.s32 $0xFFFFE000  }
0x5d: {  	[spmem:s2] =	stream.indirect.scatter.add.f32 [tilespmem:s14], [sflag:$0x5], $0x80, s10, s17, $0xb8;
	[tilespmem:$0x1DC00] =	vst v63  }
0x5e: {  	_ =	swait.ge [sflag:s15], $0x2000  }
0x5f: {  	[sflag:s15] =	ssyncset.done $0x0  }
0x60: {  	s10 =	sadd.s32 $0x200, s12;
	[sflag:s15] =	ssyncadd.s32 $0xFFFFE000  }
0x61: {  	[tilespmem:s14], [sflag:$0x1] =	stream.indirect.gather [hbm4b:s1+s17], $0x80, s10, s17, $0xb8;
	[tilespmem:$0x1DC00] =	vst v63  }
0x62: {  	_ =	swait.ge [sflag:s25], $0x2000  }
0x63: {  	[sflag:s25] =	ssyncset.done $0x0  }
0x64: {  	s10 =	sadd.s32 $0x1080, s12;
	[sflag:s25] =	ssyncadd.s32 $0xFFFFE000  }
0x65: {  	[spmem:s2] =	stream.indirect.scatter.add.f32 [tilespmem:s19], [sflag:$0x5], $0x80, s10, s17, $0xb8;
	[tilespmem:$0x1DC00] =	vst v63  }
0x66: {  	_ =	swait.ge [sflag:s15], $0x2000  }
0x67: {  	[sflag:s15] =	ssyncset.done $0x0  }
0x68: {  	s10 =	sadd.s32 $0x280, s12;
	[sflag:s15] =	ssyncadd.s32 $0xFFFFE000  }
0x69: {  	[tilespmem:s19], [sflag:$0x2] =	stream.indirect.gather [hbm4b:s1+s17], $0x80, s10, s17, $0xb8;
	[tilespmem:$0x1DC00] =	vst v63  }
0x6a: {  	_ =	swait.ge [sflag:s26], $0x2000  }
0x6b: {  	[sflag:s26] =	ssyncset.done $0x0  }
0x6c: {  	s10 =	sadd.s32 $0x1100, s12;
	[sflag:s26] =	ssyncadd.s32 $0xFFFFE000  }
0x6d: {  	[spmem:s2] =	stream.indirect.scatter.add.f32 [tilespmem:s21], [sflag:$0x5], $0x80, s10, s17, $0xb8;
	[tilespmem:$0x1DC00] =	vst v63  }
0x6e: {  	_ =	swait.ge [sflag:s15], $0x2000  }
0x6f: {  	[sflag:s15] =	ssyncset.done $0x0  }
0x70: {  	s10 =	sadd.s32 $0x300, s12;
	[sflag:s15] =	ssyncadd.s32 $0xFFFFE000  }
0x71: {  	[tilespmem:s21], [sflag:$0x3] =	stream.indirect.gather [hbm4b:s1+s17], $0x80, s10, s17, $0xb8;
	[tilespmem:$0x1DC00] =	vst v63  }
0x72: {  	_ =	swait.ge [sflag:s28], $0x2000  }
0x73: {  	[sflag:s28] =	ssyncset.done $0x0  }
.Ltmp2:
0x74: {  	s10 =	sadd.s32 $0x1180, s12;
	[sflag:s28] =	ssyncadd.s32 $0xFFFFE000;
	(pc) =	sbr.rel @p1 .LBB2_5-.Ltmp2, $4  }
0x75: {  	[spmem:s2] =	stream.indirect.scatter.add.f32 [tilespmem:s23], [sflag:$0x5], $0x80, s10, s17, $0xb8;
	[tilespmem:$0x1DC00] =	vst v63  }
0x76: {  	_ =	swait.ge [sflag:s15], $0x2000  }
0x77: {  	[sflag:s15] =	ssyncset.done $0x0  }
0x78: {  	s12 =	sadd.s32 $0x380, s12;
	[sflag:s15] =	ssyncadd.s32 $0xFFFFE000  }
0x79: {  	[tilespmem:s23], [sflag:$0x4] =	stream.indirect.gather [hbm4b:s1+s17], $0x80, s12, s17, $0xb8;
	[tilespmem:$0x1DC00] =	vst v63  }
0x7a: {  	_ =	swait.ge [sflag:s24], $0x2000  }
0x7b: {  	[sflag:s24] =	ssyncset.done $0x0  }
0x7c: {  	[sflag:s24] =	ssyncadd.s32 $0xFFFFE000  }
0x7d: {  	[spmem:s2] =	stream.indirect.scatter.add.f32 [tilespmem:s14], [sflag:$0x5], $0x80, s29, s17, $0xb8;
	[tilespmem:$0x1DC00] =	vst v63  }
0x7e: {  	_ =	swait.ge [sflag:s15], $0x2000  }
0x7f: {  	[sflag:s15] =	ssyncset.done $0x0  }
0x80: {  	[sflag:s15] =	ssyncadd.s32 $0xFFFFE000  }
0x81: {  	_ =	swait.ge [sflag:s25], $0x2000  }
0x82: {  	[sflag:s25] =	ssyncset.done $0x0  }
0x83: {  	[sflag:s25] =	ssyncadd.s32 $0xFFFFE000  }
0x84: {  	[spmem:s2] =	stream.indirect.scatter.add.f32 [tilespmem:s19], [sflag:$0x5], $0x80, s30, s17, $0xb8;
	[tilespmem:$0x1DC00] =	vst v63  }
0x85: {  	_ =	swait.ge [sflag:s15], $0x2000  }
0x86: {  	[sflag:s15] =	ssyncset.done $0x0  }
0x87: {  	[sflag:s15] =	ssyncadd.s32 $0xFFFFE000  }
0x88: {  	_ =	swait.ge [sflag:s26], $0x2000  }
0x89: {  	[sflag:s26] =	ssyncset.done $0x0  }
0x8a: {  	[sflag:s26] =	ssyncadd.s32 $0xFFFFE000  }
0x8b: {  	[spmem:s2] =	stream.indirect.scatter.add.f32 [tilespmem:s21], [sflag:$0x5], $0x80, s31, s17, $0xb8;
	[tilespmem:$0x1DC00] =	vst v63  }
0x8c: {  	_ =	swait.ge [sflag:s15], $0x2000  }
0x8d: {  	[sflag:s15] =	ssyncset.done $0x0  }
0x8e: {  	[sflag:s15] =	ssyncadd.s32 $0xFFFFE000  }
0x8f: {  	s11 =	sadd.s32 $0x1, s11;
	_ =	swait.ge [sflag:s28], $0x2000  }
0x90: {  	p1 =	sne.s32 s11, s9;
	[sflag:s28] =	ssyncset.done $0x0  }
.Ltmp3:
0x91: {  	[sflag:s28] =	ssyncadd.s32 $0xFFFFE000;
	(pc) =	sbr.rel @p1 .LBB2_4-.Ltmp3, $4  }
0x92: {  	[spmem:s2] =	stream.indirect.scatter.add.f32 [tilespmem:s23], [sflag:$0x5], $0x80, s0, s17, $0xb8;
	[tilespmem:$0x1DC00] =	vst v63  }
0x93: {  	_ =	swait.ge [sflag:s15], $0x2000  }
0x94: {  	[sflag:s15] =	ssyncset.done $0x0  }
0x95: {  	[sflag:s15] =	ssyncadd.s32 $0xFFFFE000  }
0x96: {  	[bflag:$0x0] =	sbarrier.arrive $0xFFFF  }
0x97: {  	s10 =	rddreg [dreg:$0x5]  }
0x98: {  	[tilespmem:s14], [sflag:$0x5] =	stream.linear.gather [spmem:s10], $0x2000, $0x38;
	[tilespmem:$0x1DC00] =	vst v63  }
0x99: {  	_ =	swait.ge [sflag:s15], $0x2000  }
0x9a: {  	[sflag:s15] =	ssyncset.done $0x0  }
.Ltmp4:
0x9b: {  	s11 =	rddreg [dreg:$0x8];
	[sflag:s15] =	ssyncadd.s32 $0xFFFFE000;
	(pc) =	sbr.rel @!p0 .LBB2_9-.Ltmp4, $4  }
0x9c: {  	[hbm4b:s11+s3] =	stream.linear.scatter [tilespmem:s14], [sflag:$0x5], $0x2000, $0x38;
	[tilespmem:$0x1DC00] =	vst v63  }
0x9d: {  	_ =	swait.ge [sflag:s15], $0x2000  }
0x9e: {  	s13 =	rddreg [dreg:$0x7]  }
0x9f: {  	s12 =	smov.u32 s10;
	[sflag:s15] =	ssyncset.done $0x0;
	s7 =	sadd.s32 $0xFFFFFFFF, s13  }
.LBB2_8:
0xa0: {  	[sflag:s15] =	ssyncadd.s32 $0xFFFFE000;
	s11 =	sadd.s32 $0x4000, s11;
	s12 =	sadd.s32 $0x20000, s12  }
0xa1: {  	[tilespmem:s14], [sflag:$0x5] =	stream.linear.gather [spmem:s12], $0x2000, $0x38;
	[tilespmem:$0x1DC00] =	vst v63  }
0xa2: {  	p0 =	sne.s32 s7, $0x1;
	s7 =	sadd.s32 $0xFFFFFFFF, s7;
	_ =	swait.ge [sflag:s15], $0x2000  }
.Ltmp5:
0xa3: {  	[sflag:s15] =	ssyncset.done $0x0;
	(pc) =	sbr.rel @p0 .LBB2_8-.Ltmp5, $4  }
0xa4: {  	[sflag:s15] =	ssyncadd.s32 $0xFFFFE000  }
0xa5: {  	[hbm4b:s11+s3] =	stream.linear.scatter [tilespmem:s14], [sflag:$0x5], $0x2000, $0x38;
	[tilespmem:$0x1DC00] =	vst v63  }
0xa6: {  	_ =	swait.ge [sflag:s15], $0x2000  }
0xa7: {  	[sflag:s15] =	ssyncset.done $0x0  }
.LBB2_9:
0xa8: {  	s4 =	sadd.s32 $0x1, s4;
	s7 =	rddreg [dreg:$0x6]  }
0xa9: {  	p0 =	sne.s32 s4, s7  }
.Ltmp6:
0xaa: {  	_ = 	snop;
	(pc) =	sbr.rel @p0 .LBB2_1-.Ltmp6, $2  }
0xab: {  	_ =	sdelay $0x2  }
0xac: {  	[sflag:s15] =	ssyncadd.s32 $0xFFFFE000  }
0xad: {  	_ =	sfence.sel $0x180000  }
0xae: {  	[bflag:$0x0] =	sbarrier.arrive $0xFFFF  }
0xaf: {  	_ =	strace $0x9000004D  }
0xb0: {  	s0 =	stileid.u32;
	[bflag:$0x2] =	sbarrier.arrive $0xFFFF  }
0xb1: {  	p0 =	sne.s32 s0, $0x0;
	s0 =	rddreg [dreg:$0x3]  }
0xb2: {  	s0 =	sadd.s32 @!p0 $0x100000, s0  }
0xb3: {  	[sflag:s0] =	ssyncadd.tile.s32 @!p0 $0x1;
	_ =	shalt  }
.Lfunc_end2:
_tile_overlayer_lowered:
.L_overlay_start_2:
0xb4: {  	(tag) =	ssettag $0x2  }
0xb5: {  	s0 =	rddreg [dreg:$0x0];
	s2 =	stileid.u32  }
0xb6: {  	s1 =	rddreg [dreg:$0x1];
	p0 =	sne.s32 s2, $0x0  }
0xb7: {  	s3 =	rddreg [dreg:$0x2];
	[bflag:$0x3] =	sbarrier.arrive $0xFFFF;
	s2 =	simm.s32 @!p0 $0x1C05  }
0xb8: {  	[timem:s3], [sflag:s2] =	dma.local @!p0 [hbm:s0], s1  }
0xb9: {  	s0 =	simm.s32 @!p0 $0x5  }
0xba: {  	_ =	swait.ge @!p0 [sflag:s0], s1  }
0xbb: {  	s1 =	ssub.s32 @!p0 $0x0, s1;
	[sflag:s0] =	ssyncset.done @!p0 $0x0  }
0xbc: {  	[sflag:s0] =	ssyncadd.s32 @!p0 s1  }
0xbd: {  	[bflag:$0x3] =	sbarrier.arrive $0xFFFF  }
0xbe: {  	_ =	shalt  }

// kernel: kernel.8.cloned.1.call-start
scs
__scs_entry_jumppad:
0x0: {  	(pc) =	sbr.rel $0x88, $3  }
0x1: {  	(tag) =	ssettag $0x0;
	lr =	simm.s32 $0x1  }
0x2: {  	[smem:$0x3F99] =	sst lr;
	_ =	strace $0xD0000000  }
0x3: {  	_ = 	snop  }
0x4: {  	_ = 	snop  }
0x5: {  	_ = 	snop  }
0x6: {  	_ = 	snop  }
0x7: {  	_ = 	snop  }
__scs_overlays_trampoline_lowered:
0x8: {  	[smem:$0x3FA8] =	sst s0  }
0x9: {  	[smem:$0x3FA9] =	sst s1  }
0xa: {  	[smem:$0x3FAA] =	sst s2  }
0xb: {  	[smem:$0x3FAB] =	sst s3  }
0xc: {  	[smem:$0x3FAC] =	sst s4  }
0xd: {  	[smem:$0x3FAD] =	sst s5  }
0xe: {  	[smem:$0x3FAE] =	sst s6  }
0xf: {  	[smem:$0x3FAF] =	sst s7  }
0x10: {  	[smem:$0x3FB0] =	sst s8  }
0x11: {  	[smem:$0x3FB1] =	sst s9;
	s0 =	simm.s32 @!p0 $0x0  }
0x12: {  	s1 =	sld [smem:$0x3F97];
	s0 =	simm.s32 @p0 $0x1  }
0x13: {  	[smem:$0x3FB2] =	sst s0;
	s0 =	simm.s32 @!p1 $0x0  }
0x14: {  	s2 =	sld [smem:$0x3F96];
	s0 =	simm.s32 @p1 $0x1  }
0x15: {  	[smem:$0x3FB3] =	sst s0;
	s0 =	simm.s32 @!p2 $0x0  }
0x16: {  	s3 =	sld [smem:$0x3FDB];
	s0 =	simm.s32 @p2 $0x1  }
0x17: {  	s4 =	simm.s32 $0x1BF5;
	[smem:$0x3FB5] =	sst s0  }
0x18: {  	s0 =	sld [smem:$0x3F98];
	_ =	swait.ge [sflag:s4], $0x0  }
0x19: {  	s7 =	sld [smem:$0x3F99]  }
0x1a: {  	s8 =	sadd.s32 $0xFFFFE003, lr  }
0x1b: {  	s9 =	sadd.s32 $0xFFFFFEF7, lr;
	s5 =	simm.s32 $0xFFFFFFFF;
	p2 =	slt.u32 s8, $0xFFFFF086  }
0x1c: {  	p1 =	slt.u32 s9, $0xF7A;
	s5 =	simm.s32 @!p2 $0x0  }
0x1d: {  	s5 =	simm.s32 @p1 $0x1;
	p0 =	seq.s32 s7, s2  }
0x1e: {  	s7 =	smul.u32 @!p0 $0xF7A, s2;
	p2 =	seq.s32 @!p0 s5, $0x0  }
0x1f: {  	s9 =	smul.u32 $0xF7A, s1;
	s8 =	simm.s32 @!p0 $0x1BF5;
	p2 =	por !p2, p0  }
0x20: {  	[sflag:s8] =	ssyncset.s32 @!p0 $0xFFFFF086;
	s6 =	sadd.s32 @!p0 s3, s7;
	s7 =	simm.s32 @!p0 $0x108  }
0x21: {  	s3 =	sadd.s32 s3, s9;
	s6 =	sadd.s32 @!p0 $0x88, s6;
	s7 =	simm.s32 @p2 $0x1082  }
0x22: {  	[simem:s7], [sflag:s8] =	dma.local @!p0 [hbm:s6], $0xF7A  }
0x23: {  	s9 =	sor.u32 $0xD0000000, s2;
	s6 =	simm.s32 $0x108;
	_ =	swait.ge @!p0 [sflag:s8], $0x0  }
0x24: {  	s3 =	sadd.s32 $0x88, s3;
	s6 =	simm.s32 @!p1 $0x1082;
	[sflag:s4] =	ssyncset.s32 $0xFFFFF086  }
0x25: {  	[simem:s6], [sflag:s4] =	dma.local [hbm:s3], $0xF7A  }
0x26: {  	[smem:$0x3F99] =	sst s1;
	(tag) =	ssettag s2;
	_ =	strace s9  }
0x27: {  	s1 =	sld [smem:$0x3FA9]  }
0x28: {  	s2 =	sld [smem:$0x3FAA]  }
0x29: {  	s4 =	sld [smem:$0x3FAC]  }
0x2a: {  	p0 =	seq.s32 s5, $0x0;
	s5 =	sld [smem:$0x3FAD]  }
0x2b: {  	s6 =	sld [smem:$0x3FAE]  }
0x2c: {  	s7 =	sld [smem:$0x3FAF]  }
0x2d: {  	s3 =	simm.s32 $0x108;
	s8 =	sld [smem:$0x3FB0]  }
0x2e: {  	s3 =	simm.s32 @!p0 $0x1082;
	s9 =	sld [smem:$0x3FB1]  }
0x2f: {  	lr =	sadd.s32 s0, s3;
	s0 =	sld [smem:$0x3FA8]  }
0x30: {  	s3 =	sld [smem:$0x3FAB]  }
0x31: {  	[smem:$0x3FB4] =	sst s10  }
0x32: {  	s10 =	sld [smem:$0x3FB2];
	_ =	sdelay $0x3  }
0x33: {  	p0 =	seq.s32 s10, $0x1;
	s10 =	sld [smem:$0x3FB4];
	_ =	sdelay $0x3  }
0x34: {  	[smem:$0x3FB4] =	sst s10  }
0x35: {  	s10 =	sld [smem:$0x3FB3];
	_ =	sdelay $0x3  }
0x36: {  	p1 =	seq.s32 s10, $0x1;
	s10 =	sld [smem:$0x3FB4];
	_ =	sdelay $0x3  }
0x37: {  	[smem:$0x3FB4] =	sst s10  }
0x38: {  	s10 =	sld [smem:$0x3FB5]  }
0x39: {  	_ = 	snop;
	(pc) =	sbr.ind lr, $3  }
0x3a: {  	_ = 	snop  }
0x3b: {  	_ = 	snop  }
0x3c: {  	p2 =	seq.s32 s10, $0x1;
	s10 =	sld [smem:$0x3FB4]  }
0x3d: {  	_ =	shalt  }
0x3e: {  	_ =	shalt  }
0x3f: {  	_ =	shalt  }
0x40: {  	_ =	shalt  }
0x41: {  	_ =	shalt  }
0x42: {  	_ =	shalt  }
0x43: {  	_ =	shalt  }
0x44: {  	_ =	shalt  }
0x45: {  	_ =	shalt  }
0x46: {  	_ =	shalt  }
0x47: {  	_ =	shalt  }
0x48: {  	_ =	shalt  }
0x49: {  	_ =	shalt  }
0x4a: {  	_ =	shalt  }
0x4b: {  	_ =	shalt  }
0x4c: {  	_ =	shalt  }
0x4d: {  	_ =	shalt  }
0x4e: {  	_ =	shalt  }
0x4f: {  	_ =	shalt  }
0x50: {  	_ =	shalt  }
0x51: {  	_ =	shalt  }
0x52: {  	_ =	shalt  }
0x53: {  	_ =	shalt  }
0x54: {  	_ =	shalt  }
0x55: {  	_ =	shalt  }
0x56: {  	_ =	shalt  }
0x57: {  	_ =	shalt  }
0x58: {  	_ =	shalt  }
0x59: {  	_ =	shalt  }
0x5a: {  	_ =	shalt  }
0x5b: {  	_ =	shalt  }
0x5c: {  	_ =	shalt  }
0x5d: {  	_ =	shalt  }
0x5e: {  	_ =	shalt  }
0x5f: {  	_ =	shalt  }
0x60: {  	_ =	shalt  }
0x61: {  	_ =	shalt  }
0x62: {  	_ =	shalt  }
0x63: {  	_ =	shalt  }
0x64: {  	_ =	shalt  }
0x65: {  	_ =	shalt  }
0x66: {  	_ =	shalt  }
0x67: {  	_ =	shalt  }
0x68: {  	_ =	shalt  }
0x69: {  	_ =	shalt  }
0x6a: {  	_ =	shalt  }
0x6b: {  	_ =	shalt  }
0x6c: {  	_ =	shalt  }
0x6d: {  	_ =	shalt  }
0x6e: {  	_ =	shalt  }
0x6f: {  	_ =	shalt  }
0x70: {  	_ =	shalt  }
0x71: {  	_ =	shalt  }
0x72: {  	_ =	shalt  }
0x73: {  	_ =	shalt  }
0x74: {  	_ =	shalt  }
0x75: {  	_ =	shalt  }
0x76: {  	_ =	shalt  }
0x77: {  	_ =	shalt  }
0x78: {  	_ =	shalt  }
0x79: {  	_ =	shalt  }
0x7a: {  	_ =	shalt  }
0x7b: {  	_ =	shalt  }
0x7c: {  	_ =	shalt  }
0x7d: {  	_ =	shalt  }
0x7e: {  	_ =	shalt  }
0x7f: {  	_ =	shalt  }
0x80: {  	_ =	shalt  }
0x81: {  	_ =	shalt  }
0x82: {  	_ =	shalt  }
0x83: {  	_ =	shalt  }
0x84: {  	_ =	shalt  }
0x85: {  	_ =	shalt  }
0x86: {  	_ =	shalt  }
0x87: {  	_ =	shalt  }
.Lfunc_end0:
.L_simem_size_0:
called_computation_lowered:
.L_overlay_start_0:
0x88: {  	s2 =	sld [smem:$0x3FD9]  }
0x89: {  	s3 =	sld [smem:$0x3FFE];
	_ =	sdelay $0x1  }
0x8a: {  	s1 =	srdreg.scid  }
0x8b: {  	s0 =	sand.u32 $0x1, s1  }
0x8c: {  	s17 =	sshll.u32 s0, $0xA;
	s2 =	sadd.s32 s3, s2  }
0x8d: {  	s2 =	sadd.s32 s2, s17  }
0x8e: {  	[smem:$0x3FC0] =	sst s2  }
0x8f: {  	_ = 	snop  }
0x90: {  	(tm) =	ssettm $0x1  }
0x91: {  	s18 =	sld [smem:$0x3FFB];
	_ =	sdelay $0x3  }
0x92: {  	_ =	strace s18  }
0x93: {  	s2 =	sld [smem:$0x3FFC];
	_ =	sdelay $0x3  }
0x94: {  	_ =	strace s2  }
0x95: {  	s2 =	sld [smem:$0x3FFD];
	_ =	sdelay $0x3  }
0x96: {  	_ =	strace s2  }
0x97: {  	_ =	strace $0x8FFFFFFF  }
0x98: {  	s19 =	sld [smem:$0x3FDB];
	_ =	sdelay $0x1  }
0x99: {  	s20 =	simm.s32 $_scs_section_size  }
0x9a: {  	s4 =	simm.s32 $_size__tile_overlayer_lowered;
	s5 =	simm.s32 $_tile_overlayer_lowered  }
0x9b: {  	s6 =	simm.s32 $0x1BFF;
	s21 =	sshll.u32 s5, $0x1;
	s3 =	sadd.s32 s20, s19  }
0x9c: {  	s22 =	simm.s32 $0x0;
	s4 =	sshll.u32 s4, $0x1;
	s5 =	sadd.s32 s21, s3  }
0x9d: {  	[timem:s22], [sflag:s6] =	dma.local [hbm:s5], s4  }
0x9e: {  	_ =	swait.ge [sflag:s6], s4  }
0x9f: {  	s4 =	ssub.s32 $0x0, s4;
	[sflag:s6] =	ssyncset.done $0x0  }
0xa0: {  	[sflag:s6] =	ssyncadd.s32 s4;
	_ =	sdelay $0x1  }
0xa1: {  	s23 =	simm.s32 $0x1B8B  }
0xa2: {  	_ =	swait.ge [sflag:s23], $0x1  }
0xa3: {  	[sflag:s23] =	ssyncset.done $0x0  }
0xa4: {  	[sflag:s23] =	ssyncadd.s32 $0xFFFFFFFF  }
0xa5: {  	s4 =	sld [smem:$0x0]  }
0xa6: {  	s5 =	sand.u32 $0xFFFFFFFE, s1  }
0xa7: {  	p0 =	sne.s32 s1, s5  }
0xa8: {  	s5 =	sshll.u32 @p0 s5, $0xE  }
0xa9: {  	s5 =	sadd.s32 @p0 $0x11B8D, s5;
	s6 =	sshll.u32 @p0 s4, $0x11  }
0xaa: {  	s5 =	sor.u32 @p0 s6, s5  }
0xab: {  	[sflag:s5] =	ssyncadd.remote.s32 @p0 $0x1;
	_ =	sdelay $0x1  }
0xac: {  	s5 =	simm.s32 @p0 $0x1B8D  }
0xad: {  	_ =	swait.eq @p0 [sflag:s5], $0x1  }
0xae: {  	[sflag:s5] =	ssyncadd.s32 @p0 $0xFFFFFFFF  }
0xaf: {  	s6 =	sshll.u32 @!p0 s1, $0xE  }
0xb0: {  	s6 =	sor.u32 @!p0 $0x4000, s6;
	s5 =	simm.s32 @!p0 $0x1B8D  }
0xb1: {  	s4 =	sshll.u32 @!p0 s4, $0x11;
	s6 =	sadd.s32 @!p0 $0x11B8D, s6;
	_ =	swait.eq @!p0 [sflag:s5], $0x1  }
0xb2: {  	s4 =	sor.u32 @!p0 s4, s6;
	[sflag:s5] =	ssyncadd.s32 @!p0 $0xFFFFFFFF  }
0xb3: {  	s25 =	simm.s32 $0x1B8E;
	s24 =	sld [smem:$0x3FFE];
	[sflag:s4] =	ssyncadd.remote.s32 @!p0 $0x1  }
0xb4: {  	s26 =	simm.s32 $execute0_lowered;
	[smem:$0x3FD2] =	sst s25  }
0xb5: {  	s5 =	sshll.u32 s26, $0x1;
	_ =	strace $0x80000049;
	[dreg:$0x1] =	wrdreg $0xFFFFFFFF  }
0xb6: {  	s28 =	simm.s32 $_size_execute0_lowered;
	s3 =	sadd.s32 s3, s5;
	[dreg:$0x0] =	wrdreg $0x0  }
0xb7: {  	s5 =	sshll.u32 s28, $0x1;
	[dreg:$0x2] =	wrdreg s3  }
0xb8: {  	[dreg:$0x3] =	wrdreg s5  }
0xb9: {  	[dreg:$0x4] =	wrdreg $0xC0  }
0xba: {  	_ =	task [dreg:s22], $0x5FFFF  }
0xbb: {  	[dreg:$0x1] =	wrdreg $0xFFFFFFFF  }
0xbc: {  	[dreg:$0x0] =	wrdreg $0x60  }
0xbd: {  	[dreg:$0x2] =	wrdreg s24  }
0xbe: {  	[dreg:$0x3] =	wrdreg $0x50000  }
0xbf: {  	[dreg:$0x4] =	wrdreg $0x9  }
0xc0: {  	_ =	task.clear_ibuf [dreg:s22], $0x5FFFF;
	_ =	strace $0x90000049  }
0xc1: {  	s29 =	simm.s32 $0x9;
	_ =	strace $0x8000004B  }
0xc2: {  	_ =	swait.ge [sflag:s29], $0x1  }
0xc3: {  	[sflag:s29] =	ssyncadd.s32 $0xFFFFFFFF  }
0xc4: {  	_ =	strace $0x9000004B  }
0xc5: {  	_ =	sfence  }
0xc6: {  	s30 =	sld [smem:$0x0];
	_ =	sdelay $0x2  }
0xc7: {  	s31 =	sshll.u32 s1, $0xD;
	s1 =	sshrl.u32 s1, $0x2  }
0xc8: {  	s4 =	sand.u32 $0x4000, s31;
	s1 =	sadd.s32 s1, s30  }
0xc9: {  	s0 =	sor.u32 s4, s0;
	s1 =	sshll.u32 s1, $0x11  }
0xca: {  	s0 =	sor.u32 s1, s0  }
0xcb: {  	s0 =	sadd.s32 $0x8F2B, s0  }
0xcc: {  	[sflag:s0] =	ssyncadd.remote.s32 $0x1  }
0xcd: {  	_ =	sfence.sel $0xFFFF  }
0xce: {  	[dreg:$0x0] =	wrdreg $0xFFFFFFFF;
	(pc) =	sbr.abs _section_cstart, $3  }
0xcf: {  	[dreg:$0x1] =	wrdreg $0xFFFFFFFF  }
0xd0: {  	_ =	task.clear_ibuf [dreg:s22], $0x2FFFF;
	_ =	strace $0x9FFFFFFF  }
0xd1: {  	(tm) =	ssettm $0x7FFFFFFF  }
tec
execute0_lowered:
.L_overlay_start_1:
0x0: {  	(tag) =	ssettag $0x1  }
0x1: {  	s0 =	srdreg.scid;
	s1 =	rddreg [dreg:$0x0]  }
0x2: {  	s7 =	stileid.u32;
	s2 =	rddreg [dreg:$0x1]  }
0x3: {  	s3 =	simm.s32 $0x0;
	s16 =	simm.s32 $0x80;
	s18 =	simm.s32 $0x100  }
0x4: {  	s19 =	simm.s32 $0x180;
	s20 =	simm.s32 $0x200;
	s21 =	simm.s32 $0x280  }
0x5: {  	s23 =	simm.s32 $0x300;
	[smem:$0x7FF] =	sst s3;
	s8 =	sadd.s32 $0x2A200, s1  }
0x6: {  	s14 =	sadd.s32 $0xA0A00, s1;
	_ =	strace $0x8000004A;
	[dreg:$0xd] =	wrdreg s8  }
0x7: {  	s24 =	simm.s32 $0x380;
	s10 =	simm.s32 $0x3000;
	[dreg:$0xe] =	wrdreg s14  }
0x8: {  	s25 =	simm.s32 $0x400;
	s11 =	simm.s32 $0x2;
	[dreg:$0x4] =	wrdreg s16  }
0x9: {  	s26 =	simm.s32 $0x480;
	s12 =	simm.s32 $0x1000;
	[dreg:$0x5] =	wrdreg s18  }
0xa: {  	s28 =	simm.s32 $0xB80;
	s29 =	simm.s32 $0xC00;
	[dreg:$0x6] =	wrdreg s19  }
0xb: {  	s30 =	simm.s32 $0xC80;
	s31 =	simm.s32 $0xF80;
	[dreg:$0x7] =	wrdreg s20  }
0xc: {  	s9 =	simm.s32 $0x1;
	s0 =	sand.u32 $0x1, s0;
	[dreg:$0x8] =	wrdreg s21  }
0xd: {  	s5 =	smul.u32 $0x5000, s7;
	s6 =	sshll.u32 s7, $0xD;
	[dreg:$0x9] =	wrdreg s23  }
0xe: {  	s17 =	ssub.s32 $0x9D, s7;
	s4 =	smul.u32 $0x50000, s0;
	[dreg:$0xa] =	wrdreg s24  }
0xf: {  	s7 =	simm.s32 $0xF00;
	s13 =	smul.u32 $0x13C000, s0;
	[dreg:$0xb] =	wrdreg s25  }
0x10: {  	s0 =	ssub.s32 $0x2, s0;
	[dreg:$0xc] =	wrdreg s26;
	s14 =	simm.s32 $0x580  }
0x11: {  	s16 =	simm.s32 $0x600;
	s18 =	simm.s32 $0x700;
	s19 =	simm.s32 $0x780  }
0x12: {  	s20 =	simm.s32 $0x800;
	s21 =	simm.s32 $0x880;
	s23 =	simm.s32 $0x980  }
0x13: {  	s24 =	simm.s32 $0xA00;
	s25 =	simm.s32 $0xA80;
	s26 =	simm.s32 $0xB00  }
0x14: {  	s8 =	simm.s32 $0x0;
	s15 =	sshrl.u32 s0, $0x1;
	s4 =	sadd.s32 s5, s4  }
0x15: {  	s5 =	sadd.s32 s6, s13;
	s0 =	ssub.s32 s0, s15;
	s15 =	sadd.s32 s6, s2  }
0x16: {  	s4 =	sshrl.u32 s4, $0x3;
	s5 =	sshrl.u32 s5, $0x3;
	s0 =	smax.u32 s0, $0x1  }
0x17: {  	[dreg:$0xf] =	wrdreg s15;
	s4 =	sadd.s32 s4, s1;
	s1 =	sadd.s32 s5, s1  }
0x18: {  	s5 =	sshrl.u32 s17, $0x4;
	[dreg:$0x10] =	wrdreg s0;
	s4 =	sadd.s32 $0x2200, s4  }
0x19: {  	s13 =	simm.s32 $0x40;
	s22 =	sadd.s32 $0x1, s5;
	[dreg:$0x3] =	wrdreg s4  }
0x1a: {  	s17 =	simm.s32 $0x680;
	s1 =	sadd.s32 $0xA0E00, s1;
	[dreg:$0x11] =	wrdreg s22  }
0x1b: {  	s0 =	simm.s32 $0xD80;
	s5 =	simm.s32 $0xE80;
	[dreg:$0x12] =	wrdreg s1  }
0x1c: {  	s22 =	simm.s32 $0x900;
	s1 =	simm.s32 $0xD00;
	s4 =	simm.s32 $0xE00  }
.LBB2_1:
0x1d: {  	[dreg:$0x13] =	wrdreg s8  }
0x1e: {  	s6 =	rddreg [dreg:$0xd]  }
0x1f: {  	[tilespmem:s10], [sflag:$0x2] =	stream.linear.gather [hbm4b:s6+s3], $0x2000, $0x38;
	[tilespmem:$0x18C00] =	vst v63  }
0x20: {  	_ =	swait.ge [sflag:s11], $0x2000  }
0x21: {  	s8 =	rddreg [dreg:$0x11]  }
0x22: {  	p0 =	sne.s32 s8, $0x1  }
.Ltmp0:
0x23: {  	[sflag:s11] =	ssyncset.done $0x0;
	(pc) =	sbr.rel @!p0 .LBB2_3-.Ltmp0, $4  }
0x24: {  	[sflag:s11] =	ssyncadd.s32 $0xFFFFE000  }
0x25: {  	[spmem:s15] =	stream.linear.scatter [tilespmem:s10], [sflag:$0x2], $0x2000, $0x38;
	[tilespmem:$0x18C00] =	vst v63  }
0x26: {  	_ =	swait.ge [sflag:s11], $0x2000  }
0x27: {  	s6 =	sadd.s32 $0xFFFFFFFF, s8;
	s8 =	smov.u32 s15;
	[sflag:s11] =	ssyncset.done $0x0  }
.LBB2_2:
0x28: {  	p1 =	sne.s32 s6, $0x1;
	[sflag:s11] =	ssyncadd.s32 $0xFFFFE000;
	s8 =	sadd.s32 $0x20000, s8  }
.Ltmp1:
0x29: {  	s6 =	sadd.s32 $0xFFFFFFFF, s6;
	(pc) =	sbr.rel @p1 .LBB2_2-.Ltmp1, $4  }
0x2a: {  	_ = 	snop  }
0x2b: {  	[spmem:s8] =	stream.linear.scatter [tilespmem:s10], [sflag:$0x2], $0x2000, $0x38;
	[tilespmem:$0x18C00] =	vst v63  }
0x2c: {  	_ =	swait.ge [sflag:s11], $0x2000  }
0x2d: {  	[sflag:s11] =	ssyncset.done $0x0  }
.LBB2_3:
0x2e: {  	[sflag:s11] =	ssyncadd.s32 $0xFFFFE000;
	s6 =	simm.s32 $0x0;
	s8 =	rddreg [dreg:$0xe]  }
0x2f: {  	[tilespmem:s12], [sflag:$0x2] =	stream.linear.gather [hbm4b:s8+s6], $0x2000, $0x38;
	[tilespmem:$0x18C00] =	vst v63  }
0x30: {  	_ =	swait.ge [sflag:s11], $0x2000  }
0x31: {  	[sflag:s11] =	ssyncset.done $0x0  }
0x32: {  	[sflag:s11] =	ssyncadd.s32 $0xFFFFE000  }
0x33: {  	[bflag:$0x0] =	sbarrier.arrive $0xFFFF  }
0x34: {  	s8 =	rddreg [dreg:$0x3]  }
0x35: {  	s6 =	sadd.s32 $0x0, s8  }
0x36: {  	[tilespmem:s3], [sflag:$0x2] =	stream.linear.gather [hbm4b:s6+s3], $0x1000, $0x38;
	[tilespmem:$0x18C00] =	vst v63  }
0x37: {  	_ =	swait.ge [sflag:s11], $0x1000  }
0x38: {  	[sflag:s11] =	ssyncset.done $0x0  }
0x39: {  	[sflag:s11] =	ssyncadd.s32 $0xFFFFF000  }
0x3a: {  	[spmem:s2] =	stream.indirect.scatter.add.f32 [tilespmem:s12], [sflag:$0x1], $0x80, s3, s13, $0xb8;
	[tilespmem:$0x18C00] =	vst v63  }
0x3b: {  	s15 =	rddreg [dreg:$0x4]  }
0x3c: {  	[spmem:s2] =	stream.indirect.scatter.add.f32 [tilespmem:s12], [sflag:$0x1], $0x80, s15, s13, $0xb8;
	[tilespmem:$0x18C00] =	vst v63  }
0x3d: {  	s8 =	rddreg [dreg:$0x5]  }
0x3e: {  	[spmem:s2] =	stream.indirect.scatter.add.f32 [tilespmem:s12], [sflag:$0x1], $0x80, s8, s13, $0xb8;
	[tilespmem:$0x18C00] =	vst v63  }
0x3f: {  	s15 =	rddreg [dreg:$0x6]  }
0x40: {  	[spmem:s2] =	stream.indirect.scatter.add.f32 [tilespmem:s12], [sflag:$0x1], $0x80, s15, s13, $0xb8;
	[tilespmem:$0x18C00] =	vst v63  }
0x41: {  	s8 =	rddreg [dreg:$0x7]  }
0x42: {  	[spmem:s2] =	stream.indirect.scatter.add.f32 [tilespmem:s12], [sflag:$0x1], $0x80, s8, s13, $0xb8;
	[tilespmem:$0x18C00] =	vst v63  }
0x43: {  	s15 =	rddreg [dreg:$0x8]  }
0x44: {  	[spmem:s2] =	stream.indirect.scatter.add.f32 [tilespmem:s12], [sflag:$0x1], $0x80, s15, s13, $0xb8;
	[tilespmem:$0x18C00] =	vst v63  }
0x45: {  	s8 =	rddreg [dreg:$0x9]  }
0x46: {  	[spmem:s2] =	stream.indirect.scatter.add.f32 [tilespmem:s12], [sflag:$0x1], $0x80, s8, s13, $0xb8;
	[tilespmem:$0x18C00] =	vst v63  }
0x47: {  	s15 =	rddreg [dreg:$0xa]  }
0x48: {  	[spmem:s2] =	stream.indirect.scatter.add.f32 [tilespmem:s12], [sflag:$0x1], $0x80, s15, s13, $0xb8;
	[tilespmem:$0x18C00] =	vst v63  }
0x49: {  	s8 =	rddreg [dreg:$0xb]  }
0x4a: {  	[spmem:s2] =	stream.indirect.scatter.add.f32 [tilespmem:s12], [sflag:$0x1], $0x80, s8, s13, $0xb8;
	[tilespmem:$0x18C00] =	vst v63  }
0x4b: {  	s15 =	rddreg [dreg:$0xc]  }
0x4c: {  	[spmem:s2] =	stream.indirect.scatter.add.f32 [tilespmem:s12], [sflag:$0x1], $0x80, s15, s13, $0xb8;
	[tilespmem:$0x18C00] =	vst v63  }
0x4d: {  	s15 =	simm.s32 $0x500  }
0x4e: {  	[spmem:s2] =	stream.indirect.scatter.add.f32 [tilespmem:s12], [sflag:$0x1], $0x80, s15, s13, $0xb8;
	[tilespmem:$0x18C00] =	vst v63  }
0x4f: {  	_ = 	snop  }
0x50: {  	[spmem:s2] =	stream.indirect.scatter.add.f32 [tilespmem:s12], [sflag:$0x1], $0x80, s14, s13, $0xb8;
	[tilespmem:$0x18C00] =	vst v63  }
0x51: {  	_ = 	snop  }
0x52: {  	[spmem:s2] =	stream.indirect.scatter.add.f32 [tilespmem:s12], [sflag:$0x1], $0x80, s16, s13, $0xb8;
	[tilespmem:$0x18C00] =	vst v63  }
0x53: {  	_ = 	snop  }
0x54: {  	[spmem:s2] =	stream.indirect.scatter.add.f32 [tilespmem:s12], [sflag:$0x1], $0x80, s17, s13, $0xb8;
	[tilespmem:$0x18C00] =	vst v63  }
0x55: {  	_ = 	snop  }
0x56: {  	[spmem:s2] =	stream.indirect.scatter.add.f32 [tilespmem:s12], [sflag:$0x1], $0x80, s18, s13, $0xb8;
	[tilespmem:$0x18C00] =	vst v63  }
0x57: {  	_ = 	snop  }
0x58: {  	[spmem:s2] =	stream.indirect.scatter.add.f32 [tilespmem:s12], [sflag:$0x1], $0x80, s19, s13, $0xb8;
	[tilespmem:$0x18C00] =	vst v63  }
0x59: {  	_ = 	snop  }
0x5a: {  	[spmem:s2] =	stream.indirect.scatter.add.f32 [tilespmem:s12], [sflag:$0x1], $0x80, s20, s13, $0xb8;
	[tilespmem:$0x18C00] =	vst v63  }
0x5b: {  	_ = 	snop  }
0x5c: {  	[spmem:s2] =	stream.indirect.scatter.add.f32 [tilespmem:s12], [sflag:$0x1], $0x80, s21, s13, $0xb8;
	[tilespmem:$0x18C00] =	vst v63  }
0x5d: {  	_ = 	snop  }
0x5e: {  	[spmem:s2] =	stream.indirect.scatter.add.f32 [tilespmem:s12], [sflag:$0x1], $0x80, s22, s13, $0xb8;
	[tilespmem:$0x18C00] =	vst v63  }
0x5f: {  	_ = 	snop  }
0x60: {  	[spmem:s2] =	stream.indirect.scatter.add.f32 [tilespmem:s12], [sflag:$0x1], $0x80, s23, s13, $0xb8;
	[tilespmem:$0x18C00] =	vst v63  }
0x61: {  	_ = 	snop  }
0x62: {  	[spmem:s2] =	stream.indirect.scatter.add.f32 [tilespmem:s12], [sflag:$0x1], $0x80, s24, s13, $0xb8;
	[tilespmem:$0x18C00] =	vst v63  }
0x63: {  	_ = 	snop  }
0x64: {  	[spmem:s2] =	stream.indirect.scatter.add.f32 [tilespmem:s12], [sflag:$0x1], $0x80, s25, s13, $0xb8;
	[tilespmem:$0x18C00] =	vst v63  }
0x65: {  	_ = 	snop  }
0x66: {  	[spmem:s2] =	stream.indirect.scatter.add.f32 [tilespmem:s12], [sflag:$0x1], $0x80, s26, s13, $0xb8;
	[tilespmem:$0x18C00] =	vst v63  }
0x67: {  	_ = 	snop  }
0x68: {  	[spmem:s2] =	stream.indirect.scatter.add.f32 [tilespmem:s12], [sflag:$0x1], $0x80, s28, s13, $0xb8;
	[tilespmem:$0x18C00] =	vst v63  }
0x69: {  	_ = 	snop  }
0x6a: {  	[spmem:s2] =	stream.indirect.scatter.add.f32 [tilespmem:s12], [sflag:$0x1], $0x80, s29, s13, $0xb8;
	[tilespmem:$0x18C00] =	vst v63  }
0x6b: {  	_ = 	snop  }
0x6c: {  	[spmem:s2] =	stream.indirect.scatter.add.f32 [tilespmem:s12], [sflag:$0x1], $0x80, s30, s13, $0xb8;
	[tilespmem:$0x18C00] =	vst v63  }
0x6d: {  	_ = 	snop  }
0x6e: {  	[spmem:s2] =	stream.indirect.scatter.add.f32 [tilespmem:s12], [sflag:$0x1], $0x80, s1, s13, $0xb8;
	[tilespmem:$0x18C00] =	vst v63  }
0x6f: {  	_ = 	snop  }
0x70: {  	[spmem:s2] =	stream.indirect.scatter.add.f32 [tilespmem:s12], [sflag:$0x1], $0x80, s0, s13, $0xb8;
	[tilespmem:$0x18C00] =	vst v63  }
0x71: {  	_ = 	snop  }
0x72: {  	[spmem:s2] =	stream.indirect.scatter.add.f32 [tilespmem:s12], [sflag:$0x1], $0x80, s4, s13, $0xb8;
	[tilespmem:$0x18C00] =	vst v63  }
0x73: {  	_ = 	snop  }
0x74: {  	[spmem:s2] =	stream.indirect.scatter.add.f32 [tilespmem:s12], [sflag:$0x1], $0x80, s5, s13, $0xb8;
	[tilespmem:$0x18C00] =	vst v63  }
0x75: {  	_ = 	snop  }
0x76: {  	[spmem:s2] =	stream.indirect.scatter.add.f32 [tilespmem:s12], [sflag:$0x1], $0x80, s7, s13, $0xb8;
	[tilespmem:$0x18C00] =	vst v63  }
0x77: {  	_ = 	snop  }
0x78: {  	[spmem:s2] =	stream.indirect.scatter.add.f32 [tilespmem:s12], [sflag:$0x1], $0x80, s31, s13, $0xb8;
	[tilespmem:$0x18C00] =	vst v63  }
0x79: {  	_ =	swait.ge [sflag:s9], $0x2000  }
0x7a: {  	[sflag:s9] =	ssyncset.done $0x0  }
0x7b: {  	[sflag:s9] =	ssyncadd.s32 $0xFFFFE000  }
0x7c: {  	_ =	swait.ge [sflag:s9], $0x2000  }
0x7d: {  	[sflag:s9] =	ssyncset.done $0x0  }
0x7e: {  	[sflag:s9] =	ssyncadd.s32 $0xFFFFE000  }
0x7f: {  	_ =	swait.ge [sflag:s9], $0x2000  }
0x80: {  	[sflag:s9] =	ssyncset.done $0x0  }
0x81: {  	[sflag:s9] =	ssyncadd.s32 $0xFFFFE000  }
0x82: {  	_ =	swait.ge [sflag:s9], $0x2000  }
0x83: {  	[sflag:s9] =	ssyncset.done $0x0  }
0x84: {  	[sflag:s9] =	ssyncadd.s32 $0xFFFFE000  }
0x85: {  	_ =	swait.ge [sflag:s9], $0x2000  }
0x86: {  	[sflag:s9] =	ssyncset.done $0x0  }
0x87: {  	[sflag:s9] =	ssyncadd.s32 $0xFFFFE000  }
0x88: {  	_ =	swait.ge [sflag:s9], $0x2000  }
0x89: {  	[sflag:s9] =	ssyncset.done $0x0  }
0x8a: {  	[sflag:s9] =	ssyncadd.s32 $0xFFFFE000  }
0x8b: {  	_ =	swait.ge [sflag:s9], $0x2000  }
0x8c: {  	[sflag:s9] =	ssyncset.done $0x0  }
0x8d: {  	[sflag:s9] =	ssyncadd.s32 $0xFFFFE000  }
0x8e: {  	_ =	swait.ge [sflag:s9], $0x2000  }
0x8f: {  	[sflag:s9] =	ssyncset.done $0x0  }
0x90: {  	[sflag:s9] =	ssyncadd.s32 $0xFFFFE000  }
0x91: {  	_ =	swait.ge [sflag:s9], $0x2000  }
0x92: {  	[sflag:s9] =	ssyncset.done $0x0  }
0x93: {  	[sflag:s9] =	ssyncadd.s32 $0xFFFFE000  }
0x94: {  	_ =	swait.ge [sflag:s9], $0x2000  }
0x95: {  	[sflag:s9] =	ssyncset.done $0x0  }
0x96: {  	[sflag:s9] =	ssyncadd.s32 $0xFFFFE000  }
0x97: {  	_ =	swait.ge [sflag:s9], $0x2000  }
0x98: {  	[sflag:s9] =	ssyncset.done $0x0  }
0x99: {  	[sflag:s9] =	ssyncadd.s32 $0xFFFFE000  }
0x9a: {  	_ =	swait.ge [sflag:s9], $0x2000  }
0x9b: {  	[sflag:s9] =	ssyncset.done $0x0  }
0x9c: {  	[sflag:s9] =	ssyncadd.s32 $0xFFFFE000  }
0x9d: {  	_ =	swait.ge [sflag:s9], $0x2000  }
0x9e: {  	[sflag:s9] =	ssyncset.done $0x0  }
0x9f: {  	[sflag:s9] =	ssyncadd.s32 $0xFFFFE000  }
0xa0: {  	_ =	swait.ge [sflag:s9], $0x2000  }
0xa1: {  	[sflag:s9] =	ssyncset.done $0x0  }
0xa2: {  	[sflag:s9] =	ssyncadd.s32 $0xFFFFE000  }
0xa3: {  	_ =	swait.ge [sflag:s9], $0x2000  }
0xa4: {  	[sflag:s9] =	ssyncset.done $0x0  }
0xa5: {  	[sflag:s9] =	ssyncadd.s32 $0xFFFFE000  }
0xa6: {  	_ =	swait.ge [sflag:s9], $0x2000  }
0xa7: {  	[sflag:s9] =	ssyncset.done $0x0  }
0xa8: {  	[sflag:s9] =	ssyncadd.s32 $0xFFFFE000  }
0xa9: {  	_ =	swait.ge [sflag:s9], $0x2000  }
0xaa: {  	[sflag:s9] =	ssyncset.done $0x0  }
0xab: {  	[sflag:s9] =	ssyncadd.s32 $0xFFFFE000  }
0xac: {  	_ =	swait.ge [sflag:s9], $0x2000  }
0xad: {  	[sflag:s9] =	ssyncset.done $0x0  }
0xae: {  	[sflag:s9] =	ssyncadd.s32 $0xFFFFE000  }
0xaf: {  	_ =	swait.ge [sflag:s9], $0x2000  }
0xb0: {  	[sflag:s9] =	ssyncset.done $0x0  }
0xb1: {  	[sflag:s9] =	ssyncadd.s32 $0xFFFFE000  }
0xb2: {  	_ =	swait.ge [sflag:s9], $0x2000  }
0xb3: {  	[sflag:s9] =	ssyncset.done $0x0  }
0xb4: {  	[sflag:s9] =	ssyncadd.s32 $0xFFFFE000  }
0xb5: {  	_ =	swait.ge [sflag:s9], $0x2000  }
0xb6: {  	[sflag:s9] =	ssyncset.done $0x0  }
0xb7: {  	[sflag:s9] =	ssyncadd.s32 $0xFFFFE000  }
0xb8: {  	_ =	swait.ge [sflag:s9], $0x2000  }
0xb9: {  	[sflag:s9] =	ssyncset.done $0x0  }
0xba: {  	[sflag:s9] =	ssyncadd.s32 $0xFFFFE000  }
0xbb: {  	_ =	swait.ge [sflag:s9], $0x2000  }
0xbc: {  	[sflag:s9] =	ssyncset.done $0x0  }
0xbd: {  	[sflag:s9] =	ssyncadd.s32 $0xFFFFE000  }
0xbe: {  	_ =	swait.ge [sflag:s9], $0x2000  }
0xbf: {  	[sflag:s9] =	ssyncset.done $0x0  }
0xc0: {  	[sflag:s9] =	ssyncadd.s32 $0xFFFFE000  }
0xc1: {  	_ =	swait.ge [sflag:s9], $0x2000  }
0xc2: {  	[sflag:s9] =	ssyncset.done $0x0  }
0xc3: {  	[sflag:s9] =	ssyncadd.s32 $0xFFFFE000  }
0xc4: {  	_ =	swait.ge [sflag:s9], $0x2000  }
0xc5: {  	[sflag:s9] =	ssyncset.done $0x0  }
0xc6: {  	[sflag:s9] =	ssyncadd.s32 $0xFFFFE000  }
0xc7: {  	_ =	swait.ge [sflag:s9], $0x2000  }
0xc8: {  	[sflag:s9] =	ssyncset.done $0x0  }
0xc9: {  	[sflag:s9] =	ssyncadd.s32 $0xFFFFE000  }
0xca: {  	_ =	swait.ge [sflag:s9], $0x2000  }
0xcb: {  	[sflag:s9] =	ssyncset.done $0x0  }
0xcc: {  	s6 =	simm.s32 $0x200;
	[sflag:s9] =	ssyncadd.s32 $0xFFFFE000  }
0xcd: {  	s8 =	simm.s32 $0x400;
	s16 =	simm.s32 $0x580;
	_ =	swait.ge [sflag:s9], $0x2000  }
0xce: {  	s17 =	simm.s32 $0x600;
	s18 =	simm.s32 $0x680;
	[sflag:s9] =	ssyncset.done $0x0  }
0xcf: {  	s19 =	simm.s32 $0x700;
	s20 =	simm.s32 $0x780;
	[sflag:s9] =	ssyncadd.s32 $0xFFFFE000  }
0xd0: {  	s21 =	simm.s32 $0x800;
	s22 =	simm.s32 $0x880;
	_ =	swait.ge [sflag:s9], $0x2000  }
0xd1: {  	s23 =	simm.s32 $0x900;
	s24 =	simm.s32 $0x980;
	[sflag:s9] =	ssyncset.done $0x0  }
0xd2: {  	s25 =	simm.s32 $0xA00;
	s26 =	simm.s32 $0xA80;
	[sflag:s9] =	ssyncadd.s32 $0xFFFFE000  }
0xd3: {  	s28 =	simm.s32 $0xB00;
	s29 =	simm.s32 $0xB80;
	_ =	swait.ge [sflag:s9], $0x2000  }
0xd4: {  	s30 =	simm.s32 $0xC00;
	s1 =	simm.s32 $0xD00;
	[sflag:s9] =	ssyncset.done $0x0  }
0xd5: {  	s0 =	simm.s32 $0xD80;
	s4 =	simm.s32 $0xE00;
	[sflag:s9] =	ssyncadd.s32 $0xFFFFE000  }
0xd6: {  	s5 =	simm.s32 $0xE80;
	s7 =	simm.s32 $0xF00;
	_ =	swait.ge [sflag:s9], $0x2000  }
0xd7: {  	s31 =	simm.s32 $0xC80;
	s14 =	rddreg [dreg:$0x3];
	[sflag:s9] =	ssyncset.done $0x0  }
.LBB2_4:
0xd8: {  	[sflag:s9] =	ssyncadd.s32 $0xFFFFE000;
	s14 =	sadd.s32 s6, s14  }
0xd9: {  	[tilespmem:s3], [sflag:$0x2] =	stream.linear.gather [hbm4b:s14+s3], $0x1000, $0x38;
	[tilespmem:$0x18C00] =	vst v63  }
0xda: {  	_ =	swait.ge [sflag:s11], $0x1000  }
0xdb: {  	[sflag:s11] =	ssyncset.done $0x0  }
0xdc: {  	[sflag:s11] =	ssyncadd.s32 $0xFFFFF000  }
0xdd: {  	[spmem:s2] =	stream.indirect.scatter.add.f32 [tilespmem:s12], [sflag:$0x1], $0x80, s3, s13, $0xb8;
	[tilespmem:$0x18C00] =	vst v63  }
0xde: {  	s15 =	smov.u32 s8;
	s14 =	rddreg [dreg:$0x4]  }
0xdf: {  	[spmem:s2] =	stream.indirect.scatter.add.f32 [tilespmem:s12], [sflag:$0x1], $0x80, s14, s13, $0xb8;
	[tilespmem:$0x18C00] =	vst v63  }
0xe0: {  	s6 =	smov.u32 s15;
	s15 =	rddreg [dreg:$0x5]  }
0xe1: {  	[spmem:s2] =	stream.indirect.scatter.add.f32 [tilespmem:s12], [sflag:$0x1], $0x80, s15, s13, $0xb8;
	[tilespmem:$0x18C00] =	vst v63  }
0xe2: {  	s14 =	rddreg [dreg:$0x6]  }
0xe3: {  	[spmem:s2] =	stream.indirect.scatter.add.f32 [tilespmem:s12], [sflag:$0x1], $0x80, s14, s13, $0xb8;
	[tilespmem:$0x18C00] =	vst v63  }
0xe4: {  	s15 =	rddreg [dreg:$0x7]  }
0xe5: {  	[spmem:s2] =	stream.indirect.scatter.add.f32 [tilespmem:s12], [sflag:$0x1], $0x80, s15, s13, $0xb8;
	[tilespmem:$0x18C00] =	vst v63  }
0xe6: {  	s14 =	rddreg [dreg:$0x8]  }
0xe7: {  	[spmem:s2] =	stream.indirect.scatter.add.f32 [tilespmem:s12], [sflag:$0x1], $0x80, s14, s13, $0xb8;
	[tilespmem:$0x18C00] =	vst v63  }
0xe8: {  	s15 =	rddreg [dreg:$0x9]  }
0xe9: {  	[spmem:s2] =	stream.indirect.scatter.add.f32 [tilespmem:s12], [sflag:$0x1], $0x80, s15, s13, $0xb8;
	[tilespmem:$0x18C00] =	vst v63  }
0xea: {  	s14 =	rddreg [dreg:$0xa]  }
0xeb: {  	[spmem:s2] =	stream.indirect.scatter.add.f32 [tilespmem:s12], [sflag:$0x1], $0x80, s14, s13, $0xb8;
	[tilespmem:$0x18C00] =	vst v63  }
0xec: {  	s15 =	rddreg [dreg:$0xb]  }
0xed: {  	[spmem:s2] =	stream.indirect.scatter.add.f32 [tilespmem:s12], [sflag:$0x1], $0x80, s15, s13, $0xb8;
	[tilespmem:$0x18C00] =	vst v63  }
0xee: {  	s14 =	rddreg [dreg:$0xc]  }
0xef: {  	[spmem:s2] =	stream.indirect.scatter.add.f32 [tilespmem:s12], [sflag:$0x1], $0x80, s14, s13, $0xb8;
	[tilespmem:$0x18C00] =	vst v63  }
0xf0: {  	s15 =	simm.s32 $0x500  }
0xf1: {  	[spmem:s2] =	stream.indirect.scatter.add.f32 [tilespmem:s12], [sflag:$0x1], $0x80, s15, s13, $0xb8;
	[tilespmem:$0x18C00] =	vst v63  }
0xf2: {  	_ = 	snop  }
0xf3: {  	[spmem:s2] =	stream.indirect.scatter.add.f32 [tilespmem:s12], [sflag:$0x1], $0x80, s16, s13, $0xb8;
	[tilespmem:$0x18C00] =	vst v63  }
0xf4: {  	_ = 	snop  }
0xf5: {  	[spmem:s2] =	stream.indirect.scatter.add.f32 [tilespmem:s12], [sflag:$0x1], $0x80, s17, s13, $0xb8;
	[tilespmem:$0x18C00] =	vst v63  }
0xf6: {  	_ = 	snop  }
0xf7: {  	[spmem:s2] =	stream.indirect.scatter.add.f32 [tilespmem:s12], [sflag:$0x1], $0x80, s18, s13, $0xb8;
	[tilespmem:$0x18C00] =	vst v63  }
0xf8: {  	_ = 	snop  }
0xf9: {  	[spmem:s2] =	stream.indirect.scatter.add.f32 [tilespmem:s12], [sflag:$0x1], $0x80, s19, s13, $0xb8;
	[tilespmem:$0x18C00] =	vst v63  }
0xfa: {  	_ = 	snop  }
0xfb: {  	[spmem:s2] =	stream.indirect.scatter.add.f32 [tilespmem:s12], [sflag:$0x1], $0x80, s20, s13, $0xb8;
	[tilespmem:$0x18C00] =	vst v63  }
0xfc: {  	_ = 	snop  }
0xfd: {  	[spmem:s2] =	stream.indirect.scatter.add.f32 [tilespmem:s12], [sflag:$0x1], $0x80, s21, s13, $0xb8;
	[tilespmem:$0x18C00] =	vst v63  }
0xfe: {  	_ = 	snop  }
0xff: {  	[spmem:s2] =	stream.indirect.scatter.add.f32 [tilespmem:s12], [sflag:$0x1], $0x80, s22, s13, $0xb8;
	[tilespmem:$0x18C00] =	vst v63  }
0x100: {  	_ = 	snop  }
0x101: {  	[spmem:s2] =	stream.indirect.scatter.add.f32 [tilespmem:s12], [sflag:$0x1], $0x80, s23, s13, $0xb8;
	[tilespmem:$0x18C00] =	vst v63  }
0x102: {  	_ = 	snop  }
0x103: {  	[spmem:s2] =	stream.indirect.scatter.add.f32 [tilespmem:s12], [sflag:$0x1], $0x80, s24, s13, $0xb8;
	[tilespmem:$0x18C00] =	vst v63  }
0x104: {  	_ = 	snop  }
0x105: {  	[spmem:s2] =	stream.indirect.scatter.add.f32 [tilespmem:s12], [sflag:$0x1], $0x80, s25, s13, $0xb8;
	[tilespmem:$0x18C00] =	vst v63  }
0x106: {  	_ = 	snop  }
0x107: {  	[spmem:s2] =	stream.indirect.scatter.add.f32 [tilespmem:s12], [sflag:$0x1], $0x80, s26, s13, $0xb8;
	[tilespmem:$0x18C00] =	vst v63  }
0x108: {  	_ = 	snop  }
0x109: {  	[spmem:s2] =	stream.indirect.scatter.add.f32 [tilespmem:s12], [sflag:$0x1], $0x80, s28, s13, $0xb8;
	[tilespmem:$0x18C00] =	vst v63  }
0x10a: {  	_ = 	snop  }
0x10b: {  	[spmem:s2] =	stream.indirect.scatter.add.f32 [tilespmem:s12], [sflag:$0x1], $0x80, s29, s13, $0xb8;
	[tilespmem:$0x18C00] =	vst v63  }
0x10c: {  	_ = 	snop  }
0x10d: {  	[spmem:s2] =	stream.indirect.scatter.add.f32 [tilespmem:s12], [sflag:$0x1], $0x80, s30, s13, $0xb8;
	[tilespmem:$0x18C00] =	vst v63  }
0x10e: {  	_ = 	snop  }
0x10f: {  	[spmem:s2] =	stream.indirect.scatter.add.f32 [tilespmem:s12], [sflag:$0x1], $0x80, s31, s13, $0xb8;
	[tilespmem:$0x18C00] =	vst v63  }
0x110: {  	_ = 	snop  }
0x111: {  	[spmem:s2] =	stream.indirect.scatter.add.f32 [tilespmem:s12], [sflag:$0x1], $0x80, s1, s13, $0xb8;
	[tilespmem:$0x18C00] =	vst v63  }
0x112: {  	_ = 	snop  }
0x113: {  	[spmem:s2] =	stream.indirect.scatter.add.f32 [tilespmem:s12], [sflag:$0x1], $0x80, s0, s13, $0xb8;
	[tilespmem:$0x18C00] =	vst v63  }
0x114: {  	_ = 	snop  }
0x115: {  	[spmem:s2] =	stream.indirect.scatter.add.f32 [tilespmem:s12], [sflag:$0x1], $0x80, s4, s13, $0xb8;
	[tilespmem:$0x18C00] =	vst v63  }
0x116: {  	_ = 	snop  }
0x117: {  	[spmem:s2] =	stream.indirect.scatter.add.f32 [tilespmem:s12], [sflag:$0x1], $0x80, s5, s13, $0xb8;
	[tilespmem:$0x18C00] =	vst v63  }
0x118: {  	_ = 	snop  }
0x119: {  	[spmem:s2] =	stream.indirect.scatter.add.f32 [tilespmem:s12], [sflag:$0x1], $0x80, s7, s13, $0xb8;
	[tilespmem:$0x18C00] =	vst v63  }
0x11a: {  	s14 =	simm.s32 $0xF80  }
0x11b: {  	[spmem:s2] =	stream.indirect.scatter.add.f32 [tilespmem:s12], [sflag:$0x1], $0x80, s14, s13, $0xb8;
	[tilespmem:$0x18C00] =	vst v63  }
0x11c: {  	_ =	swait.ge [sflag:s9], $0x2000  }
0x11d: {  	[sflag:s9] =	ssyncset.done $0x0  }
0x11e: {  	[sflag:s9] =	ssyncadd.s32 $0xFFFFE000  }
0x11f: {  	_ =	swait.ge [sflag:s9], $0x2000  }
0x120: {  	[sflag:s9] =	ssyncset.done $0x0  }
0x121: {  	[sflag:s9] =	ssyncadd.s32 $0xFFFFE000  }
0x122: {  	_ =	swait.ge [sflag:s9], $0x2000  }
0x123: {  	[sflag:s9] =	ssyncset.done $0x0  }
0x124: {  	[sflag:s9] =	ssyncadd.s32 $0xFFFFE000  }
0x125: {  	_ =	swait.ge [sflag:s9], $0x2000  }
0x126: {  	[sflag:s9] =	ssyncset.done $0x0  }
0x127: {  	[sflag:s9] =	ssyncadd.s32 $0xFFFFE000  }
0x128: {  	_ =	swait.ge [sflag:s9], $0x2000  }
0x129: {  	[sflag:s9] =	ssyncset.done $0x0  }
0x12a: {  	[sflag:s9] =	ssyncadd.s32 $0xFFFFE000  }
0x12b: {  	_ =	swait.ge [sflag:s9], $0x2000  }
0x12c: {  	[sflag:s9] =	ssyncset.done $0x0  }
0x12d: {  	[sflag:s9] =	ssyncadd.s32 $0xFFFFE000  }
0x12e: {  	_ =	swait.ge [sflag:s9], $0x2000  }
0x12f: {  	[sflag:s9] =	ssyncset.done $0x0  }
0x130: {  	[sflag:s9] =	ssyncadd.s32 $0xFFFFE000  }
0x131: {  	_ =	swait.ge [sflag:s9], $0x2000  }
0x132: {  	[sflag:s9] =	ssyncset.done $0x0  }
0x133: {  	[sflag:s9] =	ssyncadd.s32 $0xFFFFE000  }
0x134: {  	_ =	swait.ge [sflag:s9], $0x2000  }
0x135: {  	[sflag:s9] =	ssyncset.done $0x0  }
0x136: {  	[sflag:s9] =	ssyncadd.s32 $0xFFFFE000  }
0x137: {  	_ =	swait.ge [sflag:s9], $0x2000  }
0x138: {  	[sflag:s9] =	ssyncset.done $0x0  }
0x139: {  	[sflag:s9] =	ssyncadd.s32 $0xFFFFE000  }
0x13a: {  	_ =	swait.ge [sflag:s9], $0x2000  }
0x13b: {  	[sflag:s9] =	ssyncset.done $0x0  }
0x13c: {  	[sflag:s9] =	ssyncadd.s32 $0xFFFFE000  }
0x13d: {  	_ =	swait.ge [sflag:s9], $0x2000  }
0x13e: {  	[sflag:s9] =	ssyncset.done $0x0  }
0x13f: {  	[sflag:s9] =	ssyncadd.s32 $0xFFFFE000  }
0x140: {  	_ =	swait.ge [sflag:s9], $0x2000  }
0x141: {  	[sflag:s9] =	ssyncset.done $0x0  }
0x142: {  	[sflag:s9] =	ssyncadd.s32 $0xFFFFE000  }
0x143: {  	_ =	swait.ge [sflag:s9], $0x2000  }
0x144: {  	[sflag:s9] =	ssyncset.done $0x0  }
0x145: {  	[sflag:s9] =	ssyncadd.s32 $0xFFFFE000  }
0x146: {  	_ =	swait.ge [sflag:s9], $0x2000  }
0x147: {  	[sflag:s9] =	ssyncset.done $0x0  }
0x148: {  	[sflag:s9] =	ssyncadd.s32 $0xFFFFE000  }
0x149: {  	_ =	swait.ge [sflag:s9], $0x2000  }
0x14a: {  	[sflag:s9] =	ssyncset.done $0x0  }
0x14b: {  	[sflag:s9] =	ssyncadd.s32 $0xFFFFE000  }
0x14c: {  	_ =	swait.ge [sflag:s9], $0x2000  }
0x14d: {  	[sflag:s9] =	ssyncset.done $0x0  }
0x14e: {  	[sflag:s9] =	ssyncadd.s32 $0xFFFFE000  }
0x14f: {  	_ =	swait.ge [sflag:s9], $0x2000  }
0x150: {  	[sflag:s9] =	ssyncset.done $0x0  }
0x151: {  	[sflag:s9] =	ssyncadd.s32 $0xFFFFE000  }
0x152: {  	_ =	swait.ge [sflag:s9], $0x2000  }
0x153: {  	[sflag:s9] =	ssyncset.done $0x0  }
0x154: {  	[sflag:s9] =	ssyncadd.s32 $0xFFFFE000  }
0x155: {  	_ =	swait.ge [sflag:s9], $0x2000  }
0x156: {  	[sflag:s9] =	ssyncset.done $0x0  }
0x157: {  	[sflag:s9] =	ssyncadd.s32 $0xFFFFE000  }
0x158: {  	_ =	swait.ge [sflag:s9], $0x2000  }
0x159: {  	[sflag:s9] =	ssyncset.done $0x0  }
0x15a: {  	[sflag:s9] =	ssyncadd.s32 $0xFFFFE000  }
0x15b: {  	_ =	swait.ge [sflag:s9], $0x2000  }
0x15c: {  	[sflag:s9] =	ssyncset.done $0x0  }
0x15d: {  	[sflag:s9] =	ssyncadd.s32 $0xFFFFE000  }
0x15e: {  	_ =	swait.ge [sflag:s9], $0x2000  }
0x15f: {  	[sflag:s9] =	ssyncset.done $0x0  }
0x160: {  	[sflag:s9] =	ssyncadd.s32 $0xFFFFE000  }
0x161: {  	_ =	swait.ge [sflag:s9], $0x2000  }
0x162: {  	[sflag:s9] =	ssyncset.done $0x0  }
0x163: {  	[sflag:s9] =	ssyncadd.s32 $0xFFFFE000  }
0x164: {  	_ =	swait.ge [sflag:s9], $0x2000  }
0x165: {  	[sflag:s9] =	ssyncset.done $0x0  }
0x166: {  	[sflag:s9] =	ssyncadd.s32 $0xFFFFE000  }
0x167: {  	_ =	swait.ge [sflag:s9], $0x2000  }
0x168: {  	[sflag:s9] =	ssyncset.done $0x0  }
0x169: {  	[sflag:s9] =	ssyncadd.s32 $0xFFFFE000  }
0x16a: {  	_ =	swait.ge [sflag:s9], $0x2000  }
0x16b: {  	[sflag:s9] =	ssyncset.done $0x0  }
0x16c: {  	[sflag:s9] =	ssyncadd.s32 $0xFFFFE000  }
0x16d: {  	_ =	swait.ge [sflag:s9], $0x2000  }
0x16e: {  	[sflag:s9] =	ssyncset.done $0x0  }
0x16f: {  	[sflag:s9] =	ssyncadd.s32 $0xFFFFE000  }
0x170: {  	_ =	swait.ge [sflag:s9], $0x2000  }
0x171: {  	[sflag:s9] =	ssyncset.done $0x0  }
0x172: {  	[sflag:s9] =	ssyncadd.s32 $0xFFFFE000  }
0x173: {  	_ =	swait.ge [sflag:s9], $0x2000  }
0x174: {  	[sflag:s9] =	ssyncset.done $0x0  }
0x175: {  	p1 =	sne.s32 s8, $0x800;
	[sflag:s9] =	ssyncadd.s32 $0xFFFFE000  }
.Ltmp2:
0x176: {  	_ =	swait.ge [sflag:s9], $0x2000;
	(pc) =	sbr.rel @p1 .LBB2_4-.Ltmp2, $4  }
0x177: {  	[sflag:s9] =	ssyncset.done $0x0  }
0x178: {  	[sflag:s9] =	ssyncadd.s32 $0xFFFFE000  }
0x179: {  	_ =	swait.ge [sflag:s9], $0x2000  }
0x17a: {  	s8 =	sadd.s32 $0x200, s8;
	s14 =	rddreg [dreg:$0x3];
	[sflag:s9] =	ssyncset.done $0x0  }
0x17b: {  	[sflag:s9] =	ssyncadd.s32 $0xFFFFE000;
	s6 =	sadd.s32 s6, s14  }
0x17c: {  	[tilespmem:s3], [sflag:$0x2] =	stream.linear.gather [hbm4b:s6+s3], $0x1000, $0x38;
	[tilespmem:$0x18C00] =	vst v63  }
0x17d: {  	_ =	swait.ge [sflag:s11], $0x1000  }
0x17e: {  	[sflag:s11] =	ssyncset.done $0x0  }
0x17f: {  	[sflag:s11] =	ssyncadd.s32 $0xFFFFF000  }
0x180: {  	[spmem:s2] =	stream.indirect.scatter.add.f32 [tilespmem:s12], [sflag:$0x1], $0x80, s3, s13, $0xb8;
	[tilespmem:$0x18C00] =	vst v63  }
0x181: {  	s14 =	rddreg [dreg:$0x4]  }
0x182: {  	[spmem:s2] =	stream.indirect.scatter.add.f32 [tilespmem:s12], [sflag:$0x1], $0x80, s14, s13, $0xb8;
	[tilespmem:$0x18C00] =	vst v63  }
0x183: {  	s8 =	rddreg [dreg:$0x5]  }
0x184: {  	[spmem:s2] =	stream.indirect.scatter.add.f32 [tilespmem:s12], [sflag:$0x1], $0x80, s8, s13, $0xb8;
	[tilespmem:$0x18C00] =	vst v63  }
0x185: {  	s14 =	rddreg [dreg:$0x6]  }
0x186: {  	[spmem:s2] =	stream.indirect.scatter.add.f32 [tilespmem:s12], [sflag:$0x1], $0x80, s14, s13, $0xb8;
	[tilespmem:$0x18C00] =	vst v63  }
0x187: {  	s8 =	rddreg [dreg:$0x7]  }
0x188: {  	[spmem:s2] =	stream.indirect.scatter.add.f32 [tilespmem:s12], [sflag:$0x1], $0x80, s8, s13, $0xb8;
	[tilespmem:$0x18C00] =	vst v63  }
0x189: {  	s14 =	rddreg [dreg:$0x8]  }
0x18a: {  	[spmem:s2] =	stream.indirect.scatter.add.f32 [tilespmem:s12], [sflag:$0x1], $0x80, s14, s13, $0xb8;
	[tilespmem:$0x18C00] =	vst v63  }
0x18b: {  	s8 =	rddreg [dreg:$0x9]  }
0x18c: {  	[spmem:s2] =	stream.indirect.scatter.add.f32 [tilespmem:s12], [sflag:$0x1], $0x80, s8, s13, $0xb8;
	[tilespmem:$0x18C00] =	vst v63  }
0x18d: {  	s14 =	rddreg [dreg:$0xa]  }
0x18e: {  	[spmem:s2] =	stream.indirect.scatter.add.f32 [tilespmem:s12], [sflag:$0x1], $0x80, s14, s13, $0xb8;
	[tilespmem:$0x18C00] =	vst v63  }
0x18f: {  	s8 =	rddreg [dreg:$0xb]  }
0x190: {  	[spmem:s2] =	stream.indirect.scatter.add.f32 [tilespmem:s12], [sflag:$0x1], $0x80, s8, s13, $0xb8;
	[tilespmem:$0x18C00] =	vst v63  }
0x191: {  	s14 =	rddreg [dreg:$0xc]  }
0x192: {  	[spmem:s2] =	stream.indirect.scatter.add.f32 [tilespmem:s12], [sflag:$0x1], $0x80, s14, s13, $0xb8;
	[tilespmem:$0x18C00] =	vst v63  }
0x193: {  	_ = 	snop  }
0x194: {  	[spmem:s2] =	stream.indirect.scatter.add.f32 [tilespmem:s12], [sflag:$0x1], $0x80, s15, s13, $0xb8;
	[tilespmem:$0x18C00] =	vst v63  }
0x195: {  	_ = 	snop  }
0x196: {  	[spmem:s2] =	stream.indirect.scatter.add.f32 [tilespmem:s12], [sflag:$0x1], $0x80, s16, s13, $0xb8;
	[tilespmem:$0x18C00] =	vst v63  }
0x197: {  	_ = 	snop  }
0x198: {  	[spmem:s2] =	stream.indirect.scatter.add.f32 [tilespmem:s12], [sflag:$0x1], $0x80, s17, s13, $0xb8;
	[tilespmem:$0x18C00] =	vst v63  }
0x199: {  	_ = 	snop  }
0x19a: {  	[spmem:s2] =	stream.indirect.scatter.add.f32 [tilespmem:s12], [sflag:$0x1], $0x80, s18, s13, $0xb8;
	[tilespmem:$0x18C00] =	vst v63  }
0x19b: {  	_ = 	snop  }
0x19c: {  	[spmem:s2] =	stream.indirect.scatter.add.f32 [tilespmem:s12], [sflag:$0x1], $0x80, s19, s13, $0xb8;
	[tilespmem:$0x18C00] =	vst v63  }
0x19d: {  	_ = 	snop  }
0x19e: {  	[spmem:s2] =	stream.indirect.scatter.add.f32 [tilespmem:s12], [sflag:$0x1], $0x80, s20, s13, $0xb8;
	[tilespmem:$0x18C00] =	vst v63  }
0x19f: {  	_ = 	snop  }
0x1a0: {  	[spmem:s2] =	stream.indirect.scatter.add.f32 [tilespmem:s12], [sflag:$0x1], $0x80, s21, s13, $0xb8;
	[tilespmem:$0x18C00] =	vst v63  }
0x1a1: {  	_ = 	snop  }
0x1a2: {  	[spmem:s2] =	stream.indirect.scatter.add.f32 [tilespmem:s12], [sflag:$0x1], $0x80, s22, s13, $0xb8;
	[tilespmem:$0x18C00] =	vst v63  }
0x1a3: {  	_ = 	snop  }
0x1a4: {  	[spmem:s2] =	stream.indirect.scatter.add.f32 [tilespmem:s12], [sflag:$0x1], $0x80, s23, s13, $0xb8;
	[tilespmem:$0x18C00] =	vst v63  }
0x1a5: {  	_ = 	snop  }
0x1a6: {  	[spmem:s2] =	stream.indirect.scatter.add.f32 [tilespmem:s12], [sflag:$0x1], $0x80, s24, s13, $0xb8;
	[tilespmem:$0x18C00] =	vst v63  }
0x1a7: {  	_ = 	snop  }
0x1a8: {  	[spmem:s2] =	stream.indirect.scatter.add.f32 [tilespmem:s12], [sflag:$0x1], $0x80, s25, s13, $0xb8;
	[tilespmem:$0x18C00] =	vst v63  }
0x1a9: {  	_ = 	snop  }
0x1aa: {  	[spmem:s2] =	stream.indirect.scatter.add.f32 [tilespmem:s12], [sflag:$0x1], $0x80, s26, s13, $0xb8;
	[tilespmem:$0x18C00] =	vst v63  }
0x1ab: {  	_ = 	snop  }
0x1ac: {  	[spmem:s2] =	stream.indirect.scatter.add.f32 [tilespmem:s12], [sflag:$0x1], $0x80, s28, s13, $0xb8;
	[tilespmem:$0x18C00] =	vst v63  }
0x1ad: {  	_ = 	snop  }
0x1ae: {  	[spmem:s2] =	stream.indirect.scatter.add.f32 [tilespmem:s12], [sflag:$0x1], $0x80, s29, s13, $0xb8;
	[tilespmem:$0x18C00] =	vst v63  }
0x1af: {  	_ = 	snop  }
0x1b0: {  	[spmem:s2] =	stream.indirect.scatter.add.f32 [tilespmem:s12], [sflag:$0x1], $0x80, s30, s13, $0xb8;
	[tilespmem:$0x18C00] =	vst v63  }
0x1b1: {  	_ = 	snop  }
0x1b2: {  	[spmem:s2] =	stream.indirect.scatter.add.f32 [tilespmem:s12], [sflag:$0x1], $0x80, s31, s13, $0xb8;
	[tilespmem:$0x18C00] =	vst v63  }
0x1b3: {  	_ = 	snop  }
0x1b4: {  	[spmem:s2] =	stream.indirect.scatter.add.f32 [tilespmem:s12], [sflag:$0x1], $0x80, s1, s13, $0xb8;
	[tilespmem:$0x18C00] =	vst v63  }
0x1b5: {  	_ = 	snop  }
0x1b6: {  	[spmem:s2] =	stream.indirect.scatter.add.f32 [tilespmem:s12], [sflag:$0x1], $0x80, s0, s13, $0xb8;
	[tilespmem:$0x18C00] =	vst v63  }
0x1b7: {  	_ = 	snop  }
0x1b8: {  	[spmem:s2] =	stream.indirect.scatter.add.f32 [tilespmem:s12], [sflag:$0x1], $0x80, s4, s13, $0xb8;
	[tilespmem:$0x18C00] =	vst v63  }
0x1b9: {  	_ = 	snop  }
0x1ba: {  	[spmem:s2] =	stream.indirect.scatter.add.f32 [tilespmem:s12], [sflag:$0x1], $0x80, s5, s13, $0xb8;
	[tilespmem:$0x18C00] =	vst v63  }
0x1bb: {  	_ = 	snop  }
0x1bc: {  	[spmem:s2] =	stream.indirect.scatter.add.f32 [tilespmem:s12], [sflag:$0x1], $0x80, s7, s13, $0xb8;
	[tilespmem:$0x18C00] =	vst v63  }
0x1bd: {  	s25 =	simm.s32 $0xF80  }
0x1be: {  	[spmem:s2] =	stream.indirect.scatter.add.f32 [tilespmem:s12], [sflag:$0x1], $0x80, s25, s13, $0xb8;
	[tilespmem:$0x18C00] =	vst v63  }
0x1bf: {  	_ =	swait.ge [sflag:s9], $0x2000  }
0x1c0: {  	[sflag:s9] =	ssyncset.done $0x0  }
0x1c1: {  	[sflag:s9] =	ssyncadd.s32 $0xFFFFE000  }
0x1c2: {  	_ =	swait.ge [sflag:s9], $0x2000  }
0x1c3: {  	[sflag:s9] =	ssyncset.done $0x0  }
0x1c4: {  	[sflag:s9] =	ssyncadd.s32 $0xFFFFE000  }
0x1c5: {  	_ =	swait.ge [sflag:s9], $0x2000  }
0x1c6: {  	[sflag:s9] =	ssyncset.done $0x0  }
0x1c7: {  	[sflag:s9] =	ssyncadd.s32 $0xFFFFE000  }
0x1c8: {  	_ =	swait.ge [sflag:s9], $0x2000  }
0x1c9: {  	[sflag:s9] =	ssyncset.done $0x0  }
0x1ca: {  	[sflag:s9] =	ssyncadd.s32 $0xFFFFE000  }
0x1cb: {  	_ =	swait.ge [sflag:s9], $0x2000  }
0x1cc: {  	[sflag:s9] =	ssyncset.done $0x0  }
0x1cd: {  	[sflag:s9] =	ssyncadd.s32 $0xFFFFE000  }
0x1ce: {  	_ =	swait.ge [sflag:s9], $0x2000  }
0x1cf: {  	[sflag:s9] =	ssyncset.done $0x0  }
0x1d0: {  	[sflag:s9] =	ssyncadd.s32 $0xFFFFE000  }
0x1d1: {  	_ =	swait.ge [sflag:s9], $0x2000  }
0x1d2: {  	[sflag:s9] =	ssyncset.done $0x0  }
0x1d3: {  	[sflag:s9] =	ssyncadd.s32 $0xFFFFE000  }
0x1d4: {  	_ =	swait.ge [sflag:s9], $0x2000  }
0x1d5: {  	[sflag:s9] =	ssyncset.done $0x0  }
0x1d6: {  	[sflag:s9] =	ssyncadd.s32 $0xFFFFE000  }
0x1d7: {  	_ =	swait.ge [sflag:s9], $0x2000  }
0x1d8: {  	[sflag:s9] =	ssyncset.done $0x0  }
0x1d9: {  	[sflag:s9] =	ssyncadd.s32 $0xFFFFE000  }
0x1da: {  	_ =	swait.ge [sflag:s9], $0x2000  }
0x1db: {  	[sflag:s9] =	ssyncset.done $0x0  }
0x1dc: {  	[sflag:s9] =	ssyncadd.s32 $0xFFFFE000  }
0x1dd: {  	_ =	swait.ge [sflag:s9], $0x2000  }
0x1de: {  	[sflag:s9] =	ssyncset.done $0x0  }
0x1df: {  	[sflag:s9] =	ssyncadd.s32 $0xFFFFE000  }
0x1e0: {  	_ =	swait.ge [sflag:s9], $0x2000  }
0x1e1: {  	[sflag:s9] =	ssyncset.done $0x0  }
0x1e2: {  	[sflag:s9] =	ssyncadd.s32 $0xFFFFE000  }
0x1e3: {  	_ =	swait.ge [sflag:s9], $0x2000  }
0x1e4: {  	[sflag:s9] =	ssyncset.done $0x0  }
0x1e5: {  	[sflag:s9] =	ssyncadd.s32 $0xFFFFE000  }
0x1e6: {  	_ =	swait.ge [sflag:s9], $0x2000  }
0x1e7: {  	[sflag:s9] =	ssyncset.done $0x0  }
0x1e8: {  	[sflag:s9] =	ssyncadd.s32 $0xFFFFE000  }
0x1e9: {  	_ =	swait.ge [sflag:s9], $0x2000  }
0x1ea: {  	[sflag:s9] =	ssyncset.done $0x0  }
0x1eb: {  	[sflag:s9] =	ssyncadd.s32 $0xFFFFE000  }
0x1ec: {  	_ =	swait.ge [sflag:s9], $0x2000  }
0x1ed: {  	[sflag:s9] =	ssyncset.done $0x0  }
0x1ee: {  	[sflag:s9] =	ssyncadd.s32 $0xFFFFE000  }
0x1ef: {  	_ =	swait.ge [sflag:s9], $0x2000  }
0x1f0: {  	[sflag:s9] =	ssyncset.done $0x0  }
0x1f1: {  	[sflag:s9] =	ssyncadd.s32 $0xFFFFE000  }
0x1f2: {  	_ =	swait.ge [sflag:s9], $0x2000  }
0x1f3: {  	[sflag:s9] =	ssyncset.done $0x0  }
0x1f4: {  	[sflag:s9] =	ssyncadd.s32 $0xFFFFE000  }
0x1f5: {  	_ =	swait.ge [sflag:s9], $0x2000  }
0x1f6: {  	[sflag:s9] =	ssyncset.done $0x0  }
0x1f7: {  	[sflag:s9] =	ssyncadd.s32 $0xFFFFE000  }
0x1f8: {  	_ =	swait.ge [sflag:s9], $0x2000  }
0x1f9: {  	[sflag:s9] =	ssyncset.done $0x0  }
0x1fa: {  	[sflag:s9] =	ssyncadd.s32 $0xFFFFE000  }
0x1fb: {  	_ =	swait.ge [sflag:s9], $0x2000  }
0x1fc: {  	[sflag:s9] =	ssyncset.done $0x0  }
0x1fd: {  	[sflag:s9] =	ssyncadd.s32 $0xFFFFE000  }
0x1fe: {  	_ =	swait.ge [sflag:s9], $0x2000  }
0x1ff: {  	[sflag:s9] =	ssyncset.done $0x0  }
0x200: {  	[sflag:s9] =	ssyncadd.s32 $0xFFFFE000  }
0x201: {  	_ =	swait.ge [sflag:s9], $0x2000  }
0x202: {  	[sflag:s9] =	ssyncset.done $0x0  }
0x203: {  	[sflag:s9] =	ssyncadd.s32 $0xFFFFE000  }
0x204: {  	_ =	swait.ge [sflag:s9], $0x2000  }
0x205: {  	[sflag:s9] =	ssyncset.done $0x0  }
0x206: {  	[sflag:s9] =	ssyncadd.s32 $0xFFFFE000  }
0x207: {  	_ =	swait.ge [sflag:s9], $0x2000  }
0x208: {  	[sflag:s9] =	ssyncset.done $0x0  }
0x209: {  	[sflag:s9] =	ssyncadd.s32 $0xFFFFE000  }
0x20a: {  	_ =	swait.ge [sflag:s9], $0x2000  }
0x20b: {  	[sflag:s9] =	ssyncset.done $0x0  }
0x20c: {  	[sflag:s9] =	ssyncadd.s32 $0xFFFFE000  }
0x20d: {  	_ =	swait.ge [sflag:s9], $0x2000  }
0x20e: {  	[sflag:s9] =	ssyncset.done $0x0  }
0x20f: {  	[sflag:s9] =	ssyncadd.s32 $0xFFFFE000  }
0x210: {  	_ =	swait.ge [sflag:s9], $0x2000  }
0x211: {  	[sflag:s9] =	ssyncset.done $0x0  }
0x212: {  	[sflag:s9] =	ssyncadd.s32 $0xFFFFE000  }
0x213: {  	_ =	swait.ge [sflag:s9], $0x2000  }
0x214: {  	[sflag:s9] =	ssyncset.done $0x0  }
0x215: {  	[sflag:s9] =	ssyncadd.s32 $0xFFFFE000  }
0x216: {  	_ =	swait.ge [sflag:s9], $0x2000  }
0x217: {  	[sflag:s9] =	ssyncset.done $0x0  }
0x218: {  	[sflag:s9] =	ssyncadd.s32 $0xFFFFE000  }
0x219: {  	_ =	swait.ge [sflag:s9], $0x2000  }
0x21a: {  	[sflag:s9] =	ssyncset.done $0x0  }
0x21b: {  	s16 =	simm.s32 $0x600;
	s17 =	simm.s32 $0x680;
	[sflag:s9] =	ssyncadd.s32 $0xFFFFE000  }
0x21c: {  	s18 =	simm.s32 $0x700;
	s19 =	simm.s32 $0x780;
	_ =	swait.ge [sflag:s9], $0x2000  }
0x21d: {  	s20 =	simm.s32 $0x800;
	s21 =	simm.s32 $0x880;
	[sflag:s9] =	ssyncset.done $0x0  }
0x21e: {  	s22 =	simm.s32 $0x900;
	s23 =	simm.s32 $0x980;
	[sflag:s9] =	ssyncadd.s32 $0xFFFFE000  }
0x21f: {  	s24 =	simm.s32 $0xA00;
	s28 =	simm.s32 $0xB80;
	[bflag:$0x0] =	sbarrier.arrive $0xFFFF  }
0x220: {  	s29 =	simm.s32 $0xC00;
	s30 =	simm.s32 $0xC80;
	s15 =	rddreg [dreg:$0xf]  }
0x221: {  	[tilespmem:s10], [sflag:$0x2] =	stream.linear.gather [spmem:s15], $0x2000, $0x38;
	[tilespmem:$0x18C00] =	vst v63  }
0x222: {  	s31 =	simm.s32 $0xF80;
	s1 =	simm.s32 $0xD00;
	_ =	swait.ge [sflag:s11], $0x2000  }
0x223: {  	s0 =	simm.s32 $0xD80;
	s4 =	simm.s32 $0xE00;
	[sflag:s11] =	ssyncset.done $0x0  }
.Ltmp3:
0x224: {  	s8 =	rddreg [dreg:$0x12];
	[sflag:s11] =	ssyncadd.s32 $0xFFFFE000;
	(pc) =	sbr.rel @!p0 .LBB2_7-.Ltmp3, $4  }
0x225: {  	[hbm4b:s8+s3] =	stream.linear.scatter [tilespmem:s10], [sflag:$0x2], $0x2000, $0x38;
	[tilespmem:$0x18C00] =	vst v63  }
0x226: {  	s5 =	simm.s32 $0xE80;
	s7 =	simm.s32 $0xF00;
	_ =	swait.ge [sflag:s11], $0x2000  }
0x227: {  	s25 =	simm.s32 $0xA80;
	s14 =	smov.u32 s15;
	s26 =	rddreg [dreg:$0x11]  }
0x228: {  	[sflag:s11] =	ssyncset.done $0x0;
	s6 =	sadd.s32 $0xFFFFFFFF, s26;
	s26 =	simm.s32 $0xB00  }
.LBB2_6:
0x229: {  	[sflag:s11] =	ssyncadd.s32 $0xFFFFE000;
	s8 =	sadd.s32 $0x4000, s8;
	s14 =	sadd.s32 $0x20000, s14  }
0x22a: {  	[tilespmem:s10], [sflag:$0x2] =	stream.linear.gather [spmem:s14], $0x2000, $0x38;
	[tilespmem:$0x18C00] =	vst v63  }
0x22b: {  	p0 =	sne.s32 s6, $0x1;
	s6 =	sadd.s32 $0xFFFFFFFF, s6;
	_ =	swait.ge [sflag:s11], $0x2000  }
.Ltmp4:
0x22c: {  	[sflag:s11] =	ssyncset.done $0x0;
	(pc) =	sbr.rel @p0 .LBB2_6-.Ltmp4, $4  }
0x22d: {  	[sflag:s11] =	ssyncadd.s32 $0xFFFFE000  }
0x22e: {  	[hbm4b:s8+s3] =	stream.linear.scatter [tilespmem:s10], [sflag:$0x2], $0x2000, $0x38;
	[tilespmem:$0x18C00] =	vst v63  }
0x22f: {  	_ =	swait.ge [sflag:s11], $0x2000  }
0x230: {  	[sflag:s11] =	ssyncset.done $0x0  }
.LBB2_7:
0x231: {  	s8 =	rddreg [dreg:$0x13]  }
0x232: {  	s6 =	rddreg [dreg:$0x10];
	s8 =	sadd.s32 $0x1, s8  }
0x233: {  	p0 =	sne.s32 s8, s6  }
.Ltmp5:
0x234: {  	_ = 	snop;
	(pc) =	sbr.rel @p0 .LBB2_1-.Ltmp5, $2  }
0x235: {  	_ =	sdelay $0x2  }
0x236: {  	[sflag:s11] =	ssyncadd.s32 $0xFFFFE000;
	s14 =	simm.s32 $0x580  }
0x237: {  	_ =	sfence.sel $0x180000  }
0x238: {  	[bflag:$0x0] =	sbarrier.arrive $0xFFFF  }
0x239: {  	_ =	strace $0x9000004A  }
0x23a: {  	s0 =	stileid.u32;
	[bflag:$0x2] =	sbarrier.arrive $0xFFFF  }
0x23b: {  	p0 =	sne.s32 s0, $0x0;
	s0 =	rddreg [dreg:$0x2]  }
0x23c: {  	s0 =	sadd.s32 @!p0 $0x100000, s0  }
0x23d: {  	[sflag:s0] =	ssyncadd.tile.s32 @!p0 $0x1;
	_ =	shalt  }
.Lfunc_end2:
_tile_overlayer_lowered:
.L_overlay_start_2:
0x23e: {  	(tag) =	ssettag $0x2  }
0x23f: {  	s0 =	rddreg [dreg:$0x0];
	s2 =	stileid.u32  }
0x240: {  	s1 =	rddreg [dreg:$0x1];
	p0 =	sne.s32 s2, $0x0  }
0x241: {  	s3 =	rddreg [dreg:$0x2];
	[bflag:$0x3] =	sbarrier.arrive $0xFFFF;
	s2 =	simm.s32 @!p0 $0x1C02  }
0x242: {  	[timem:s3], [sflag:s2] =	dma.local @!p0 [hbm:s0], s1  }
0x243: {  	s0 =	simm.s32 @!p0 $0x2  }
0x244: {  	_ =	swait.ge @!p0 [sflag:s0], s1  }
0x245: {  	s1 =	ssub.s32 @!p0 $0x0, s1;
	[sflag:s0] =	ssyncset.done @!p0 $0x0  }
0x246: {  	[sflag:s0] =	ssyncadd.s32 @!p0 s1  }
0x247: {  	[bflag:$0x3] =	sbarrier.arrive $0xFFFF  }
0x248: {  	_ =	shalt  }

</sc_bundles>
